<compile_context>
chip_gen: v7x
topology: tpu7x:2x2x1
jax: 0.10.2.dev20260603
libtpu: 0.0.44.dev20260713+nightly
codegen_flags: <defaults>
</compile_context>

<pallas_src>
import jax
import jax.numpy as jnp
from jax import lax
from jax.experimental import pallas as pl
from jax.experimental.pallas import tpu as pltpu
from jax.experimental.pallas import tpu_sc as plsc

N = 10000
E = 320000
D = 128

NC = 2
NS = 16
NW = NC * NS
L = 16

CHUNK = 128
EPT = E // NW
N_CH = 79
PAD_E = N_CH * CHUNK - EPT
N_PAD = 10112
RPT = N_PAD // NS

_MESH = dict(core_axis_name="c", subcore_axis_name="s",
             num_cores=NC, num_subcores=NS)
_SLAB = [(o, min(CHUNK, RPT - o)) for o in range(0, RPT, CHUNK)]


def _fill(ref, value, rows):
  v16 = jnp.full((L,), value, jnp.float32)

  def fb(i, carry):
    ref[i // (D // L), pl.ds((i % (D // L)) * L, L)] = v16
    return carry
  lax.fori_loop(0, rows * (D // L), fb, 0)


def _make_seg_sum():
  def body(table, srcp, dstp, acc_out, src_v, dst_v, rows0, rows1, acc_sh,
           sem_g0, sem_g1, sem_i0, sem_i1):
    cid = lax.axis_index("c")
    sid = lax.axis_index("s")
    wid = cid * NS + sid
    base = sid * RPT

    _fill(rows0, 0.0, CHUNK)
    for off, sz in _SLAB:
      pltpu.sync_copy(rows0.at[pl.ds(0, sz)],
                      acc_sh.at[pl.ds(base + off, sz)])

    rows = (rows0, rows1)
    sem_g = (sem_g0, sem_g1)
    sem_i = (sem_i0, sem_i1)
    pltpu.async_copy(srcp.at[wid, pl.ds(0, 1)], src_v.at[0], sem_i[0])
    pltpu.async_copy(dstp.at[wid, pl.ds(0, 1)], dst_v.at[0], sem_i[0])
    pltpu.async_copy(srcp.at[wid, pl.ds(1, 1)], src_v.at[1], sem_i[1])
    pltpu.async_copy(dstp.at[wid, pl.ds(1, 1)], dst_v.at[1], sem_i[1])
    pltpu.make_async_copy(srcp.at[wid, pl.ds(0, 1)], src_v.at[0],
                          sem_i[0]).wait()
    pltpu.make_async_copy(dstp.at[wid, pl.ds(0, 1)], dst_v.at[0],
                          sem_i[0]).wait()
    pltpu.async_copy(table.at[src_v.at[0, 0]], rows0, sem_g[0])
    plsc.subcore_barrier()

    def edge_body(g, carry):
      for b in (0, 1):
        j = 2 * g + b
        pltpu.make_async_copy(srcp.at[wid, pl.ds(j + 1, 1)],
                              src_v.at[1 - b], sem_i[1 - b]).wait()
        pltpu.make_async_copy(dstp.at[wid, pl.ds(j + 1, 1)],
                              dst_v.at[1 - b], sem_i[1 - b]).wait()
        pltpu.async_copy(table.at[src_v.at[1 - b, 0]], rows[1 - b],
                         sem_g[1 - b])
        pltpu.make_async_copy(table.at[src_v.at[b, 0]], rows[b],
                              sem_g[b]).wait()
        pltpu.sync_copy(rows[b], acc_sh.at[dst_v.at[b, 0]], add=True)
        pltpu.async_copy(srcp.at[wid, pl.ds(j + 2, 1)], src_v.at[b], sem_i[b])
        pltpu.async_copy(dstp.at[wid, pl.ds(j + 2, 1)], dst_v.at[b], sem_i[b])
      return carry
    lax.fori_loop(0, N_CH // 2, edge_body, 0)
    pltpu.make_async_copy(table.at[src_v.at[0, 0]], rows0, sem_g[0]).wait()
    pltpu.sync_copy(rows0, acc_sh.at[dst_v.at[0, 0]], add=True)
    pltpu.make_async_copy(srcp.at[wid, pl.ds(N_CH, 1)],
                          src_v.at[1], sem_i[1]).wait()
    pltpu.make_async_copy(dstp.at[wid, pl.ds(N_CH, 1)],
                          dst_v.at[1], sem_i[1]).wait()

    plsc.subcore_barrier()
    for off, sz in _SLAB:
      pltpu.sync_copy(acc_sh.at[pl.ds(base + off, sz)],
                      rows0.at[pl.ds(0, sz)])
      pltpu.sync_copy(rows0.at[pl.ds(0, sz)],
                      acc_out.at[cid, pl.ds(base + off, sz)])

  return pl.kernel(
      body,
      out_type=jax.ShapeDtypeStruct((NC, N_PAD, D), jnp.float32),
      mesh=plsc.VectorSubcoreMesh(**_MESH),
      scratch_types=[
          pltpu.VMEM((2, 1, CHUNK), jnp.int32),
          pltpu.VMEM((2, 1, CHUNK), jnp.int32),
          pltpu.VMEM((CHUNK, D), jnp.float32),
          pltpu.VMEM((CHUNK, D), jnp.float32),
          pltpu.VMEM_SHARED((N_PAD, D), jnp.float32),
          pltpu.SemaphoreType.DMA,
          pltpu.SemaphoreType.DMA,
          pltpu.SemaphoreType.DMA,
          pltpu.SemaphoreType.DMA,
      ])


def _make_counts():
  def body(dstp, cnt_out, idx_v, rows_v, cnt_sh, sem_i):
    cid = lax.axis_index("c")
    sid = lax.axis_index("s")
    wid = cid * NS + sid
    base = sid * RPT

    _fill(rows_v, 0.0, CHUNK)
    for off, sz in _SLAB:
      pltpu.sync_copy(rows_v.at[pl.ds(0, sz)],
                      cnt_sh.at[pl.ds(base + off, sz)])
    _fill(rows_v, 1.0, CHUNK)
    pltpu.async_copy(dstp.at[wid, pl.ds(0, 1)], idx_v.at[0], sem_i)
    plsc.subcore_barrier()

    def edge_body(g, carry):
      for b in (0, 1):
        j = 2 * g + b
        pltpu.make_async_copy(dstp.at[wid, pl.ds(j, 1)],
                              idx_v.at[b], sem_i).wait()
        pltpu.async_copy(dstp.at[wid, pl.ds(j + 1, 1)],
                         idx_v.at[1 - b], sem_i)
        pltpu.sync_copy(rows_v, cnt_sh.at[idx_v.at[b, 0]], add=True)
      return carry
    lax.fori_loop(0, N_CH // 2, edge_body, 0)
    pltpu.make_async_copy(dstp.at[wid, pl.ds(N_CH - 1, 1)],
                          idx_v.at[0], sem_i).wait()
    pltpu.sync_copy(rows_v, cnt_sh.at[idx_v.at[0, 0]], add=True)

    plsc.subcore_barrier()
    for off, sz in _SLAB:
      pltpu.sync_copy(cnt_sh.at[pl.ds(base + off, sz)],
                      rows_v.at[pl.ds(0, sz)])
      pltpu.sync_copy(rows_v.at[pl.ds(0, sz)],
                      cnt_out.at[cid, pl.ds(base + off, sz)])

  return pl.kernel(
      body,
      out_type=jax.ShapeDtypeStruct((NC, N_PAD, D), jnp.float32),
      mesh=plsc.VectorSubcoreMesh(**_MESH),
      scratch_types=[
          pltpu.VMEM((2, 1, CHUNK), jnp.int32),
          pltpu.VMEM((CHUNK, D), jnp.float32),
          pltpu.VMEM_SHARED((N_PAD, D), jnp.float32),
          pltpu.SemaphoreType.DMA,
      ])


_seg_sum = _make_seg_sum()
_counts = _make_counts()


def _tc_root(x_ref, wr_ref, b_ref, o_ref):
  o_ref[...] = jnp.dot(x_ref[...], wr_ref[...],
                       preferred_element_type=jnp.float32) + b_ref[...]


def _tc_layer1(p_ref, cnt_ref, r_ref, wl_ref, o_ref, inv_ref):
  s = p_ref[0] + p_ref[1]
  c = cnt_ref[0, :, 0] + cnt_ref[1, :, 0]
  inv = 1.0 / jnp.maximum(c, 1.0)
  mean = s * inv[:, None]
  o = jnp.dot(mean, wl_ref[...], preferred_element_type=jnp.float32) + r_ref[...]
  o_ref[...] = jnp.maximum(o, 0.0)
  inv_ref[...] = jnp.broadcast_to(inv[:, None], inv_ref.shape)


def _tc_layer2(p_ref, inv_ref, r_ref, wl_ref, o_ref):
  s = p_ref[0] + p_ref[1]
  mean = s * inv_ref[:, :1]
  o = jnp.dot(mean, wl_ref[...], preferred_element_type=jnp.float32) + r_ref[...]
  nrm = jnp.sqrt(jnp.sum(o * o, axis=1, keepdims=True))
  o = o / jnp.maximum(nrm, 1e-12)
  o_ref[...] = jnp.maximum(o, 0.0)


BM = 1264
_GRID = (N_PAD // BM,)

_tc_r = pl.pallas_call(
    _tc_root,
    grid=_GRID,
    in_specs=[
        pl.BlockSpec((BM, D), lambda i: (i, 0)),
        pl.BlockSpec((D, D), lambda i: (0, 0)),
        pl.BlockSpec((1, D), lambda i: (0, 0)),
    ],
    out_specs=pl.BlockSpec((BM, D), lambda i: (i, 0)),
    out_shape=jax.ShapeDtypeStruct((N_PAD, D), jnp.float32),
)

_tc1 = pl.pallas_call(
    _tc_layer1,
    grid=_GRID,
    in_specs=[
        pl.BlockSpec((NC, BM, D), lambda i: (0, i, 0)),
        pl.BlockSpec((NC, BM, D), lambda i: (0, i, 0)),
        pl.BlockSpec((BM, D), lambda i: (i, 0)),
        pl.BlockSpec((D, D), lambda i: (0, 0)),
    ],
    out_specs=(pl.BlockSpec((BM, D), lambda i: (i, 0)),
               pl.BlockSpec((BM, 8), lambda i: (i, 0))),
    out_shape=(jax.ShapeDtypeStruct((N_PAD, D), jnp.float32),
               jax.ShapeDtypeStruct((N_PAD, 8), jnp.float32)),
)

_tc2 = pl.pallas_call(
    _tc_layer2,
    grid=_GRID,
    in_specs=[
        pl.BlockSpec((NC, BM, D), lambda i: (0, i, 0)),
        pl.BlockSpec((BM, 8), lambda i: (i, 0)),
        pl.BlockSpec((BM, D), lambda i: (i, 0)),
        pl.BlockSpec((D, D), lambda i: (0, 0)),
    ],
    out_specs=pl.BlockSpec((BM, D), lambda i: (i, 0)),
    out_shape=jax.ShapeDtypeStruct((N_PAD, D), jnp.float32),
)


def kernel(matrix_nodes_features, edge_index, W1l, b1, W1r, W2l, b2, W2r):
  x = matrix_nodes_features.astype(jnp.float32)
  ei = edge_index.astype(jnp.int32)
  src = ei[0].reshape(NW, EPT)
  dst = ei[1].reshape(NW, EPT)
  srcp = jnp.concatenate(
      [src, jnp.zeros((NW, PAD_E + CHUNK), jnp.int32)],
      axis=1).reshape(NW, N_CH + 1, CHUNK)
  dstp = jnp.concatenate(
      [dst, jnp.full((NW, PAD_E + CHUNK), N, jnp.int32)],
      axis=1).reshape(NW, N_CH + 1, CHUNK)
  xp = jnp.concatenate([x, jnp.zeros((N_PAD - N, D), jnp.float32)], axis=0)
  b1r = b1.reshape(1, D).astype(jnp.float32)
  b2r = b2.reshape(1, D).astype(jnp.float32)

  r1 = _tc_r(xp, W1r.astype(jnp.float32), b1r)
  cnt = _counts(dstp)
  p1 = _seg_sum(xp, srcp, dstp)
  h, inv8 = _tc1(p1, cnt, r1, W1l.astype(jnp.float32))
  r2 = _tc_r(h, W2r.astype(jnp.float32), b2r)
  p2 = _seg_sum(h, srcp, dstp)
  out = _tc2(p2, inv8, r2, W2l.astype(jnp.float32))
  return out[:N]

# --- scband reference (transcript-rebuilt; emitter-appended) ---
"""Pipeline reference for scband-graph-sage-local-6871947673826 (READ-ONLY COPY).

The authoritative reference and input builder live on the scoring server;
editing this copy changes nothing except your own understanding.
"""

import jax, jax.numpy as jnp
import numpy as np

N = 10000
E = 320000
D = 128
H = 128
O = 128


def setup_inputs(seed: int = 0) -> dict:
    key = jax.random.key(seed)
    ks = jax.random.split(key, 9)
    x = jax.random.normal(ks[0], (N, D), dtype=jnp.float32)
    edge_index = jax.random.randint(ks[1], (2, E), 0, N)
    W1l = jax.random.normal(ks[2], (D, H), dtype=jnp.float32) * 0.05
    b1 = jnp.zeros((H,), dtype=jnp.float32)
    W1r = jax.random.normal(ks[3], (D, H), dtype=jnp.float32) * 0.05
    W2l = jax.random.normal(ks[4], (H, O), dtype=jnp.float32) * 0.05
    b2 = jnp.zeros((O,), dtype=jnp.float32)
    W2r = jax.random.normal(ks[5], (H, O), dtype=jnp.float32) * 0.05
    return {"matrix_nodes_features": x, "edge_index": edge_index,
            "W1l": W1l, "b1": b1, "W1r": W1r,
            "W2l": W2l, "b2": b2, "W2r": W2r}


def _sage_conv(x, edge_index, Wl, b, Wr, normalize):
    # PyG SAGEConv (aggr='mean', project=False, root_weight=True):
    # out = lin_l(mean_{j in N(i)} x_j) + lin_r(x_i); optional L2 normalize.
    src = edge_index[0]
    dst = edge_index[1]
    num_nodes = x.shape[0]
    msg = jnp.take(x, src, axis=0)                                  # gather
    summed = jax.ops.segment_sum(msg, dst, num_segments=num_nodes)  # scatter-add
    cnt = jax.ops.segment_sum(jnp.ones((edge_index.shape[1],), x.dtype), dst,
                              num_segments=num_nodes)
    mean = summed / jnp.clip(cnt, 1.0)[:, None]
    out = mean @ Wl + b + x @ Wr
    if normalize:
        nrm = jnp.linalg.norm(out, ord=2, axis=-1, keepdims=True)
        out = out / jnp.maximum(nrm, 1e-12)
    return out


def reference(matrix_nodes_features, edge_index, W1l, b1, W1r, W2l, b2, W2r):
    # dropout p=0.0 and eval mode -> identity
    h = _sage_conv(matrix_nodes_features, edge_index, W1l, b1, W1r, False)
    h = jax.nn.relu(h)
    h = _sage_conv(h, edge_index, W2l, b2, W2r, True)
    h = jax.nn.relu(h)
    return h

if __name__ == "__main__":
    import jax
    _d = setup_inputs()
    print(jax.jit(kernel)(*tuple(_d.values())))

</pallas_src>

<mosaic_0001>
#map = affine_map<(d0, d1) -> (0, 0)>
#map1 = affine_map<(d0, d1) -> (0, 0, 0)>
module attributes {stable_mosaic.version = 14 : i64} {
  func.func @body(%arg0: i32, %arg1: i32, %arg2: memref<10112x128xf32, #tpu.memory_space<hbm>>, %arg3: memref<32x80x128xi32, #tpu.memory_space<hbm>>, %arg4: memref<32x80x128xi32, #tpu.memory_space<hbm>>, %arg5: memref<2x10112x128xf32, #tpu.memory_space<hbm>>, %arg6: memref<2x1x128xi32, #tpu.memory_space<vmem>>, %arg7: memref<2x1x128xi32, #tpu.memory_space<vmem>>, %arg8: memref<128x128xf32, #tpu.memory_space<vmem>>, %arg9: memref<128x128xf32, #tpu.memory_space<vmem>>, %arg10: memref<10112x128xf32, #tpu.memory_space<vmem_shared>>, %arg11: memref<!tpu.dma_semaphore, #tpu.memory_space<semaphore_mem>>, %arg12: memref<!tpu.dma_semaphore, #tpu.memory_space<semaphore_mem>>, %arg13: memref<!tpu.dma_semaphore, #tpu.memory_space<semaphore_mem>>, %arg14: memref<!tpu.dma_semaphore, #tpu.memory_space<semaphore_mem>>) attributes {dimension_semantics = [#tpu.dimension_semantics<core_parallel>, #tpu.dimension_semantics<subcore_parallel>], iteration_bounds = array<i64: 2, 16>, scalar_prefetch = 0 : i64, scratch_operands = 9 : i64, tpu.core_type = #tpu.core_type<sc_vector_subcore>, window_params = [{transform_indices = #map}, {transform_indices = #map1}, {transform_indices = #map1}, {transform_indices = #map1}]} {
    %mul3A = arith.constant 16 : i32
    %mul3A_0 = arith.muli %arg0, %mul3A : i32
    %add3A = arith.addi %mul3A_0, %arg1 : i32
    %mul3A_1 = arith.constant 632 : i32
    %mul3A_2 = arith.muli %arg1, %mul3A_1 : i32
    %broadcast_in_dim3A = arith.constant 0.000000e+00 : f32
    %broadcast_in_dim3A_3 = vector.broadcast %broadcast_in_dim3A : f32 to vector<16xf32>
    %scan3A = arith.constant 0 : i32
    %scan3A_4 = arith.constant 0 : i32
    %scan3A_5 = arith.constant 1024 : i32
    %scan3A_6 = arith.addi %scan3A_4, %scan3A_5 : i32
    %scan3A_7 = arith.constant 1 : i32
    scf.for %scan3A_197 = %scan3A_4 to %scan3A_6 step %scan3A_7  : i32 {
      %jit3A = arith.constant 8 : i32
      %div3A = arith.divsi %scan3A_197, %jit3A : i32
      %sign3A = arith.constant 0 : i32
      %sign3A_198 = arith.cmpi sgt, %scan3A_197, %sign3A : i32
      %sign3A_199 = arith.extui %sign3A_198 : i1 to i32
      %sign3A_200 = arith.constant 0 : i32
      %sign3A_201 = arith.cmpi slt, %scan3A_197, %sign3A_200 : i32
      %sign3A_202 = arith.extui %sign3A_201 : i1 to i32
      %sign3A_203 = arith.subi %sign3A_199, %sign3A_202 : i32
      %sign3A_204 = arith.constant 0 : i32
      %sign3A_205 = arith.cmpi sgt, %jit3A, %sign3A_204 : i32
      %sign3A_206 = arith.extui %sign3A_205 : i1 to i32
      %sign3A_207 = arith.constant 0 : i32
      %sign3A_208 = arith.cmpi slt, %jit3A, %sign3A_207 : i32
      %sign3A_209 = arith.extui %sign3A_208 : i1 to i32
      %sign3A_210 = arith.subi %sign3A_206, %sign3A_209 : i32
      %ne3A = arith.cmpi ne, %sign3A_203, %sign3A_210 : i32
      %rem3A = arith.remsi %scan3A_197, %jit3A : i32
      %ne3A_211 = arith.constant 0 : i32
      %ne3A_212 = arith.cmpi ne, %rem3A, %ne3A_211 : i32
      %and3A = arith.andi %ne3A, %ne3A_212 : i1
      %sub3A = arith.constant 1 : i32
      %sub3A_213 = arith.subi %div3A, %sub3A : i32
      %select_n3A = arith.select %and3A, %sub3A_213, %div3A : i32
      %jit3A_214 = arith.constant 8 : i32
      %eq3A = arith.constant 0 : i32
      %eq3A_215 = arith.cmpi eq, %jit3A_214, %eq3A : i32
      %jit3A_216 = arith.constant 1 : i32
      %select_n3A_217 = arith.select %eq3A_215, %jit3A_216, %jit3A_214 : i32
      %rem3A_218 = arith.remsi %scan3A_197, %select_n3A_217 : i32
      %ne3A_219 = arith.constant 0 : i32
      %ne3A_220 = arith.cmpi ne, %rem3A_218, %ne3A_219 : i32
      %lt3A = arith.constant 0 : i32
      %lt3A_221 = arith.cmpi slt, %rem3A_218, %lt3A : i32
      %lt3A_222 = arith.constant 0 : i32
      %lt3A_223 = arith.cmpi slt, %select_n3A_217, %lt3A_222 : i32
      %ne3A_224 = arith.xori %lt3A_221, %lt3A_223 : i1
      %and3A_225 = arith.andi %ne3A_224, %ne3A_220 : i1
      %add3A_226 = arith.addi %rem3A_218, %select_n3A_217 : i32
      %select_n3A_227 = arith.select %and3A_225, %add3A_226, %rem3A_218 : i32
      %mul3A_228 = arith.constant 16 : i32
      %mul3A_229 = arith.muli %select_n3A_227, %mul3A_228 : i32
      %swap3A = arith.index_cast %select_n3A : i32 to index
      %swap3A_230 = arith.index_cast %mul3A_229 : i32 to index
      %swap3A_231 = tpu.vector_load %arg8[%swap3A, %swap3A_230] {strides = array<i32>} : memref<128x128xf32, #tpu.memory_space<vmem>>, vector<1x16xf32>,
      %swap3A_232 = vector.shape_cast %swap3A_231 : vector<1x16xf32> to vector<16xf32>
      %swap3A_233 = vector.shape_cast %broadcast_in_dim3A_3 : vector<16xf32> to vector<1x16xf32>
      tpu.vector_store %arg8[%swap3A, %swap3A_230], %swap3A_233 {strides = array<i32>} : memref<128x128xf32, #tpu.memory_space<vmem>>, vector<1x16xf32>,
    }
    %scan3A_8 = arith.constant 1024 : i32
    %add3A_9 = arith.constant 0 : i32
    %add3A_10 = arith.addi %mul3A_2, %add3A_9 : i32
    "tpu.region"() ({
      %run_scoped3A_197 = tpu.sem_alloc : memref<!tpu.dma_semaphore, #tpu.memory_space<semaphore_mem>>
      %dma_start3A_198 = arith.constant 0 : i32
      %dma_start3A_199 = arith.constant 0 : i32
      %dma_start3A_200 = tpu.memref_slice %arg8[%dma_start3A_198, %dma_start3A_199] : memref<128x128xf32, #tpu.memory_space<vmem>> -> memref<128x128xf32, #tpu.memory_space<vmem>>
      %dma_start3A_201 = arith.constant 0 : i32
      %dma_start3A_202 = tpu.memref_slice %arg10[%add3A_10, %dma_start3A_201] : memref<10112x128xf32, #tpu.memory_space<vmem_shared>> -> memref<128x128xf32, #tpu.memory_space<vmem_shared>>
      %dma_start3A_203 = arith.constant 0 : i32
      %dma_start3A_204 = tpu.memref_slice %arg10[%add3A_10, %dma_start3A_203] : memref<10112x128xf32, #tpu.memory_space<vmem_shared>> -> memref<128x128xf32, #tpu.memory_space<vmem_shared>>
      %dma_start3A_205 = arith.constant 0 : i32
      %dma_start3A_206 = arith.constant 0 : i32
      %dma_start3A_207 = tpu.memref_slice %arg8[%dma_start3A_205, %dma_start3A_206] : memref<128x128xf32, #tpu.memory_space<vmem>> -> memref<128x128xf32, #tpu.memory_space<vmem>>
      tpu.enqueue_dma source(%dma_start3A_207 : memref<128x128xf32, #tpu.memory_space<vmem>>) target(%dma_start3A_204 : memref<128x128xf32, #tpu.memory_space<vmem_shared>>) target_semaphore(%run_scoped3A_197 : memref<!tpu.dma_semaphore, #tpu.memory_space<semaphore_mem>>)
      %dma_wait3A_208 = arith.constant 0 : i32
      %dma_wait3A_209 = arith.constant 0 : i32
      %dma_wait3A_210 = tpu.memref_slice %arg8[%dma_wait3A_208, %dma_wait3A_209] : memref<128x128xf32, #tpu.memory_space<vmem>> -> memref<128x128xf32, #tpu.memory_space<vmem>>
      %dma_wait3A_211 = arith.constant 0 : i32
      %dma_wait3A_212 = tpu.memref_slice %arg10[%add3A_10, %dma_wait3A_211] : memref<10112x128xf32, #tpu.memory_space<vmem_shared>> -> memref<128x128xf32, #tpu.memory_space<vmem_shared>>
      %dma_wait3A_213 = arith.constant 0 : i32
      %dma_wait3A_214 = tpu.memref_slice %arg10[%add3A_10, %dma_wait3A_213] : memref<10112x128xf32, #tpu.memory_space<vmem_shared>> -> memref<128x128xf32, #tpu.memory_space<vmem_shared>>
      %dma_wait3A_215 = arith.constant 0 : i32
      %dma_wait3A_216 = arith.constant 0 : i32
      %dma_wait3A_217 = tpu.memref_slice %arg8[%dma_wait3A_215, %dma_wait3A_216] : memref<128x128xf32, #tpu.memory_space<vmem>> -> memref<128x128xf32, #tpu.memory_space<vmem>>
      tpu.wait_dma2 semaphore(%run_scoped3A_197 : memref<!tpu.dma_semaphore, #tpu.memory_space<semaphore_mem>>) src(%dma_wait3A_217 : memref<128x128xf32, #tpu.memory_space<vmem>>) dst(%dma_wait3A_214 : memref<128x128xf32, #tpu.memory_space<vmem_shared>>)
      tpu.yield
    }) : () -> ()
    %add3A_11 = arith.constant 128 : i32
    %add3A_12 = arith.addi %mul3A_2, %add3A_11 : i32
    "tpu.region"() ({
      %run_scoped3A_197 = tpu.sem_alloc : memref<!tpu.dma_semaphore, #tpu.memory_space<semaphore_mem>>
      %dma_start3A_198 = arith.constant 0 : i32
      %dma_start3A_199 = arith.constant 0 : i32
      %dma_start3A_200 = tpu.memref_slice %arg8[%dma_start3A_198, %dma_start3A_199] : memref<128x128xf32, #tpu.memory_space<vmem>> -> memref<128x128xf32, #tpu.memory_space<vmem>>
      %dma_start3A_201 = arith.constant 0 : i32
      %dma_start3A_202 = tpu.memref_slice %arg10[%add3A_12, %dma_start3A_201] : memref<10112x128xf32, #tpu.memory_space<vmem_shared>> -> memref<128x128xf32, #tpu.memory_space<vmem_shared>>
      %dma_start3A_203 = arith.constant 0 : i32
      %dma_start3A_204 = tpu.memref_slice %arg10[%add3A_12, %dma_start3A_203] : memref<10112x128xf32, #tpu.memory_space<vmem_shared>> -> memref<128x128xf32, #tpu.memory_space<vmem_shared>>
      %dma_start3A_205 = arith.constant 0 : i32
      %dma_start3A_206 = arith.constant 0 : i32
      %dma_start3A_207 = tpu.memref_slice %arg8[%dma_start3A_205, %dma_start3A_206] : memref<128x128xf32, #tpu.memory_space<vmem>> -> memref<128x128xf32, #tpu.memory_space<vmem>>
      tpu.enqueue_dma source(%dma_start3A_207 : memref<128x128xf32, #tpu.memory_space<vmem>>) target(%dma_start3A_204 : memref<128x128xf32, #tpu.memory_space<vmem_shared>>) target_semaphore(%run_scoped3A_197 : memref<!tpu.dma_semaphore, #tpu.memory_space<semaphore_mem>>)
      %dma_wait3A_208 = arith.constant 0 : i32
      %dma_wait3A_209 = arith.constant 0 : i32
      %dma_wait3A_210 = tpu.memref_slice %arg8[%dma_wait3A_208, %dma_wait3A_209] : memref<128x128xf32, #tpu.memory_space<vmem>> -> memref<128x128xf32, #tpu.memory_space<vmem>>
      %dma_wait3A_211 = arith.constant 0 : i32
      %dma_wait3A_212 = tpu.memref_slice %arg10[%add3A_12, %dma_wait3A_211] : memref<10112x128xf32, #tpu.memory_space<vmem_shared>> -> memref<128x128xf32, #tpu.memory_space<vmem_shared>>
      %dma_wait3A_213 = arith.constant 0 : i32
      %dma_wait3A_214 = tpu.memref_slice %arg10[%add3A_12, %dma_wait3A_213] : memref<10112x128xf32, #tpu.memory_space<vmem_shared>> -> memref<128x128xf32, #tpu.memory_space<vmem_shared>>
      %dma_wait3A_215 = arith.constant 0 : i32
      %dma_wait3A_216 = arith.constant 0 : i32
      %dma_wait3A_217 = tpu.memref_slice %arg8[%dma_wait3A_215, %dma_wait3A_216] : memref<128x128xf32, #tpu.memory_space<vmem>> -> memref<128x128xf32, #tpu.memory_space<vmem>>
      tpu.wait_dma2 semaphore(%run_scoped3A_197 : memref<!tpu.dma_semaphore, #tpu.memory_space<semaphore_mem>>) src(%dma_wait3A_217 : memref<128x128xf32, #tpu.memory_space<vmem>>) dst(%dma_wait3A_214 : memref<128x128xf32, #tpu.memory_space<vmem_shared>>)
      tpu.yield
    }) : () -> ()
    %add3A_13 = arith.constant 256 : i32
    %add3A_14 = arith.addi %mul3A_2, %add3A_13 : i32
    "tpu.region"() ({
      %run_scoped3A_197 = tpu.sem_alloc : memref<!tpu.dma_semaphore, #tpu.memory_space<semaphore_mem>>
      %dma_start3A_198 = arith.constant 0 : i32
      %dma_start3A_199 = arith.constant 0 : i32
      %dma_start3A_200 = tpu.memref_slice %arg8[%dma_start3A_198, %dma_start3A_199] : memref<128x128xf32, #tpu.memory_space<vmem>> -> memref<128x128xf32, #tpu.memory_space<vmem>>
      %dma_start3A_201 = arith.constant 0 : i32
      %dma_start3A_202 = tpu.memref_slice %arg10[%add3A_14, %dma_start3A_201] : memref<10112x128xf32, #tpu.memory_space<vmem_shared>> -> memref<128x128xf32, #tpu.memory_space<vmem_shared>>
      %dma_start3A_203 = arith.constant 0 : i32
      %dma_start3A_204 = tpu.memref_slice %arg10[%add3A_14, %dma_start3A_203] : memref<10112x128xf32, #tpu.memory_space<vmem_shared>> -> memref<128x128xf32, #tpu.memory_space<vmem_shared>>
      %dma_start3A_205 = arith.constant 0 : i32
      %dma_start3A_206 = arith.constant 0 : i32
      %dma_start3A_207 = tpu.memref_slice %arg8[%dma_start3A_205, %dma_start3A_206] : memref<128x128xf32, #tpu.memory_space<vmem>> -> memref<128x128xf32, #tpu.memory_space<vmem>>
      tpu.enqueue_dma source(%dma_start3A_207 : memref<128x128xf32, #tpu.memory_space<vmem>>) target(%dma_start3A_204 : memref<128x128xf32, #tpu.memory_space<vmem_shared>>) target_semaphore(%run_scoped3A_197 : memref<!tpu.dma_semaphore, #tpu.memory_space<semaphore_mem>>)
      %dma_wait3A_208 = arith.constant 0 : i32
      %dma_wait3A_209 = arith.constant 0 : i32
      %dma_wait3A_210 = tpu.memref_slice %arg8[%dma_wait3A_208, %dma_wait3A_209] : memref<128x128xf32, #tpu.memory_space<vmem>> -> memref<128x128xf32, #tpu.memory_space<vmem>>
      %dma_wait3A_211 = arith.constant 0 : i32
      %dma_wait3A_212 = tpu.memref_slice %arg10[%add3A_14, %dma_wait3A_211] : memref<10112x128xf32, #tpu.memory_space<vmem_shared>> -> memref<128x128xf32, #tpu.memory_space<vmem_shared>>
      %dma_wait3A_213 = arith.constant 0 : i32
      %dma_wait3A_214 = tpu.memref_slice %arg10[%add3A_14, %dma_wait3A_213] : memref<10112x128xf32, #tpu.memory_space<vmem_shared>> -> memref<128x128xf32, #tpu.memory_space<vmem_shared>>
      %dma_wait3A_215 = arith.constant 0 : i32
      %dma_wait3A_216 = arith.constant 0 : i32
      %dma_wait3A_217 = tpu.memref_slice %arg8[%dma_wait3A_215, %dma_wait3A_216] : memref<128x128xf32, #tpu.memory_space<vmem>> -> memref<128x128xf32, #tpu.memory_space<vmem>>
      tpu.wait_dma2 semaphore(%run_scoped3A_197 : memref<!tpu.dma_semaphore, #tpu.memory_space<semaphore_mem>>) src(%dma_wait3A_217 : memref<128x128xf32, #tpu.memory_space<vmem>>) dst(%dma_wait3A_214 : memref<128x128xf32, #tpu.memory_space<vmem_shared>>)
      tpu.yield
    }) : () -> ()
    %add3A_15 = arith.constant 384 : i32
    %add3A_16 = arith.addi %mul3A_2, %add3A_15 : i32
    "tpu.region"() ({
      %run_scoped3A_197 = tpu.sem_alloc : memref<!tpu.dma_semaphore, #tpu.memory_space<semaphore_mem>>
      %dma_start3A_198 = arith.constant 0 : i32
      %dma_start3A_199 = arith.constant 0 : i32
      %dma_start3A_200 = tpu.memref_slice %arg8[%dma_start3A_198, %dma_start3A_199] : memref<128x128xf32, #tpu.memory_space<vmem>> -> memref<128x128xf32, #tpu.memory_space<vmem>>
      %dma_start3A_201 = arith.constant 0 : i32
      %dma_start3A_202 = tpu.memref_slice %arg10[%add3A_16, %dma_start3A_201] : memref<10112x128xf32, #tpu.memory_space<vmem_shared>> -> memref<128x128xf32, #tpu.memory_space<vmem_shared>>
      %dma_start3A_203 = arith.constant 0 : i32
      %dma_start3A_204 = tpu.memref_slice %arg10[%add3A_16, %dma_start3A_203] : memref<10112x128xf32, #tpu.memory_space<vmem_shared>> -> memref<128x128xf32, #tpu.memory_space<vmem_shared>>
      %dma_start3A_205 = arith.constant 0 : i32
      %dma_start3A_206 = arith.constant 0 : i32
      %dma_start3A_207 = tpu.memref_slice %arg8[%dma_start3A_205, %dma_start3A_206] : memref<128x128xf32, #tpu.memory_space<vmem>> -> memref<128x128xf32, #tpu.memory_space<vmem>>
      tpu.enqueue_dma source(%dma_start3A_207 : memref<128x128xf32, #tpu.memory_space<vmem>>) target(%dma_start3A_204 : memref<128x128xf32, #tpu.memory_space<vmem_shared>>) target_semaphore(%run_scoped3A_197 : memref<!tpu.dma_semaphore, #tpu.memory_space<semaphore_mem>>)
      %dma_wait3A_208 = arith.constant 0 : i32
      %dma_wait3A_209 = arith.constant 0 : i32
      %dma_wait3A_210 = tpu.memref_slice %arg8[%dma_wait3A_208, %dma_wait3A_209] : memref<128x128xf32, #tpu.memory_space<vmem>> -> memref<128x128xf32, #tpu.memory_space<vmem>>
      %dma_wait3A_211 = arith.constant 0 : i32
      %dma_wait3A_212 = tpu.memref_slice %arg10[%add3A_16, %dma_wait3A_211] : memref<10112x128xf32, #tpu.memory_space<vmem_shared>> -> memref<128x128xf32, #tpu.memory_space<vmem_shared>>
      %dma_wait3A_213 = arith.constant 0 : i32
      %dma_wait3A_214 = tpu.memref_slice %arg10[%add3A_16, %dma_wait3A_213] : memref<10112x128xf32, #tpu.memory_space<vmem_shared>> -> memref<128x128xf32, #tpu.memory_space<vmem_shared>>
      %dma_wait3A_215 = arith.constant 0 : i32
      %dma_wait3A_216 = arith.constant 0 : i32
      %dma_wait3A_217 = tpu.memref_slice %arg8[%dma_wait3A_215, %dma_wait3A_216] : memref<128x128xf32, #tpu.memory_space<vmem>> -> memref<128x128xf32, #tpu.memory_space<vmem>>
      tpu.wait_dma2 semaphore(%run_scoped3A_197 : memref<!tpu.dma_semaphore, #tpu.memory_space<semaphore_mem>>) src(%dma_wait3A_217 : memref<128x128xf32, #tpu.memory_space<vmem>>) dst(%dma_wait3A_214 : memref<128x128xf32, #tpu.memory_space<vmem_shared>>)
      tpu.yield
    }) : () -> ()
    %add3A_17 = arith.constant 512 : i32
    %add3A_18 = arith.addi %mul3A_2, %add3A_17 : i32
    "tpu.region"() ({
      %run_scoped3A_197 = tpu.sem_alloc : memref<!tpu.dma_semaphore, #tpu.memory_space<semaphore_mem>>
      %dma_start3A_198 = arith.constant 0 : i32
      %dma_start3A_199 = arith.constant 0 : i32
      %dma_start3A_200 = tpu.memref_slice %arg8[%dma_start3A_198, %dma_start3A_199] : memref<128x128xf32, #tpu.memory_space<vmem>> -> memref<120x128xf32, #tpu.memory_space<vmem>>
      %dma_start3A_201 = arith.constant 0 : i32
      %dma_start3A_202 = tpu.memref_slice %arg10[%add3A_18, %dma_start3A_201] : memref<10112x128xf32, #tpu.memory_space<vmem_shared>> -> memref<120x128xf32, #tpu.memory_space<vmem_shared>>
      %dma_start3A_203 = arith.constant 0 : i32
      %dma_start3A_204 = tpu.memref_slice %arg10[%add3A_18, %dma_start3A_203] : memref<10112x128xf32, #tpu.memory_space<vmem_shared>> -> memref<120x128xf32, #tpu.memory_space<vmem_shared>>
      %dma_start3A_205 = arith.constant 0 : i32
      %dma_start3A_206 = arith.constant 0 : i32
      %dma_start3A_207 = tpu.memref_slice %arg8[%dma_start3A_205, %dma_start3A_206] : memref<128x128xf32, #tpu.memory_space<vmem>> -> memref<120x128xf32, #tpu.memory_space<vmem>>
      tpu.enqueue_dma source(%dma_start3A_207 : memref<120x128xf32, #tpu.memory_space<vmem>>) target(%dma_start3A_204 : memref<120x128xf32, #tpu.memory_space<vmem_shared>>) target_semaphore(%run_scoped3A_197 : memref<!tpu.dma_semaphore, #tpu.memory_space<semaphore_mem>>)
      %dma_wait3A_208 = arith.constant 0 : i32
      %dma_wait3A_209 = arith.constant 0 : i32
      %dma_wait3A_210 = tpu.memref_slice %arg8[%dma_wait3A_208, %dma_wait3A_209] : memref<128x128xf32, #tpu.memory_space<vmem>> -> memref<120x128xf32, #tpu.memory_space<vmem>>
      %dma_wait3A_211 = arith.constant 0 : i32
      %dma_wait3A_212 = tpu.memref_slice %arg10[%add3A_18, %dma_wait3A_211] : memref<10112x128xf32, #tpu.memory_space<vmem_shared>> -> memref<120x128xf32, #tpu.memory_space<vmem_shared>>
      %dma_wait3A_213 = arith.constant 0 : i32
      %dma_wait3A_214 = tpu.memref_slice %arg10[%add3A_18, %dma_wait3A_213] : memref<10112x128xf32, #tpu.memory_space<vmem_shared>> -> memref<120x128xf32, #tpu.memory_space<vmem_shared>>
      %dma_wait3A_215 = arith.constant 0 : i32
      %dma_wait3A_216 = arith.constant 0 : i32
      %dma_wait3A_217 = tpu.memref_slice %arg8[%dma_wait3A_215, %dma_wait3A_216] : memref<128x128xf32, #tpu.memory_space<vmem>> -> memref<120x128xf32, #tpu.memory_space<vmem>>
      tpu.wait_dma2 semaphore(%run_scoped3A_197 : memref<!tpu.dma_semaphore, #tpu.memory_space<semaphore_mem>>) src(%dma_wait3A_217 : memref<120x128xf32, #tpu.memory_space<vmem>>) dst(%dma_wait3A_214 : memref<120x128xf32, #tpu.memory_space<vmem_shared>>)
      tpu.yield
    }) : () -> ()
    %dma_start3A = arith.constant 0 : i32
    %dma_start3A_19 = arith.constant 0 : i32
    %dma_start3A_20 = arith.constant 0 : i32
    %dma_start3A_21 = tpu.memref_slice %arg6[%dma_start3A, %dma_start3A_19, %dma_start3A_20] : memref<2x1x128xi32, #tpu.memory_space<vmem>> -> memref<1x1x128xi32, #tpu.memory_space<vmem>>
    %dma_start3A_22 = tpu.memref_squeeze %dma_start3A_21 : memref<1x1x128xi32, #tpu.memory_space<vmem>> -> memref<1x128xi32, #tpu.memory_space<vmem>>
    %dma_start3A_23 = arith.constant 0 : i32
    %dma_start3A_24 = arith.constant 0 : i32
    %dma_start3A_25 = tpu.memref_slice %arg3[%add3A, %dma_start3A_23, %dma_start3A_24] : memref<32x80x128xi32, #tpu.memory_space<hbm>> -> memref<1x1x128xi32, #tpu.memory_space<hbm>>
    %dma_start3A_26 = tpu.memref_squeeze %dma_start3A_25 : memref<1x1x128xi32, #tpu.memory_space<hbm>> -> memref<1x128xi32, #tpu.memory_space<hbm>>
    %dma_start3A_27 = arith.constant 0 : i32
    %dma_start3A_28 = arith.constant 0 : i32
    %dma_start3A_29 = tpu.memref_slice %arg6[%dma_start3A, %dma_start3A_27, %dma_start3A_28] : memref<2x1x128xi32, #tpu.memory_space<vmem>> -> memref<1x1x128xi32, #tpu.memory_space<vmem>>
    %dma_start3A_30 = tpu.memref_squeeze %dma_start3A_29 : memref<1x1x128xi32, #tpu.memory_space<vmem>> -> memref<1x128xi32, #tpu.memory_space<vmem>>
    %dma_start3A_31 = arith.constant 0 : i32
    %dma_start3A_32 = arith.constant 0 : i32
    %dma_start3A_33 = tpu.memref_slice %arg3[%add3A, %dma_start3A_31, %dma_start3A_32] : memref<32x80x128xi32, #tpu.memory_space<hbm>> -> memref<1x1x128xi32, #tpu.memory_space<hbm>>
    %dma_start3A_34 = tpu.memref_squeeze %dma_start3A_33 : memref<1x1x128xi32, #tpu.memory_space<hbm>> -> memref<1x128xi32, #tpu.memory_space<hbm>>
    tpu.enqueue_dma source(%dma_start3A_34 : memref<1x128xi32, #tpu.memory_space<hbm>>) target(%dma_start3A_30 : memref<1x128xi32, #tpu.memory_space<vmem>>) target_semaphore(%arg13 : memref<!tpu.dma_semaphore, #tpu.memory_space<semaphore_mem>>)
    %dma_start3A_35 = arith.constant 0 : i32
    %dma_start3A_36 = arith.constant 0 : i32
    %dma_start3A_37 = arith.constant 0 : i32
    %dma_start3A_38 = tpu.memref_slice %arg7[%dma_start3A_35, %dma_start3A_36, %dma_start3A_37] : memref<2x1x128xi32, #tpu.memory_space<vmem>> -> memref<1x1x128xi32, #tpu.memory_space<vmem>>
    %dma_start3A_39 = tpu.memref_squeeze %dma_start3A_38 : memref<1x1x128xi32, #tpu.memory_space<vmem>> -> memref<1x128xi32, #tpu.memory_space<vmem>>
    %dma_start3A_40 = arith.constant 0 : i32
    %dma_start3A_41 = arith.constant 0 : i32
    %dma_start3A_42 = tpu.memref_slice %arg4[%add3A, %dma_start3A_40, %dma_start3A_41] : memref<32x80x128xi32, #tpu.memory_space<hbm>> -> memref<1x1x128xi32, #tpu.memory_space<hbm>>
    %dma_start3A_43 = tpu.memref_squeeze %dma_start3A_42 : memref<1x1x128xi32, #tpu.memory_space<hbm>> -> memref<1x128xi32, #tpu.memory_space<hbm>>
    %dma_start3A_44 = arith.constant 0 : i32
    %dma_start3A_45 = arith.constant 0 : i32
    %dma_start3A_46 = tpu.memref_slice %arg7[%dma_start3A_35, %dma_start3A_44, %dma_start3A_45] : memref<2x1x128xi32, #tpu.memory_space<vmem>> -> memref<1x1x128xi32, #tpu.memory_space<vmem>>
    %dma_start3A_47 = tpu.memref_squeeze %dma_start3A_46 : memref<1x1x128xi32, #tpu.memory_space<vmem>> -> memref<1x128xi32, #tpu.memory_space<vmem>>
    %dma_start3A_48 = arith.constant 0 : i32
    %dma_start3A_49 = arith.constant 0 : i32
    %dma_start3A_50 = tpu.memref_slice %arg4[%add3A, %dma_start3A_48, %dma_start3A_49] : memref<32x80x128xi32, #tpu.memory_space<hbm>> -> memref<1x1x128xi32, #tpu.memory_space<hbm>>
    %dma_start3A_51 = tpu.memref_squeeze %dma_start3A_50 : memref<1x1x128xi32, #tpu.memory_space<hbm>> -> memref<1x128xi32, #tpu.memory_space<hbm>>
    tpu.enqueue_dma source(%dma_start3A_51 : memref<1x128xi32, #tpu.memory_space<hbm>>) target(%dma_start3A_47 : memref<1x128xi32, #tpu.memory_space<vmem>>) target_semaphore(%arg13 : memref<!tpu.dma_semaphore, #tpu.memory_space<semaphore_mem>>)
    %dma_start3A_52 = arith.constant 1 : i32
    %dma_start3A_53 = arith.constant 0 : i32
    %dma_start3A_54 = arith.constant 0 : i32
    %dma_start3A_55 = tpu.memref_slice %arg6[%dma_start3A_52, %dma_start3A_53, %dma_start3A_54] : memref<2x1x128xi32, #tpu.memory_space<vmem>> -> memref<1x1x128xi32, #tpu.memory_space<vmem>>
    %dma_start3A_56 = tpu.memref_squeeze %dma_start3A_55 : memref<1x1x128xi32, #tpu.memory_space<vmem>> -> memref<1x128xi32, #tpu.memory_space<vmem>>
    %dma_start3A_57 = arith.constant 1 : i32
    %dma_start3A_58 = arith.constant 0 : i32
    %dma_start3A_59 = tpu.memref_slice %arg3[%add3A, %dma_start3A_57, %dma_start3A_58] : memref<32x80x128xi32, #tpu.memory_space<hbm>> -> memref<1x1x128xi32, #tpu.memory_space<hbm>>
    %dma_start3A_60 = tpu.memref_squeeze %dma_start3A_59 : memref<1x1x128xi32, #tpu.memory_space<hbm>> -> memref<1x128xi32, #tpu.memory_space<hbm>>
    %dma_start3A_61 = arith.constant 0 : i32
    %dma_start3A_62 = arith.constant 0 : i32
    %dma_start3A_63 = tpu.memref_slice %arg6[%dma_start3A_52, %dma_start3A_61, %dma_start3A_62] : memref<2x1x128xi32, #tpu.memory_space<vmem>> -> memref<1x1x128xi32, #tpu.memory_space<vmem>>
    %dma_start3A_64 = tpu.memref_squeeze %dma_start3A_63 : memref<1x1x128xi32, #tpu.memory_space<vmem>> -> memref<1x128xi32, #tpu.memory_space<vmem>>
    %dma_start3A_65 = arith.constant 1 : i32
    %dma_start3A_66 = arith.constant 0 : i32
    %dma_start3A_67 = tpu.memref_slice %arg3[%add3A, %dma_start3A_65, %dma_start3A_66] : memref<32x80x128xi32, #tpu.memory_space<hbm>> -> memref<1x1x128xi32, #tpu.memory_space<hbm>>
    %dma_start3A_68 = tpu.memref_squeeze %dma_start3A_67 : memref<1x1x128xi32, #tpu.memory_space<hbm>> -> memref<1x128xi32, #tpu.memory_space<hbm>>
    tpu.enqueue_dma source(%dma_start3A_68 : memref<1x128xi32, #tpu.memory_space<hbm>>) target(%dma_start3A_64 : memref<1x128xi32, #tpu.memory_space<vmem>>) target_semaphore(%arg14 : memref<!tpu.dma_semaphore, #tpu.memory_space<semaphore_mem>>)
    %dma_start3A_69 = arith.constant 1 : i32
    %dma_start3A_70 = arith.constant 0 : i32
    %dma_start3A_71 = arith.constant 0 : i32
    %dma_start3A_72 = tpu.memref_slice %arg7[%dma_start3A_69, %dma_start3A_70, %dma_start3A_71] : memref<2x1x128xi32, #tpu.memory_space<vmem>> -> memref<1x1x128xi32, #tpu.memory_space<vmem>>
    %dma_start3A_73 = tpu.memref_squeeze %dma_start3A_72 : memref<1x1x128xi32, #tpu.memory_space<vmem>> -> memref<1x128xi32, #tpu.memory_space<vmem>>
    %dma_start3A_74 = arith.constant 1 : i32
    %dma_start3A_75 = arith.constant 0 : i32
    %dma_start3A_76 = tpu.memref_slice %arg4[%add3A, %dma_start3A_74, %dma_start3A_75] : memref<32x80x128xi32, #tpu.memory_space<hbm>> -> memref<1x1x128xi32, #tpu.memory_space<hbm>>
    %dma_start3A_77 = tpu.memref_squeeze %dma_start3A_76 : memref<1x1x128xi32, #tpu.memory_space<hbm>> -> memref<1x128xi32, #tpu.memory_space<hbm>>
    %dma_start3A_78 = arith.constant 0 : i32
    %dma_start3A_79 = arith.constant 0 : i32
    %dma_start3A_80 = tpu.memref_slice %arg7[%dma_start3A_69, %dma_start3A_78, %dma_start3A_79] : memref<2x1x128xi32, #tpu.memory_space<vmem>> -> memref<1x1x128xi32, #tpu.memory_space<vmem>>
    %dma_start3A_81 = tpu.memref_squeeze %dma_start3A_80 : memref<1x1x128xi32, #tpu.memory_space<vmem>> -> memref<1x128xi32, #tpu.memory_space<vmem>>
    %dma_start3A_82 = arith.constant 1 : i32
    %dma_start3A_83 = arith.constant 0 : i32
    %dma_start3A_84 = tpu.memref_slice %arg4[%add3A, %dma_start3A_82, %dma_start3A_83] : memref<32x80x128xi32, #tpu.memory_space<hbm>> -> memref<1x1x128xi32, #tpu.memory_space<hbm>>
    %dma_start3A_85 = tpu.memref_squeeze %dma_start3A_84 : memref<1x1x128xi32, #tpu.memory_space<hbm>> -> memref<1x128xi32, #tpu.memory_space<hbm>>
    tpu.enqueue_dma source(%dma_start3A_85 : memref<1x128xi32, #tpu.memory_space<hbm>>) target(%dma_start3A_81 : memref<1x128xi32, #tpu.memory_space<vmem>>) target_semaphore(%arg14 : memref<!tpu.dma_semaphore, #tpu.memory_space<semaphore_mem>>)
    %dma_wait3A = arith.constant 0 : i32
    %dma_wait3A_86 = arith.constant 0 : i32
    %dma_wait3A_87 = arith.constant 0 : i32
    %dma_wait3A_88 = tpu.memref_slice %arg6[%dma_wait3A, %dma_wait3A_86, %dma_wait3A_87] : memref<2x1x128xi32, #tpu.memory_space<vmem>> -> memref<1x1x128xi32, #tpu.memory_space<vmem>>
    %dma_wait3A_89 = tpu.memref_squeeze %dma_wait3A_88 : memref<1x1x128xi32, #tpu.memory_space<vmem>> -> memref<1x128xi32, #tpu.memory_space<vmem>>
    %dma_wait3A_90 = arith.constant 0 : i32
    %dma_wait3A_91 = arith.constant 0 : i32
    %dma_wait3A_92 = tpu.memref_slice %arg3[%add3A, %dma_wait3A_90, %dma_wait3A_91] : memref<32x80x128xi32, #tpu.memory_space<hbm>> -> memref<1x1x128xi32, #tpu.memory_space<hbm>>
    %dma_wait3A_93 = tpu.memref_squeeze %dma_wait3A_92 : memref<1x1x128xi32, #tpu.memory_space<hbm>> -> memref<1x128xi32, #tpu.memory_space<hbm>>
    %dma_wait3A_94 = arith.constant 0 : i32
    %dma_wait3A_95 = arith.constant 0 : i32
    %dma_wait3A_96 = tpu.memref_slice %arg6[%dma_wait3A, %dma_wait3A_94, %dma_wait3A_95] : memref<2x1x128xi32, #tpu.memory_space<vmem>> -> memref<1x1x128xi32, #tpu.memory_space<vmem>>
    %dma_wait3A_97 = tpu.memref_squeeze %dma_wait3A_96 : memref<1x1x128xi32, #tpu.memory_space<vmem>> -> memref<1x128xi32, #tpu.memory_space<vmem>>
    %dma_wait3A_98 = arith.constant 0 : i32
    %dma_wait3A_99 = arith.constant 0 : i32
    %dma_wait3A_100 = tpu.memref_slice %arg3[%add3A, %dma_wait3A_98, %dma_wait3A_99] : memref<32x80x128xi32, #tpu.memory_space<hbm>> -> memref<1x1x128xi32, #tpu.memory_space<hbm>>
    %dma_wait3A_101 = tpu.memref_squeeze %dma_wait3A_100 : memref<1x1x128xi32, #tpu.memory_space<hbm>> -> memref<1x128xi32, #tpu.memory_space<hbm>>
    tpu.wait_dma2 semaphore(%arg13 : memref<!tpu.dma_semaphore, #tpu.memory_space<semaphore_mem>>) src(%dma_wait3A_101 : memref<1x128xi32, #tpu.memory_space<hbm>>) dst(%dma_wait3A_97 : memref<1x128xi32, #tpu.memory_space<vmem>>)
    %dma_wait3A_102 = arith.constant 0 : i32
    %dma_wait3A_103 = arith.constant 0 : i32
    %dma_wait3A_104 = arith.constant 0 : i32
    %dma_wait3A_105 = tpu.memref_slice %arg7[%dma_wait3A_102, %dma_wait3A_103, %dma_wait3A_104] : memref<2x1x128xi32, #tpu.memory_space<vmem>> -> memref<1x1x128xi32, #tpu.memory_space<vmem>>
    %dma_wait3A_106 = tpu.memref_squeeze %dma_wait3A_105 : memref<1x1x128xi32, #tpu.memory_space<vmem>> -> memref<1x128xi32, #tpu.memory_space<vmem>>
    %dma_wait3A_107 = arith.constant 0 : i32
    %dma_wait3A_108 = arith.constant 0 : i32
    %dma_wait3A_109 = tpu.memref_slice %arg4[%add3A, %dma_wait3A_107, %dma_wait3A_108] : memref<32x80x128xi32, #tpu.memory_space<hbm>> -> memref<1x1x128xi32, #tpu.memory_space<hbm>>
    %dma_wait3A_110 = tpu.memref_squeeze %dma_wait3A_109 : memref<1x1x128xi32, #tpu.memory_space<hbm>> -> memref<1x128xi32, #tpu.memory_space<hbm>>
    %dma_wait3A_111 = arith.constant 0 : i32
    %dma_wait3A_112 = arith.constant 0 : i32
    %dma_wait3A_113 = tpu.memref_slice %arg7[%dma_wait3A_102, %dma_wait3A_111, %dma_wait3A_112] : memref<2x1x128xi32, #tpu.memory_space<vmem>> -> memref<1x1x128xi32, #tpu.memory_space<vmem>>
    %dma_wait3A_114 = tpu.memref_squeeze %dma_wait3A_113 : memref<1x1x128xi32, #tpu.memory_space<vmem>> -> memref<1x128xi32, #tpu.memory_space<vmem>>
    %dma_wait3A_115 = arith.constant 0 : i32
    %dma_wait3A_116 = arith.constant 0 : i32
    %dma_wait3A_117 = tpu.memref_slice %arg4[%add3A, %dma_wait3A_115, %dma_wait3A_116] : memref<32x80x128xi32, #tpu.memory_space<hbm>> -> memref<1x1x128xi32, #tpu.memory_space<hbm>>
    %dma_wait3A_118 = tpu.memref_squeeze %dma_wait3A_117 : memref<1x1x128xi32, #tpu.memory_space<hbm>> -> memref<1x128xi32, #tpu.memory_space<hbm>>
    tpu.wait_dma2 semaphore(%arg13 : memref<!tpu.dma_semaphore, #tpu.memory_space<semaphore_mem>>) src(%dma_wait3A_118 : memref<1x128xi32, #tpu.memory_space<hbm>>) dst(%dma_wait3A_114 : memref<1x128xi32, #tpu.memory_space<vmem>>)
    %dma_start3A_119 = arith.constant 0 : i32
    %dma_start3A_120 = arith.constant 0 : i32
    %dma_start3A_121 = arith.constant 0 : i32
    %dma_start3A_122 = tpu.memref_slice %arg6[%dma_start3A_119, %dma_start3A_120, %dma_start3A_121] : memref<2x1x128xi32, #tpu.memory_space<vmem>> -> memref<1x1x128xi32, #tpu.memory_space<vmem>>
    %dma_start3A_123 = tpu.memref_squeeze %dma_start3A_122 : memref<1x1x128xi32, #tpu.memory_space<vmem>> -> memref<128xi32, #tpu.memory_space<vmem>>
    %dma_start3A_124 = arith.constant 0 : i32
    %dma_start3A_125 = arith.constant 0 : i32
    %dma_start3A_126 = tpu.memref_slice %arg2[%dma_start3A_124, %dma_start3A_125] : memref<10112x128xf32, #tpu.memory_space<hbm>> -> memref<10112x128xf32, #tpu.memory_space<hbm>>
    tpu.enqueue_indirect_dma source(%dma_start3A_126 : memref<10112x128xf32, #tpu.memory_space<hbm>>) target(%arg8 : memref<128x128xf32, #tpu.memory_space<vmem>>) offsets(%dma_start3A_123 : memref<128xi32, #tpu.memory_space<vmem>>) semaphore(%arg11 : memref<!tpu.dma_semaphore, #tpu.memory_space<semaphore_mem>>)
    %barrier3A = arith.constant 0 : index
    tpu.barrier barrier_id(%barrier3A)
    %scan3A_127 = arith.constant 0 : i32
    %scan3A_128 = arith.constant 0 : i32
    %scan3A_129 = arith.constant 39 : i32
    %scan3A_130 = arith.addi %scan3A_128, %scan3A_129 : i32
    %scan3A_131 = arith.constant 1 : i32
    scf.for %scan3A_197 = %scan3A_128 to %scan3A_130 step %scan3A_131  : i32 {
      %mul3A_198 = arith.constant 2 : i32
      %mul3A_199 = arith.muli %mul3A_198, %scan3A_197 : i32
      %add3A_200 = arith.constant 0 : i32
      %add3A_201 = arith.addi %mul3A_199, %add3A_200 : i32
      %add3A_202 = arith.constant 1 : i32
      %add3A_203 = arith.addi %add3A_201, %add3A_202 : i32
      %dma_wait3A_204 = arith.constant 1 : i32
      %dma_wait3A_205 = arith.constant 0 : i32
      %dma_wait3A_206 = arith.constant 0 : i32
      %dma_wait3A_207 = tpu.memref_slice %arg6[%dma_wait3A_204, %dma_wait3A_205, %dma_wait3A_206] : memref<2x1x128xi32, #tpu.memory_space<vmem>> -> memref<1x1x128xi32, #tpu.memory_space<vmem>>
      %dma_wait3A_208 = tpu.memref_squeeze %dma_wait3A_207 : memref<1x1x128xi32, #tpu.memory_space<vmem>> -> memref<1x128xi32, #tpu.memory_space<vmem>>
      %dma_wait3A_209 = arith.constant 0 : i32
      %dma_wait3A_210 = tpu.memref_slice %arg3[%add3A, %add3A_203, %dma_wait3A_209] : memref<32x80x128xi32, #tpu.memory_space<hbm>> -> memref<1x1x128xi32, #tpu.memory_space<hbm>>
      %dma_wait3A_211 = tpu.memref_squeeze %dma_wait3A_210 : memref<1x1x128xi32, #tpu.memory_space<hbm>> -> memref<1x128xi32, #tpu.memory_space<hbm>>
      %dma_wait3A_212 = arith.constant 0 : i32
      %dma_wait3A_213 = arith.constant 0 : i32
      %dma_wait3A_214 = tpu.memref_slice %arg6[%dma_wait3A_204, %dma_wait3A_212, %dma_wait3A_213] : memref<2x1x128xi32, #tpu.memory_space<vmem>> -> memref<1x1x128xi32, #tpu.memory_space<vmem>>
      %dma_wait3A_215 = tpu.memref_squeeze %dma_wait3A_214 : memref<1x1x128xi32, #tpu.memory_space<vmem>> -> memref<1x128xi32, #tpu.memory_space<vmem>>
      %dma_wait3A_216 = arith.constant 0 : i32
      %dma_wait3A_217 = tpu.memref_slice %arg3[%add3A, %add3A_203, %dma_wait3A_216] : memref<32x80x128xi32, #tpu.memory_space<hbm>> -> memref<1x1x128xi32, #tpu.memory_space<hbm>>
      %dma_wait3A_218 = tpu.memref_squeeze %dma_wait3A_217 : memref<1x1x128xi32, #tpu.memory_space<hbm>> -> memref<1x128xi32, #tpu.memory_space<hbm>>
      tpu.wait_dma2 semaphore(%arg14 : memref<!tpu.dma_semaphore, #tpu.memory_space<semaphore_mem>>) src(%dma_wait3A_218 : memref<1x128xi32, #tpu.memory_space<hbm>>) dst(%dma_wait3A_215 : memref<1x128xi32, #tpu.memory_space<vmem>>)
      %add3A_219 = arith.constant 1 : i32
      %add3A_220 = arith.addi %add3A_201, %add3A_219 : i32
      %dma_wait3A_221 = arith.constant 1 : i32
      %dma_wait3A_222 = arith.constant 0 : i32
      %dma_wait3A_223 = arith.constant 0 : i32
      %dma_wait3A_224 = tpu.memref_slice %arg7[%dma_wait3A_221, %dma_wait3A_222, %dma_wait3A_223] : memref<2x1x128xi32, #tpu.memory_space<vmem>> -> memref<1x1x128xi32, #tpu.memory_space<vmem>>
      %dma_wait3A_225 = tpu.memref_squeeze %dma_wait3A_224 : memref<1x1x128xi32, #tpu.memory_space<vmem>> -> memref<1x128xi32, #tpu.memory_space<vmem>>
      %dma_wait3A_226 = arith.constant 0 : i32
      %dma_wait3A_227 = tpu.memref_slice %arg4[%add3A, %add3A_220, %dma_wait3A_226] : memref<32x80x128xi32, #tpu.memory_space<hbm>> -> memref<1x1x128xi32, #tpu.memory_space<hbm>>
      %dma_wait3A_228 = tpu.memref_squeeze %dma_wait3A_227 : memref<1x1x128xi32, #tpu.memory_space<hbm>> -> memref<1x128xi32, #tpu.memory_space<hbm>>
      %dma_wait3A_229 = arith.constant 0 : i32
      %dma_wait3A_230 = arith.constant 0 : i32
      %dma_wait3A_231 = tpu.memref_slice %arg7[%dma_wait3A_221, %dma_wait3A_229, %dma_wait3A_230] : memref<2x1x128xi32, #tpu.memory_space<vmem>> -> memref<1x1x128xi32, #tpu.memory_space<vmem>>
      %dma_wait3A_232 = tpu.memref_squeeze %dma_wait3A_231 : memref<1x1x128xi32, #tpu.memory_space<vmem>> -> memref<1x128xi32, #tpu.memory_space<vmem>>
      %dma_wait3A_233 = arith.constant 0 : i32
      %dma_wait3A_234 = tpu.memref_slice %arg4[%add3A, %add3A_220, %dma_wait3A_233] : memref<32x80x128xi32, #tpu.memory_space<hbm>> -> memref<1x1x128xi32, #tpu.memory_space<hbm>>
      %dma_wait3A_235 = tpu.memref_squeeze %dma_wait3A_234 : memref<1x1x128xi32, #tpu.memory_space<hbm>> -> memref<1x128xi32, #tpu.memory_space<hbm>>
      tpu.wait_dma2 semaphore(%arg14 : memref<!tpu.dma_semaphore, #tpu.memory_space<semaphore_mem>>) src(%dma_wait3A_235 : memref<1x128xi32, #tpu.memory_space<hbm>>) dst(%dma_wait3A_232 : memref<1x128xi32, #tpu.memory_space<vmem>>)
      %dma_start3A_236 = arith.constant 1 : i32
      %dma_start3A_237 = arith.constant 0 : i32
      %dma_start3A_238 = arith.constant 0 : i32
      %dma_start3A_239 = tpu.memref_slice %arg6[%dma_start3A_236, %dma_start3A_237, %dma_start3A_238] : memref<2x1x128xi32, #tpu.memory_space<vmem>> -> memref<1x1x128xi32, #tpu.memory_space<vmem>>
      %dma_start3A_240 = tpu.memref_squeeze %dma_start3A_239 : memref<1x1x128xi32, #tpu.memory_space<vmem>> -> memref<128xi32, #tpu.memory_space<vmem>>
      %dma_start3A_241 = arith.constant 0 : i32
      %dma_start3A_242 = arith.constant 0 : i32
      %dma_start3A_243 = tpu.memref_slice %arg2[%dma_start3A_241, %dma_start3A_242] : memref<10112x128xf32, #tpu.memory_space<hbm>> -> memref<10112x128xf32, #tpu.memory_space<hbm>>
      tpu.enqueue_indirect_dma source(%dma_start3A_243 : memref<10112x128xf32, #tpu.memory_space<hbm>>) target(%arg9 : memref<128x128xf32, #tpu.memory_space<vmem>>) offsets(%dma_start3A_240 : memref<128xi32, #tpu.memory_space<vmem>>) semaphore(%arg12 : memref<!tpu.dma_semaphore, #tpu.memory_space<semaphore_mem>>)
      %dma_wait3A_244 = arith.constant 0 : i32
      %dma_wait3A_245 = arith.constant 0 : i32
      %dma_wait3A_246 = arith.constant 0 : i32
      %dma_wait3A_247 = tpu.memref_slice %arg6[%dma_wait3A_244, %dma_wait3A_245, %dma_wait3A_246] : memref<2x1x128xi32, #tpu.memory_space<vmem>> -> memref<1x1x128xi32, #tpu.memory_space<vmem>>
      %dma_wait3A_248 = tpu.memref_squeeze %dma_wait3A_247 : memref<1x1x128xi32, #tpu.memory_space<vmem>> -> memref<128xi32, #tpu.memory_space<vmem>>
      %dma_wait3A_249 = arith.constant 0 : i32
      %dma_wait3A_250 = arith.constant 0 : i32
      %dma_wait3A_251 = tpu.memref_slice %arg2[%dma_wait3A_249, %dma_wait3A_250] : memref<10112x128xf32, #tpu.memory_space<hbm>> -> memref<10112x128xf32, #tpu.memory_space<hbm>>
      tpu.wait_indirect_dma semaphore(%arg11 : memref<!tpu.dma_semaphore, #tpu.memory_space<semaphore_mem>>) src(%dma_wait3A_251 : memref<10112x128xf32, #tpu.memory_space<hbm>>) dst(%arg8 : memref<128x128xf32, #tpu.memory_space<vmem>>)
      %run_scoped3A_252 = arith.constant 0 : i32
      %run_scoped3A_253 = arith.constant 0 : i32
      "tpu.region"() ({
        %run_scoped3A_378 = tpu.sem_alloc : memref<!tpu.dma_semaphore, #tpu.memory_space<semaphore_mem>>
        %dma_start3A_379 = arith.constant 0 : i32
        %dma_start3A_380 = tpu.memref_slice %arg7[%run_scoped3A_252, %run_scoped3A_253, %dma_start3A_379] : memref<2x1x128xi32, #tpu.memory_space<vmem>> -> memref<1x1x128xi32, #tpu.memory_space<vmem>>
        %dma_start3A_381 = tpu.memref_squeeze %dma_start3A_380 : memref<1x1x128xi32, #tpu.memory_space<vmem>> -> memref<128xi32, #tpu.memory_space<vmem>>
        %dma_start3A_382 = arith.constant 0 : i32
        %dma_start3A_383 = arith.constant 0 : i32
        %dma_start3A_384 = tpu.memref_slice %arg10[%dma_start3A_382, %dma_start3A_383] : memref<10112x128xf32, #tpu.memory_space<vmem_shared>> -> memref<10112x128xf32, #tpu.memory_space<vmem_shared>>
        tpu.enqueue_indirect_dma source(%arg8 : memref<128x128xf32, #tpu.memory_space<vmem>>) target(%dma_start3A_384 : memref<10112x128xf32, #tpu.memory_space<vmem_shared>>) offsets(%dma_start3A_381 : memref<128xi32, #tpu.memory_space<vmem>>) semaphore(%run_scoped3A_378 : memref<!tpu.dma_semaphore, #tpu.memory_space<semaphore_mem>>) {add = true}
        %dma_wait3A_385 = arith.constant 0 : i32
        %dma_wait3A_386 = tpu.memref_slice %arg7[%run_scoped3A_252, %run_scoped3A_253, %dma_wait3A_385] : memref<2x1x128xi32, #tpu.memory_space<vmem>> -> memref<1x1x128xi32, #tpu.memory_space<vmem>>
        %dma_wait3A_387 = tpu.memref_squeeze %dma_wait3A_386 : memref<1x1x128xi32, #tpu.memory_space<vmem>> -> memref<128xi32, #tpu.memory_space<vmem>>
        %dma_wait3A_388 = arith.constant 0 : i32
        %dma_wait3A_389 = arith.constant 0 : i32
        %dma_wait3A_390 = tpu.memref_slice %arg10[%dma_wait3A_388, %dma_wait3A_389] : memref<10112x128xf32, #tpu.memory_space<vmem_shared>> -> memref<10112x128xf32, #tpu.memory_space<vmem_shared>>
        tpu.wait_indirect_dma semaphore(%run_scoped3A_378 : memref<!tpu.dma_semaphore, #tpu.memory_space<semaphore_mem>>) src(%arg8 : memref<128x128xf32, #tpu.memory_space<vmem>>) dst(%dma_wait3A_390 : memref<10112x128xf32, #tpu.memory_space<vmem_shared>>)
        tpu.yield
      }) : () -> ()
      %add3A_254 = arith.constant 2 : i32
      %add3A_255 = arith.addi %add3A_201, %add3A_254 : i32
      %dma_start3A_256 = arith.constant 0 : i32
      %dma_start3A_257 = arith.constant 0 : i32
      %dma_start3A_258 = arith.constant 0 : i32
      %dma_start3A_259 = tpu.memref_slice %arg6[%dma_start3A_256, %dma_start3A_257, %dma_start3A_258] : memref<2x1x128xi32, #tpu.memory_space<vmem>> -> memref<1x1x128xi32, #tpu.memory_space<vmem>>
      %dma_start3A_260 = tpu.memref_squeeze %dma_start3A_259 : memref<1x1x128xi32, #tpu.memory_space<vmem>> -> memref<1x128xi32, #tpu.memory_space<vmem>>
      %dma_start3A_261 = arith.constant 0 : i32
      %dma_start3A_262 = tpu.memref_slice %arg3[%add3A, %add3A_255, %dma_start3A_261] : memref<32x80x128xi32, #tpu.memory_space<hbm>> -> memref<1x1x128xi32, #tpu.memory_space<hbm>>
      %dma_start3A_263 = tpu.memref_squeeze %dma_start3A_262 : memref<1x1x128xi32, #tpu.memory_space<hbm>> -> memref<1x128xi32, #tpu.memory_space<hbm>>
      %dma_start3A_264 = arith.constant 0 : i32
      %dma_start3A_265 = arith.constant 0 : i32
      %dma_start3A_266 = tpu.memref_slice %arg6[%dma_start3A_256, %dma_start3A_264, %dma_start3A_265] : memref<2x1x128xi32, #tpu.memory_space<vmem>> -> memref<1x1x128xi32, #tpu.memory_space<vmem>>
      %dma_start3A_267 = tpu.memref_squeeze %dma_start3A_266 : memref<1x1x128xi32, #tpu.memory_space<vmem>> -> memref<1x128xi32, #tpu.memory_space<vmem>>
      %dma_start3A_268 = arith.constant 0 : i32
      %dma_start3A_269 = tpu.memref_slice %arg3[%add3A, %add3A_255, %dma_start3A_268] : memref<32x80x128xi32, #tpu.memory_space<hbm>> -> memref<1x1x128xi32, #tpu.memory_space<hbm>>
      %dma_start3A_270 = tpu.memref_squeeze %dma_start3A_269 : memref<1x1x128xi32, #tpu.memory_space<hbm>> -> memref<1x128xi32, #tpu.memory_space<hbm>>
      tpu.enqueue_dma source(%dma_start3A_270 : memref<1x128xi32, #tpu.memory_space<hbm>>) target(%dma_start3A_267 : memref<1x128xi32, #tpu.memory_space<vmem>>) target_semaphore(%arg13 : memref<!tpu.dma_semaphore, #tpu.memory_space<semaphore_mem>>)
      %add3A_271 = arith.constant 2 : i32
      %add3A_272 = arith.addi %add3A_201, %add3A_271 : i32
      %dma_start3A_273 = arith.constant 0 : i32
      %dma_start3A_274 = arith.constant 0 : i32
      %dma_start3A_275 = arith.constant 0 : i32
      %dma_start3A_276 = tpu.memref_slice %arg7[%dma_start3A_273, %dma_start3A_274, %dma_start3A_275] : memref<2x1x128xi32, #tpu.memory_space<vmem>> -> memref<1x1x128xi32, #tpu.memory_space<vmem>>
      %dma_start3A_277 = tpu.memref_squeeze %dma_start3A_276 : memref<1x1x128xi32, #tpu.memory_space<vmem>> -> memref<1x128xi32, #tpu.memory_space<vmem>>
      %dma_start3A_278 = arith.constant 0 : i32
      %dma_start3A_279 = tpu.memref_slice %arg4[%add3A, %add3A_272, %dma_start3A_278] : memref<32x80x128xi32, #tpu.memory_space<hbm>> -> memref<1x1x128xi32, #tpu.memory_space<hbm>>
      %dma_start3A_280 = tpu.memref_squeeze %dma_start3A_279 : memref<1x1x128xi32, #tpu.memory_space<hbm>> -> memref<1x128xi32, #tpu.memory_space<hbm>>
      %dma_start3A_281 = arith.constant 0 : i32
      %dma_start3A_282 = arith.constant 0 : i32
      %dma_start3A_283 = tpu.memref_slice %arg7[%dma_start3A_273, %dma_start3A_281, %dma_start3A_282] : memref<2x1x128xi32, #tpu.memory_space<vmem>> -> memref<1x1x128xi32, #tpu.memory_space<vmem>>
      %dma_start3A_284 = tpu.memref_squeeze %dma_start3A_283 : memref<1x1x128xi32, #tpu.memory_space<vmem>> -> memref<1x128xi32, #tpu.memory_space<vmem>>
      %dma_start3A_285 = arith.constant 0 : i32
      %dma_start3A_286 = tpu.memref_slice %arg4[%add3A, %add3A_272, %dma_start3A_285] : memref<32x80x128xi32, #tpu.memory_space<hbm>> -> memref<1x1x128xi32, #tpu.memory_space<hbm>>
      %dma_start3A_287 = tpu.memref_squeeze %dma_start3A_286 : memref<1x1x128xi32, #tpu.memory_space<hbm>> -> memref<1x128xi32, #tpu.memory_space<hbm>>
      tpu.enqueue_dma source(%dma_start3A_287 : memref<1x128xi32, #tpu.memory_space<hbm>>) target(%dma_start3A_284 : memref<1x128xi32, #tpu.memory_space<vmem>>) target_semaphore(%arg13 : memref<!tpu.dma_semaphore, #tpu.memory_space<semaphore_mem>>)
      %mul3A_288 = arith.constant 2 : i32
      %mul3A_289 = arith.muli %mul3A_288, %scan3A_197 : i32
      %add3A_290 = arith.constant 1 : i32
      %add3A_291 = arith.addi %mul3A_289, %add3A_290 : i32
      %add3A_292 = arith.constant 1 : i32
      %add3A_293 = arith.addi %add3A_291, %add3A_292 : i32
      %dma_wait3A_294 = arith.constant 0 : i32
      %dma_wait3A_295 = arith.constant 0 : i32
      %dma_wait3A_296 = arith.constant 0 : i32
      %dma_wait3A_297 = tpu.memref_slice %arg6[%dma_wait3A_294, %dma_wait3A_295, %dma_wait3A_296] : memref<2x1x128xi32, #tpu.memory_space<vmem>> -> memref<1x1x128xi32, #tpu.memory_space<vmem>>
      %dma_wait3A_298 = tpu.memref_squeeze %dma_wait3A_297 : memref<1x1x128xi32, #tpu.memory_space<vmem>> -> memref<1x128xi32, #tpu.memory_space<vmem>>
      %dma_wait3A_299 = arith.constant 0 : i32
      %dma_wait3A_300 = tpu.memref_slice %arg3[%add3A, %add3A_293, %dma_wait3A_299] : memref<32x80x128xi32, #tpu.memory_space<hbm>> -> memref<1x1x128xi32, #tpu.memory_space<hbm>>
      %dma_wait3A_301 = tpu.memref_squeeze %dma_wait3A_300 : memref<1x1x128xi32, #tpu.memory_space<hbm>> -> memref<1x128xi32, #tpu.memory_space<hbm>>
      %dma_wait3A_302 = arith.constant 0 : i32
      %dma_wait3A_303 = arith.constant 0 : i32
      %dma_wait3A_304 = tpu.memref_slice %arg6[%dma_wait3A_294, %dma_wait3A_302, %dma_wait3A_303] : memref<2x1x128xi32, #tpu.memory_space<vmem>> -> memref<1x1x128xi32, #tpu.memory_space<vmem>>
      %dma_wait3A_305 = tpu.memref_squeeze %dma_wait3A_304 : memref<1x1x128xi32, #tpu.memory_space<vmem>> -> memref<1x128xi32, #tpu.memory_space<vmem>>
      %dma_wait3A_306 = arith.constant 0 : i32
      %dma_wait3A_307 = tpu.memref_slice %arg3[%add3A, %add3A_293, %dma_wait3A_306] : memref<32x80x128xi32, #tpu.memory_space<hbm>> -> memref<1x1x128xi32, #tpu.memory_space<hbm>>
      %dma_wait3A_308 = tpu.memref_squeeze %dma_wait3A_307 : memref<1x1x128xi32, #tpu.memory_space<hbm>> -> memref<1x128xi32, #tpu.memory_space<hbm>>
      tpu.wait_dma2 semaphore(%arg13 : memref<!tpu.dma_semaphore, #tpu.memory_space<semaphore_mem>>) src(%dma_wait3A_308 : memref<1x128xi32, #tpu.memory_space<hbm>>) dst(%dma_wait3A_305 : memref<1x128xi32, #tpu.memory_space<vmem>>)
      %add3A_309 = arith.constant 1 : i32
      %add3A_310 = arith.addi %add3A_291, %add3A_309 : i32
      %dma_wait3A_311 = arith.constant 0 : i32
      %dma_wait3A_312 = arith.constant 0 : i32
      %dma_wait3A_313 = arith.constant 0 : i32
      %dma_wait3A_314 = tpu.memref_slice %arg7[%dma_wait3A_311, %dma_wait3A_312, %dma_wait3A_313] : memref<2x1x128xi32, #tpu.memory_space<vmem>> -> memref<1x1x128xi32, #tpu.memory_space<vmem>>
      %dma_wait3A_315 = tpu.memref_squeeze %dma_wait3A_314 : memref<1x1x128xi32, #tpu.memory_space<vmem>> -> memref<1x128xi32, #tpu.memory_space<vmem>>
      %dma_wait3A_316 = arith.constant 0 : i32
      %dma_wait3A_317 = tpu.memref_slice %arg4[%add3A, %add3A_310, %dma_wait3A_316] : memref<32x80x128xi32, #tpu.memory_space<hbm>> -> memref<1x1x128xi32, #tpu.memory_space<hbm>>
      %dma_wait3A_318 = tpu.memref_squeeze %dma_wait3A_317 : memref<1x1x128xi32, #tpu.memory_space<hbm>> -> memref<1x128xi32, #tpu.memory_space<hbm>>
      %dma_wait3A_319 = arith.constant 0 : i32
      %dma_wait3A_320 = arith.constant 0 : i32
      %dma_wait3A_321 = tpu.memref_slice %arg7[%dma_wait3A_311, %dma_wait3A_319, %dma_wait3A_320] : memref<2x1x128xi32, #tpu.memory_space<vmem>> -> memref<1x1x128xi32, #tpu.memory_space<vmem>>
      %dma_wait3A_322 = tpu.memref_squeeze %dma_wait3A_321 : memref<1x1x128xi32, #tpu.memory_space<vmem>> -> memref<1x128xi32, #tpu.memory_space<vmem>>
      %dma_wait3A_323 = arith.constant 0 : i32
      %dma_wait3A_324 = tpu.memref_slice %arg4[%add3A, %add3A_310, %dma_wait3A_323] : memref<32x80x128xi32, #tpu.memory_space<hbm>> -> memref<1x1x128xi32, #tpu.memory_space<hbm>>
      %dma_wait3A_325 = tpu.memref_squeeze %dma_wait3A_324 : memref<1x1x128xi32, #tpu.memory_space<hbm>> -> memref<1x128xi32, #tpu.memory_space<hbm>>
      tpu.wait_dma2 semaphore(%arg13 : memref<!tpu.dma_semaphore, #tpu.memory_space<semaphore_mem>>) src(%dma_wait3A_325 : memref<1x128xi32, #tpu.memory_space<hbm>>) dst(%dma_wait3A_322 : memref<1x128xi32, #tpu.memory_space<vmem>>)
      %dma_start3A_326 = arith.constant 0 : i32
      %dma_start3A_327 = arith.constant 0 : i32
      %dma_start3A_328 = arith.constant 0 : i32
      %dma_start3A_329 = tpu.memref_slice %arg6[%dma_start3A_326, %dma_start3A_327, %dma_start3A_328] : memref<2x1x128xi32, #tpu.memory_space<vmem>> -> memref<1x1x128xi32, #tpu.memory_space<vmem>>
      %dma_start3A_330 = tpu.memref_squeeze %dma_start3A_329 : memref<1x1x128xi32, #tpu.memory_space<vmem>> -> memref<128xi32, #tpu.memory_space<vmem>>
      %dma_start3A_331 = arith.constant 0 : i32
      %dma_start3A_332 = arith.constant 0 : i32
      %dma_start3A_333 = tpu.memref_slice %arg2[%dma_start3A_331, %dma_start3A_332] : memref<10112x128xf32, #tpu.memory_space<hbm>> -> memref<10112x128xf32, #tpu.memory_space<hbm>>
      tpu.enqueue_indirect_dma source(%dma_start3A_333 : memref<10112x128xf32, #tpu.memory_space<hbm>>) target(%arg8 : memref<128x128xf32, #tpu.memory_space<vmem>>) offsets(%dma_start3A_330 : memref<128xi32, #tpu.memory_space<vmem>>) semaphore(%arg11 : memref<!tpu.dma_semaphore, #tpu.memory_space<semaphore_mem>>)
      %dma_wait3A_334 = arith.constant 1 : i32
      %dma_wait3A_335 = arith.constant 0 : i32
      %dma_wait3A_336 = arith.constant 0 : i32
      %dma_wait3A_337 = tpu.memref_slice %arg6[%dma_wait3A_334, %dma_wait3A_335, %dma_wait3A_336] : memref<2x1x128xi32, #tpu.memory_space<vmem>> -> memref<1x1x128xi32, #tpu.memory_space<vmem>>
      %dma_wait3A_338 = tpu.memref_squeeze %dma_wait3A_337 : memref<1x1x128xi32, #tpu.memory_space<vmem>> -> memref<128xi32, #tpu.memory_space<vmem>>
      %dma_wait3A_339 = arith.constant 0 : i32
      %dma_wait3A_340 = arith.constant 0 : i32
      %dma_wait3A_341 = tpu.memref_slice %arg2[%dma_wait3A_339, %dma_wait3A_340] : memref<10112x128xf32, #tpu.memory_space<hbm>> -> memref<10112x128xf32, #tpu.memory_space<hbm>>
      tpu.wait_indirect_dma semaphore(%arg12 : memref<!tpu.dma_semaphore, #tpu.memory_space<semaphore_mem>>) src(%dma_wait3A_341 : memref<10112x128xf32, #tpu.memory_space<hbm>>) dst(%arg9 : memref<128x128xf32, #tpu.memory_space<vmem>>)
      %run_scoped3A_342 = arith.constant 1 : i32
      %run_scoped3A_343 = arith.constant 0 : i32
      "tpu.region"() ({
        %run_scoped3A_378 = tpu.sem_alloc : memref<!tpu.dma_semaphore, #tpu.memory_space<semaphore_mem>>
        %dma_start3A_379 = arith.constant 0 : i32
        %dma_start3A_380 = tpu.memref_slice %arg7[%run_scoped3A_342, %run_scoped3A_343, %dma_start3A_379] : memref<2x1x128xi32, #tpu.memory_space<vmem>> -> memref<1x1x128xi32, #tpu.memory_space<vmem>>
        %dma_start3A_381 = tpu.memref_squeeze %dma_start3A_380 : memref<1x1x128xi32, #tpu.memory_space<vmem>> -> memref<128xi32, #tpu.memory_space<vmem>>
        %dma_start3A_382 = arith.constant 0 : i32
        %dma_start3A_383 = arith.constant 0 : i32
        %dma_start3A_384 = tpu.memref_slice %arg10[%dma_start3A_382, %dma_start3A_383] : memref<10112x128xf32, #tpu.memory_space<vmem_shared>> -> memref<10112x128xf32, #tpu.memory_space<vmem_shared>>
        tpu.enqueue_indirect_dma source(%arg9 : memref<128x128xf32, #tpu.memory_space<vmem>>) target(%dma_start3A_384 : memref<10112x128xf32, #tpu.memory_space<vmem_shared>>) offsets(%dma_start3A_381 : memref<128xi32, #tpu.memory_space<vmem>>) semaphore(%run_scoped3A_378 : memref<!tpu.dma_semaphore, #tpu.memory_space<semaphore_mem>>) {add = true}
        %dma_wait3A_385 = arith.constant 0 : i32
        %dma_wait3A_386 = tpu.memref_slice %arg7[%run_scoped3A_342, %run_scoped3A_343, %dma_wait3A_385] : memref<2x1x128xi32, #tpu.memory_space<vmem>> -> memref<1x1x128xi32, #tpu.memory_space<vmem>>
        %dma_wait3A_387 = tpu.memref_squeeze %dma_wait3A_386 : memref<1x1x128xi32, #tpu.memory_space<vmem>> -> memref<128xi32, #tpu.memory_space<vmem>>
        %dma_wait3A_388 = arith.constant 0 : i32
        %dma_wait3A_389 = arith.constant 0 : i32
        %dma_wait3A_390 = tpu.memref_slice %arg10[%dma_wait3A_388, %dma_wait3A_389] : memref<10112x128xf32, #tpu.memory_space<vmem_shared>> -> memref<10112x128xf32, #tpu.memory_space<vmem_shared>>
        tpu.wait_indirect_dma semaphore(%run_scoped3A_378 : memref<!tpu.dma_semaphore, #tpu.memory_space<semaphore_mem>>) src(%arg9 : memref<128x128xf32, #tpu.memory_space<vmem>>) dst(%dma_wait3A_390 : memref<10112x128xf32, #tpu.memory_space<vmem_shared>>)
        tpu.yield
      }) : () -> ()
      %add3A_344 = arith.constant 2 : i32
      %add3A_345 = arith.addi %add3A_291, %add3A_344 : i32
      %dma_start3A_346 = arith.constant 1 : i32
      %dma_start3A_347 = arith.constant 0 : i32
      %dma_start3A_348 = arith.constant 0 : i32
      %dma_start3A_349 = tpu.memref_slice %arg6[%dma_start3A_346, %dma_start3A_347, %dma_start3A_348] : memref<2x1x128xi32, #tpu.memory_space<vmem>> -> memref<1x1x128xi32, #tpu.memory_space<vmem>>
      %dma_start3A_350 = tpu.memref_squeeze %dma_start3A_349 : memref<1x1x128xi32, #tpu.memory_space<vmem>> -> memref<1x128xi32, #tpu.memory_space<vmem>>
      %dma_start3A_351 = arith.constant 0 : i32
      %dma_start3A_352 = tpu.memref_slice %arg3[%add3A, %add3A_345, %dma_start3A_351] : memref<32x80x128xi32, #tpu.memory_space<hbm>> -> memref<1x1x128xi32, #tpu.memory_space<hbm>>
      %dma_start3A_353 = tpu.memref_squeeze %dma_start3A_352 : memref<1x1x128xi32, #tpu.memory_space<hbm>> -> memref<1x128xi32, #tpu.memory_space<hbm>>
      %dma_start3A_354 = arith.constant 0 : i32
      %dma_start3A_355 = arith.constant 0 : i32
      %dma_start3A_356 = tpu.memref_slice %arg6[%dma_start3A_346, %dma_start3A_354, %dma_start3A_355] : memref<2x1x128xi32, #tpu.memory_space<vmem>> -> memref<1x1x128xi32, #tpu.memory_space<vmem>>
      %dma_start3A_357 = tpu.memref_squeeze %dma_start3A_356 : memref<1x1x128xi32, #tpu.memory_space<vmem>> -> memref<1x128xi32, #tpu.memory_space<vmem>>
      %dma_start3A_358 = arith.constant 0 : i32
      %dma_start3A_359 = tpu.memref_slice %arg3[%add3A, %add3A_345, %dma_start3A_358] : memref<32x80x128xi32, #tpu.memory_space<hbm>> -> memref<1x1x128xi32, #tpu.memory_space<hbm>>
      %dma_start3A_360 = tpu.memref_squeeze %dma_start3A_359 : memref<1x1x128xi32, #tpu.memory_space<hbm>> -> memref<1x128xi32, #tpu.memory_space<hbm>>
      tpu.enqueue_dma source(%dma_start3A_360 : memref<1x128xi32, #tpu.memory_space<hbm>>) target(%dma_start3A_357 : memref<1x128xi32, #tpu.memory_space<vmem>>) target_semaphore(%arg14 : memref<!tpu.dma_semaphore, #tpu.memory_space<semaphore_mem>>)
      %add3A_361 = arith.constant 2 : i32
      %add3A_362 = arith.addi %add3A_291, %add3A_361 : i32
      %dma_start3A_363 = arith.constant 1 : i32
      %dma_start3A_364 = arith.constant 0 : i32
      %dma_start3A_365 = arith.constant 0 : i32
      %dma_start3A_366 = tpu.memref_slice %arg7[%dma_start3A_363, %dma_start3A_364, %dma_start3A_365] : memref<2x1x128xi32, #tpu.memory_space<vmem>> -> memref<1x1x128xi32, #tpu.memory_space<vmem>>
      %dma_start3A_367 = tpu.memref_squeeze %dma_start3A_366 : memref<1x1x128xi32, #tpu.memory_space<vmem>> -> memref<1x128xi32, #tpu.memory_space<vmem>>
      %dma_start3A_368 = arith.constant 0 : i32
      %dma_start3A_369 = tpu.memref_slice %arg4[%add3A, %add3A_362, %dma_start3A_368] : memref<32x80x128xi32, #tpu.memory_space<hbm>> -> memref<1x1x128xi32, #tpu.memory_space<hbm>>
      %dma_start3A_370 = tpu.memref_squeeze %dma_start3A_369 : memref<1x1x128xi32, #tpu.memory_space<hbm>> -> memref<1x128xi32, #tpu.memory_space<hbm>>
      %dma_start3A_371 = arith.constant 0 : i32
      %dma_start3A_372 = arith.constant 0 : i32
      %dma_start3A_373 = tpu.memref_slice %arg7[%dma_start3A_363, %dma_start3A_371, %dma_start3A_372] : memref<2x1x128xi32, #tpu.memory_space<vmem>> -> memref<1x1x128xi32, #tpu.memory_space<vmem>>
      %dma_start3A_374 = tpu.memref_squeeze %dma_start3A_373 : memref<1x1x128xi32, #tpu.memory_space<vmem>> -> memref<1x128xi32, #tpu.memory_space<vmem>>
      %dma_start3A_375 = arith.constant 0 : i32
      %dma_start3A_376 = tpu.memref_slice %arg4[%add3A, %add3A_362, %dma_start3A_375] : memref<32x80x128xi32, #tpu.memory_space<hbm>> -> memref<1x1x128xi32, #tpu.memory_space<hbm>>
      %dma_start3A_377 = tpu.memref_squeeze %dma_start3A_376 : memref<1x1x128xi32, #tpu.memory_space<hbm>> -> memref<1x128xi32, #tpu.memory_space<hbm>>
      tpu.enqueue_dma source(%dma_start3A_377 : memref<1x128xi32, #tpu.memory_space<hbm>>) target(%dma_start3A_374 : memref<1x128xi32, #tpu.memory_space<vmem>>) target_semaphore(%arg14 : memref<!tpu.dma_semaphore, #tpu.memory_space<semaphore_mem>>)
    }
    %scan3A_132 = arith.constant 39 : i32
    %dma_wait3A_133 = arith.constant 0 : i32
    %dma_wait3A_134 = arith.constant 0 : i32
    %dma_wait3A_135 = arith.constant 0 : i32
    %dma_wait3A_136 = tpu.memref_slice %arg6[%dma_wait3A_133, %dma_wait3A_134, %dma_wait3A_135] : memref<2x1x128xi32, #tpu.memory_space<vmem>> -> memref<1x1x128xi32, #tpu.memory_space<vmem>>
    %dma_wait3A_137 = tpu.memref_squeeze %dma_wait3A_136 : memref<1x1x128xi32, #tpu.memory_space<vmem>> -> memref<128xi32, #tpu.memory_space<vmem>>
    %dma_wait3A_138 = arith.constant 0 : i32
    %dma_wait3A_139 = arith.constant 0 : i32
    %dma_wait3A_140 = tpu.memref_slice %arg2[%dma_wait3A_138, %dma_wait3A_139] : memref<10112x128xf32, #tpu.memory_space<hbm>> -> memref<10112x128xf32, #tpu.memory_space<hbm>>
    tpu.wait_indirect_dma semaphore(%arg11 : memref<!tpu.dma_semaphore, #tpu.memory_space<semaphore_mem>>) src(%dma_wait3A_140 : memref<10112x128xf32, #tpu.memory_space<hbm>>) dst(%arg8 : memref<128x128xf32, #tpu.memory_space<vmem>>)
    %run_scoped3A = arith.constant 0 : i32
    %run_scoped3A_141 = arith.constant 0 : i32
    "tpu.region"() ({
      %run_scoped3A_197 = tpu.sem_alloc : memref<!tpu.dma_semaphore, #tpu.memory_space<semaphore_mem>>
      %dma_start3A_198 = arith.constant 0 : i32
      %dma_start3A_199 = tpu.memref_slice %arg7[%run_scoped3A, %run_scoped3A_141, %dma_start3A_198] : memref<2x1x128xi32, #tpu.memory_space<vmem>> -> memref<1x1x128xi32, #tpu.memory_space<vmem>>
      %dma_start3A_200 = tpu.memref_squeeze %dma_start3A_199 : memref<1x1x128xi32, #tpu.memory_space<vmem>> -> memref<128xi32, #tpu.memory_space<vmem>>
      %dma_start3A_201 = arith.constant 0 : i32
      %dma_start3A_202 = arith.constant 0 : i32
      %dma_start3A_203 = tpu.memref_slice %arg10[%dma_start3A_201, %dma_start3A_202] : memref<10112x128xf32, #tpu.memory_space<vmem_shared>> -> memref<10112x128xf32, #tpu.memory_space<vmem_shared>>
      tpu.enqueue_indirect_dma source(%arg8 : memref<128x128xf32, #tpu.memory_space<vmem>>) target(%dma_start3A_203 : memref<10112x128xf32, #tpu.memory_space<vmem_shared>>) offsets(%dma_start3A_200 : memref<128xi32, #tpu.memory_space<vmem>>) semaphore(%run_scoped3A_197 : memref<!tpu.dma_semaphore, #tpu.memory_space<semaphore_mem>>) {add = true}
      %dma_wait3A_204 = arith.constant 0 : i32
      %dma_wait3A_205 = tpu.memref_slice %arg7[%run_scoped3A, %run_scoped3A_141, %dma_wait3A_204] : memref<2x1x128xi32, #tpu.memory_space<vmem>> -> memref<1x1x128xi32, #tpu.memory_space<vmem>>
      %dma_wait3A_206 = tpu.memref_squeeze %dma_wait3A_205 : memref<1x1x128xi32, #tpu.memory_space<vmem>> -> memref<128xi32, #tpu.memory_space<vmem>>
      %dma_wait3A_207 = arith.constant 0 : i32
      %dma_wait3A_208 = arith.constant 0 : i32
      %dma_wait3A_209 = tpu.memref_slice %arg10[%dma_wait3A_207, %dma_wait3A_208] : memref<10112x128xf32, #tpu.memory_space<vmem_shared>> -> memref<10112x128xf32, #tpu.memory_space<vmem_shared>>
      tpu.wait_indirect_dma semaphore(%run_scoped3A_197 : memref<!tpu.dma_semaphore, #tpu.memory_space<semaphore_mem>>) src(%arg8 : memref<128x128xf32, #tpu.memory_space<vmem>>) dst(%dma_wait3A_209 : memref<10112x128xf32, #tpu.memory_space<vmem_shared>>)
      tpu.yield
    }) : () -> ()
    %dma_wait3A_142 = arith.constant 1 : i32
    %dma_wait3A_143 = arith.constant 0 : i32
    %dma_wait3A_144 = arith.constant 0 : i32
    %dma_wait3A_145 = tpu.memref_slice %arg6[%dma_wait3A_142, %dma_wait3A_143, %dma_wait3A_144] : memref<2x1x128xi32, #tpu.memory_space<vmem>> -> memref<1x1x128xi32, #tpu.memory_space<vmem>>
    %dma_wait3A_146 = tpu.memref_squeeze %dma_wait3A_145 : memref<1x1x128xi32, #tpu.memory_space<vmem>> -> memref<1x128xi32, #tpu.memory_space<vmem>>
    %dma_wait3A_147 = arith.constant 79 : i32
    %dma_wait3A_148 = arith.constant 0 : i32
    %dma_wait3A_149 = tpu.memref_slice %arg3[%add3A, %dma_wait3A_147, %dma_wait3A_148] : memref<32x80x128xi32, #tpu.memory_space<hbm>> -> memref<1x1x128xi32, #tpu.memory_space<hbm>>
    %dma_wait3A_150 = tpu.memref_squeeze %dma_wait3A_149 : memref<1x1x128xi32, #tpu.memory_space<hbm>> -> memref<1x128xi32, #tpu.memory_space<hbm>>
    %dma_wait3A_151 = arith.constant 0 : i32
    %dma_wait3A_152 = arith.constant 0 : i32
    %dma_wait3A_153 = tpu.memref_slice %arg6[%dma_wait3A_142, %dma_wait3A_151, %dma_wait3A_152] : memref<2x1x128xi32, #tpu.memory_space<vmem>> -> memref<1x1x128xi32, #tpu.memory_space<vmem>>
    %dma_wait3A_154 = tpu.memref_squeeze %dma_wait3A_153 : memref<1x1x128xi32, #tpu.memory_space<vmem>> -> memref<1x128xi32, #tpu.memory_space<vmem>>
    %dma_wait3A_155 = arith.constant 79 : i32
    %dma_wait3A_156 = arith.constant 0 : i32
    %dma_wait3A_157 = tpu.memref_slice %arg3[%add3A, %dma_wait3A_155, %dma_wait3A_156] : memref<32x80x128xi32, #tpu.memory_space<hbm>> -> memref<1x1x128xi32, #tpu.memory_space<hbm>>
    %dma_wait3A_158 = tpu.memref_squeeze %dma_wait3A_157 : memref<1x1x128xi32, #tpu.memory_space<hbm>> -> memref<1x128xi32, #tpu.memory_space<hbm>>
    tpu.wait_dma2 semaphore(%arg14 : memref<!tpu.dma_semaphore, #tpu.memory_space<semaphore_mem>>) src(%dma_wait3A_158 : memref<1x128xi32, #tpu.memory_space<hbm>>) dst(%dma_wait3A_154 : memref<1x128xi32, #tpu.memory_space<vmem>>)
    %dma_wait3A_159 = arith.constant 1 : i32
    %dma_wait3A_160 = arith.constant 0 : i32
    %dma_wait3A_161 = arith.constant 0 : i32
    %dma_wait3A_162 = tpu.memref_slice %arg7[%dma_wait3A_159, %dma_wait3A_160, %dma_wait3A_161] : memref<2x1x128xi32, #tpu.memory_space<vmem>> -> memref<1x1x128xi32, #tpu.memory_space<vmem>>
    %dma_wait3A_163 = tpu.memref_squeeze %dma_wait3A_162 : memref<1x1x128xi32, #tpu.memory_space<vmem>> -> memref<1x128xi32, #tpu.memory_space<vmem>>
    %dma_wait3A_164 = arith.constant 79 : i32
    %dma_wait3A_165 = arith.constant 0 : i32
    %dma_wait3A_166 = tpu.memref_slice %arg4[%add3A, %dma_wait3A_164, %dma_wait3A_165] : memref<32x80x128xi32, #tpu.memory_space<hbm>> -> memref<1x1x128xi32, #tpu.memory_space<hbm>>
    %dma_wait3A_167 = tpu.memref_squeeze %dma_wait3A_166 : memref<1x1x128xi32, #tpu.memory_space<hbm>> -> memref<1x128xi32, #tpu.memory_space<hbm>>
    %dma_wait3A_168 = arith.constant 0 : i32
    %dma_wait3A_169 = arith.constant 0 : i32
    %dma_wait3A_170 = tpu.memref_slice %arg7[%dma_wait3A_159, %dma_wait3A_168, %dma_wait3A_169] : memref<2x1x128xi32, #tpu.memory_space<vmem>> -> memref<1x1x128xi32, #tpu.memory_space<vmem>>
    %dma_wait3A_171 = tpu.memref_squeeze %dma_wait3A_170 : memref<1x1x128xi32, #tpu.memory_space<vmem>> -> memref<1x128xi32, #tpu.memory_space<vmem>>
    %dma_wait3A_172 = arith.constant 79 : i32
    %dma_wait3A_173 = arith.constant 0 : i32
    %dma_wait3A_174 = tpu.memref_slice %arg4[%add3A, %dma_wait3A_172, %dma_wait3A_173] : memref<32x80x128xi32, #tpu.memory_space<hbm>> -> memref<1x1x128xi32, #tpu.memory_space<hbm>>
    %dma_wait3A_175 = tpu.memref_squeeze %dma_wait3A_174 : memref<1x1x128xi32, #tpu.memory_space<hbm>> -> memref<1x128xi32, #tpu.memory_space<hbm>>
    tpu.wait_dma2 semaphore(%arg14 : memref<!tpu.dma_semaphore, #tpu.memory_space<semaphore_mem>>) src(%dma_wait3A_175 : memref<1x128xi32, #tpu.memory_space<hbm>>) dst(%dma_wait3A_171 : memref<1x128xi32, #tpu.memory_space<vmem>>)
    %barrier3A_176 = arith.constant 0 : index
    tpu.barrier barrier_id(%barrier3A_176)
    %add3A_177 = arith.constant 0 : i32
    %add3A_178 = arith.addi %mul3A_2, %add3A_177 : i32
    "tpu.region"() ({
      %run_scoped3A_197 = tpu.sem_alloc : memref<!tpu.dma_semaphore, #tpu.memory_space<semaphore_mem>>
      %dma_start3A_198 = arith.constant 0 : i32
      %dma_start3A_199 = arith.constant 0 : i32
      %dma_start3A_200 = tpu.memref_slice %arg8[%dma_start3A_198, %dma_start3A_199] : memref<128x128xf32, #tpu.memory_space<vmem>> -> memref<128x128xf32, #tpu.memory_space<vmem>>
      %dma_start3A_201 = arith.constant 0 : i32
      %dma_start3A_202 = tpu.memref_slice %arg10[%add3A_178, %dma_start3A_201] : memref<10112x128xf32, #tpu.memory_space<vmem_shared>> -> memref<128x128xf32, #tpu.memory_space<vmem_shared>>
      %dma_start3A_203 = arith.constant 0 : i32
      %dma_start3A_204 = arith.constant 0 : i32
      %dma_start3A_205 = tpu.memref_slice %arg8[%dma_start3A_203, %dma_start3A_204] : memref<128x128xf32, #tpu.memory_space<vmem>> -> memref<128x128xf32, #tpu.memory_space<vmem>>
      %dma_start3A_206 = arith.constant 0 : i32
      %dma_start3A_207 = tpu.memref_slice %arg10[%add3A_178, %dma_start3A_206] : memref<10112x128xf32, #tpu.memory_space<vmem_shared>> -> memref<128x128xf32, #tpu.memory_space<vmem_shared>>
      tpu.enqueue_dma source(%dma_start3A_207 : memref<128x128xf32, #tpu.memory_space<vmem_shared>>) target(%dma_start3A_205 : memref<128x128xf32, #tpu.memory_space<vmem>>) target_semaphore(%run_scoped3A_197 : memref<!tpu.dma_semaphore, #tpu.memory_space<semaphore_mem>>)
      %dma_wait3A_208 = arith.constant 0 : i32
      %dma_wait3A_209 = arith.constant 0 : i32
      %dma_wait3A_210 = tpu.memref_slice %arg8[%dma_wait3A_208, %dma_wait3A_209] : memref<128x128xf32, #tpu.memory_space<vmem>> -> memref<128x128xf32, #tpu.memory_space<vmem>>
      %dma_wait3A_211 = arith.constant 0 : i32
      %dma_wait3A_212 = tpu.memref_slice %arg10[%add3A_178, %dma_wait3A_211] : memref<10112x128xf32, #tpu.memory_space<vmem_shared>> -> memref<128x128xf32, #tpu.memory_space<vmem_shared>>
      %dma_wait3A_213 = arith.constant 0 : i32
      %dma_wait3A_214 = arith.constant 0 : i32
      %dma_wait3A_215 = tpu.memref_slice %arg8[%dma_wait3A_213, %dma_wait3A_214] : memref<128x128xf32, #tpu.memory_space<vmem>> -> memref<128x128xf32, #tpu.memory_space<vmem>>
      %dma_wait3A_216 = arith.constant 0 : i32
      %dma_wait3A_217 = tpu.memref_slice %arg10[%add3A_178, %dma_wait3A_216] : memref<10112x128xf32, #tpu.memory_space<vmem_shared>> -> memref<128x128xf32, #tpu.memory_space<vmem_shared>>
      tpu.wait_dma2 semaphore(%run_scoped3A_197 : memref<!tpu.dma_semaphore, #tpu.memory_space<semaphore_mem>>) src(%dma_wait3A_217 : memref<128x128xf32, #tpu.memory_space<vmem_shared>>) dst(%dma_wait3A_215 : memref<128x128xf32, #tpu.memory_space<vmem>>)
      tpu.yield
    }) : () -> ()
    %add3A_179 = arith.constant 0 : i32
    %add3A_180 = arith.addi %mul3A_2, %add3A_179 : i32
    "tpu.region"() ({
      %run_scoped3A_197 = tpu.sem_alloc : memref<!tpu.dma_semaphore, #tpu.memory_space<semaphore_mem>>
      %dma_start3A_198 = arith.constant 0 : i32
      %dma_start3A_199 = arith.constant 0 : i32
      %dma_start3A_200 = tpu.memref_slice %arg8[%dma_start3A_198, %dma_start3A_199] : memref<128x128xf32, #tpu.memory_space<vmem>> -> memref<128x128xf32, #tpu.memory_space<vmem>>
      %dma_start3A_201 = arith.constant 0 : i32
      %dma_start3A_202 = tpu.memref_slice %arg5[%arg0, %add3A_180, %dma_start3A_201] : memref<2x10112x128xf32, #tpu.memory_space<hbm>> -> memref<1x128x128xf32, #tpu.memory_space<hbm>>
      %dma_start3A_203 = tpu.memref_squeeze %dma_start3A_202 : memref<1x128x128xf32, #tpu.memory_space<hbm>> -> memref<128x128xf32, #tpu.memory_space<hbm>>
      %dma_start3A_204 = arith.constant 0 : i32
      %dma_start3A_205 = tpu.memref_slice %arg5[%arg0, %add3A_180, %dma_start3A_204] : memref<2x10112x128xf32, #tpu.memory_space<hbm>> -> memref<1x128x128xf32, #tpu.memory_space<hbm>>
      %dma_start3A_206 = tpu.memref_squeeze %dma_start3A_205 : memref<1x128x128xf32, #tpu.memory_space<hbm>> -> memref<128x128xf32, #tpu.memory_space<hbm>>
      %dma_start3A_207 = arith.constant 0 : i32
      %dma_start3A_208 = arith.constant 0 : i32
      %dma_start3A_209 = tpu.memref_slice %arg8[%dma_start3A_207, %dma_start3A_208] : memref<128x128xf32, #tpu.memory_space<vmem>> -> memref<128x128xf32, #tpu.memory_space<vmem>>
      tpu.enqueue_dma source(%dma_start3A_209 : memref<128x128xf32, #tpu.memory_space<vmem>>) target(%dma_start3A_206 : memref<128x128xf32, #tpu.memory_space<hbm>>) target_semaphore(%run_scoped3A_197 : memref<!tpu.dma_semaphore, #tpu.memory_space<semaphore_mem>>)
      %dma_wait3A_210 = arith.constant 0 : i32
      %dma_wait3A_211 = arith.constant 0 : i32
      %dma_wait3A_212 = tpu.memref_slice %arg8[%dma_wait3A_210, %dma_wait3A_211] : memref<128x128xf32, #tpu.memory_space<vmem>> -> memref<128x128xf32, #tpu.memory_space<vmem>>
      %dma_wait3A_213 = arith.constant 0 : i32
      %dma_wait3A_214 = tpu.memref_slice %arg5[%arg0, %add3A_180, %dma_wait3A_213] : memref<2x10112x128xf32, #tpu.memory_space<hbm>> -> memref<1x128x128xf32, #tpu.memory_space<hbm>>
      %dma_wait3A_215 = tpu.memref_squeeze %dma_wait3A_214 : memref<1x128x128xf32, #tpu.memory_space<hbm>> -> memref<128x128xf32, #tpu.memory_space<hbm>>
      %dma_wait3A_216 = arith.constant 0 : i32
      %dma_wait3A_217 = tpu.memref_slice %arg5[%arg0, %add3A_180, %dma_wait3A_216] : memref<2x10112x128xf32, #tpu.memory_space<hbm>> -> memref<1x128x128xf32, #tpu.memory_space<hbm>>
      %dma_wait3A_218 = tpu.memref_squeeze %dma_wait3A_217 : memref<1x128x128xf32, #tpu.memory_space<hbm>> -> memref<128x128xf32, #tpu.memory_space<hbm>>
      %dma_wait3A_219 = arith.constant 0 : i32
      %dma_wait3A_220 = arith.constant 0 : i32
      %dma_wait3A_221 = tpu.memref_slice %arg8[%dma_wait3A_219, %dma_wait3A_220] : memref<128x128xf32, #tpu.memory_space<vmem>> -> memref<128x128xf32, #tpu.memory_space<vmem>>
      tpu.wait_dma2 semaphore(%run_scoped3A_197 : memref<!tpu.dma_semaphore, #tpu.memory_space<semaphore_mem>>) src(%dma_wait3A_221 : memref<128x128xf32, #tpu.memory_space<vmem>>) dst(%dma_wait3A_218 : memref<128x128xf32, #tpu.memory_space<hbm>>)
      tpu.yield
    }) : () -> ()
    %add3A_181 = arith.constant 128 : i32
    %add3A_182 = arith.addi %mul3A_2, %add3A_181 : i32
    "tpu.region"() ({
      %run_scoped3A_197 = tpu.sem_alloc : memref<!tpu.dma_semaphore, #tpu.memory_space<semaphore_mem>>
      %dma_start3A_198 = arith.constant 0 : i32
      %dma_start3A_199 = arith.constant 0 : i32
      %dma_start3A_200 = tpu.memref_slice %arg8[%dma_start3A_198, %dma_start3A_199] : memref<128x128xf32, #tpu.memory_space<vmem>> -> memref<128x128xf32, #tpu.memory_space<vmem>>
      %dma_start3A_201 = arith.constant 0 : i32
      %dma_start3A_202 = tpu.memref_slice %arg10[%add3A_182, %dma_start3A_201] : memref<10112x128xf32, #tpu.memory_space<vmem_shared>> -> memref<128x128xf32, #tpu.memory_space<vmem_shared>>
      %dma_start3A_203 = arith.constant 0 : i32
      %dma_start3A_204 = arith.constant 0 : i32
      %dma_start3A_205 = tpu.memref_slice %arg8[%dma_start3A_203, %dma_start3A_204] : memref<128x128xf32, #tpu.memory_space<vmem>> -> memref<128x128xf32, #tpu.memory_space<vmem>>
      %dma_start3A_206 = arith.constant 0 : i32
      %dma_start3A_207 = tpu.memref_slice %arg10[%add3A_182, %dma_start3A_206] : memref<10112x128xf32, #tpu.memory_space<vmem_shared>> -> memref<128x128xf32, #tpu.memory_space<vmem_shared>>
      tpu.enqueue_dma source(%dma_start3A_207 : memref<128x128xf32, #tpu.memory_space<vmem_shared>>) target(%dma_start3A_205 : memref<128x128xf32, #tpu.memory_space<vmem>>) target_semaphore(%run_scoped3A_197 : memref<!tpu.dma_semaphore, #tpu.memory_space<semaphore_mem>>)
      %dma_wait3A_208 = arith.constant 0 : i32
      %dma_wait3A_209 = arith.constant 0 : i32
      %dma_wait3A_210 = tpu.memref_slice %arg8[%dma_wait3A_208, %dma_wait3A_209] : memref<128x128xf32, #tpu.memory_space<vmem>> -> memref<128x128xf32, #tpu.memory_space<vmem>>
      %dma_wait3A_211 = arith.constant 0 : i32
      %dma_wait3A_212 = tpu.memref_slice %arg10[%add3A_182, %dma_wait3A_211] : memref<10112x128xf32, #tpu.memory_space<vmem_shared>> -> memref<128x128xf32, #tpu.memory_space<vmem_shared>>
      %dma_wait3A_213 = arith.constant 0 : i32
      %dma_wait3A_214 = arith.constant 0 : i32
      %dma_wait3A_215 = tpu.memref_slice %arg8[%dma_wait3A_213, %dma_wait3A_214] : memref<128x128xf32, #tpu.memory_space<vmem>> -> memref<128x128xf32, #tpu.memory_space<vmem>>
      %dma_wait3A_216 = arith.constant 0 : i32
      %dma_wait3A_217 = tpu.memref_slice %arg10[%add3A_182, %dma_wait3A_216] : memref<10112x128xf32, #tpu.memory_space<vmem_shared>> -> memref<128x128xf32, #tpu.memory_space<vmem_shared>>
      tpu.wait_dma2 semaphore(%run_scoped3A_197 : memref<!tpu.dma_semaphore, #tpu.memory_space<semaphore_mem>>) src(%dma_wait3A_217 : memref<128x128xf32, #tpu.memory_space<vmem_shared>>) dst(%dma_wait3A_215 : memref<128x128xf32, #tpu.memory_space<vmem>>)
      tpu.yield
    }) : () -> ()
    %add3A_183 = arith.constant 128 : i32
    %add3A_184 = arith.addi %mul3A_2, %add3A_183 : i32
    "tpu.region"() ({
      %run_scoped3A_197 = tpu.sem_alloc : memref<!tpu.dma_semaphore, #tpu.memory_space<semaphore_mem>>
      %dma_start3A_198 = arith.constant 0 : i32
      %dma_start3A_199 = arith.constant 0 : i32
      %dma_start3A_200 = tpu.memref_slice %arg8[%dma_start3A_198, %dma_start3A_199] : memref<128x128xf32, #tpu.memory_space<vmem>> -> memref<128x128xf32, #tpu.memory_space<vmem>>
      %dma_start3A_201 = arith.constant 0 : i32
      %dma_start3A_202 = tpu.memref_slice %arg5[%arg0, %add3A_184, %dma_start3A_201] : memref<2x10112x128xf32, #tpu.memory_space<hbm>> -> memref<1x128x128xf32, #tpu.memory_space<hbm>>
      %dma_start3A_203 = tpu.memref_squeeze %dma_start3A_202 : memref<1x128x128xf32, #tpu.memory_space<hbm>> -> memref<128x128xf32, #tpu.memory_space<hbm>>
      %dma_start3A_204 = arith.constant 0 : i32
      %dma_start3A_205 = tpu.memref_slice %arg5[%arg0, %add3A_184, %dma_start3A_204] : memref<2x10112x128xf32, #tpu.memory_space<hbm>> -> memref<1x128x128xf32, #tpu.memory_space<hbm>>
      %dma_start3A_206 = tpu.memref_squeeze %dma_start3A_205 : memref<1x128x128xf32, #tpu.memory_space<hbm>> -> memref<128x128xf32, #tpu.memory_space<hbm>>
      %dma_start3A_207 = arith.constant 0 : i32
      %dma_start3A_208 = arith.constant 0 : i32
      %dma_start3A_209 = tpu.memref_slice %arg8[%dma_start3A_207, %dma_start3A_208] : memref<128x128xf32, #tpu.memory_space<vmem>> -> memref<128x128xf32, #tpu.memory_space<vmem>>
      tpu.enqueue_dma source(%dma_start3A_209 : memref<128x128xf32, #tpu.memory_space<vmem>>) target(%dma_start3A_206 : memref<128x128xf32, #tpu.memory_space<hbm>>) target_semaphore(%run_scoped3A_197 : memref<!tpu.dma_semaphore, #tpu.memory_space<semaphore_mem>>)
      %dma_wait3A_210 = arith.constant 0 : i32
      %dma_wait3A_211 = arith.constant 0 : i32
      %dma_wait3A_212 = tpu.memref_slice %arg8[%dma_wait3A_210, %dma_wait3A_211] : memref<128x128xf32, #tpu.memory_space<vmem>> -> memref<128x128xf32, #tpu.memory_space<vmem>>
      %dma_wait3A_213 = arith.constant 0 : i32
      %dma_wait3A_214 = tpu.memref_slice %arg5[%arg0, %add3A_184, %dma_wait3A_213] : memref<2x10112x128xf32, #tpu.memory_space<hbm>> -> memref<1x128x128xf32, #tpu.memory_space<hbm>>
      %dma_wait3A_215 = tpu.memref_squeeze %dma_wait3A_214 : memref<1x128x128xf32, #tpu.memory_space<hbm>> -> memref<128x128xf32, #tpu.memory_space<hbm>>
      %dma_wait3A_216 = arith.constant 0 : i32
      %dma_wait3A_217 = tpu.memref_slice %arg5[%arg0, %add3A_184, %dma_wait3A_216] : memref<2x10112x128xf32, #tpu.memory_space<hbm>> -> memref<1x128x128xf32, #tpu.memory_space<hbm>>
      %dma_wait3A_218 = tpu.memref_squeeze %dma_wait3A_217 : memref<1x128x128xf32, #tpu.memory_space<hbm>> -> memref<128x128xf32, #tpu.memory_space<hbm>>
      %dma_wait3A_219 = arith.constant 0 : i32
      %dma_wait3A_220 = arith.constant 0 : i32
      %dma_wait3A_221 = tpu.memref_slice %arg8[%dma_wait3A_219, %dma_wait3A_220] : memref<128x128xf32, #tpu.memory_space<vmem>> -> memref<128x128xf32, #tpu.memory_space<vmem>>
      tpu.wait_dma2 semaphore(%run_scoped3A_197 : memref<!tpu.dma_semaphore, #tpu.memory_space<semaphore_mem>>) src(%dma_wait3A_221 : memref<128x128xf32, #tpu.memory_space<vmem>>) dst(%dma_wait3A_218 : memref<128x128xf32, #tpu.memory_space<hbm>>)
      tpu.yield
    }) : () -> ()
    %add3A_185 = arith.constant 256 : i32
    %add3A_186 = arith.addi %mul3A_2, %add3A_185 : i32
    "tpu.region"() ({
      %run_scoped3A_197 = tpu.sem_alloc : memref<!tpu.dma_semaphore, #tpu.memory_space<semaphore_mem>>
      %dma_start3A_198 = arith.constant 0 : i32
      %dma_start3A_199 = arith.constant 0 : i32
      %dma_start3A_200 = tpu.memref_slice %arg8[%dma_start3A_198, %dma_start3A_199] : memref<128x128xf32, #tpu.memory_space<vmem>> -> memref<128x128xf32, #tpu.memory_space<vmem>>
      %dma_start3A_201 = arith.constant 0 : i32
      %dma_start3A_202 = tpu.memref_slice %arg10[%add3A_186, %dma_start3A_201] : memref<10112x128xf32, #tpu.memory_space<vmem_shared>> -> memref<128x128xf32, #tpu.memory_space<vmem_shared>>
      %dma_start3A_203 = arith.constant 0 : i32
      %dma_start3A_204 = arith.constant 0 : i32
      %dma_start3A_205 = tpu.memref_slice %arg8[%dma_start3A_203, %dma_start3A_204] : memref<128x128xf32, #tpu.memory_space<vmem>> -> memref<128x128xf32, #tpu.memory_space<vmem>>
      %dma_start3A_206 = arith.constant 0 : i32
      %dma_start3A_207 = tpu.memref_slice %arg10[%add3A_186, %dma_start3A_206] : memref<10112x128xf32, #tpu.memory_space<vmem_shared>> -> memref<128x128xf32, #tpu.memory_space<vmem_shared>>
      tpu.enqueue_dma source(%dma_start3A_207 : memref<128x128xf32, #tpu.memory_space<vmem_shared>>) target(%dma_start3A_205 : memref<128x128xf32, #tpu.memory_space<vmem>>) target_semaphore(%run_scoped3A_197 : memref<!tpu.dma_semaphore, #tpu.memory_space<semaphore_mem>>)
      %dma_wait3A_208 = arith.constant 0 : i32
      %dma_wait3A_209 = arith.constant 0 : i32
      %dma_wait3A_210 = tpu.memref_slice %arg8[%dma_wait3A_208, %dma_wait3A_209] : memref<128x128xf32, #tpu.memory_space<vmem>> -> memref<128x128xf32, #tpu.memory_space<vmem>>
      %dma_wait3A_211 = arith.constant 0 : i32
      %dma_wait3A_212 = tpu.memref_slice %arg10[%add3A_186, %dma_wait3A_211] : memref<10112x128xf32, #tpu.memory_space<vmem_shared>> -> memref<128x128xf32, #tpu.memory_space<vmem_shared>>
      %dma_wait3A_213 = arith.constant 0 : i32
      %dma_wait3A_214 = arith.constant 0 : i32
      %dma_wait3A_215 = tpu.memref_slice %arg8[%dma_wait3A_213, %dma_wait3A_214] : memref<128x128xf32, #tpu.memory_space<vmem>> -> memref<128x128xf32, #tpu.memory_space<vmem>>
      %dma_wait3A_216 = arith.constant 0 : i32
      %dma_wait3A_217 = tpu.memref_slice %arg10[%add3A_186, %dma_wait3A_216] : memref<10112x128xf32, #tpu.memory_space<vmem_shared>> -> memref<128x128xf32, #tpu.memory_space<vmem_shared>>
      tpu.wait_dma2 semaphore(%run_scoped3A_197 : memref<!tpu.dma_semaphore, #tpu.memory_space<semaphore_mem>>) src(%dma_wait3A_217 : memref<128x128xf32, #tpu.memory_space<vmem_shared>>) dst(%dma_wait3A_215 : memref<128x128xf32, #tpu.memory_space<vmem>>)
      tpu.yield
    }) : () -> ()
    %add3A_187 = arith.constant 256 : i32
    %add3A_188 = arith.addi %mul3A_2, %add3A_187 : i32
    "tpu.region"() ({
      %run_scoped3A_197 = tpu.sem_alloc : memref<!tpu.dma_semaphore, #tpu.memory_space<semaphore_mem>>
      %dma_start3A_198 = arith.constant 0 : i32
      %dma_start3A_199 = arith.constant 0 : i32
      %dma_start3A_200 = tpu.memref_slice %arg8[%dma_start3A_198, %dma_start3A_199] : memref<128x128xf32, #tpu.memory_space<vmem>> -> memref<128x128xf32, #tpu.memory_space<vmem>>
      %dma_start3A_201 = arith.constant 0 : i32
      %dma_start3A_202 = tpu.memref_slice %arg5[%arg0, %add3A_188, %dma_start3A_201] : memref<2x10112x128xf32, #tpu.memory_space<hbm>> -> memref<1x128x128xf32, #tpu.memory_space<hbm>>
      %dma_start3A_203 = tpu.memref_squeeze %dma_start3A_202 : memref<1x128x128xf32, #tpu.memory_space<hbm>> -> memref<128x128xf32, #tpu.memory_space<hbm>>
      %dma_start3A_204 = arith.constant 0 : i32
      %dma_start3A_205 = tpu.memref_slice %arg5[%arg0, %add3A_188, %dma_start3A_204] : memref<2x10112x128xf32, #tpu.memory_space<hbm>> -> memref<1x128x128xf32, #tpu.memory_space<hbm>>
      %dma_start3A_206 = tpu.memref_squeeze %dma_start3A_205 : memref<1x128x128xf32, #tpu.memory_space<hbm>> -> memref<128x128xf32, #tpu.memory_space<hbm>>
      %dma_start3A_207 = arith.constant 0 : i32
      %dma_start3A_208 = arith.constant 0 : i32
      %dma_start3A_209 = tpu.memref_slice %arg8[%dma_start3A_207, %dma_start3A_208] : memref<128x128xf32, #tpu.memory_space<vmem>> -> memref<128x128xf32, #tpu.memory_space<vmem>>
      tpu.enqueue_dma source(%dma_start3A_209 : memref<128x128xf32, #tpu.memory_space<vmem>>) target(%dma_start3A_206 : memref<128x128xf32, #tpu.memory_space<hbm>>) target_semaphore(%run_scoped3A_197 : memref<!tpu.dma_semaphore, #tpu.memory_space<semaphore_mem>>)
      %dma_wait3A_210 = arith.constant 0 : i32
      %dma_wait3A_211 = arith.constant 0 : i32
      %dma_wait3A_212 = tpu.memref_slice %arg8[%dma_wait3A_210, %dma_wait3A_211] : memref<128x128xf32, #tpu.memory_space<vmem>> -> memref<128x128xf32, #tpu.memory_space<vmem>>
      %dma_wait3A_213 = arith.constant 0 : i32
      %dma_wait3A_214 = tpu.memref_slice %arg5[%arg0, %add3A_188, %dma_wait3A_213] : memref<2x10112x128xf32, #tpu.memory_space<hbm>> -> memref<1x128x128xf32, #tpu.memory_space<hbm>>
      %dma_wait3A_215 = tpu.memref_squeeze %dma_wait3A_214 : memref<1x128x128xf32, #tpu.memory_space<hbm>> -> memref<128x128xf32, #tpu.memory_space<hbm>>
      %dma_wait3A_216 = arith.constant 0 : i32
      %dma_wait3A_217 = tpu.memref_slice %arg5[%arg0, %add3A_188, %dma_wait3A_216] : memref<2x10112x128xf32, #tpu.memory_space<hbm>> -> memref<1x128x128xf32, #tpu.memory_space<hbm>>
      %dma_wait3A_218 = tpu.memref_squeeze %dma_wait3A_217 : memref<1x128x128xf32, #tpu.memory_space<hbm>> -> memref<128x128xf32, #tpu.memory_space<hbm>>
      %dma_wait3A_219 = arith.constant 0 : i32
      %dma_wait3A_220 = arith.constant 0 : i32
      %dma_wait3A_221 = tpu.memref_slice %arg8[%dma_wait3A_219, %dma_wait3A_220] : memref<128x128xf32, #tpu.memory_space<vmem>> -> memref<128x128xf32, #tpu.memory_space<vmem>>
      tpu.wait_dma2 semaphore(%run_scoped3A_197 : memref<!tpu.dma_semaphore, #tpu.memory_space<semaphore_mem>>) src(%dma_wait3A_221 : memref<128x128xf32, #tpu.memory_space<vmem>>) dst(%dma_wait3A_218 : memref<128x128xf32, #tpu.memory_space<hbm>>)
      tpu.yield
    }) : () -> ()
    %add3A_189 = arith.constant 384 : i32
    %add3A_190 = arith.addi %mul3A_2, %add3A_189 : i32
    "tpu.region"() ({
      %run_scoped3A_197 = tpu.sem_alloc : memref<!tpu.dma_semaphore, #tpu.memory_space<semaphore_mem>>
      %dma_start3A_198 = arith.constant 0 : i32
      %dma_start3A_199 = arith.constant 0 : i32
      %dma_start3A_200 = tpu.memref_slice %arg8[%dma_start3A_198, %dma_start3A_199] : memref<128x128xf32, #tpu.memory_space<vmem>> -> memref<128x128xf32, #tpu.memory_space<vmem>>
      %dma_start3A_201 = arith.constant 0 : i32
      %dma_start3A_202 = tpu.memref_slice %arg10[%add3A_190, %dma_start3A_201] : memref<10112x128xf32, #tpu.memory_space<vmem_shared>> -> memref<128x128xf32, #tpu.memory_space<vmem_shared>>
      %dma_start3A_203 = arith.constant 0 : i32
      %dma_start3A_204 = arith.constant 0 : i32
      %dma_start3A_205 = tpu.memref_slice %arg8[%dma_start3A_203, %dma_start3A_204] : memref<128x128xf32, #tpu.memory_space<vmem>> -> memref<128x128xf32, #tpu.memory_space<vmem>>
      %dma_start3A_206 = arith.constant 0 : i32
      %dma_start3A_207 = tpu.memref_slice %arg10[%add3A_190, %dma_start3A_206] : memref<10112x128xf32, #tpu.memory_space<vmem_shared>> -> memref<128x128xf32, #tpu.memory_space<vmem_shared>>
      tpu.enqueue_dma source(%dma_start3A_207 : memref<128x128xf32, #tpu.memory_space<vmem_shared>>) target(%dma_start3A_205 : memref<128x128xf32, #tpu.memory_space<vmem>>) target_semaphore(%run_scoped3A_197 : memref<!tpu.dma_semaphore, #tpu.memory_space<semaphore_mem>>)
      %dma_wait3A_208 = arith.constant 0 : i32
      %dma_wait3A_209 = arith.constant 0 : i32
      %dma_wait3A_210 = tpu.memref_slice %arg8[%dma_wait3A_208, %dma_wait3A_209] : memref<128x128xf32, #tpu.memory_space<vmem>> -> memref<128x128xf32, #tpu.memory_space<vmem>>
      %dma_wait3A_211 = arith.constant 0 : i32
      %dma_wait3A_212 = tpu.memref_slice %arg10[%add3A_190, %dma_wait3A_211] : memref<10112x128xf32, #tpu.memory_space<vmem_shared>> -> memref<128x128xf32, #tpu.memory_space<vmem_shared>>
      %dma_wait3A_213 = arith.constant 0 : i32
      %dma_wait3A_214 = arith.constant 0 : i32
      %dma_wait3A_215 = tpu.memref_slice %arg8[%dma_wait3A_213, %dma_wait3A_214] : memref<128x128xf32, #tpu.memory_space<vmem>> -> memref<128x128xf32, #tpu.memory_space<vmem>>
      %dma_wait3A_216 = arith.constant 0 : i32
      %dma_wait3A_217 = tpu.memref_slice %arg10[%add3A_190, %dma_wait3A_216] : memref<10112x128xf32, #tpu.memory_space<vmem_shared>> -> memref<128x128xf32, #tpu.memory_space<vmem_shared>>
      tpu.wait_dma2 semaphore(%run_scoped3A_197 : memref<!tpu.dma_semaphore, #tpu.memory_space<semaphore_mem>>) src(%dma_wait3A_217 : memref<128x128xf32, #tpu.memory_space<vmem_shared>>) dst(%dma_wait3A_215 : memref<128x128xf32, #tpu.memory_space<vmem>>)
      tpu.yield
    }) : () -> ()
    %add3A_191 = arith.constant 384 : i32
    %add3A_192 = arith.addi %mul3A_2, %add3A_191 : i32
    "tpu.region"() ({
      %run_scoped3A_197 = tpu.sem_alloc : memref<!tpu.dma_semaphore, #tpu.memory_space<semaphore_mem>>
      %dma_start3A_198 = arith.constant 0 : i32
      %dma_start3A_199 = arith.constant 0 : i32
      %dma_start3A_200 = tpu.memref_slice %arg8[%dma_start3A_198, %dma_start3A_199] : memref<128x128xf32, #tpu.memory_space<vmem>> -> memref<128x128xf32, #tpu.memory_space<vmem>>
      %dma_start3A_201 = arith.constant 0 : i32
      %dma_start3A_202 = tpu.memref_slice %arg5[%arg0, %add3A_192, %dma_start3A_201] : memref<2x10112x128xf32, #tpu.memory_space<hbm>> -> memref<1x128x128xf32, #tpu.memory_space<hbm>>
      %dma_start3A_203 = tpu.memref_squeeze %dma_start3A_202 : memref<1x128x128xf32, #tpu.memory_space<hbm>> -> memref<128x128xf32, #tpu.memory_space<hbm>>
      %dma_start3A_204 = arith.constant 0 : i32
      %dma_start3A_205 = tpu.memref_slice %arg5[%arg0, %add3A_192, %dma_start3A_204] : memref<2x10112x128xf32, #tpu.memory_space<hbm>> -> memref<1x128x128xf32, #tpu.memory_space<hbm>>
      %dma_start3A_206 = tpu.memref_squeeze %dma_start3A_205 : memref<1x128x128xf32, #tpu.memory_space<hbm>> -> memref<128x128xf32, #tpu.memory_space<hbm>>
      %dma_start3A_207 = arith.constant 0 : i32
      %dma_start3A_208 = arith.constant 0 : i32
      %dma_start3A_209 = tpu.memref_slice %arg8[%dma_start3A_207, %dma_start3A_208] : memref<128x128xf32, #tpu.memory_space<vmem>> -> memref<128x128xf32, #tpu.memory_space<vmem>>
      tpu.enqueue_dma source(%dma_start3A_209 : memref<128x128xf32, #tpu.memory_space<vmem>>) target(%dma_start3A_206 : memref<128x128xf32, #tpu.memory_space<hbm>>) target_semaphore(%run_scoped3A_197 : memref<!tpu.dma_semaphore, #tpu.memory_space<semaphore_mem>>)
      %dma_wait3A_210 = arith.constant 0 : i32
      %dma_wait3A_211 = arith.constant 0 : i32
      %dma_wait3A_212 = tpu.memref_slice %arg8[%dma_wait3A_210, %dma_wait3A_211] : memref<128x128xf32, #tpu.memory_space<vmem>> -> memref<128x128xf32, #tpu.memory_space<vmem>>
      %dma_wait3A_213 = arith.constant 0 : i32
      %dma_wait3A_214 = tpu.memref_slice %arg5[%arg0, %add3A_192, %dma_wait3A_213] : memref<2x10112x128xf32, #tpu.memory_space<hbm>> -> memref<1x128x128xf32, #tpu.memory_space<hbm>>
      %dma_wait3A_215 = tpu.memref_squeeze %dma_wait3A_214 : memref<1x128x128xf32, #tpu.memory_space<hbm>> -> memref<128x128xf32, #tpu.memory_space<hbm>>
      %dma_wait3A_216 = arith.constant 0 : i32
      %dma_wait3A_217 = tpu.memref_slice %arg5[%arg0, %add3A_192, %dma_wait3A_216] : memref<2x10112x128xf32, #tpu.memory_space<hbm>> -> memref<1x128x128xf32, #tpu.memory_space<hbm>>
      %dma_wait3A_218 = tpu.memref_squeeze %dma_wait3A_217 : memref<1x128x128xf32, #tpu.memory_space<hbm>> -> memref<128x128xf32, #tpu.memory_space<hbm>>
      %dma_wait3A_219 = arith.constant 0 : i32
      %dma_wait3A_220 = arith.constant 0 : i32
      %dma_wait3A_221 = tpu.memref_slice %arg8[%dma_wait3A_219, %dma_wait3A_220] : memref<128x128xf32, #tpu.memory_space<vmem>> -> memref<128x128xf32, #tpu.memory_space<vmem>>
      tpu.wait_dma2 semaphore(%run_scoped3A_197 : memref<!tpu.dma_semaphore, #tpu.memory_space<semaphore_mem>>) src(%dma_wait3A_221 : memref<128x128xf32, #tpu.memory_space<vmem>>) dst(%dma_wait3A_218 : memref<128x128xf32, #tpu.memory_space<hbm>>)
      tpu.yield
    }) : () -> ()
    %add3A_193 = arith.constant 512 : i32
    %add3A_194 = arith.addi %mul3A_2, %add3A_193 : i32
    "tpu.region"() ({
      %run_scoped3A_197 = tpu.sem_alloc : memref<!tpu.dma_semaphore, #tpu.memory_space<semaphore_mem>>
      %dma_start3A_198 = arith.constant 0 : i32
      %dma_start3A_199 = arith.constant 0 : i32
      %dma_start3A_200 = tpu.memref_slice %arg8[%dma_start3A_198, %dma_start3A_199] : memref<128x128xf32, #tpu.memory_space<vmem>> -> memref<120x128xf32, #tpu.memory_space<vmem>>
      %dma_start3A_201 = arith.constant 0 : i32
      %dma_start3A_202 = tpu.memref_slice %arg10[%add3A_194, %dma_start3A_201] : memref<10112x128xf32, #tpu.memory_space<vmem_shared>> -> memref<120x128xf32, #tpu.memory_space<vmem_shared>>
      %dma_start3A_203 = arith.constant 0 : i32
      %dma_start3A_204 = arith.constant 0 : i32
      %dma_start3A_205 = tpu.memref_slice %arg8[%dma_start3A_203, %dma_start3A_204] : memref<128x128xf32, #tpu.memory_space<vmem>> -> memref<120x128xf32, #tpu.memory_space<vmem>>
      %dma_start3A_206 = arith.constant 0 : i32
      %dma_start3A_207 = tpu.memref_slice %arg10[%add3A_194, %dma_start3A_206] : memref<10112x128xf32, #tpu.memory_space<vmem_shared>> -> memref<120x128xf32, #tpu.memory_space<vmem_shared>>
      tpu.enqueue_dma source(%dma_start3A_207 : memref<120x128xf32, #tpu.memory_space<vmem_shared>>) target(%dma_start3A_205 : memref<120x128xf32, #tpu.memory_space<vmem>>) target_semaphore(%run_scoped3A_197 : memref<!tpu.dma_semaphore, #tpu.memory_space<semaphore_mem>>)
      %dma_wait3A_208 = arith.constant 0 : i32
      %dma_wait3A_209 = arith.constant 0 : i32
      %dma_wait3A_210 = tpu.memref_slice %arg8[%dma_wait3A_208, %dma_wait3A_209] : memref<128x128xf32, #tpu.memory_space<vmem>> -> memref<120x128xf32, #tpu.memory_space<vmem>>
      %dma_wait3A_211 = arith.constant 0 : i32
      %dma_wait3A_212 = tpu.memref_slice %arg10[%add3A_194, %dma_wait3A_211] : memref<10112x128xf32, #tpu.memory_space<vmem_shared>> -> memref<120x128xf32, #tpu.memory_space<vmem_shared>>
      %dma_wait3A_213 = arith.constant 0 : i32
      %dma_wait3A_214 = arith.constant 0 : i32
      %dma_wait3A_215 = tpu.memref_slice %arg8[%dma_wait3A_213, %dma_wait3A_214] : memref<128x128xf32, #tpu.memory_space<vmem>> -> memref<120x128xf32, #tpu.memory_space<vmem>>
      %dma_wait3A_216 = arith.constant 0 : i32
      %dma_wait3A_217 = tpu.memref_slice %arg10[%add3A_194, %dma_wait3A_216] : memref<10112x128xf32, #tpu.memory_space<vmem_shared>> -> memref<120x128xf32, #tpu.memory_space<vmem_shared>>
      tpu.wait_dma2 semaphore(%run_scoped3A_197 : memref<!tpu.dma_semaphore, #tpu.memory_space<semaphore_mem>>) src(%dma_wait3A_217 : memref<120x128xf32, #tpu.memory_space<vmem_shared>>) dst(%dma_wait3A_215 : memref<120x128xf32, #tpu.memory_space<vmem>>)
      tpu.yield
    }) : () -> ()
    %add3A_195 = arith.constant 512 : i32
    %add3A_196 = arith.addi %mul3A_2, %add3A_195 : i32
    "tpu.region"() ({
      %run_scoped3A_197 = tpu.sem_alloc : memref<!tpu.dma_semaphore, #tpu.memory_space<semaphore_mem>>
      %dma_start3A_198 = arith.constant 0 : i32
      %dma_start3A_199 = arith.constant 0 : i32
      %dma_start3A_200 = tpu.memref_slice %arg8[%dma_start3A_198, %dma_start3A_199] : memref<128x128xf32, #tpu.memory_space<vmem>> -> memref<120x128xf32, #tpu.memory_space<vmem>>
      %dma_start3A_201 = arith.constant 0 : i32
      %dma_start3A_202 = tpu.memref_slice %arg5[%arg0, %add3A_196, %dma_start3A_201] : memref<2x10112x128xf32, #tpu.memory_space<hbm>> -> memref<1x120x128xf32, #tpu.memory_space<hbm>>
      %dma_start3A_203 = tpu.memref_squeeze %dma_start3A_202 : memref<1x120x128xf32, #tpu.memory_space<hbm>> -> memref<120x128xf32, #tpu.memory_space<hbm>>
      %dma_start3A_204 = arith.constant 0 : i32
      %dma_start3A_205 = tpu.memref_slice %arg5[%arg0, %add3A_196, %dma_start3A_204] : memref<2x10112x128xf32, #tpu.memory_space<hbm>> -> memref<1x120x128xf32, #tpu.memory_space<hbm>>
      %dma_start3A_206 = tpu.memref_squeeze %dma_start3A_205 : memref<1x120x128xf32, #tpu.memory_space<hbm>> -> memref<120x128xf32, #tpu.memory_space<hbm>>
      %dma_start3A_207 = arith.constant 0 : i32
      %dma_start3A_208 = arith.constant 0 : i32
      %dma_start3A_209 = tpu.memref_slice %arg8[%dma_start3A_207, %dma_start3A_208] : memref<128x128xf32, #tpu.memory_space<vmem>> -> memref<120x128xf32, #tpu.memory_space<vmem>>
      tpu.enqueue_dma source(%dma_start3A_209 : memref<120x128xf32, #tpu.memory_space<vmem>>) target(%dma_start3A_206 : memref<120x128xf32, #tpu.memory_space<hbm>>) target_semaphore(%run_scoped3A_197 : memref<!tpu.dma_semaphore, #tpu.memory_space<semaphore_mem>>)
      %dma_wait3A_210 = arith.constant 0 : i32
      %dma_wait3A_211 = arith.constant 0 : i32
      %dma_wait3A_212 = tpu.memref_slice %arg8[%dma_wait3A_210, %dma_wait3A_211] : memref<128x128xf32, #tpu.memory_space<vmem>> -> memref<120x128xf32, #tpu.memory_space<vmem>>
      %dma_wait3A_213 = arith.constant 0 : i32
      %dma_wait3A_214 = tpu.memref_slice %arg5[%arg0, %add3A_196, %dma_wait3A_213] : memref<2x10112x128xf32, #tpu.memory_space<hbm>> -> memref<1x120x128xf32, #tpu.memory_space<hbm>>
      %dma_wait3A_215 = tpu.memref_squeeze %dma_wait3A_214 : memref<1x120x128xf32, #tpu.memory_space<hbm>> -> memref<120x128xf32, #tpu.memory_space<hbm>>
      %dma_wait3A_216 = arith.constant 0 : i32
      %dma_wait3A_217 = tpu.memref_slice %arg5[%arg0, %add3A_196, %dma_wait3A_216] : memref<2x10112x128xf32, #tpu.memory_space<hbm>> -> memref<1x120x128xf32, #tpu.memory_space<hbm>>
      %dma_wait3A_218 = tpu.memref_squeeze %dma_wait3A_217 : memref<1x120x128xf32, #tpu.memory_space<hbm>> -> memref<120x128xf32, #tpu.memory_space<hbm>>
      %dma_wait3A_219 = arith.constant 0 : i32
      %dma_wait3A_220 = arith.constant 0 : i32
      %dma_wait3A_221 = tpu.memref_slice %arg8[%dma_wait3A_219, %dma_wait3A_220] : memref<128x128xf32, #tpu.memory_space<vmem>> -> memref<120x128xf32, #tpu.memory_space<vmem>>
      tpu.wait_dma2 semaphore(%run_scoped3A_197 : memref<!tpu.dma_semaphore, #tpu.memory_space<semaphore_mem>>) src(%dma_wait3A_221 : memref<120x128xf32, #tpu.memory_space<vmem>>) dst(%dma_wait3A_218 : memref<120x128xf32, #tpu.memory_space<hbm>>)
      tpu.yield
    }) : () -> ()
    return
  }
}

#map = affine_map<(d0, d1) -> (0, 0)>
#map1 = affine_map<(d0, d1) -> (0, 0, 0)>
module attributes {stable_mosaic.version = 14 : i64} {
  func.func @body(%arg0: i32, %arg1: i32, %arg2: memref<10112x128xf32, #tpu.memory_space<hbm>>, %arg3: memref<32x80x128xi32, #tpu.memory_space<hbm>>, %arg4: memref<32x80x128xi32, #tpu.memory_space<hbm>>, %arg5: memref<2x10112x128xf32, #tpu.memory_space<hbm>>, %arg6: memref<2x1x128xi32, #tpu.memory_space<vmem>>, %arg7: memref<2x1x128xi32, #tpu.memory_space<vmem>>, %arg8: memref<128x128xf32, #tpu.memory_space<vmem>>, %arg9: memref<128x128xf32, #tpu.memory_space<vmem>>, %arg10: memref<10112x128xf32, #tpu.memory_space<vmem_shared>>, %arg11: memref<!tpu.dma_semaphore, #tpu.memory_space<semaphore_mem>>, %arg12: memref<!tpu.dma_semaphore, #tpu.memory_space<semaphore_mem>>, %arg13: memref<!tpu.dma_semaphore, #tpu.memory_space<semaphore_mem>>, %arg14: memref<!tpu.dma_semaphore, #tpu.memory_space<semaphore_mem>>) attributes {dimension_semantics = [#tpu.dimension_semantics<core_parallel>, #tpu.dimension_semantics<subcore_parallel>], iteration_bounds = array<i64: 2, 16>, scalar_prefetch = 0 : i64, scratch_operands = 9 : i64, tpu.core_type = #tpu.core_type<sc_vector_subcore>, window_params = [{transform_indices = #map}, {transform_indices = #map1}, {transform_indices = #map1}, {transform_indices = #map1}]} {
    %mul3A = arith.constant 16 : i32
    %mul3A_0 = arith.muli %arg0, %mul3A : i32
    %add3A = arith.addi %mul3A_0, %arg1 : i32
    %mul3A_1 = arith.constant 632 : i32
    %mul3A_2 = arith.muli %arg1, %mul3A_1 : i32
    %broadcast_in_dim3A = arith.constant 0.000000e+00 : f32
    %broadcast_in_dim3A_3 = vector.broadcast %broadcast_in_dim3A : f32 to vector<16xf32>
    %scan3A = arith.constant 0 : i32
    %scan3A_4 = arith.constant 0 : i32
    %scan3A_5 = arith.constant 1024 : i32
    %scan3A_6 = arith.addi %scan3A_4, %scan3A_5 : i32
    %scan3A_7 = arith.constant 1 : i32
    scf.for %scan3A_197 = %scan3A_4 to %scan3A_6 step %scan3A_7  : i32 {
      %jit3A = arith.constant 8 : i32
      %div3A = arith.divsi %scan3A_197, %jit3A : i32
      %sign3A = arith.constant 0 : i32
      %sign3A_198 = arith.cmpi sgt, %scan3A_197, %sign3A : i32
      %sign3A_199 = arith.extui %sign3A_198 : i1 to i32
      %sign3A_200 = arith.constant 0 : i32
      %sign3A_201 = arith.cmpi slt, %scan3A_197, %sign3A_200 : i32
      %sign3A_202 = arith.extui %sign3A_201 : i1 to i32
      %sign3A_203 = arith.subi %sign3A_199, %sign3A_202 : i32
      %sign3A_204 = arith.constant 0 : i32
      %sign3A_205 = arith.cmpi sgt, %jit3A, %sign3A_204 : i32
      %sign3A_206 = arith.extui %sign3A_205 : i1 to i32
      %sign3A_207 = arith.constant 0 : i32
      %sign3A_208 = arith.cmpi slt, %jit3A, %sign3A_207 : i32
      %sign3A_209 = arith.extui %sign3A_208 : i1 to i32
      %sign3A_210 = arith.subi %sign3A_206, %sign3A_209 : i32
      %ne3A = arith.cmpi ne, %sign3A_203, %sign3A_210 : i32
      %rem3A = arith.remsi %scan3A_197, %jit3A : i32
      %ne3A_211 = arith.constant 0 : i32
      %ne3A_212 = arith.cmpi ne, %rem3A, %ne3A_211 : i32
      %and3A = arith.andi %ne3A, %ne3A_212 : i1
      %sub3A = arith.constant 1 : i32
      %sub3A_213 = arith.subi %div3A, %sub3A : i32
      %select_n3A = arith.select %and3A, %sub3A_213, %div3A : i32
      %jit3A_214 = arith.constant 8 : i32
      %eq3A = arith.constant 0 : i32
      %eq3A_215 = arith.cmpi eq, %jit3A_214, %eq3A : i32
      %jit3A_216 = arith.constant 1 : i32
      %select_n3A_217 = arith.select %eq3A_215, %jit3A_216, %jit3A_214 : i32
      %rem3A_218 = arith.remsi %scan3A_197, %select_n3A_217 : i32
      %ne3A_219 = arith.constant 0 : i32
      %ne3A_220 = arith.cmpi ne, %rem3A_218, %ne3A_219 : i32
      %lt3A = arith.constant 0 : i32
      %lt3A_221 = arith.cmpi slt, %rem3A_218, %lt3A : i32
      %lt3A_222 = arith.constant 0 : i32
      %lt3A_223 = arith.cmpi slt, %select_n3A_217, %lt3A_222 : i32
      %ne3A_224 = arith.xori %lt3A_221, %lt3A_223 : i1
      %and3A_225 = arith.andi %ne3A_224, %ne3A_220 : i1
      %add3A_226 = arith.addi %rem3A_218, %select_n3A_217 : i32
      %select_n3A_227 = arith.select %and3A_225, %add3A_226, %rem3A_218 : i32
      %mul3A_228 = arith.constant 16 : i32
      %mul3A_229 = arith.muli %select_n3A_227, %mul3A_228 : i32
      %swap3A = arith.index_cast %select_n3A : i32 to index
      %swap3A_230 = arith.index_cast %mul3A_229 : i32 to index
      %swap3A_231 = tpu.vector_load %arg8[%swap3A, %swap3A_230] {strides = array<i32>} : memref<128x128xf32, #tpu.memory_space<vmem>>, vector<1x16xf32>,
      %swap3A_232 = vector.shape_cast %swap3A_231 : vector<1x16xf32> to vector<16xf32>
      %swap3A_233 = vector.shape_cast %broadcast_in_dim3A_3 : vector<16xf32> to vector<1x16xf32>
      tpu.vector_store %arg8[%swap3A, %swap3A_230], %swap3A_233 {strides = array<i32>} : memref<128x128xf32, #tpu.memory_space<vmem>>, vector<1x16xf32>,
    }
    %scan3A_8 = arith.constant 1024 : i32
    %add3A_9 = arith.constant 0 : i32
    %add3A_10 = arith.addi %mul3A_2, %add3A_9 : i32
    "tpu.region"() ({
      %run_scoped3A_197 = tpu.sem_alloc : memref<!tpu.dma_semaphore, #tpu.memory_space<semaphore_mem>>
      %dma_start3A_198 = arith.constant 0 : i32
      %dma_start3A_199 = arith.constant 0 : i32
      %dma_start3A_200 = tpu.memref_slice %arg8[%dma_start3A_198, %dma_start3A_199] : memref<128x128xf32, #tpu.memory_space<vmem>> -> memref<128x128xf32, #tpu.memory_space<vmem>>
      %dma_start3A_201 = arith.constant 0 : i32
      %dma_start3A_202 = tpu.memref_slice %arg10[%add3A_10, %dma_start3A_201] : memref<10112x128xf32, #tpu.memory_space<vmem_shared>> -> memref<128x128xf32, #tpu.memory_space<vmem_shared>>
      %dma_start3A_203 = arith.constant 0 : i32
      %dma_start3A_204 = tpu.memref_slice %arg10[%add3A_10, %dma_start3A_203] : memref<10112x128xf32, #tpu.memory_space<vmem_shared>> -> memref<128x128xf32, #tpu.memory_space<vmem_shared>>
      %dma_start3A_205 = arith.constant 0 : i32
      %dma_start3A_206 = arith.constant 0 : i32
      %dma_start3A_207 = tpu.memref_slice %arg8[%dma_start3A_205, %dma_start3A_206] : memref<128x128xf32, #tpu.memory_space<vmem>> -> memref<128x128xf32, #tpu.memory_space<vmem>>
      tpu.enqueue_dma source(%dma_start3A_207 : memref<128x128xf32, #tpu.memory_space<vmem>>) target(%dma_start3A_204 : memref<128x128xf32, #tpu.memory_space<vmem_shared>>) target_semaphore(%run_scoped3A_197 : memref<!tpu.dma_semaphore, #tpu.memory_space<semaphore_mem>>)
      %dma_wait3A_208 = arith.constant 0 : i32
      %dma_wait3A_209 = arith.constant 0 : i32
      %dma_wait3A_210 = tpu.memref_slice %arg8[%dma_wait3A_208, %dma_wait3A_209] : memref<128x128xf32, #tpu.memory_space<vmem>> -> memref<128x128xf32, #tpu.memory_space<vmem>>
      %dma_wait3A_211 = arith.constant 0 : i32
      %dma_wait3A_212 = tpu.memref_slice %arg10[%add3A_10, %dma_wait3A_211] : memref<10112x128xf32, #tpu.memory_space<vmem_shared>> -> memref<128x128xf32, #tpu.memory_space<vmem_shared>>
      %dma_wait3A_213 = arith.constant 0 : i32
      %dma_wait3A_214 = tpu.memref_slice %arg10[%add3A_10, %dma_wait3A_213] : memref<10112x128xf32, #tpu.memory_space<vmem_shared>> -> memref<128x128xf32, #tpu.memory_space<vmem_shared>>
      %dma_wait3A_215 = arith.constant 0 : i32
      %dma_wait3A_216 = arith.constant 0 : i32
      %dma_wait3A_217 = tpu.memref_slice %arg8[%dma_wait3A_215, %dma_wait3A_216] : memref<128x128xf32, #tpu.memory_space<vmem>> -> memref<128x128xf32, #tpu.memory_space<vmem>>
      tpu.wait_dma2 semaphore(%run_scoped3A_197 : memref<!tpu.dma_semaphore, #tpu.memory_space<semaphore_mem>>) src(%dma_wait3A_217 : memref<128x128xf32, #tpu.memory_space<vmem>>) dst(%dma_wait3A_214 : memref<128x128xf32, #tpu.memory_space<vmem_shared>>)
      tpu.yield
    }) : () -> ()
    %add3A_11 = arith.constant 128 : i32
    %add3A_12 = arith.addi %mul3A_2, %add3A_11 : i32
    "tpu.region"() ({
      %run_scoped3A_197 = tpu.sem_alloc : memref<!tpu.dma_semaphore, #tpu.memory_space<semaphore_mem>>
      %dma_start3A_198 = arith.constant 0 : i32
      %dma_start3A_199 = arith.constant 0 : i32
      %dma_start3A_200 = tpu.memref_slice %arg8[%dma_start3A_198, %dma_start3A_199] : memref<128x128xf32, #tpu.memory_space<vmem>> -> memref<128x128xf32, #tpu.memory_space<vmem>>
      %dma_start3A_201 = arith.constant 0 : i32
      %dma_start3A_202 = tpu.memref_slice %arg10[%add3A_12, %dma_start3A_201] : memref<10112x128xf32, #tpu.memory_space<vmem_shared>> -> memref<128x128xf32, #tpu.memory_space<vmem_shared>>
      %dma_start3A_203 = arith.constant 0 : i32
      %dma_start3A_204 = tpu.memref_slice %arg10[%add3A_12, %dma_start3A_203] : memref<10112x128xf32, #tpu.memory_space<vmem_shared>> -> memref<128x128xf32, #tpu.memory_space<vmem_shared>>
      %dma_start3A_205 = arith.constant 0 : i32
      %dma_start3A_206 = arith.constant 0 : i32
      %dma_start3A_207 = tpu.memref_slice %arg8[%dma_start3A_205, %dma_start3A_206] : memref<128x128xf32, #tpu.memory_space<vmem>> -> memref<128x128xf32, #tpu.memory_space<vmem>>
      tpu.enqueue_dma source(%dma_start3A_207 : memref<128x128xf32, #tpu.memory_space<vmem>>) target(%dma_start3A_204 : memref<128x128xf32, #tpu.memory_space<vmem_shared>>) target_semaphore(%run_scoped3A_197 : memref<!tpu.dma_semaphore, #tpu.memory_space<semaphore_mem>>)
      %dma_wait3A_208 = arith.constant 0 : i32
      %dma_wait3A_209 = arith.constant 0 : i32
      %dma_wait3A_210 = tpu.memref_slice %arg8[%dma_wait3A_208, %dma_wait3A_209] : memref<128x128xf32, #tpu.memory_space<vmem>> -> memref<128x128xf32, #tpu.memory_space<vmem>>
      %dma_wait3A_211 = arith.constant 0 : i32
      %dma_wait3A_212 = tpu.memref_slice %arg10[%add3A_12, %dma_wait3A_211] : memref<10112x128xf32, #tpu.memory_space<vmem_shared>> -> memref<128x128xf32, #tpu.memory_space<vmem_shared>>
      %dma_wait3A_213 = arith.constant 0 : i32
      %dma_wait3A_214 = tpu.memref_slice %arg10[%add3A_12, %dma_wait3A_213] : memref<10112x128xf32, #tpu.memory_space<vmem_shared>> -> memref<128x128xf32, #tpu.memory_space<vmem_shared>>
      %dma_wait3A_215 = arith.constant 0 : i32
      %dma_wait3A_216 = arith.constant 0 : i32
      %dma_wait3A_217 = tpu.memref_slice %arg8[%dma_wait3A_215, %dma_wait3A_216] : memref<128x128xf32, #tpu.memory_space<vmem>> -> memref<128x128xf32, #tpu.memory_space<vmem>>
      tpu.wait_dma2 semaphore(%run_scoped3A_197 : memref<!tpu.dma_semaphore, #tpu.memory_space<semaphore_mem>>) src(%dma_wait3A_217 : memref<128x128xf32, #tpu.memory_space<vmem>>) dst(%dma_wait3A_214 : memref<128x128xf32, #tpu.memory_space<vmem_shared>>)
      tpu.yield
    }) : () -> ()
    %add3A_13 = arith.constant 256 : i32
    %add3A_14 = arith.addi %mul3A_2, %add3A_13 : i32
    "tpu.region"() ({
      %run_scoped3A_197 = tpu.sem_alloc : memref<!tpu.dma_semaphore, #tpu.memory_space<semaphore_mem>>
      %dma_start3A_198 = arith.constant 0 : i32
      %dma_start3A_199 = arith.constant 0 : i32
      %dma_start3A_200 = tpu.memref_slice %arg8[%dma_start3A_198, %dma_start3A_199] : memref<128x128xf32, #tpu.memory_space<vmem>> -> memref<128x128xf32, #tpu.memory_space<vmem>>
      %dma_start3A_201 = arith.constant 0 : i32
      %dma_start3A_202 = tpu.memref_slice %arg10[%add3A_14, %dma_start3A_201] : memref<10112x128xf32, #tpu.memory_space<vmem_shared>> -> memref<128x128xf32, #tpu.memory_space<vmem_shared>>
      %dma_start3A_203 = arith.constant 0 : i32
      %dma_start3A_204 = tpu.memref_slice %arg10[%add3A_14, %dma_start3A_203] : memref<10112x128xf32, #tpu.memory_space<vmem_shared>> -> memref<128x128xf32, #tpu.memory_space<vmem_shared>>
      %dma_start3A_205 = arith.constant 0 : i32
      %dma_start3A_206 = arith.constant 0 : i32
      %dma_start3A_207 = tpu.memref_slice %arg8[%dma_start3A_205, %dma_start3A_206] : memref<128x128xf32, #tpu.memory_space<vmem>> -> memref<128x128xf32, #tpu.memory_space<vmem>>
      tpu.enqueue_dma source(%dma_start3A_207 : memref<128x128xf32, #tpu.memory_space<vmem>>) target(%dma_start3A_204 : memref<128x128xf32, #tpu.memory_space<vmem_shared>>) target_semaphore(%run_scoped3A_197 : memref<!tpu.dma_semaphore, #tpu.memory_space<semaphore_mem>>)
      %dma_wait3A_208 = arith.constant 0 : i32
      %dma_wait3A_209 = arith.constant 0 : i32
      %dma_wait3A_210 = tpu.memref_slice %arg8[%dma_wait3A_208, %dma_wait3A_209] : memref<128x128xf32, #tpu.memory_space<vmem>> -> memref<128x128xf32, #tpu.memory_space<vmem>>
      %dma_wait3A_211 = arith.constant 0 : i32
      %dma_wait3A_212 = tpu.memref_slice %arg10[%add3A_14, %dma_wait3A_211] : memref<10112x128xf32, #tpu.memory_space<vmem_shared>> -> memref<128x128xf32, #tpu.memory_space<vmem_shared>>
      %dma_wait3A_213 = arith.constant 0 : i32
      %dma_wait3A_214 = tpu.memref_slice %arg10[%add3A_14, %dma_wait3A_213] : memref<10112x128xf32, #tpu.memory_space<vmem_shared>> -> memref<128x128xf32, #tpu.memory_space<vmem_shared>>
      %dma_wait3A_215 = arith.constant 0 : i32
      %dma_wait3A_216 = arith.constant 0 : i32
      %dma_wait3A_217 = tpu.memref_slice %arg8[%dma_wait3A_215, %dma_wait3A_216] : memref<128x128xf32, #tpu.memory_space<vmem>> -> memref<128x128xf32, #tpu.memory_space<vmem>>
      tpu.wait_dma2 semaphore(%run_scoped3A_197 : memref<!tpu.dma_semaphore, #tpu.memory_space<semaphore_mem>>) src(%dma_wait3A_217 : memref<128x128xf32, #tpu.memory_space<vmem>>) dst(%dma_wait3A_214 : memref<128x128xf32, #tpu.memory_space<vmem_shared>>)
      tpu.yield
    }) : () -> ()
    %add3A_15 = arith.constant 384 : i32
    %add3A_16 = arith.addi %mul3A_2, %add3A_15 : i32
    "tpu.region"() ({
      %run_scoped3A_197 = tpu.sem_alloc : memref<!tpu.dma_semaphore, #tpu.memory_space<semaphore_mem>>
      %dma_start3A_198 = arith.constant 0 : i32
      %dma_start3A_199 = arith.constant 0 : i32
      %dma_start3A_200 = tpu.memref_slice %arg8[%dma_start3A_198, %dma_start3A_199] : memref<128x128xf32, #tpu.memory_space<vmem>> -> memref<128x128xf32, #tpu.memory_space<vmem>>
      %dma_start3A_201 = arith.constant 0 : i32
      %dma_start3A_202 = tpu.memref_slice %arg10[%add3A_16, %dma_start3A_201] : memref<10112x128xf32, #tpu.memory_space<vmem_shared>> -> memref<128x128xf32, #tpu.memory_space<vmem_shared>>
      %dma_start3A_203 = arith.constant 0 : i32
      %dma_start3A_204 = tpu.memref_slice %arg10[%add3A_16, %dma_start3A_203] : memref<10112x128xf32, #tpu.memory_space<vmem_shared>> -> memref<128x128xf32, #tpu.memory_space<vmem_shared>>
      %dma_start3A_205 = arith.constant 0 : i32
      %dma_start3A_206 = arith.constant 0 : i32
      %dma_start3A_207 = tpu.memref_slice %arg8[%dma_start3A_205, %dma_start3A_206] : memref<128x128xf32, #tpu.memory_space<vmem>> -> memref<128x128xf32, #tpu.memory_space<vmem>>
      tpu.enqueue_dma source(%dma_start3A_207 : memref<128x128xf32, #tpu.memory_space<vmem>>) target(%dma_start3A_204 : memref<128x128xf32, #tpu.memory_space<vmem_shared>>) target_semaphore(%run_scoped3A_197 : memref<!tpu.dma_semaphore, #tpu.memory_space<semaphore_mem>>)
      %dma_wait3A_208 = arith.constant 0 : i32
      %dma_wait3A_209 = arith.constant 0 : i32
      %dma_wait3A_210 = tpu.memref_slice %arg8[%dma_wait3A_208, %dma_wait3A_209] : memref<128x128xf32, #tpu.memory_space<vmem>> -> memref<128x128xf32, #tpu.memory_space<vmem>>
      %dma_wait3A_211 = arith.constant 0 : i32
      %dma_wait3A_212 = tpu.memref_slice %arg10[%add3A_16, %dma_wait3A_211] : memref<10112x128xf32, #tpu.memory_space<vmem_shared>> -> memref<128x128xf32, #tpu.memory_space<vmem_shared>>
      %dma_wait3A_213 = arith.constant 0 : i32
      %dma_wait3A_214 = tpu.memref_slice %arg10[%add3A_16, %dma_wait3A_213] : memref<10112x128xf32, #tpu.memory_space<vmem_shared>> -> memref<128x128xf32, #tpu.memory_space<vmem_shared>>
      %dma_wait3A_215 = arith.constant 0 : i32
      %dma_wait3A_216 = arith.constant 0 : i32
      %dma_wait3A_217 = tpu.memref_slice %arg8[%dma_wait3A_215, %dma_wait3A_216] : memref<128x128xf32, #tpu.memory_space<vmem>> -> memref<128x128xf32, #tpu.memory_space<vmem>>
      tpu.wait_dma2 semaphore(%run_scoped3A_197 : memref<!tpu.dma_semaphore, #tpu.memory_space<semaphore_mem>>) src(%dma_wait3A_217 : memref<128x128xf32, #tpu.memory_space<vmem>>) dst(%dma_wait3A_214 : memref<128x128xf32, #tpu.memory_space<vmem_shared>>)
      tpu.yield
    }) : () -> ()
    %add3A_17 = arith.constant 512 : i32
    %add3A_18 = arith.addi %mul3A_2, %add3A_17 : i32
    "tpu.region"() ({
      %run_scoped3A_197 = tpu.sem_alloc : memref<!tpu.dma_semaphore, #tpu.memory_space<semaphore_mem>>
      %dma_start3A_198 = arith.constant 0 : i32
      %dma_start3A_199 = arith.constant 0 : i32
      %dma_start3A_200 = tpu.memref_slice %arg8[%dma_start3A_198, %dma_start3A_199] : memref<128x128xf32, #tpu.memory_space<vmem>> -> memref<120x128xf32, #tpu.memory_space<vmem>>
      %dma_start3A_201 = arith.constant 0 : i32
      %dma_start3A_202 = tpu.memref_slice %arg10[%add3A_18, %dma_start3A_201] : memref<10112x128xf32, #tpu.memory_space<vmem_shared>> -> memref<120x128xf32, #tpu.memory_space<vmem_shared>>
      %dma_start3A_203 = arith.constant 0 : i32
      %dma_start3A_204 = tpu.memref_slice %arg10[%add3A_18, %dma_start3A_203] : memref<10112x128xf32, #tpu.memory_space<vmem_shared>> -> memref<120x128xf32, #tpu.memory_space<vmem_shared>>
      %dma_start3A_205 = arith.constant 0 : i32
      %dma_start3A_206 = arith.constant 0 : i32
      %dma_start3A_207 = tpu.memref_slice %arg8[%dma_start3A_205, %dma_start3A_206] : memref<128x128xf32, #tpu.memory_space<vmem>> -> memref<120x128xf32, #tpu.memory_space<vmem>>
      tpu.enqueue_dma source(%dma_start3A_207 : memref<120x128xf32, #tpu.memory_space<vmem>>) target(%dma_start3A_204 : memref<120x128xf32, #tpu.memory_space<vmem_shared>>) target_semaphore(%run_scoped3A_197 : memref<!tpu.dma_semaphore, #tpu.memory_space<semaphore_mem>>)
      %dma_wait3A_208 = arith.constant 0 : i32
      %dma_wait3A_209 = arith.constant 0 : i32
      %dma_wait3A_210 = tpu.memref_slice %arg8[%dma_wait3A_208, %dma_wait3A_209] : memref<128x128xf32, #tpu.memory_space<vmem>> -> memref<120x128xf32, #tpu.memory_space<vmem>>
      %dma_wait3A_211 = arith.constant 0 : i32
      %dma_wait3A_212 = tpu.memref_slice %arg10[%add3A_18, %dma_wait3A_211] : memref<10112x128xf32, #tpu.memory_space<vmem_shared>> -> memref<120x128xf32, #tpu.memory_space<vmem_shared>>
      %dma_wait3A_213 = arith.constant 0 : i32
      %dma_wait3A_214 = tpu.memref_slice %arg10[%add3A_18, %dma_wait3A_213] : memref<10112x128xf32, #tpu.memory_space<vmem_shared>> -> memref<120x128xf32, #tpu.memory_space<vmem_shared>>
      %dma_wait3A_215 = arith.constant 0 : i32
      %dma_wait3A_216 = arith.constant 0 : i32
      %dma_wait3A_217 = tpu.memref_slice %arg8[%dma_wait3A_215, %dma_wait3A_216] : memref<128x128xf32, #tpu.memory_space<vmem>> -> memref<120x128xf32, #tpu.memory_space<vmem>>
      tpu.wait_dma2 semaphore(%run_scoped3A_197 : memref<!tpu.dma_semaphore, #tpu.memory_space<semaphore_mem>>) src(%dma_wait3A_217 : memref<120x128xf32, #tpu.memory_space<vmem>>) dst(%dma_wait3A_214 : memref<120x128xf32, #tpu.memory_space<vmem_shared>>)
      tpu.yield
    }) : () -> ()
    %dma_start3A = arith.constant 0 : i32
    %dma_start3A_19 = arith.constant 0 : i32
    %dma_start3A_20 = arith.constant 0 : i32
    %dma_start3A_21 = tpu.memref_slice %arg6[%dma_start3A, %dma_start3A_19, %dma_start3A_20] : memref<2x1x128xi32, #tpu.memory_space<vmem>> -> memref<1x1x128xi32, #tpu.memory_space<vmem>>
    %dma_start3A_22 = tpu.memref_squeeze %dma_start3A_21 : memref<1x1x128xi32, #tpu.memory_space<vmem>> -> memref<1x128xi32, #tpu.memory_space<vmem>>
    %dma_start3A_23 = arith.constant 0 : i32
    %dma_start3A_24 = arith.constant 0 : i32
    %dma_start3A_25 = tpu.memref_slice %arg3[%add3A, %dma_start3A_23, %dma_start3A_24] : memref<32x80x128xi32, #tpu.memory_space<hbm>> -> memref<1x1x128xi32, #tpu.memory_space<hbm>>
    %dma_start3A_26 = tpu.memref_squeeze %dma_start3A_25 : memref<1x1x128xi32, #tpu.memory_space<hbm>> -> memref<1x128xi32, #tpu.memory_space<hbm>>
    %dma_start3A_27 = arith.constant 0 : i32
    %dma_start3A_28 = arith.constant 0 : i32
    %dma_start3A_29 = tpu.memref_slice %arg6[%dma_start3A, %dma_start3A_27, %dma_start3A_28] : memref<2x1x128xi32, #tpu.memory_space<vmem>> -> memref<1x1x128xi32, #tpu.memory_space<vmem>>
    %dma_start3A_30 = tpu.memref_squeeze %dma_start3A_29 : memref<1x1x128xi32, #tpu.memory_space<vmem>> -> memref<1x128xi32, #tpu.memory_space<vmem>>
    %dma_start3A_31 = arith.constant 0 : i32
    %dma_start3A_32 = arith.constant 0 : i32
    %dma_start3A_33 = tpu.memref_slice %arg3[%add3A, %dma_start3A_31, %dma_start3A_32] : memref<32x80x128xi32, #tpu.memory_space<hbm>> -> memref<1x1x128xi32, #tpu.memory_space<hbm>>
    %dma_start3A_34 = tpu.memref_squeeze %dma_start3A_33 : memref<1x1x128xi32, #tpu.memory_space<hbm>> -> memref<1x128xi32, #tpu.memory_space<hbm>>
    tpu.enqueue_dma source(%dma_start3A_34 : memref<1x128xi32, #tpu.memory_space<hbm>>) target(%dma_start3A_30 : memref<1x128xi32, #tpu.memory_space<vmem>>) target_semaphore(%arg13 : memref<!tpu.dma_semaphore, #tpu.memory_space<semaphore_mem>>)
    %dma_start3A_35 = arith.constant 0 : i32
    %dma_start3A_36 = arith.constant 0 : i32
    %dma_start3A_37 = arith.constant 0 : i32
    %dma_start3A_38 = tpu.memref_slice %arg7[%dma_start3A_35, %dma_start3A_36, %dma_start3A_37] : memref<2x1x128xi32, #tpu.memory_space<vmem>> -> memref<1x1x128xi32, #tpu.memory_space<vmem>>
    %dma_start3A_39 = tpu.memref_squeeze %dma_start3A_38 : memref<1x1x128xi32, #tpu.memory_space<vmem>> -> memref<1x128xi32, #tpu.memory_space<vmem>>
    %dma_start3A_40 = arith.constant 0 : i32
    %dma_start3A_41 = arith.constant 0 : i32
    %dma_start3A_42 = tpu.memref_slice %arg4[%add3A, %dma_start3A_40, %dma_start3A_41] : memref<32x80x128xi32, #tpu.memory_space<hbm>> -> memref<1x1x128xi32, #tpu.memory_space<hbm>>
    %dma_start3A_43 = tpu.memref_squeeze %dma_start3A_42 : memref<1x1x128xi32, #tpu.memory_space<hbm>> -> memref<1x128xi32, #tpu.memory_space<hbm>>
    %dma_start3A_44 = arith.constant 0 : i32
    %dma_start3A_45 = arith.constant 0 : i32
    %dma_start3A_46 = tpu.memref_slice %arg7[%dma_start3A_35, %dma_start3A_44, %dma_start3A_45] : memref<2x1x128xi32, #tpu.memory_space<vmem>> -> memref<1x1x128xi32, #tpu.memory_space<vmem>>
    %dma_start3A_47 = tpu.memref_squeeze %dma_start3A_46 : memref<1x1x128xi32, #tpu.memory_space<vmem>> -> memref<1x128xi32, #tpu.memory_space<vmem>>
    %dma_start3A_48 = arith.constant 0 : i32
    %dma_start3A_49 = arith.constant 0 : i32
    %dma_start3A_50 = tpu.memref_slice %arg4[%add3A, %dma_start3A_48, %dma_start3A_49] : memref<32x80x128xi32, #tpu.memory_space<hbm>> -> memref<1x1x128xi32, #tpu.memory_space<hbm>>
    %dma_start3A_51 = tpu.memref_squeeze %dma_start3A_50 : memref<1x1x128xi32, #tpu.memory_space<hbm>> -> memref<1x128xi32, #tpu.memory_space<hbm>>
    tpu.enqueue_dma source(%dma_start3A_51 : memref<1x128xi32, #tpu.memory_space<hbm>>) target(%dma_start3A_47 : memref<1x128xi32, #tpu.memory_space<vmem>>) target_semaphore(%arg13 : memref<!tpu.dma_semaphore, #tpu.memory_space<semaphore_mem>>)
    %dma_start3A_52 = arith.constant 1 : i32
    %dma_start3A_53 = arith.constant 0 : i32
    %dma_start3A_54 = arith.constant 0 : i32
    %dma_start3A_55 = tpu.memref_slice %arg6[%dma_start3A_52, %dma_start3A_53, %dma_start3A_54] : memref<2x1x128xi32, #tpu.memory_space<vmem>> -> memref<1x1x128xi32, #tpu.memory_space<vmem>>
    %dma_start3A_56 = tpu.memref_squeeze %dma_start3A_55 : memref<1x1x128xi32, #tpu.memory_space<vmem>> -> memref<1x128xi32, #tpu.memory_space<vmem>>
    %dma_start3A_57 = arith.constant 1 : i32
    %dma_start3A_58 = arith.constant 0 : i32
    %dma_start3A_59 = tpu.memref_slice %arg3[%add3A, %dma_start3A_57, %dma_start3A_58] : memref<32x80x128xi32, #tpu.memory_space<hbm>> -> memref<1x1x128xi32, #tpu.memory_space<hbm>>
    %dma_start3A_60 = tpu.memref_squeeze %dma_start3A_59 : memref<1x1x128xi32, #tpu.memory_space<hbm>> -> memref<1x128xi32, #tpu.memory_space<hbm>>
    %dma_start3A_61 = arith.constant 0 : i32
    %dma_start3A_62 = arith.constant 0 : i32
    %dma_start3A_63 = tpu.memref_slice %arg6[%dma_start3A_52, %dma_start3A_61, %dma_start3A_62] : memref<2x1x128xi32, #tpu.memory_space<vmem>> -> memref<1x1x128xi32, #tpu.memory_space<vmem>>
    %dma_start3A_64 = tpu.memref_squeeze %dma_start3A_63 : memref<1x1x128xi32, #tpu.memory_space<vmem>> -> memref<1x128xi32, #tpu.memory_space<vmem>>
    %dma_start3A_65 = arith.constant 1 : i32
    %dma_start3A_66 = arith.constant 0 : i32
    %dma_start3A_67 = tpu.memref_slice %arg3[%add3A, %dma_start3A_65, %dma_start3A_66] : memref<32x80x128xi32, #tpu.memory_space<hbm>> -> memref<1x1x128xi32, #tpu.memory_space<hbm>>
    %dma_start3A_68 = tpu.memref_squeeze %dma_start3A_67 : memref<1x1x128xi32, #tpu.memory_space<hbm>> -> memref<1x128xi32, #tpu.memory_space<hbm>>
    tpu.enqueue_dma source(%dma_start3A_68 : memref<1x128xi32, #tpu.memory_space<hbm>>) target(%dma_start3A_64 : memref<1x128xi32, #tpu.memory_space<vmem>>) target_semaphore(%arg14 : memref<!tpu.dma_semaphore, #tpu.memory_space<semaphore_mem>>)
    %dma_start3A_69 = arith.constant 1 : i32
    %dma_start3A_70 = arith.constant 0 : i32
    %dma_start3A_71 = arith.constant 0 : i32
    %dma_start3A_72 = tpu.memref_slice %arg7[%dma_start3A_69, %dma_start3A_70, %dma_start3A_71] : memref<2x1x128xi32, #tpu.memory_space<vmem>> -> memref<1x1x128xi32, #tpu.memory_space<vmem>>
    %dma_start3A_73 = tpu.memref_squeeze %dma_start3A_72 : memref<1x1x128xi32, #tpu.memory_space<vmem>> -> memref<1x128xi32, #tpu.memory_space<vmem>>
    %dma_start3A_74 = arith.constant 1 : i32
    %dma_start3A_75 = arith.constant 0 : i32
    %dma_start3A_76 = tpu.memref_slice %arg4[%add3A, %dma_start3A_74, %dma_start3A_75] : memref<32x80x128xi32, #tpu.memory_space<hbm>> -> memref<1x1x128xi32, #tpu.memory_space<hbm>>
    %dma_start3A_77 = tpu.memref_squeeze %dma_start3A_76 : memref<1x1x128xi32, #tpu.memory_space<hbm>> -> memref<1x128xi32, #tpu.memory_space<hbm>>
    %dma_start3A_78 = arith.constant 0 : i32
    %dma_start3A_79 = arith.constant 0 : i32
    %dma_start3A_80 = tpu.memref_slice %arg7[%dma_start3A_69, %dma_start3A_78, %dma_start3A_79] : memref<2x1x128xi32, #tpu.memory_space<vmem>> -> memref<1x1x128xi32, #tpu.memory_space<vmem>>
    %dma_start3A_81 = tpu.memref_squeeze %dma_start3A_80 : memref<1x1x128xi32, #tpu.memory_space<vmem>> -> memref<1x128xi32, #tpu.memory_space<vmem>>
    %dma_start3A_82 = arith.constant 1 : i32
    %dma_start3A_83 = arith.constant 0 : i32
    %dma_start3A_84 = tpu.memref_slice %arg4[%add3A, %dma_start3A_82, %dma_start3A_83] : memref<32x80x128xi32, #tpu.memory_space<hbm>> -> memref<1x1x128xi32, #tpu.memory_space<hbm>>
    %dma_start3A_85 = tpu.memref_squeeze %dma_start3A_84 : memref<1x1x128xi32, #tpu.memory_space<hbm>> -> memref<1x128xi32, #tpu.memory_space<hbm>>
    tpu.enqueue_dma source(%dma_start3A_85 : memref<1x128xi32, #tpu.memory_space<hbm>>) target(%dma_start3A_81 : memref<1x128xi32, #tpu.memory_space<vmem>>) target_semaphore(%arg14 : memref<!tpu.dma_semaphore, #tpu.memory_space<semaphore_mem>>)
    %dma_wait3A = arith.constant 0 : i32
    %dma_wait3A_86 = arith.constant 0 : i32
    %dma_wait3A_87 = arith.constant 0 : i32
    %dma_wait3A_88 = tpu.memref_slice %arg6[%dma_wait3A, %dma_wait3A_86, %dma_wait3A_87] : memref<2x1x128xi32, #tpu.memory_space<vmem>> -> memref<1x1x128xi32, #tpu.memory_space<vmem>>
    %dma_wait3A_89 = tpu.memref_squeeze %dma_wait3A_88 : memref<1x1x128xi32, #tpu.memory_space<vmem>> -> memref<1x128xi32, #tpu.memory_space<vmem>>
    %dma_wait3A_90 = arith.constant 0 : i32
    %dma_wait3A_91 = arith.constant 0 : i32
    %dma_wait3A_92 = tpu.memref_slice %arg3[%add3A, %dma_wait3A_90, %dma_wait3A_91] : memref<32x80x128xi32, #tpu.memory_space<hbm>> -> memref<1x1x128xi32, #tpu.memory_space<hbm>>
    %dma_wait3A_93 = tpu.memref_squeeze %dma_wait3A_92 : memref<1x1x128xi32, #tpu.memory_space<hbm>> -> memref<1x128xi32, #tpu.memory_space<hbm>>
    %dma_wait3A_94 = arith.constant 0 : i32
    %dma_wait3A_95 = arith.constant 0 : i32
    %dma_wait3A_96 = tpu.memref_slice %arg6[%dma_wait3A, %dma_wait3A_94, %dma_wait3A_95] : memref<2x1x128xi32, #tpu.memory_space<vmem>> -> memref<1x1x128xi32, #tpu.memory_space<vmem>>
    %dma_wait3A_97 = tpu.memref_squeeze %dma_wait3A_96 : memref<1x1x128xi32, #tpu.memory_space<vmem>> -> memref<1x128xi32, #tpu.memory_space<vmem>>
    %dma_wait3A_98 = arith.constant 0 : i32
    %dma_wait3A_99 = arith.constant 0 : i32
    %dma_wait3A_100 = tpu.memref_slice %arg3[%add3A, %dma_wait3A_98, %dma_wait3A_99] : memref<32x80x128xi32, #tpu.memory_space<hbm>> -> memref<1x1x128xi32, #tpu.memory_space<hbm>>
    %dma_wait3A_101 = tpu.memref_squeeze %dma_wait3A_100 : memref<1x1x128xi32, #tpu.memory_space<hbm>> -> memref<1x128xi32, #tpu.memory_space<hbm>>
    tpu.wait_dma2 semaphore(%arg13 : memref<!tpu.dma_semaphore, #tpu.memory_space<semaphore_mem>>) src(%dma_wait3A_101 : memref<1x128xi32, #tpu.memory_space<hbm>>) dst(%dma_wait3A_97 : memref<1x128xi32, #tpu.memory_space<vmem>>)
    %dma_wait3A_102 = arith.constant 0 : i32
    %dma_wait3A_103 = arith.constant 0 : i32
    %dma_wait3A_104 = arith.constant 0 : i32
    %dma_wait3A_105 = tpu.memref_slice %arg7[%dma_wait3A_102, %dma_wait3A_103, %dma_wait3A_104] : memref<2x1x128xi32, #tpu.memory_space<vmem>> -> memref<1x1x128xi32, #tpu.memory_space<vmem>>
    %dma_wait3A_106 = tpu.memref_squeeze %dma_wait3A_105 : memref<1x1x128xi32, #tpu.memory_space<vmem>> -> memref<1x128xi32, #tpu.memory_space<vmem>>
    %dma_wait3A_107 = arith.constant 0 : i32
    %dma_wait3A_108 = arith.constant 0 : i32
    %dma_wait3A_109 = tpu.memref_slice %arg4[%add3A, %dma_wait3A_107, %dma_wait3A_108] : memref<32x80x128xi32, #tpu.memory_space<hbm>> -> memref<1x1x128xi32, #tpu.memory_space<hbm>>
    %dma_wait3A_110 = tpu.memref_squeeze %dma_wait3A_109 : memref<1x1x128xi32, #tpu.memory_space<hbm>> -> memref<1x128xi32, #tpu.memory_space<hbm>>
    %dma_wait3A_111 = arith.constant 0 : i32
    %dma_wait3A_112 = arith.constant 0 : i32
    %dma_wait3A_113 = tpu.memref_slice %arg7[%dma_wait3A_102, %dma_wait3A_111, %dma_wait3A_112] : memref<2x1x128xi32, #tpu.memory_space<vmem>> -> memref<1x1x128xi32, #tpu.memory_space<vmem>>
    %dma_wait3A_114 = tpu.memref_squeeze %dma_wait3A_113 : memref<1x1x128xi32, #tpu.memory_space<vmem>> -> memref<1x128xi32, #tpu.memory_space<vmem>>
    %dma_wait3A_115 = arith.constant 0 : i32
    %dma_wait3A_116 = arith.constant 0 : i32
    %dma_wait3A_117 = tpu.memref_slice %arg4[%add3A, %dma_wait3A_115, %dma_wait3A_116] : memref<32x80x128xi32, #tpu.memory_space<hbm>> -> memref<1x1x128xi32, #tpu.memory_space<hbm>>
    %dma_wait3A_118 = tpu.memref_squeeze %dma_wait3A_117 : memref<1x1x128xi32, #tpu.memory_space<hbm>> -> memref<1x128xi32, #tpu.memory_space<hbm>>
    tpu.wait_dma2 semaphore(%arg13 : memref<!tpu.dma_semaphore, #tpu.memory_space<semaphore_mem>>) src(%dma_wait3A_118 : memref<1x128xi32, #tpu.memory_space<hbm>>) dst(%dma_wait3A_114 : memref<1x128xi32, #tpu.memory_space<vmem>>)
    %dma_start3A_119 = arith.constant 0 : i32
    %dma_start3A_120 = arith.constant 0 : i32
    %dma_start3A_121 = arith.constant 0 : i32
    %dma_start3A_122 = tpu.memref_slice %arg6[%dma_start3A_119, %dma_start3A_120, %dma_start3A_121] : memref<2x1x128xi32, #tpu.memory_space<vmem>> -> memref<1x1x128xi32, #tpu.memory_space<vmem>>
    %dma_start3A_123 = tpu.memref_squeeze %dma_start3A_122 : memref<1x1x128xi32, #tpu.memory_space<vmem>> -> memref<128xi32, #tpu.memory_space<vmem>>
    %dma_start3A_124 = arith.constant 0 : i32
    %dma_start3A_125 = arith.constant 0 : i32
    %dma_start3A_126 = tpu.memref_slice %arg2[%dma_start3A_124, %dma_start3A_125] : memref<10112x128xf32, #tpu.memory_space<hbm>> -> memref<10112x128xf32, #tpu.memory_space<hbm>>
    tpu.enqueue_indirect_dma source(%dma_start3A_126 : memref<10112x128xf32, #tpu.memory_space<hbm>>) target(%arg8 : memref<128x128xf32, #tpu.memory_space<vmem>>) offsets(%dma_start3A_123 : memref<128xi32, #tpu.memory_space<vmem>>) semaphore(%arg11 : memref<!tpu.dma_semaphore, #tpu.memory_space<semaphore_mem>>)
    %barrier3A = arith.constant 0 : index
    tpu.barrier barrier_id(%barrier3A)
    %scan3A_127 = arith.constant 0 : i32
    %scan3A_128 = arith.constant 0 : i32
    %scan3A_129 = arith.constant 39 : i32
    %scan3A_130 = arith.addi %scan3A_128, %scan3A_129 : i32
    %scan3A_131 = arith.constant 1 : i32
    scf.for %scan3A_197 = %scan3A_128 to %scan3A_130 step %scan3A_131  : i32 {
      %mul3A_198 = arith.constant 2 : i32
      %mul3A_199 = arith.muli %mul3A_198, %scan3A_197 : i32
      %add3A_200 = arith.constant 0 : i32
      %add3A_201 = arith.addi %mul3A_199, %add3A_200 : i32
      %add3A_202 = arith.constant 1 : i32
      %add3A_203 = arith.addi %add3A_201, %add3A_202 : i32
      %dma_wait3A_204 = arith.constant 1 : i32
      %dma_wait3A_205 = arith.constant 0 : i32
      %dma_wait3A_206 = arith.constant 0 : i32
      %dma_wait3A_207 = tpu.memref_slice %arg6[%dma_wait3A_204, %dma_wait3A_205, %dma_wait3A_206] : memref<2x1x128xi32, #tpu.memory_space<vmem>> -> memref<1x1x128xi32, #tpu.memory_space<vmem>>
      %dma_wait3A_208 = tpu.memref_squeeze %dma_wait3A_207 : memref<1x1x128xi32, #tpu.memory_space<vmem>> -> memref<1x128xi32, #tpu.memory_space<vmem>>
      %dma_wait3A_209 = arith.constant 0 : i32
      %dma_wait3A_210 = tpu.memref_slice %arg3[%add3A, %add3A_203, %dma_wait3A_209] : memref<32x80x128xi32, #tpu.memory_space<hbm>> -> memref<1x1x128xi32, #tpu.memory_space<hbm>>
      %dma_wait3A_211 = tpu.memref_squeeze %dma_wait3A_210 : memref<1x1x128xi32, #tpu.memory_space<hbm>> -> memref<1x128xi32, #tpu.memory_space<hbm>>
      %dma_wait3A_212 = arith.constant 0 : i32
      %dma_wait3A_213 = arith.constant 0 : i32
      %dma_wait3A_214 = tpu.memref_slice %arg6[%dma_wait3A_204, %dma_wait3A_212, %dma_wait3A_213] : memref<2x1x128xi32, #tpu.memory_space<vmem>> -> memref<1x1x128xi32, #tpu.memory_space<vmem>>
      %dma_wait3A_215 = tpu.memref_squeeze %dma_wait3A_214 : memref<1x1x128xi32, #tpu.memory_space<vmem>> -> memref<1x128xi32, #tpu.memory_space<vmem>>
      %dma_wait3A_216 = arith.constant 0 : i32
      %dma_wait3A_217 = tpu.memref_slice %arg3[%add3A, %add3A_203, %dma_wait3A_216] : memref<32x80x128xi32, #tpu.memory_space<hbm>> -> memref<1x1x128xi32, #tpu.memory_space<hbm>>
      %dma_wait3A_218 = tpu.memref_squeeze %dma_wait3A_217 : memref<1x1x128xi32, #tpu.memory_space<hbm>> -> memref<1x128xi32, #tpu.memory_space<hbm>>
      tpu.wait_dma2 semaphore(%arg14 : memref<!tpu.dma_semaphore, #tpu.memory_space<semaphore_mem>>) src(%dma_wait3A_218 : memref<1x128xi32, #tpu.memory_space<hbm>>) dst(%dma_wait3A_215 : memref<1x128xi32, #tpu.memory_space<vmem>>)
      %add3A_219 = arith.constant 1 : i32
      %add3A_220 = arith.addi %add3A_201, %add3A_219 : i32
      %dma_wait3A_221 = arith.constant 1 : i32
      %dma_wait3A_222 = arith.constant 0 : i32
      %dma_wait3A_223 = arith.constant 0 : i32
      %dma_wait3A_224 = tpu.memref_slice %arg7[%dma_wait3A_221, %dma_wait3A_222, %dma_wait3A_223] : memref<2x1x128xi32, #tpu.memory_space<vmem>> -> memref<1x1x128xi32, #tpu.memory_space<vmem>>
      %dma_wait3A_225 = tpu.memref_squeeze %dma_wait3A_224 : memref<1x1x128xi32, #tpu.memory_space<vmem>> -> memref<1x128xi32, #tpu.memory_space<vmem>>
      %dma_wait3A_226 = arith.constant 0 : i32
      %dma_wait3A_227 = tpu.memref_slice %arg4[%add3A, %add3A_220, %dma_wait3A_226] : memref<32x80x128xi32, #tpu.memory_space<hbm>> -> memref<1x1x128xi32, #tpu.memory_space<hbm>>
      %dma_wait3A_228 = tpu.memref_squeeze %dma_wait3A_227 : memref<1x1x128xi32, #tpu.memory_space<hbm>> -> memref<1x128xi32, #tpu.memory_space<hbm>>
      %dma_wait3A_229 = arith.constant 0 : i32
      %dma_wait3A_230 = arith.constant 0 : i32
      %dma_wait3A_231 = tpu.memref_slice %arg7[%dma_wait3A_221, %dma_wait3A_229, %dma_wait3A_230] : memref<2x1x128xi32, #tpu.memory_space<vmem>> -> memref<1x1x128xi32, #tpu.memory_space<vmem>>
      %dma_wait3A_232 = tpu.memref_squeeze %dma_wait3A_231 : memref<1x1x128xi32, #tpu.memory_space<vmem>> -> memref<1x128xi32, #tpu.memory_space<vmem>>
      %dma_wait3A_233 = arith.constant 0 : i32
      %dma_wait3A_234 = tpu.memref_slice %arg4[%add3A, %add3A_220, %dma_wait3A_233] : memref<32x80x128xi32, #tpu.memory_space<hbm>> -> memref<1x1x128xi32, #tpu.memory_space<hbm>>
      %dma_wait3A_235 = tpu.memref_squeeze %dma_wait3A_234 : memref<1x1x128xi32, #tpu.memory_space<hbm>> -> memref<1x128xi32, #tpu.memory_space<hbm>>
      tpu.wait_dma2 semaphore(%arg14 : memref<!tpu.dma_semaphore, #tpu.memory_space<semaphore_mem>>) src(%dma_wait3A_235 : memref<1x128xi32, #tpu.memory_space<hbm>>) dst(%dma_wait3A_232 : memref<1x128xi32, #tpu.memory_space<vmem>>)
      %dma_start3A_236 = arith.constant 1 : i32
      %dma_start3A_237 = arith.constant 0 : i32
      %dma_start3A_238 = arith.constant 0 : i32
      %dma_start3A_239 = tpu.memref_slice %arg6[%dma_start3A_236, %dma_start3A_237, %dma_start3A_238] : memref<2x1x128xi32, #tpu.memory_space<vmem>> -> memref<1x1x128xi32, #tpu.memory_space<vmem>>
      %dma_start3A_240 = tpu.memref_squeeze %dma_start3A_239 : memref<1x1x128xi32, #tpu.memory_space<vmem>> -> memref<128xi32, #tpu.memory_space<vmem>>
      %dma_start3A_241 = arith.constant 0 : i32
      %dma_start3A_242 = arith.constant 0 : i32
      %dma_start3A_243 = tpu.memref_slice %arg2[%dma_start3A_241, %dma_start3A_242] : memref<10112x128xf32, #tpu.memory_space<hbm>> -> memref<10112x128xf32, #tpu.memory_space<hbm>>
      tpu.enqueue_indirect_dma source(%dma_start3A_243 : memref<10112x128xf32, #tpu.memory_space<hbm>>) target(%arg9 : memref<128x128xf32, #tpu.memory_space<vmem>>) offsets(%dma_start3A_240 : memref<128xi32, #tpu.memory_space<vmem>>) semaphore(%arg12 : memref<!tpu.dma_semaphore, #tpu.memory_space<semaphore_mem>>)
      %dma_wait3A_244 = arith.constant 0 : i32
      %dma_wait3A_245 = arith.constant 0 : i32
      %dma_wait3A_246 = arith.constant 0 : i32
      %dma_wait3A_247 = tpu.memref_slice %arg6[%dma_wait3A_244, %dma_wait3A_245, %dma_wait3A_246] : memref<2x1x128xi32, #tpu.memory_space<vmem>> -> memref<1x1x128xi32, #tpu.memory_space<vmem>>
      %dma_wait3A_248 = tpu.memref_squeeze %dma_wait3A_247 : memref<1x1x128xi32, #tpu.memory_space<vmem>> -> memref<128xi32, #tpu.memory_space<vmem>>
      %dma_wait3A_249 = arith.constant 0 : i32
      %dma_wait3A_250 = arith.constant 0 : i32
      %dma_wait3A_251 = tpu.memref_slice %arg2[%dma_wait3A_249, %dma_wait3A_250] : memref<10112x128xf32, #tpu.memory_space<hbm>> -> memref<10112x128xf32, #tpu.memory_space<hbm>>
      tpu.wait_indirect_dma semaphore(%arg11 : memref<!tpu.dma_semaphore, #tpu.memory_space<semaphore_mem>>) src(%dma_wait3A_251 : memref<10112x128xf32, #tpu.memory_space<hbm>>) dst(%arg8 : memref<128x128xf32, #tpu.memory_space<vmem>>)
      %run_scoped3A_252 = arith.constant 0 : i32
      %run_scoped3A_253 = arith.constant 0 : i32
      "tpu.region"() ({
        %run_scoped3A_378 = tpu.sem_alloc : memref<!tpu.dma_semaphore, #tpu.memory_space<semaphore_mem>>
        %dma_start3A_379 = arith.constant 0 : i32
        %dma_start3A_380 = tpu.memref_slice %arg7[%run_scoped3A_252, %run_scoped3A_253, %dma_start3A_379] : memref<2x1x128xi32, #tpu.memory_space<vmem>> -> memref<1x1x128xi32, #tpu.memory_space<vmem>>
        %dma_start3A_381 = tpu.memref_squeeze %dma_start3A_380 : memref<1x1x128xi32, #tpu.memory_space<vmem>> -> memref<128xi32, #tpu.memory_space<vmem>>
        %dma_start3A_382 = arith.constant 0 : i32
        %dma_start3A_383 = arith.constant 0 : i32
        %dma_start3A_384 = tpu.memref_slice %arg10[%dma_start3A_382, %dma_start3A_383] : memref<10112x128xf32, #tpu.memory_space<vmem_shared>> -> memref<10112x128xf32, #tpu.memory_space<vmem_shared>>
        tpu.enqueue_indirect_dma source(%arg8 : memref<128x128xf32, #tpu.memory_space<vmem>>) target(%dma_start3A_384 : memref<10112x128xf32, #tpu.memory_space<vmem_shared>>) offsets(%dma_start3A_381 : memref<128xi32, #tpu.memory_space<vmem>>) semaphore(%run_scoped3A_378 : memref<!tpu.dma_semaphore, #tpu.memory_space<semaphore_mem>>) {add = true}
        %dma_wait3A_385 = arith.constant 0 : i32
        %dma_wait3A_386 = tpu.memref_slice %arg7[%run_scoped3A_252, %run_scoped3A_253, %dma_wait3A_385] : memref<2x1x128xi32, #tpu.memory_space<vmem>> -> memref<1x1x128xi32, #tpu.memory_space<vmem>>
        %dma_wait3A_387 = tpu.memref_squeeze %dma_wait3A_386 : memref<1x1x128xi32, #tpu.memory_space<vmem>> -> memref<128xi32, #tpu.memory_space<vmem>>
        %dma_wait3A_388 = arith.constant 0 : i32
        %dma_wait3A_389 = arith.constant 0 : i32
        %dma_wait3A_390 = tpu.memref_slice %arg10[%dma_wait3A_388, %dma_wait3A_389] : memref<10112x128xf32, #tpu.memory_space<vmem_shared>> -> memref<10112x128xf32, #tpu.memory_space<vmem_shared>>
        tpu.wait_indirect_dma semaphore(%run_scoped3A_378 : memref<!tpu.dma_semaphore, #tpu.memory_space<semaphore_mem>>) src(%arg8 : memref<128x128xf32, #tpu.memory_space<vmem>>) dst(%dma_wait3A_390 : memref<10112x128xf32, #tpu.memory_space<vmem_shared>>)
        tpu.yield
      }) : () -> ()
      %add3A_254 = arith.constant 2 : i32
      %add3A_255 = arith.addi %add3A_201, %add3A_254 : i32
      %dma_start3A_256 = arith.constant 0 : i32
      %dma_start3A_257 = arith.constant 0 : i32
      %dma_start3A_258 = arith.constant 0 : i32
      %dma_start3A_259 = tpu.memref_slice %arg6[%dma_start3A_256, %dma_start3A_257, %dma_start3A_258] : memref<2x1x128xi32, #tpu.memory_space<vmem>> -> memref<1x1x128xi32, #tpu.memory_space<vmem>>
      %dma_start3A_260 = tpu.memref_squeeze %dma_start3A_259 : memref<1x1x128xi32, #tpu.memory_space<vmem>> -> memref<1x128xi32, #tpu.memory_space<vmem>>
      %dma_start3A_261 = arith.constant 0 : i32
      %dma_start3A_262 = tpu.memref_slice %arg3[%add3A, %add3A_255, %dma_start3A_261] : memref<32x80x128xi32, #tpu.memory_space<hbm>> -> memref<1x1x128xi32, #tpu.memory_space<hbm>>
      %dma_start3A_263 = tpu.memref_squeeze %dma_start3A_262 : memref<1x1x128xi32, #tpu.memory_space<hbm>> -> memref<1x128xi32, #tpu.memory_space<hbm>>
      %dma_start3A_264 = arith.constant 0 : i32
      %dma_start3A_265 = arith.constant 0 : i32
      %dma_start3A_266 = tpu.memref_slice %arg6[%dma_start3A_256, %dma_start3A_264, %dma_start3A_265] : memref<2x1x128xi32, #tpu.memory_space<vmem>> -> memref<1x1x128xi32, #tpu.memory_space<vmem>>
      %dma_start3A_267 = tpu.memref_squeeze %dma_start3A_266 : memref<1x1x128xi32, #tpu.memory_space<vmem>> -> memref<1x128xi32, #tpu.memory_space<vmem>>
      %dma_start3A_268 = arith.constant 0 : i32
      %dma_start3A_269 = tpu.memref_slice %arg3[%add3A, %add3A_255, %dma_start3A_268] : memref<32x80x128xi32, #tpu.memory_space<hbm>> -> memref<1x1x128xi32, #tpu.memory_space<hbm>>
      %dma_start3A_270 = tpu.memref_squeeze %dma_start3A_269 : memref<1x1x128xi32, #tpu.memory_space<hbm>> -> memref<1x128xi32, #tpu.memory_space<hbm>>
      tpu.enqueue_dma source(%dma_start3A_270 : memref<1x128xi32, #tpu.memory_space<hbm>>) target(%dma_start3A_267 : memref<1x128xi32, #tpu.memory_space<vmem>>) target_semaphore(%arg13 : memref<!tpu.dma_semaphore, #tpu.memory_space<semaphore_mem>>)
      %add3A_271 = arith.constant 2 : i32
      %add3A_272 = arith.addi %add3A_201, %add3A_271 : i32
      %dma_start3A_273 = arith.constant 0 : i32
      %dma_start3A_274 = arith.constant 0 : i32
      %dma_start3A_275 = arith.constant 0 : i32
      %dma_start3A_276 = tpu.memref_slice %arg7[%dma_start3A_273, %dma_start3A_274, %dma_start3A_275] : memref<2x1x128xi32, #tpu.memory_space<vmem>> -> memref<1x1x128xi32, #tpu.memory_space<vmem>>
      %dma_start3A_277 = tpu.memref_squeeze %dma_start3A_276 : memref<1x1x128xi32, #tpu.memory_space<vmem>> -> memref<1x128xi32, #tpu.memory_space<vmem>>
      %dma_start3A_278 = arith.constant 0 : i32
      %dma_start3A_279 = tpu.memref_slice %arg4[%add3A, %add3A_272, %dma_start3A_278] : memref<32x80x128xi32, #tpu.memory_space<hbm>> -> memref<1x1x128xi32, #tpu.memory_space<hbm>>
      %dma_start3A_280 = tpu.memref_squeeze %dma_start3A_279 : memref<1x1x128xi32, #tpu.memory_space<hbm>> -> memref<1x128xi32, #tpu.memory_space<hbm>>
      %dma_start3A_281 = arith.constant 0 : i32
      %dma_start3A_282 = arith.constant 0 : i32
      %dma_start3A_283 = tpu.memref_slice %arg7[%dma_start3A_273, %dma_start3A_281, %dma_start3A_282] : memref<2x1x128xi32, #tpu.memory_space<vmem>> -> memref<1x1x128xi32, #tpu.memory_space<vmem>>
      %dma_start3A_284 = tpu.memref_squeeze %dma_start3A_283 : memref<1x1x128xi32, #tpu.memory_space<vmem>> -> memref<1x128xi32, #tpu.memory_space<vmem>>
      %dma_start3A_285 = arith.constant 0 : i32
      %dma_start3A_286 = tpu.memref_slice %arg4[%add3A, %add3A_272, %dma_start3A_285] : memref<32x80x128xi32, #tpu.memory_space<hbm>> -> memref<1x1x128xi32, #tpu.memory_space<hbm>>
      %dma_start3A_287 = tpu.memref_squeeze %dma_start3A_286 : memref<1x1x128xi32, #tpu.memory_space<hbm>> -> memref<1x128xi32, #tpu.memory_space<hbm>>
      tpu.enqueue_dma source(%dma_start3A_287 : memref<1x128xi32, #tpu.memory_space<hbm>>) target(%dma_start3A_284 : memref<1x128xi32, #tpu.memory_space<vmem>>) target_semaphore(%arg13 : memref<!tpu.dma_semaphore, #tpu.memory_space<semaphore_mem>>)
      %mul3A_288 = arith.constant 2 : i32
      %mul3A_289 = arith.muli %mul3A_288, %scan3A_197 : i32
      %add3A_290 = arith.constant 1 : i32
      %add3A_291 = arith.addi %mul3A_289, %add3A_290 : i32
      %add3A_292 = arith.constant 1 : i32
      %add3A_293 = arith.addi %add3A_291, %add3A_292 : i32
      %dma_wait3A_294 = arith.constant 0 : i32
      %dma_wait3A_295 = arith.constant 0 : i32
      %dma_wait3A_296 = arith.constant 0 : i32
      %dma_wait3A_297 = tpu.memref_slice %arg6[%dma_wait3A_294, %dma_wait3A_295, %dma_wait3A_296] : memref<2x1x128xi32, #tpu.memory_space<vmem>> -> memref<1x1x128xi32, #tpu.memory_space<vmem>>
      %dma_wait3A_298 = tpu.memref_squeeze %dma_wait3A_297 : memref<1x1x128xi32, #tpu.memory_space<vmem>> -> memref<1x128xi32, #tpu.memory_space<vmem>>
      %dma_wait3A_299 = arith.constant 0 : i32
      %dma_wait3A_300 = tpu.memref_slice %arg3[%add3A, %add3A_293, %dma_wait3A_299] : memref<32x80x128xi32, #tpu.memory_space<hbm>> -> memref<1x1x128xi32, #tpu.memory_space<hbm>>
      %dma_wait3A_301 = tpu.memref_squeeze %dma_wait3A_300 : memref<1x1x128xi32, #tpu.memory_space<hbm>> -> memref<1x128xi32, #tpu.memory_space<hbm>>
      %dma_wait3A_302 = arith.constant 0 : i32
      %dma_wait3A_303 = arith.constant 0 : i32
      %dma_wait3A_304 = tpu.memref_slice %arg6[%dma_wait3A_294, %dma_wait3A_302, %dma_wait3A_303] : memref<2x1x128xi32, #tpu.memory_space<vmem>> -> memref<1x1x128xi32, #tpu.memory_space<vmem>>
      %dma_wait3A_305 = tpu.memref_squeeze %dma_wait3A_304 : memref<1x1x128xi32, #tpu.memory_space<vmem>> -> memref<1x128xi32, #tpu.memory_space<vmem>>
      %dma_wait3A_306 = arith.constant 0 : i32
      %dma_wait3A_307 = tpu.memref_slice %arg3[%add3A, %add3A_293, %dma_wait3A_306] : memref<32x80x128xi32, #tpu.memory_space<hbm>> -> memref<1x1x128xi32, #tpu.memory_space<hbm>>
      %dma_wait3A_308 = tpu.memref_squeeze %dma_wait3A_307 : memref<1x1x128xi32, #tpu.memory_space<hbm>> -> memref<1x128xi32, #tpu.memory_space<hbm>>
      tpu.wait_dma2 semaphore(%arg13 : memref<!tpu.dma_semaphore, #tpu.memory_space<semaphore_mem>>) src(%dma_wait3A_308 : memref<1x128xi32, #tpu.memory_space<hbm>>) dst(%dma_wait3A_305 : memref<1x128xi32, #tpu.memory_space<vmem>>)
      %add3A_309 = arith.constant 1 : i32
      %add3A_310 = arith.addi %add3A_291, %add3A_309 : i32
      %dma_wait3A_311 = arith.constant 0 : i32
      %dma_wait3A_312 = arith.constant 0 : i32
      %dma_wait3A_313 = arith.constant 0 : i32
      %dma_wait3A_314 = tpu.memref_slice %arg7[%dma_wait3A_311, %dma_wait3A_312, %dma_wait3A_313] : memref<2x1x128xi32, #tpu.memory_space<vmem>> -> memref<1x1x128xi32, #tpu.memory_space<vmem>>
      %dma_wait3A_315 = tpu.memref_squeeze %dma_wait3A_314 : memref<1x1x128xi32, #tpu.memory_space<vmem>> -> memref<1x128xi32, #tpu.memory_space<vmem>>
      %dma_wait3A_316 = arith.constant 0 : i32
      %dma_wait3A_317 = tpu.memref_slice %arg4[%add3A, %add3A_310, %dma_wait3A_316] : memref<32x80x128xi32, #tpu.memory_space<hbm>> -> memref<1x1x128xi32, #tpu.memory_space<hbm>>
      %dma_wait3A_318 = tpu.memref_squeeze %dma_wait3A_317 : memref<1x1x128xi32, #tpu.memory_space<hbm>> -> memref<1x128xi32, #tpu.memory_space<hbm>>
      %dma_wait3A_319 = arith.constant 0 : i32
      %dma_wait3A_320 = arith.constant 0 : i32
      %dma_wait3A_321 = tpu.memref_slice %arg7[%dma_wait3A_311, %dma_wait3A_319, %dma_wait3A_320] : memref<2x1x128xi32, #tpu.memory_space<vmem>> -> memref<1x1x128xi32, #tpu.memory_space<vmem>>
      %dma_wait3A_322 = tpu.memref_squeeze %dma_wait3A_321 : memref<1x1x128xi32, #tpu.memory_space<vmem>> -> memref<1x128xi32, #tpu.memory_space<vmem>>
      %dma_wait3A_323 = arith.constant 0 : i32
      %dma_wait3A_324 = tpu.memref_slice %arg4[%add3A, %add3A_310, %dma_wait3A_323] : memref<32x80x128xi32, #tpu.memory_space<hbm>> -> memref<1x1x128xi32, #tpu.memory_space<hbm>>
      %dma_wait3A_325 = tpu.memref_squeeze %dma_wait3A_324 : memref<1x1x128xi32, #tpu.memory_space<hbm>> -> memref<1x128xi32, #tpu.memory_space<hbm>>
      tpu.wait_dma2 semaphore(%arg13 : memref<!tpu.dma_semaphore, #tpu.memory_space<semaphore_mem>>) src(%dma_wait3A_325 : memref<1x128xi32, #tpu.memory_space<hbm>>) dst(%dma_wait3A_322 : memref<1x128xi32, #tpu.memory_space<vmem>>)
      %dma_start3A_326 = arith.constant 0 : i32
      %dma_start3A_327 = arith.constant 0 : i32
      %dma_start3A_328 = arith.constant 0 : i32
      %dma_start3A_329 = tpu.memref_slice %arg6[%dma_start3A_326, %dma_start3A_327, %dma_start3A_328] : memref<2x1x128xi32, #tpu.memory_space<vmem>> -> memref<1x1x128xi32, #tpu.memory_space<vmem>>
      %dma_start3A_330 = tpu.memref_squeeze %dma_start3A_329 : memref<1x1x128xi32, #tpu.memory_space<vmem>> -> memref<128xi32, #tpu.memory_space<vmem>>
      %dma_start3A_331 = arith.constant 0 : i32
      %dma_start3A_332 = arith.constant 0 : i32
      %dma_start3A_333 = tpu.memref_slice %arg2[%dma_start3A_331, %dma_start3A_332] : memref<10112x128xf32, #tpu.memory_space<hbm>> -> memref<10112x128xf32, #tpu.memory_space<hbm>>
      tpu.enqueue_indirect_dma source(%dma_start3A_333 : memref<10112x128xf32, #tpu.memory_space<hbm>>) target(%arg8 : memref<128x128xf32, #tpu.memory_space<vmem>>) offsets(%dma_start3A_330 : memref<128xi32, #tpu.memory_space<vmem>>) semaphore(%arg11 : memref<!tpu.dma_semaphore, #tpu.memory_space<semaphore_mem>>)
      %dma_wait3A_334 = arith.constant 1 : i32
      %dma_wait3A_335 = arith.constant 0 : i32
      %dma_wait3A_336 = arith.constant 0 : i32
      %dma_wait3A_337 = tpu.memref_slice %arg6[%dma_wait3A_334, %dma_wait3A_335, %dma_wait3A_336] : memref<2x1x128xi32, #tpu.memory_space<vmem>> -> memref<1x1x128xi32, #tpu.memory_space<vmem>>
      %dma_wait3A_338 = tpu.memref_squeeze %dma_wait3A_337 : memref<1x1x128xi32, #tpu.memory_space<vmem>> -> memref<128xi32, #tpu.memory_space<vmem>>
      %dma_wait3A_339 = arith.constant 0 : i32
      %dma_wait3A_340 = arith.constant 0 : i32
      %dma_wait3A_341 = tpu.memref_slice %arg2[%dma_wait3A_339, %dma_wait3A_340] : memref<10112x128xf32, #tpu.memory_space<hbm>> -> memref<10112x128xf32, #tpu.memory_space<hbm>>
      tpu.wait_indirect_dma semaphore(%arg12 : memref<!tpu.dma_semaphore, #tpu.memory_space<semaphore_mem>>) src(%dma_wait3A_341 : memref<10112x128xf32, #tpu.memory_space<hbm>>) dst(%arg9 : memref<128x128xf32, #tpu.memory_space<vmem>>)
      %run_scoped3A_342 = arith.constant 1 : i32
      %run_scoped3A_343 = arith.constant 0 : i32
      "tpu.region"() ({
        %run_scoped3A_378 = tpu.sem_alloc : memref<!tpu.dma_semaphore, #tpu.memory_space<semaphore_mem>>
        %dma_start3A_379 = arith.constant 0 : i32
        %dma_start3A_380 = tpu.memref_slice %arg7[%run_scoped3A_342, %run_scoped3A_343, %dma_start3A_379] : memref<2x1x128xi32, #tpu.memory_space<vmem>> -> memref<1x1x128xi32, #tpu.memory_space<vmem>>
        %dma_start3A_381 = tpu.memref_squeeze %dma_start3A_380 : memref<1x1x128xi32, #tpu.memory_space<vmem>> -> memref<128xi32, #tpu.memory_space<vmem>>
        %dma_start3A_382 = arith.constant 0 : i32
        %dma_start3A_383 = arith.constant 0 : i32
        %dma_start3A_384 = tpu.memref_slice %arg10[%dma_start3A_382, %dma_start3A_383] : memref<10112x128xf32, #tpu.memory_space<vmem_shared>> -> memref<10112x128xf32, #tpu.memory_space<vmem_shared>>
        tpu.enqueue_indirect_dma source(%arg9 : memref<128x128xf32, #tpu.memory_space<vmem>>) target(%dma_start3A_384 : memref<10112x128xf32, #tpu.memory_space<vmem_shared>>) offsets(%dma_start3A_381 : memref<128xi32, #tpu.memory_space<vmem>>) semaphore(%run_scoped3A_378 : memref<!tpu.dma_semaphore, #tpu.memory_space<semaphore_mem>>) {add = true}
        %dma_wait3A_385 = arith.constant 0 : i32
        %dma_wait3A_386 = tpu.memref_slice %arg7[%run_scoped3A_342, %run_scoped3A_343, %dma_wait3A_385] : memref<2x1x128xi32, #tpu.memory_space<vmem>> -> memref<1x1x128xi32, #tpu.memory_space<vmem>>
        %dma_wait3A_387 = tpu.memref_squeeze %dma_wait3A_386 : memref<1x1x128xi32, #tpu.memory_space<vmem>> -> memref<128xi32, #tpu.memory_space<vmem>>
        %dma_wait3A_388 = arith.constant 0 : i32
        %dma_wait3A_389 = arith.constant 0 : i32
        %dma_wait3A_390 = tpu.memref_slice %arg10[%dma_wait3A_388, %dma_wait3A_389] : memref<10112x128xf32, #tpu.memory_space<vmem_shared>> -> memref<10112x128xf32, #tpu.memory_space<vmem_shared>>
        tpu.wait_indirect_dma semaphore(%run_scoped3A_378 : memref<!tpu.dma_semaphore, #tpu.memory_space<semaphore_mem>>) src(%arg9 : memref<128x128xf32, #tpu.memory_space<vmem>>) dst(%dma_wait3A_390 : memref<10112x128xf32, #tpu.memory_space<vmem_shared>>)
        tpu.yield
      }) : () -> ()
      %add3A_344 = arith.constant 2 : i32
      %add3A_345 = arith.addi %add3A_291, %add3A_344 : i32
      %dma_start3A_346 = arith.constant 1 : i32
      %dma_start3A_347 = arith.constant 0 : i32
      %dma_start3A_348 = arith.constant 0 : i32
      %dma_start3A_349 = tpu.memref_slice %arg6[%dma_start3A_346, %dma_start3A_347, %dma_start3A_348] : memref<2x1x128xi32, #tpu.memory_space<vmem>> -> memref<1x1x128xi32, #tpu.memory_space<vmem>>
      %dma_start3A_350 = tpu.memref_squeeze %dma_start3A_349 : memref<1x1x128xi32, #tpu.memory_space<vmem>> -> memref<1x128xi32, #tpu.memory_space<vmem>>
      %dma_start3A_351 = arith.constant 0 : i32
      %dma_start3A_352 = tpu.memref_slice %arg3[%add3A, %add3A_345, %dma_start3A_351] : memref<32x80x128xi32, #tpu.memory_space<hbm>> -> memref<1x1x128xi32, #tpu.memory_space<hbm>>
      %dma_start3A_353 = tpu.memref_squeeze %dma_start3A_352 : memref<1x1x128xi32, #tpu.memory_space<hbm>> -> memref<1x128xi32, #tpu.memory_space<hbm>>
      %dma_start3A_354 = arith.constant 0 : i32
      %dma_start3A_355 = arith.constant 0 : i32
      %dma_start3A_356 = tpu.memref_slice %arg6[%dma_start3A_346, %dma_start3A_354, %dma_start3A_355] : memref<2x1x128xi32, #tpu.memory_space<vmem>> -> memref<1x1x128xi32, #tpu.memory_space<vmem>>
      %dma_start3A_357 = tpu.memref_squeeze %dma_start3A_356 : memref<1x1x128xi32, #tpu.memory_space<vmem>> -> memref<1x128xi32, #tpu.memory_space<vmem>>
      %dma_start3A_358 = arith.constant 0 : i32
      %dma_start3A_359 = tpu.memref_slice %arg3[%add3A, %add3A_345, %dma_start3A_358] : memref<32x80x128xi32, #tpu.memory_space<hbm>> -> memref<1x1x128xi32, #tpu.memory_space<hbm>>
      %dma_start3A_360 = tpu.memref_squeeze %dma_start3A_359 : memref<1x1x128xi32, #tpu.memory_space<hbm>> -> memref<1x128xi32, #tpu.memory_space<hbm>>
      tpu.enqueue_dma source(%dma_start3A_360 : memref<1x128xi32, #tpu.memory_space<hbm>>) target(%dma_start3A_357 : memref<1x128xi32, #tpu.memory_space<vmem>>) target_semaphore(%arg14 : memref<!tpu.dma_semaphore, #tpu.memory_space<semaphore_mem>>)
      %add3A_361 = arith.constant 2 : i32
      %add3A_362 = arith.addi %add3A_291, %add3A_361 : i32
      %dma_start3A_363 = arith.constant 1 : i32
      %dma_start3A_364 = arith.constant 0 : i32
      %dma_start3A_365 = arith.constant 0 : i32
      %dma_start3A_366 = tpu.memref_slice %arg7[%dma_start3A_363, %dma_start3A_364, %dma_start3A_365] : memref<2x1x128xi32, #tpu.memory_space<vmem>> -> memref<1x1x128xi32, #tpu.memory_space<vmem>>
      %dma_start3A_367 = tpu.memref_squeeze %dma_start3A_366 : memref<1x1x128xi32, #tpu.memory_space<vmem>> -> memref<1x128xi32, #tpu.memory_space<vmem>>
      %dma_start3A_368 = arith.constant 0 : i32
      %dma_start3A_369 = tpu.memref_slice %arg4[%add3A, %add3A_362, %dma_start3A_368] : memref<32x80x128xi32, #tpu.memory_space<hbm>> -> memref<1x1x128xi32, #tpu.memory_space<hbm>>
      %dma_start3A_370 = tpu.memref_squeeze %dma_start3A_369 : memref<1x1x128xi32, #tpu.memory_space<hbm>> -> memref<1x128xi32, #tpu.memory_space<hbm>>
      %dma_start3A_371 = arith.constant 0 : i32
      %dma_start3A_372 = arith.constant 0 : i32
      %dma_start3A_373 = tpu.memref_slice %arg7[%dma_start3A_363, %dma_start3A_371, %dma_start3A_372] : memref<2x1x128xi32, #tpu.memory_space<vmem>> -> memref<1x1x128xi32, #tpu.memory_space<vmem>>
      %dma_start3A_374 = tpu.memref_squeeze %dma_start3A_373 : memref<1x1x128xi32, #tpu.memory_space<vmem>> -> memref<1x128xi32, #tpu.memory_space<vmem>>
      %dma_start3A_375 = arith.constant 0 : i32
      %dma_start3A_376 = tpu.memref_slice %arg4[%add3A, %add3A_362, %dma_start3A_375] : memref<32x80x128xi32, #tpu.memory_space<hbm>> -> memref<1x1x128xi32, #tpu.memory_space<hbm>>
      %dma_start3A_377 = tpu.memref_squeeze %dma_start3A_376 : memref<1x1x128xi32, #tpu.memory_space<hbm>> -> memref<1x128xi32, #tpu.memory_space<hbm>>
      tpu.enqueue_dma source(%dma_start3A_377 : memref<1x128xi32, #tpu.memory_space<hbm>>) target(%dma_start3A_374 : memref<1x128xi32, #tpu.memory_space<vmem>>) target_semaphore(%arg14 : memref<!tpu.dma_semaphore, #tpu.memory_space<semaphore_mem>>)
    }
    %scan3A_132 = arith.constant 39 : i32
    %dma_wait3A_133 = arith.constant 0 : i32
    %dma_wait3A_134 = arith.constant 0 : i32
    %dma_wait3A_135 = arith.constant 0 : i32
    %dma_wait3A_136 = tpu.memref_slice %arg6[%dma_wait3A_133, %dma_wait3A_134, %dma_wait3A_135] : memref<2x1x128xi32, #tpu.memory_space<vmem>> -> memref<1x1x128xi32, #tpu.memory_space<vmem>>
    %dma_wait3A_137 = tpu.memref_squeeze %dma_wait3A_136 : memref<1x1x128xi32, #tpu.memory_space<vmem>> -> memref<128xi32, #tpu.memory_space<vmem>>
    %dma_wait3A_138 = arith.constant 0 : i32
    %dma_wait3A_139 = arith.constant 0 : i32
    %dma_wait3A_140 = tpu.memref_slice %arg2[%dma_wait3A_138, %dma_wait3A_139] : memref<10112x128xf32, #tpu.memory_space<hbm>> -> memref<10112x128xf32, #tpu.memory_space<hbm>>
    tpu.wait_indirect_dma semaphore(%arg11 : memref<!tpu.dma_semaphore, #tpu.memory_space<semaphore_mem>>) src(%dma_wait3A_140 : memref<10112x128xf32, #tpu.memory_space<hbm>>) dst(%arg8 : memref<128x128xf32, #tpu.memory_space<vmem>>)
    %run_scoped3A = arith.constant 0 : i32
    %run_scoped3A_141 = arith.constant 0 : i32
    "tpu.region"() ({
      %run_scoped3A_197 = tpu.sem_alloc : memref<!tpu.dma_semaphore, #tpu.memory_space<semaphore_mem>>
      %dma_start3A_198 = arith.constant 0 : i32
      %dma_start3A_199 = tpu.memref_slice %arg7[%run_scoped3A, %run_scoped3A_141, %dma_start3A_198] : memref<2x1x128xi32, #tpu.memory_space<vmem>> -> memref<1x1x128xi32, #tpu.memory_space<vmem>>
      %dma_start3A_200 = tpu.memref_squeeze %dma_start3A_199 : memref<1x1x128xi32, #tpu.memory_space<vmem>> -> memref<128xi32, #tpu.memory_space<vmem>>
      %dma_start3A_201 = arith.constant 0 : i32
      %dma_start3A_202 = arith.constant 0 : i32
      %dma_start3A_203 = tpu.memref_slice %arg10[%dma_start3A_201, %dma_start3A_202] : memref<10112x128xf32, #tpu.memory_space<vmem_shared>> -> memref<10112x128xf32, #tpu.memory_space<vmem_shared>>
      tpu.enqueue_indirect_dma source(%arg8 : memref<128x128xf32, #tpu.memory_space<vmem>>) target(%dma_start3A_203 : memref<10112x128xf32, #tpu.memory_space<vmem_shared>>) offsets(%dma_start3A_200 : memref<128xi32, #tpu.memory_space<vmem>>) semaphore(%run_scoped3A_197 : memref<!tpu.dma_semaphore, #tpu.memory_space<semaphore_mem>>) {add = true}
      %dma_wait3A_204 = arith.constant 0 : i32
      %dma_wait3A_205 = tpu.memref_slice %arg7[%run_scoped3A, %run_scoped3A_141, %dma_wait3A_204] : memref<2x1x128xi32, #tpu.memory_space<vmem>> -> memref<1x1x128xi32, #tpu.memory_space<vmem>>
      %dma_wait3A_206 = tpu.memref_squeeze %dma_wait3A_205 : memref<1x1x128xi32, #tpu.memory_space<vmem>> -> memref<128xi32, #tpu.memory_space<vmem>>
      %dma_wait3A_207 = arith.constant 0 : i32
      %dma_wait3A_208 = arith.constant 0 : i32
      %dma_wait3A_209 = tpu.memref_slice %arg10[%dma_wait3A_207, %dma_wait3A_208] : memref<10112x128xf32, #tpu.memory_space<vmem_shared>> -> memref<10112x128xf32, #tpu.memory_space<vmem_shared>>
      tpu.wait_indirect_dma semaphore(%run_scoped3A_197 : memref<!tpu.dma_semaphore, #tpu.memory_space<semaphore_mem>>) src(%arg8 : memref<128x128xf32, #tpu.memory_space<vmem>>) dst(%dma_wait3A_209 : memref<10112x128xf32, #tpu.memory_space<vmem_shared>>)
      tpu.yield
    }) : () -> ()
    %dma_wait3A_142 = arith.constant 1 : i32
    %dma_wait3A_143 = arith.constant 0 : i32
    %dma_wait3A_144 = arith.constant 0 : i32
    %dma_wait3A_145 = tpu.memref_slice %arg6[%dma_wait3A_142, %dma_wait3A_143, %dma_wait3A_144] : memref<2x1x128xi32, #tpu.memory_space<vmem>> -> memref<1x1x128xi32, #tpu.memory_space<vmem>>
    %dma_wait3A_146 = tpu.memref_squeeze %dma_wait3A_145 : memref<1x1x128xi32, #tpu.memory_space<vmem>> -> memref<1x128xi32, #tpu.memory_space<vmem>>
    %dma_wait3A_147 = arith.constant 79 : i32
    %dma_wait3A_148 = arith.constant 0 : i32
    %dma_wait3A_149 = tpu.memref_slice %arg3[%add3A, %dma_wait3A_147, %dma_wait3A_148] : memref<32x80x128xi32, #tpu.memory_space<hbm>> -> memref<1x1x128xi32, #tpu.memory_space<hbm>>
    %dma_wait3A_150 = tpu.memref_squeeze %dma_wait3A_149 : memref<1x1x128xi32, #tpu.memory_space<hbm>> -> memref<1x128xi32, #tpu.memory_space<hbm>>
    %dma_wait3A_151 = arith.constant 0 : i32
    %dma_wait3A_152 = arith.constant 0 : i32
    %dma_wait3A_153 = tpu.memref_slice %arg6[%dma_wait3A_142, %dma_wait3A_151, %dma_wait3A_152] : memref<2x1x128xi32, #tpu.memory_space<vmem>> -> memref<1x1x128xi32, #tpu.memory_space<vmem>>
    %dma_wait3A_154 = tpu.memref_squeeze %dma_wait3A_153 : memref<1x1x128xi32, #tpu.memory_space<vmem>> -> memref<1x128xi32, #tpu.memory_space<vmem>>
    %dma_wait3A_155 = arith.constant 79 : i32
    %dma_wait3A_156 = arith.constant 0 : i32
    %dma_wait3A_157 = tpu.memref_slice %arg3[%add3A, %dma_wait3A_155, %dma_wait3A_156] : memref<32x80x128xi32, #tpu.memory_space<hbm>> -> memref<1x1x128xi32, #tpu.memory_space<hbm>>
    %dma_wait3A_158 = tpu.memref_squeeze %dma_wait3A_157 : memref<1x1x128xi32, #tpu.memory_space<hbm>> -> memref<1x128xi32, #tpu.memory_space<hbm>>
    tpu.wait_dma2 semaphore(%arg14 : memref<!tpu.dma_semaphore, #tpu.memory_space<semaphore_mem>>) src(%dma_wait3A_158 : memref<1x128xi32, #tpu.memory_space<hbm>>) dst(%dma_wait3A_154 : memref<1x128xi32, #tpu.memory_space<vmem>>)
    %dma_wait3A_159 = arith.constant 1 : i32
    %dma_wait3A_160 = arith.constant 0 : i32
    %dma_wait3A_161 = arith.constant 0 : i32
    %dma_wait3A_162 = tpu.memref_slice %arg7[%dma_wait3A_159, %dma_wait3A_160, %dma_wait3A_161] : memref<2x1x128xi32, #tpu.memory_space<vmem>> -> memref<1x1x128xi32, #tpu.memory_space<vmem>>
    %dma_wait3A_163 = tpu.memref_squeeze %dma_wait3A_162 : memref<1x1x128xi32, #tpu.memory_space<vmem>> -> memref<1x128xi32, #tpu.memory_space<vmem>>
    %dma_wait3A_164 = arith.constant 79 : i32
    %dma_wait3A_165 = arith.constant 0 : i32
    %dma_wait3A_166 = tpu.memref_slice %arg4[%add3A, %dma_wait3A_164, %dma_wait3A_165] : memref<32x80x128xi32, #tpu.memory_space<hbm>> -> memref<1x1x128xi32, #tpu.memory_space<hbm>>
    %dma_wait3A_167 = tpu.memref_squeeze %dma_wait3A_166 : memref<1x1x128xi32, #tpu.memory_space<hbm>> -> memref<1x128xi32, #tpu.memory_space<hbm>>
    %dma_wait3A_168 = arith.constant 0 : i32
    %dma_wait3A_169 = arith.constant 0 : i32
    %dma_wait3A_170 = tpu.memref_slice %arg7[%dma_wait3A_159, %dma_wait3A_168, %dma_wait3A_169] : memref<2x1x128xi32, #tpu.memory_space<vmem>> -> memref<1x1x128xi32, #tpu.memory_space<vmem>>
    %dma_wait3A_171 = tpu.memref_squeeze %dma_wait3A_170 : memref<1x1x128xi32, #tpu.memory_space<vmem>> -> memref<1x128xi32, #tpu.memory_space<vmem>>
    %dma_wait3A_172 = arith.constant 79 : i32
    %dma_wait3A_173 = arith.constant 0 : i32
    %dma_wait3A_174 = tpu.memref_slice %arg4[%add3A, %dma_wait3A_172, %dma_wait3A_173] : memref<32x80x128xi32, #tpu.memory_space<hbm>> -> memref<1x1x128xi32, #tpu.memory_space<hbm>>
    %dma_wait3A_175 = tpu.memref_squeeze %dma_wait3A_174 : memref<1x1x128xi32, #tpu.memory_space<hbm>> -> memref<1x128xi32, #tpu.memory_space<hbm>>
    tpu.wait_dma2 semaphore(%arg14 : memref<!tpu.dma_semaphore, #tpu.memory_space<semaphore_mem>>) src(%dma_wait3A_175 : memref<1x128xi32, #tpu.memory_space<hbm>>) dst(%dma_wait3A_171 : memref<1x128xi32, #tpu.memory_space<vmem>>)
    %barrier3A_176 = arith.constant 0 : index
    tpu.barrier barrier_id(%barrier3A_176)
    %add3A_177 = arith.constant 0 : i32
    %add3A_178 = arith.addi %mul3A_2, %add3A_177 : i32
    "tpu.region"() ({
      %run_scoped3A_197 = tpu.sem_alloc : memref<!tpu.dma_semaphore, #tpu.memory_space<semaphore_mem>>
      %dma_start3A_198 = arith.constant 0 : i32
      %dma_start3A_199 = arith.constant 0 : i32
      %dma_start3A_200 = tpu.memref_slice %arg8[%dma_start3A_198, %dma_start3A_199] : memref<128x128xf32, #tpu.memory_space<vmem>> -> memref<128x128xf32, #tpu.memory_space<vmem>>
      %dma_start3A_201 = arith.constant 0 : i32
      %dma_start3A_202 = tpu.memref_slice %arg10[%add3A_178, %dma_start3A_201] : memref<10112x128xf32, #tpu.memory_space<vmem_shared>> -> memref<128x128xf32, #tpu.memory_space<vmem_shared>>
      %dma_start3A_203 = arith.constant 0 : i32
      %dma_start3A_204 = arith.constant 0 : i32
      %dma_start3A_205 = tpu.memref_slice %arg8[%dma_start3A_203, %dma_start3A_204] : memref<128x128xf32, #tpu.memory_space<vmem>> -> memref<128x128xf32, #tpu.memory_space<vmem>>
      %dma_start3A_206 = arith.constant 0 : i32
      %dma_start3A_207 = tpu.memref_slice %arg10[%add3A_178, %dma_start3A_206] : memref<10112x128xf32, #tpu.memory_space<vmem_shared>> -> memref<128x128xf32, #tpu.memory_space<vmem_shared>>
      tpu.enqueue_dma source(%dma_start3A_207 : memref<128x128xf32, #tpu.memory_space<vmem_shared>>) target(%dma_start3A_205 : memref<128x128xf32, #tpu.memory_space<vmem>>) target_semaphore(%run_scoped3A_197 : memref<!tpu.dma_semaphore, #tpu.memory_space<semaphore_mem>>)
      %dma_wait3A_208 = arith.constant 0 : i32
      %dma_wait3A_209 = arith.constant 0 : i32
      %dma_wait3A_210 = tpu.memref_slice %arg8[%dma_wait3A_208, %dma_wait3A_209] : memref<128x128xf32, #tpu.memory_space<vmem>> -> memref<128x128xf32, #tpu.memory_space<vmem>>
      %dma_wait3A_211 = arith.constant 0 : i32
      %dma_wait3A_212 = tpu.memref_slice %arg10[%add3A_178, %dma_wait3A_211] : memref<10112x128xf32, #tpu.memory_space<vmem_shared>> -> memref<128x128xf32, #tpu.memory_space<vmem_shared>>
      %dma_wait3A_213 = arith.constant 0 : i32
      %dma_wait3A_214 = arith.constant 0 : i32
      %dma_wait3A_215 = tpu.memref_slice %arg8[%dma_wait3A_213, %dma_wait3A_214] : memref<128x128xf32, #tpu.memory_space<vmem>> -> memref<128x128xf32, #tpu.memory_space<vmem>>
      %dma_wait3A_216 = arith.constant 0 : i32
      %dma_wait3A_217 = tpu.memref_slice %arg10[%add3A_178, %dma_wait3A_216] : memref<10112x128xf32, #tpu.memory_space<vmem_shared>> -> memref<128x128xf32, #tpu.memory_space<vmem_shared>>
      tpu.wait_dma2 semaphore(%run_scoped3A_197 : memref<!tpu.dma_semaphore, #tpu.memory_space<semaphore_mem>>) src(%dma_wait3A_217 : memref<128x128xf32, #tpu.memory_space<vmem_shared>>) dst(%dma_wait3A_215 : memref<128x128xf32, #tpu.memory_space<vmem>>)
      tpu.yield
    }) : () -> ()
    %add3A_179 = arith.constant 0 : i32
    %add3A_180 = arith.addi %mul3A_2, %add3A_179 : i32
    "tpu.region"() ({
      %run_scoped3A_197 = tpu.sem_alloc : memref<!tpu.dma_semaphore, #tpu.memory_space<semaphore_mem>>
      %dma_start3A_198 = arith.constant 0 : i32
      %dma_start3A_199 = arith.constant 0 : i32
      %dma_start3A_200 = tpu.memref_slice %arg8[%dma_start3A_198, %dma_start3A_199] : memref<128x128xf32, #tpu.memory_space<vmem>> -> memref<128x128xf32, #tpu.memory_space<vmem>>
      %dma_start3A_201 = arith.constant 0 : i32
      %dma_start3A_202 = tpu.memref_slice %arg5[%arg0, %add3A_180, %dma_start3A_201] : memref<2x10112x128xf32, #tpu.memory_space<hbm>> -> memref<1x128x128xf32, #tpu.memory_space<hbm>>
      %dma_start3A_203 = tpu.memref_squeeze %dma_start3A_202 : memref<1x128x128xf32, #tpu.memory_space<hbm>> -> memref<128x128xf32, #tpu.memory_space<hbm>>
      %dma_start3A_204 = arith.constant 0 : i32
      %dma_start3A_205 = tpu.memref_slice %arg5[%arg0, %add3A_180, %dma_start3A_204] : memref<2x10112x128xf32, #tpu.memory_space<hbm>> -> memref<1x128x128xf32, #tpu.memory_space<hbm>>
      %dma_start3A_206 = tpu.memref_squeeze %dma_start3A_205 : memref<1x128x128xf32, #tpu.memory_space<hbm>> -> memref<128x128xf32, #tpu.memory_space<hbm>>
      %dma_start3A_207 = arith.constant 0 : i32
      %dma_start3A_208 = arith.constant 0 : i32
      %dma_start3A_209 = tpu.memref_slice %arg8[%dma_start3A_207, %dma_start3A_208] : memref<128x128xf32, #tpu.memory_space<vmem>> -> memref<128x128xf32, #tpu.memory_space<vmem>>
      tpu.enqueue_dma source(%dma_start3A_209 : memref<128x128xf32, #tpu.memory_space<vmem>>) target(%dma_start3A_206 : memref<128x128xf32, #tpu.memory_space<hbm>>) target_semaphore(%run_scoped3A_197 : memref<!tpu.dma_semaphore, #tpu.memory_space<semaphore_mem>>)
      %dma_wait3A_210 = arith.constant 0 : i32
      %dma_wait3A_211 = arith.constant 0 : i32
      %dma_wait3A_212 = tpu.memref_slice %arg8[%dma_wait3A_210, %dma_wait3A_211] : memref<128x128xf32, #tpu.memory_space<vmem>> -> memref<128x128xf32, #tpu.memory_space<vmem>>
      %dma_wait3A_213 = arith.constant 0 : i32
      %dma_wait3A_214 = tpu.memref_slice %arg5[%arg0, %add3A_180, %dma_wait3A_213] : memref<2x10112x128xf32, #tpu.memory_space<hbm>> -> memref<1x128x128xf32, #tpu.memory_space<hbm>>
      %dma_wait3A_215 = tpu.memref_squeeze %dma_wait3A_214 : memref<1x128x128xf32, #tpu.memory_space<hbm>> -> memref<128x128xf32, #tpu.memory_space<hbm>>
      %dma_wait3A_216 = arith.constant 0 : i32
      %dma_wait3A_217 = tpu.memref_slice %arg5[%arg0, %add3A_180, %dma_wait3A_216] : memref<2x10112x128xf32, #tpu.memory_space<hbm>> -> memref<1x128x128xf32, #tpu.memory_space<hbm>>
      %dma_wait3A_218 = tpu.memref_squeeze %dma_wait3A_217 : memref<1x128x128xf32, #tpu.memory_space<hbm>> -> memref<128x128xf32, #tpu.memory_space<hbm>>
      %dma_wait3A_219 = arith.constant 0 : i32
      %dma_wait3A_220 = arith.constant 0 : i32
      %dma_wait3A_221 = tpu.memref_slice %arg8[%dma_wait3A_219, %dma_wait3A_220] : memref<128x128xf32, #tpu.memory_space<vmem>> -> memref<128x128xf32, #tpu.memory_space<vmem>>
      tpu.wait_dma2 semaphore(%run_scoped3A_197 : memref<!tpu.dma_semaphore, #tpu.memory_space<semaphore_mem>>) src(%dma_wait3A_221 : memref<128x128xf32, #tpu.memory_space<vmem>>) dst(%dma_wait3A_218 : memref<128x128xf32, #tpu.memory_space<hbm>>)
      tpu.yield
    }) : () -> ()
    %add3A_181 = arith.constant 128 : i32
    %add3A_182 = arith.addi %mul3A_2, %add3A_181 : i32
    "tpu.region"() ({
      %run_scoped3A_197 = tpu.sem_alloc : memref<!tpu.dma_semaphore, #tpu.memory_space<semaphore_mem>>
      %dma_start3A_198 = arith.constant 0 : i32
      %dma_start3A_199 = arith.constant 0 : i32
      %dma_start3A_200 = tpu.memref_slice %arg8[%dma_start3A_198, %dma_start3A_199] : memref<128x128xf32, #tpu.memory_space<vmem>> -> memref<128x128xf32, #tpu.memory_space<vmem>>
      %dma_start3A_201 = arith.constant 0 : i32
      %dma_start3A_202 = tpu.memref_slice %arg10[%add3A_182, %dma_start3A_201] : memref<10112x128xf32, #tpu.memory_space<vmem_shared>> -> memref<128x128xf32, #tpu.memory_space<vmem_shared>>
      %dma_start3A_203 = arith.constant 0 : i32
      %dma_start3A_204 = arith.constant 0 : i32
      %dma_start3A_205 = tpu.memref_slice %arg8[%dma_start3A_203, %dma_start3A_204] : memref<128x128xf32, #tpu.memory_space<vmem>> -> memref<128x128xf32, #tpu.memory_space<vmem>>
      %dma_start3A_206 = arith.constant 0 : i32
      %dma_start3A_207 = tpu.memref_slice %arg10[%add3A_182, %dma_start3A_206] : memref<10112x128xf32, #tpu.memory_space<vmem_shared>> -> memref<128x128xf32, #tpu.memory_space<vmem_shared>>
      tpu.enqueue_dma source(%dma_start3A_207 : memref<128x128xf32, #tpu.memory_space<vmem_shared>>) target(%dma_start3A_205 : memref<128x128xf32, #tpu.memory_space<vmem>>) target_semaphore(%run_scoped3A_197 : memref<!tpu.dma_semaphore, #tpu.memory_space<semaphore_mem>>)
      %dma_wait3A_208 = arith.constant 0 : i32
      %dma_wait3A_209 = arith.constant 0 : i32
      %dma_wait3A_210 = tpu.memref_slice %arg8[%dma_wait3A_208, %dma_wait3A_209] : memref<128x128xf32, #tpu.memory_space<vmem>> -> memref<128x128xf32, #tpu.memory_space<vmem>>
      %dma_wait3A_211 = arith.constant 0 : i32
      %dma_wait3A_212 = tpu.memref_slice %arg10[%add3A_182, %dma_wait3A_211] : memref<10112x128xf32, #tpu.memory_space<vmem_shared>> -> memref<128x128xf32, #tpu.memory_space<vmem_shared>>
      %dma_wait3A_213 = arith.constant 0 : i32
      %dma_wait3A_214 = arith.constant 0 : i32
      %dma_wait3A_215 = tpu.memref_slice %arg8[%dma_wait3A_213, %dma_wait3A_214] : memref<128x128xf32, #tpu.memory_space<vmem>> -> memref<128x128xf32, #tpu.memory_space<vmem>>
      %dma_wait3A_216 = arith.constant 0 : i32
      %dma_wait3A_217 = tpu.memref_slice %arg10[%add3A_182, %dma_wait3A_216] : memref<10112x128xf32, #tpu.memory_space<vmem_shared>> -> memref<128x128xf32, #tpu.memory_space<vmem_shared>>
      tpu.wait_dma2 semaphore(%run_scoped3A_197 : memref<!tpu.dma_semaphore, #tpu.memory_space<semaphore_mem>>) src(%dma_wait3A_217 : memref<128x128xf32, #tpu.memory_space<vmem_shared>>) dst(%dma_wait3A_215 : memref<128x128xf32, #tpu.memory_space<vmem>>)
      tpu.yield
    }) : () -> ()
    %add3A_183 = arith.constant 128 : i32
    %add3A_184 = arith.addi %mul3A_2, %add3A_183 : i32
    "tpu.region"() ({
      %run_scoped3A_197 = tpu.sem_alloc : memref<!tpu.dma_semaphore, #tpu.memory_space<semaphore_mem>>
      %dma_start3A_198 = arith.constant 0 : i32
      %dma_start3A_199 = arith.constant 0 : i32
      %dma_start3A_200 = tpu.memref_slice %arg8[%dma_start3A_198, %dma_start3A_199] : memref<128x128xf32, #tpu.memory_space<vmem>> -> memref<128x128xf32, #tpu.memory_space<vmem>>
      %dma_start3A_201 = arith.constant 0 : i32
      %dma_start3A_202 = tpu.memref_slice %arg5[%arg0, %add3A_184, %dma_start3A_201] : memref<2x10112x128xf32, #tpu.memory_space<hbm>> -> memref<1x128x128xf32, #tpu.memory_space<hbm>>
      %dma_start3A_203 = tpu.memref_squeeze %dma_start3A_202 : memref<1x128x128xf32, #tpu.memory_space<hbm>> -> memref<128x128xf32, #tpu.memory_space<hbm>>
      %dma_start3A_204 = arith.constant 0 : i32
      %dma_start3A_205 = tpu.memref_slice %arg5[%arg0, %add3A_184, %dma_start3A_204] : memref<2x10112x128xf32, #tpu.memory_space<hbm>> -> memref<1x128x128xf32, #tpu.memory_space<hbm>>
      %dma_start3A_206 = tpu.memref_squeeze %dma_start3A_205 : memref<1x128x128xf32, #tpu.memory_space<hbm>> -> memref<128x128xf32, #tpu.memory_space<hbm>>
      %dma_start3A_207 = arith.constant 0 : i32
      %dma_start3A_208 = arith.constant 0 : i32
      %dma_start3A_209 = tpu.memref_slice %arg8[%dma_start3A_207, %dma_start3A_208] : memref<128x128xf32, #tpu.memory_space<vmem>> -> memref<128x128xf32, #tpu.memory_space<vmem>>
      tpu.enqueue_dma source(%dma_start3A_209 : memref<128x128xf32, #tpu.memory_space<vmem>>) target(%dma_start3A_206 : memref<128x128xf32, #tpu.memory_space<hbm>>) target_semaphore(%run_scoped3A_197 : memref<!tpu.dma_semaphore, #tpu.memory_space<semaphore_mem>>)
      %dma_wait3A_210 = arith.constant 0 : i32
      %dma_wait3A_211 = arith.constant 0 : i32
      %dma_wait3A_212 = tpu.memref_slice %arg8[%dma_wait3A_210, %dma_wait3A_211] : memref<128x128xf32, #tpu.memory_space<vmem>> -> memref<128x128xf32, #tpu.memory_space<vmem>>
      %dma_wait3A_213 = arith.constant 0 : i32
      %dma_wait3A_214 = tpu.memref_slice %arg5[%arg0, %add3A_184, %dma_wait3A_213] : memref<2x10112x128xf32, #tpu.memory_space<hbm>> -> memref<1x128x128xf32, #tpu.memory_space<hbm>>
      %dma_wait3A_215 = tpu.memref_squeeze %dma_wait3A_214 : memref<1x128x128xf32, #tpu.memory_space<hbm>> -> memref<128x128xf32, #tpu.memory_space<hbm>>
      %dma_wait3A_216 = arith.constant 0 : i32
      %dma_wait3A_217 = tpu.memref_slice %arg5[%arg0, %add3A_184, %dma_wait3A_216] : memref<2x10112x128xf32, #tpu.memory_space<hbm>> -> memref<1x128x128xf32, #tpu.memory_space<hbm>>
      %dma_wait3A_218 = tpu.memref_squeeze %dma_wait3A_217 : memref<1x128x128xf32, #tpu.memory_space<hbm>> -> memref<128x128xf32, #tpu.memory_space<hbm>>
      %dma_wait3A_219 = arith.constant 0 : i32
      %dma_wait3A_220 = arith.constant 0 : i32
      %dma_wait3A_221 = tpu.memref_slice %arg8[%dma_wait3A_219, %dma_wait3A_220] : memref<128x128xf32, #tpu.memory_space<vmem>> -> memref<128x128xf32, #tpu.memory_space<vmem>>
      tpu.wait_dma2 semaphore(%run_scoped3A_197 : memref<!tpu.dma_semaphore, #tpu.memory_space<semaphore_mem>>) src(%dma_wait3A_221 : memref<128x128xf32, #tpu.memory_space<vmem>>) dst(%dma_wait3A_218 : memref<128x128xf32, #tpu.memory_space<hbm>>)
      tpu.yield
    }) : () -> ()
    %add3A_185 = arith.constant 256 : i32
    %add3A_186 = arith.addi %mul3A_2, %add3A_185 : i32
    "tpu.region"() ({
      %run_scoped3A_197 = tpu.sem_alloc : memref<!tpu.dma_semaphore, #tpu.memory_space<semaphore_mem>>
      %dma_start3A_198 = arith.constant 0 : i32
      %dma_start3A_199 = arith.constant 0 : i32
      %dma_start3A_200 = tpu.memref_slice %arg8[%dma_start3A_198, %dma_start3A_199] : memref<128x128xf32, #tpu.memory_space<vmem>> -> memref<128x128xf32, #tpu.memory_space<vmem>>
      %dma_start3A_201 = arith.constant 0 : i32
      %dma_start3A_202 = tpu.memref_slice %arg10[%add3A_186, %dma_start3A_201] : memref<10112x128xf32, #tpu.memory_space<vmem_shared>> -> memref<128x128xf32, #tpu.memory_space<vmem_shared>>
      %dma_start3A_203 = arith.constant 0 : i32
      %dma_start3A_204 = arith.constant 0 : i32
      %dma_start3A_205 = tpu.memref_slice %arg8[%dma_start3A_203, %dma_start3A_204] : memref<128x128xf32, #tpu.memory_space<vmem>> -> memref<128x128xf32, #tpu.memory_space<vmem>>
      %dma_start3A_206 = arith.constant 0 : i32
      %dma_start3A_207 = tpu.memref_slice %arg10[%add3A_186, %dma_start3A_206] : memref<10112x128xf32, #tpu.memory_space<vmem_shared>> -> memref<128x128xf32, #tpu.memory_space<vmem_shared>>
      tpu.enqueue_dma source(%dma_start3A_207 : memref<128x128xf32, #tpu.memory_space<vmem_shared>>) target(%dma_start3A_205 : memref<128x128xf32, #tpu.memory_space<vmem>>) target_semaphore(%run_scoped3A_197 : memref<!tpu.dma_semaphore, #tpu.memory_space<semaphore_mem>>)
      %dma_wait3A_208 = arith.constant 0 : i32
      %dma_wait3A_209 = arith.constant 0 : i32
      %dma_wait3A_210 = tpu.memref_slice %arg8[%dma_wait3A_208, %dma_wait3A_209] : memref<128x128xf32, #tpu.memory_space<vmem>> -> memref<128x128xf32, #tpu.memory_space<vmem>>
      %dma_wait3A_211 = arith.constant 0 : i32
      %dma_wait3A_212 = tpu.memref_slice %arg10[%add3A_186, %dma_wait3A_211] : memref<10112x128xf32, #tpu.memory_space<vmem_shared>> -> memref<128x128xf32, #tpu.memory_space<vmem_shared>>
      %dma_wait3A_213 = arith.constant 0 : i32
      %dma_wait3A_214 = arith.constant 0 : i32
      %dma_wait3A_215 = tpu.memref_slice %arg8[%dma_wait3A_213, %dma_wait3A_214] : memref<128x128xf32, #tpu.memory_space<vmem>> -> memref<128x128xf32, #tpu.memory_space<vmem>>
      %dma_wait3A_216 = arith.constant 0 : i32
      %dma_wait3A_217 = tpu.memref_slice %arg10[%add3A_186, %dma_wait3A_216] : memref<10112x128xf32, #tpu.memory_space<vmem_shared>> -> memref<128x128xf32, #tpu.memory_space<vmem_shared>>
      tpu.wait_dma2 semaphore(%run_scoped3A_197 : memref<!tpu.dma_semaphore, #tpu.memory_space<semaphore_mem>>) src(%dma_wait3A_217 : memref<128x128xf32, #tpu.memory_space<vmem_shared>>) dst(%dma_wait3A_215 : memref<128x128xf32, #tpu.memory_space<vmem>>)
      tpu.yield
    }) : () -> ()
    %add3A_187 = arith.constant 256 : i32
    %add3A_188 = arith.addi %mul3A_2, %add3A_187 : i32
    "tpu.region"() ({
      %run_scoped3A_197 = tpu.sem_alloc : memref<!tpu.dma_semaphore, #tpu.memory_space<semaphore_mem>>
      %dma_start3A_198 = arith.constant 0 : i32
      %dma_start3A_199 = arith.constant 0 : i32
      %dma_start3A_200 = tpu.memref_slice %arg8[%dma_start3A_198, %dma_start3A_199] : memref<128x128xf32, #tpu.memory_space<vmem>> -> memref<128x128xf32, #tpu.memory_space<vmem>>
      %dma_start3A_201 = arith.constant 0 : i32
      %dma_start3A_202 = tpu.memref_slice %arg5[%arg0, %add3A_188, %dma_start3A_201] : memref<2x10112x128xf32, #tpu.memory_space<hbm>> -> memref<1x128x128xf32, #tpu.memory_space<hbm>>
      %dma_start3A_203 = tpu.memref_squeeze %dma_start3A_202 : memref<1x128x128xf32, #tpu.memory_space<hbm>> -> memref<128x128xf32, #tpu.memory_space<hbm>>
      %dma_start3A_204 = arith.constant 0 : i32
      %dma_start3A_205 = tpu.memref_slice %arg5[%arg0, %add3A_188, %dma_start3A_204] : memref<2x10112x128xf32, #tpu.memory_space<hbm>> -> memref<1x128x128xf32, #tpu.memory_space<hbm>>
      %dma_start3A_206 = tpu.memref_squeeze %dma_start3A_205 : memref<1x128x128xf32, #tpu.memory_space<hbm>> -> memref<128x128xf32, #tpu.memory_space<hbm>>
      %dma_start3A_207 = arith.constant 0 : i32
      %dma_start3A_208 = arith.constant 0 : i32
      %dma_start3A_209 = tpu.memref_slice %arg8[%dma_start3A_207, %dma_start3A_208] : memref<128x128xf32, #tpu.memory_space<vmem>> -> memref<128x128xf32, #tpu.memory_space<vmem>>
      tpu.enqueue_dma source(%dma_start3A_209 : memref<128x128xf32, #tpu.memory_space<vmem>>) target(%dma_start3A_206 : memref<128x128xf32, #tpu.memory_space<hbm>>) target_semaphore(%run_scoped3A_197 : memref<!tpu.dma_semaphore, #tpu.memory_space<semaphore_mem>>)
      %dma_wait3A_210 = arith.constant 0 : i32
      %dma_wait3A_211 = arith.constant 0 : i32
      %dma_wait3A_212 = tpu.memref_slice %arg8[%dma_wait3A_210, %dma_wait3A_211] : memref<128x128xf32, #tpu.memory_space<vmem>> -> memref<128x128xf32, #tpu.memory_space<vmem>>
      %dma_wait3A_213 = arith.constant 0 : i32
      %dma_wait3A_214 = tpu.memref_slice %arg5[%arg0, %add3A_188, %dma_wait3A_213] : memref<2x10112x128xf32, #tpu.memory_space<hbm>> -> memref<1x128x128xf32, #tpu.memory_space<hbm>>
      %dma_wait3A_215 = tpu.memref_squeeze %dma_wait3A_214 : memref<1x128x128xf32, #tpu.memory_space<hbm>> -> memref<128x128xf32, #tpu.memory_space<hbm>>
      %dma_wait3A_216 = arith.constant 0 : i32
      %dma_wait3A_217 = tpu.memref_slice %arg5[%arg0, %add3A_188, %dma_wait3A_216] : memref<2x10112x128xf32, #tpu.memory_space<hbm>> -> memref<1x128x128xf32, #tpu.memory_space<hbm>>
      %dma_wait3A_218 = tpu.memref_squeeze %dma_wait3A_217 : memref<1x128x128xf32, #tpu.memory_space<hbm>> -> memref<128x128xf32, #tpu.memory_space<hbm>>
      %dma_wait3A_219 = arith.constant 0 : i32
      %dma_wait3A_220 = arith.constant 0 : i32
      %dma_wait3A_221 = tpu.memref_slice %arg8[%dma_wait3A_219, %dma_wait3A_220] : memref<128x128xf32, #tpu.memory_space<vmem>> -> memref<128x128xf32, #tpu.memory_space<vmem>>
      tpu.wait_dma2 semaphore(%run_scoped3A_197 : memref<!tpu.dma_semaphore, #tpu.memory_space<semaphore_mem>>) src(%dma_wait3A_221 : memref<128x128xf32, #tpu.memory_space<vmem>>) dst(%dma_wait3A_218 : memref<128x128xf32, #tpu.memory_space<hbm>>)
      tpu.yield
    }) : () -> ()
    %add3A_189 = arith.constant 384 : i32
    %add3A_190 = arith.addi %mul3A_2, %add3A_189 : i32
    "tpu.region"() ({
      %run_scoped3A_197 = tpu.sem_alloc : memref<!tpu.dma_semaphore, #tpu.memory_space<semaphore_mem>>
      %dma_start3A_198 = arith.constant 0 : i32
      %dma_start3A_199 = arith.constant 0 : i32
      %dma_start3A_200 = tpu.memref_slice %arg8[%dma_start3A_198, %dma_start3A_199] : memref<128x128xf32, #tpu.memory_space<vmem>> -> memref<128x128xf32, #tpu.memory_space<vmem>>
      %dma_start3A_201 = arith.constant 0 : i32
      %dma_start3A_202 = tpu.memref_slice %arg10[%add3A_190, %dma_start3A_201] : memref<10112x128xf32, #tpu.memory_space<vmem_shared>> -> memref<128x128xf32, #tpu.memory_space<vmem_shared>>
      %dma_start3A_203 = arith.constant 0 : i32
      %dma_start3A_204 = arith.constant 0 : i32
      %dma_start3A_205 = tpu.memref_slice %arg8[%dma_start3A_203, %dma_start3A_204] : memref<128x128xf32, #tpu.memory_space<vmem>> -> memref<128x128xf32, #tpu.memory_space<vmem>>
      %dma_start3A_206 = arith.constant 0 : i32
      %dma_start3A_207 = tpu.memref_slice %arg10[%add3A_190, %dma_start3A_206] : memref<10112x128xf32, #tpu.memory_space<vmem_shared>> -> memref<128x128xf32, #tpu.memory_space<vmem_shared>>
      tpu.enqueue_dma source(%dma_start3A_207 : memref<128x128xf32, #tpu.memory_space<vmem_shared>>) target(%dma_start3A_205 : memref<128x128xf32, #tpu.memory_space<vmem>>) target_semaphore(%run_scoped3A_197 : memref<!tpu.dma_semaphore, #tpu.memory_space<semaphore_mem>>)
      %dma_wait3A_208 = arith.constant 0 : i32
      %dma_wait3A_209 = arith.constant 0 : i32
      %dma_wait3A_210 = tpu.memref_slice %arg8[%dma_wait3A_208, %dma_wait3A_209] : memref<128x128xf32, #tpu.memory_space<vmem>> -> memref<128x128xf32, #tpu.memory_space<vmem>>
      %dma_wait3A_211 = arith.constant 0 : i32
      %dma_wait3A_212 = tpu.memref_slice %arg10[%add3A_190, %dma_wait3A_211] : memref<10112x128xf32, #tpu.memory_space<vmem_shared>> -> memref<128x128xf32, #tpu.memory_space<vmem_shared>>
      %dma_wait3A_213 = arith.constant 0 : i32
      %dma_wait3A_214 = arith.constant 0 : i32
      %dma_wait3A_215 = tpu.memref_slice %arg8[%dma_wait3A_213, %dma_wait3A_214] : memref<128x128xf32, #tpu.memory_space<vmem>> -> memref<128x128xf32, #tpu.memory_space<vmem>>
      %dma_wait3A_216 = arith.constant 0 : i32
      %dma_wait3A_217 = tpu.memref_slice %arg10[%add3A_190, %dma_wait3A_216] : memref<10112x128xf32, #tpu.memory_space<vmem_shared>> -> memref<128x128xf32, #tpu.memory_space<vmem_shared>>
      tpu.wait_dma2 semaphore(%run_scoped3A_197 : memref<!tpu.dma_semaphore, #tpu.memory_space<semaphore_mem>>) src(%dma_wait3A_217 : memref<128x128xf32, #tpu.memory_space<vmem_shared>>) dst(%dma_wait3A_215 : memref<128x128xf32, #tpu.memory_space<vmem>>)
      tpu.yield
    }) : () -> ()
    %add3A_191 = arith.constant 384 : i32
    %add3A_192 = arith.addi %mul3A_2, %add3A_191 : i32
    "tpu.region"() ({
      %run_scoped3A_197 = tpu.sem_alloc : memref<!tpu.dma_semaphore, #tpu.memory_space<semaphore_mem>>
      %dma_start3A_198 = arith.constant 0 : i32
      %dma_start3A_199 = arith.constant 0 : i32
      %dma_start3A_200 = tpu.memref_slice %arg8[%dma_start3A_198, %dma_start3A_199] : memref<128x128xf32, #tpu.memory_space<vmem>> -> memref<128x128xf32, #tpu.memory_space<vmem>>
      %dma_start3A_201 = arith.constant 0 : i32
      %dma_start3A_202 = tpu.memref_slice %arg5[%arg0, %add3A_192, %dma_start3A_201] : memref<2x10112x128xf32, #tpu.memory_space<hbm>> -> memref<1x128x128xf32, #tpu.memory_space<hbm>>
      %dma_start3A_203 = tpu.memref_squeeze %dma_start3A_202 : memref<1x128x128xf32, #tpu.memory_space<hbm>> -> memref<128x128xf32, #tpu.memory_space<hbm>>
      %dma_start3A_204 = arith.constant 0 : i32
      %dma_start3A_205 = tpu.memref_slice %arg5[%arg0, %add3A_192, %dma_start3A_204] : memref<2x10112x128xf32, #tpu.memory_space<hbm>> -> memref<1x128x128xf32, #tpu.memory_space<hbm>>
      %dma_start3A_206 = tpu.memref_squeeze %dma_start3A_205 : memref<1x128x128xf32, #tpu.memory_space<hbm>> -> memref<128x128xf32, #tpu.memory_space<hbm>>
      %dma_start3A_207 = arith.constant 0 : i32
      %dma_start3A_208 = arith.constant 0 : i32
      %dma_start3A_209 = tpu.memref_slice %arg8[%dma_start3A_207, %dma_start3A_208] : memref<128x128xf32, #tpu.memory_space<vmem>> -> memref<128x128xf32, #tpu.memory_space<vmem>>
      tpu.enqueue_dma source(%dma_start3A_209 : memref<128x128xf32, #tpu.memory_space<vmem>>) target(%dma_start3A_206 : memref<128x128xf32, #tpu.memory_space<hbm>>) target_semaphore(%run_scoped3A_197 : memref<!tpu.dma_semaphore, #tpu.memory_space<semaphore_mem>>)
      %dma_wait3A_210 = arith.constant 0 : i32
      %dma_wait3A_211 = arith.constant 0 : i32
      %dma_wait3A_212 = tpu.memref_slice %arg8[%dma_wait3A_210, %dma_wait3A_211] : memref<128x128xf32, #tpu.memory_space<vmem>> -> memref<128x128xf32, #tpu.memory_space<vmem>>
      %dma_wait3A_213 = arith.constant 0 : i32
      %dma_wait3A_214 = tpu.memref_slice %arg5[%arg0, %add3A_192, %dma_wait3A_213] : memref<2x10112x128xf32, #tpu.memory_space<hbm>> -> memref<1x128x128xf32, #tpu.memory_space<hbm>>
      %dma_wait3A_215 = tpu.memref_squeeze %dma_wait3A_214 : memref<1x128x128xf32, #tpu.memory_space<hbm>> -> memref<128x128xf32, #tpu.memory_space<hbm>>
      %dma_wait3A_216 = arith.constant 0 : i32
      %dma_wait3A_217 = tpu.memref_slice %arg5[%arg0, %add3A_192, %dma_wait3A_216] : memref<2x10112x128xf32, #tpu.memory_space<hbm>> -> memref<1x128x128xf32, #tpu.memory_space<hbm>>
      %dma_wait3A_218 = tpu.memref_squeeze %dma_wait3A_217 : memref<1x128x128xf32, #tpu.memory_space<hbm>> -> memref<128x128xf32, #tpu.memory_space<hbm>>
      %dma_wait3A_219 = arith.constant 0 : i32
      %dma_wait3A_220 = arith.constant 0 : i32
      %dma_wait3A_221 = tpu.memref_slice %arg8[%dma_wait3A_219, %dma_wait3A_220] : memref<128x128xf32, #tpu.memory_space<vmem>> -> memref<128x128xf32, #tpu.memory_space<vmem>>
      tpu.wait_dma2 semaphore(%run_scoped3A_197 : memref<!tpu.dma_semaphore, #tpu.memory_space<semaphore_mem>>) src(%dma_wait3A_221 : memref<128x128xf32, #tpu.memory_space<vmem>>) dst(%dma_wait3A_218 : memref<128x128xf32, #tpu.memory_space<hbm>>)
      tpu.yield
    }) : () -> ()
    %add3A_193 = arith.constant 512 : i32
    %add3A_194 = arith.addi %mul3A_2, %add3A_193 : i32
    "tpu.region"() ({
      %run_scoped3A_197 = tpu.sem_alloc : memref<!tpu.dma_semaphore, #tpu.memory_space<semaphore_mem>>
      %dma_start3A_198 = arith.constant 0 : i32
      %dma_start3A_199 = arith.constant 0 : i32
      %dma_start3A_200 = tpu.memref_slice %arg8[%dma_start3A_198, %dma_start3A_199] : memref<128x128xf32, #tpu.memory_space<vmem>> -> memref<120x128xf32, #tpu.memory_space<vmem>>
      %dma_start3A_201 = arith.constant 0 : i32
      %dma_start3A_202 = tpu.memref_slice %arg10[%add3A_194, %dma_start3A_201] : memref<10112x128xf32, #tpu.memory_space<vmem_shared>> -> memref<120x128xf32, #tpu.memory_space<vmem_shared>>
      %dma_start3A_203 = arith.constant 0 : i32
      %dma_start3A_204 = arith.constant 0 : i32
      %dma_start3A_205 = tpu.memref_slice %arg8[%dma_start3A_203, %dma_start3A_204] : memref<128x128xf32, #tpu.memory_space<vmem>> -> memref<120x128xf32, #tpu.memory_space<vmem>>
      %dma_start3A_206 = arith.constant 0 : i32
      %dma_start3A_207 = tpu.memref_slice %arg10[%add3A_194, %dma_start3A_206] : memref<10112x128xf32, #tpu.memory_space<vmem_shared>> -> memref<120x128xf32, #tpu.memory_space<vmem_shared>>
      tpu.enqueue_dma source(%dma_start3A_207 : memref<120x128xf32, #tpu.memory_space<vmem_shared>>) target(%dma_start3A_205 : memref<120x128xf32, #tpu.memory_space<vmem>>) target_semaphore(%run_scoped3A_197 : memref<!tpu.dma_semaphore, #tpu.memory_space<semaphore_mem>>)
      %dma_wait3A_208 = arith.constant 0 : i32
      %dma_wait3A_209 = arith.constant 0 : i32
      %dma_wait3A_210 = tpu.memref_slice %arg8[%dma_wait3A_208, %dma_wait3A_209] : memref<128x128xf32, #tpu.memory_space<vmem>> -> memref<120x128xf32, #tpu.memory_space<vmem>>
      %dma_wait3A_211 = arith.constant 0 : i32
      %dma_wait3A_212 = tpu.memref_slice %arg10[%add3A_194, %dma_wait3A_211] : memref<10112x128xf32, #tpu.memory_space<vmem_shared>> -> memref<120x128xf32, #tpu.memory_space<vmem_shared>>
      %dma_wait3A_213 = arith.constant 0 : i32
      %dma_wait3A_214 = arith.constant 0 : i32
      %dma_wait3A_215 = tpu.memref_slice %arg8[%dma_wait3A_213, %dma_wait3A_214] : memref<128x128xf32, #tpu.memory_space<vmem>> -> memref<120x128xf32, #tpu.memory_space<vmem>>
      %dma_wait3A_216 = arith.constant 0 : i32
      %dma_wait3A_217 = tpu.memref_slice %arg10[%add3A_194, %dma_wait3A_216] : memref<10112x128xf32, #tpu.memory_space<vmem_shared>> -> memref<120x128xf32, #tpu.memory_space<vmem_shared>>
      tpu.wait_dma2 semaphore(%run_scoped3A_197 : memref<!tpu.dma_semaphore, #tpu.memory_space<semaphore_mem>>) src(%dma_wait3A_217 : memref<120x128xf32, #tpu.memory_space<vmem_shared>>) dst(%dma_wait3A_215 : memref<120x128xf32, #tpu.memory_space<vmem>>)
      tpu.yield
    }) : () -> ()
    %add3A_195 = arith.constant 512 : i32
    %add3A_196 = arith.addi %mul3A_2, %add3A_195 : i32
    "tpu.region"() ({
      %run_scoped3A_197 = tpu.sem_alloc : memref<!tpu.dma_semaphore, #tpu.memory_space<semaphore_mem>>
      %dma_start3A_198 = arith.constant 0 : i32
      %dma_start3A_199 = arith.constant 0 : i32
      %dma_start3A_200 = tpu.memref_slice %arg8[%dma_start3A_198, %dma_start3A_199] : memref<128x128xf32, #tpu.memory_space<vmem>> -> memref<120x128xf32, #tpu.memory_space<vmem>>
      %dma_start3A_201 = arith.constant 0 : i32
      %dma_start3A_202 = tpu.memref_slice %arg5[%arg0, %add3A_196, %dma_start3A_201] : memref<2x10112x128xf32, #tpu.memory_space<hbm>> -> memref<1x120x128xf32, #tpu.memory_space<hbm>>
      %dma_start3A_203 = tpu.memref_squeeze %dma_start3A_202 : memref<1x120x128xf32, #tpu.memory_space<hbm>> -> memref<120x128xf32, #tpu.memory_space<hbm>>
      %dma_start3A_204 = arith.constant 0 : i32
      %dma_start3A_205 = tpu.memref_slice %arg5[%arg0, %add3A_196, %dma_start3A_204] : memref<2x10112x128xf32, #tpu.memory_space<hbm>> -> memref<1x120x128xf32, #tpu.memory_space<hbm>>
      %dma_start3A_206 = tpu.memref_squeeze %dma_start3A_205 : memref<1x120x128xf32, #tpu.memory_space<hbm>> -> memref<120x128xf32, #tpu.memory_space<hbm>>
      %dma_start3A_207 = arith.constant 0 : i32
      %dma_start3A_208 = arith.constant 0 : i32
      %dma_start3A_209 = tpu.memref_slice %arg8[%dma_start3A_207, %dma_start3A_208] : memref<128x128xf32, #tpu.memory_space<vmem>> -> memref<120x128xf32, #tpu.memory_space<vmem>>
      tpu.enqueue_dma source(%dma_start3A_209 : memref<120x128xf32, #tpu.memory_space<vmem>>) target(%dma_start3A_206 : memref<120x128xf32, #tpu.memory_space<hbm>>) target_semaphore(%run_scoped3A_197 : memref<!tpu.dma_semaphore, #tpu.memory_space<semaphore_mem>>)
      %dma_wait3A_210 = arith.constant 0 : i32
      %dma_wait3A_211 = arith.constant 0 : i32
      %dma_wait3A_212 = tpu.memref_slice %arg8[%dma_wait3A_210, %dma_wait3A_211] : memref<128x128xf32, #tpu.memory_space<vmem>> -> memref<120x128xf32, #tpu.memory_space<vmem>>
      %dma_wait3A_213 = arith.constant 0 : i32
      %dma_wait3A_214 = tpu.memref_slice %arg5[%arg0, %add3A_196, %dma_wait3A_213] : memref<2x10112x128xf32, #tpu.memory_space<hbm>> -> memref<1x120x128xf32, #tpu.memory_space<hbm>>
      %dma_wait3A_215 = tpu.memref_squeeze %dma_wait3A_214 : memref<1x120x128xf32, #tpu.memory_space<hbm>> -> memref<120x128xf32, #tpu.memory_space<hbm>>
      %dma_wait3A_216 = arith.constant 0 : i32
      %dma_wait3A_217 = tpu.memref_slice %arg5[%arg0, %add3A_196, %dma_wait3A_216] : memref<2x10112x128xf32, #tpu.memory_space<hbm>> -> memref<1x120x128xf32, #tpu.memory_space<hbm>>
      %dma_wait3A_218 = tpu.memref_squeeze %dma_wait3A_217 : memref<1x120x128xf32, #tpu.memory_space<hbm>> -> memref<120x128xf32, #tpu.memory_space<hbm>>
      %dma_wait3A_219 = arith.constant 0 : i32
      %dma_wait3A_220 = arith.constant 0 : i32
      %dma_wait3A_221 = tpu.memref_slice %arg8[%dma_wait3A_219, %dma_wait3A_220] : memref<128x128xf32, #tpu.memory_space<vmem>> -> memref<120x128xf32, #tpu.memory_space<vmem>>
      tpu.wait_dma2 semaphore(%run_scoped3A_197 : memref<!tpu.dma_semaphore, #tpu.memory_space<semaphore_mem>>) src(%dma_wait3A_221 : memref<120x128xf32, #tpu.memory_space<vmem>>) dst(%dma_wait3A_218 : memref<120x128xf32, #tpu.memory_space<hbm>>)
      tpu.yield
    }) : () -> ()
    return
  }
}

#map = affine_map<(d0, d1) -> (0, 0, 0)>
module attributes {stable_mosaic.version = 14 : i64} {
  func.func @body(%arg0: i32, %arg1: i32, %arg2: memref<32x80x128xi32, #tpu.memory_space<hbm>>, %arg3: memref<2x10112x128xf32, #tpu.memory_space<hbm>>, %arg4: memref<2x1x128xi32, #tpu.memory_space<vmem>>, %arg5: memref<128x128xf32, #tpu.memory_space<vmem>>, %arg6: memref<10112x128xf32, #tpu.memory_space<vmem_shared>>, %arg7: memref<!tpu.dma_semaphore, #tpu.memory_space<semaphore_mem>>) attributes {dimension_semantics = [#tpu.dimension_semantics<core_parallel>, #tpu.dimension_semantics<subcore_parallel>], iteration_bounds = array<i64: 2, 16>, scalar_prefetch = 0 : i64, scratch_operands = 4 : i64, tpu.core_type = #tpu.core_type<sc_vector_subcore>, window_params = [{transform_indices = #map}, {transform_indices = #map}]} {
    %mul3A = arith.constant 16 : i32
    %mul3A_0 = arith.muli %arg0, %mul3A : i32
    %add3A = arith.addi %mul3A_0, %arg1 : i32
    %mul3A_1 = arith.constant 632 : i32
    %mul3A_2 = arith.muli %arg1, %mul3A_1 : i32
    %broadcast_in_dim3A = arith.constant 0.000000e+00 : f32
    %broadcast_in_dim3A_3 = vector.broadcast %broadcast_in_dim3A : f32 to vector<16xf32>
    %scan3A = arith.constant 0 : i32
    %scan3A_4 = arith.constant 0 : i32
    %scan3A_5 = arith.constant 1024 : i32
    %scan3A_6 = arith.addi %scan3A_4, %scan3A_5 : i32
    %scan3A_7 = arith.constant 1 : i32
    scf.for %scan3A_87 = %scan3A_4 to %scan3A_6 step %scan3A_7  : i32 {
      %jit3A = arith.constant 8 : i32
      %div3A = arith.divsi %scan3A_87, %jit3A : i32
      %sign3A = arith.constant 0 : i32
      %sign3A_88 = arith.cmpi sgt, %scan3A_87, %sign3A : i32
      %sign3A_89 = arith.extui %sign3A_88 : i1 to i32
      %sign3A_90 = arith.constant 0 : i32
      %sign3A_91 = arith.cmpi slt, %scan3A_87, %sign3A_90 : i32
      %sign3A_92 = arith.extui %sign3A_91 : i1 to i32
      %sign3A_93 = arith.subi %sign3A_89, %sign3A_92 : i32
      %sign3A_94 = arith.constant 0 : i32
      %sign3A_95 = arith.cmpi sgt, %jit3A, %sign3A_94 : i32
      %sign3A_96 = arith.extui %sign3A_95 : i1 to i32
      %sign3A_97 = arith.constant 0 : i32
      %sign3A_98 = arith.cmpi slt, %jit3A, %sign3A_97 : i32
      %sign3A_99 = arith.extui %sign3A_98 : i1 to i32
      %sign3A_100 = arith.subi %sign3A_96, %sign3A_99 : i32
      %ne3A = arith.cmpi ne, %sign3A_93, %sign3A_100 : i32
      %rem3A = arith.remsi %scan3A_87, %jit3A : i32
      %ne3A_101 = arith.constant 0 : i32
      %ne3A_102 = arith.cmpi ne, %rem3A, %ne3A_101 : i32
      %and3A = arith.andi %ne3A, %ne3A_102 : i1
      %sub3A = arith.constant 1 : i32
      %sub3A_103 = arith.subi %div3A, %sub3A : i32
      %select_n3A = arith.select %and3A, %sub3A_103, %div3A : i32
      %jit3A_104 = arith.constant 8 : i32
      %eq3A = arith.constant 0 : i32
      %eq3A_105 = arith.cmpi eq, %jit3A_104, %eq3A : i32
      %jit3A_106 = arith.constant 1 : i32
      %select_n3A_107 = arith.select %eq3A_105, %jit3A_106, %jit3A_104 : i32
      %rem3A_108 = arith.remsi %scan3A_87, %select_n3A_107 : i32
      %ne3A_109 = arith.constant 0 : i32
      %ne3A_110 = arith.cmpi ne, %rem3A_108, %ne3A_109 : i32
      %lt3A = arith.constant 0 : i32
      %lt3A_111 = arith.cmpi slt, %rem3A_108, %lt3A : i32
      %lt3A_112 = arith.constant 0 : i32
      %lt3A_113 = arith.cmpi slt, %select_n3A_107, %lt3A_112 : i32
      %ne3A_114 = arith.xori %lt3A_111, %lt3A_113 : i1
      %and3A_115 = arith.andi %ne3A_114, %ne3A_110 : i1
      %add3A_116 = arith.addi %rem3A_108, %select_n3A_107 : i32
      %select_n3A_117 = arith.select %and3A_115, %add3A_116, %rem3A_108 : i32
      %mul3A_118 = arith.constant 16 : i32
      %mul3A_119 = arith.muli %select_n3A_117, %mul3A_118 : i32
      %swap3A = arith.index_cast %select_n3A : i32 to index
      %swap3A_120 = arith.index_cast %mul3A_119 : i32 to index
      %swap3A_121 = tpu.vector_load %arg5[%swap3A, %swap3A_120] {strides = array<i32>} : memref<128x128xf32, #tpu.memory_space<vmem>>, vector<1x16xf32>,
      %swap3A_122 = vector.shape_cast %swap3A_121 : vector<1x16xf32> to vector<16xf32>
      %swap3A_123 = vector.shape_cast %broadcast_in_dim3A_3 : vector<16xf32> to vector<1x16xf32>
      tpu.vector_store %arg5[%swap3A, %swap3A_120], %swap3A_123 {strides = array<i32>} : memref<128x128xf32, #tpu.memory_space<vmem>>, vector<1x16xf32>,
    }
    %scan3A_8 = arith.constant 1024 : i32
    %add3A_9 = arith.constant 0 : i32
    %add3A_10 = arith.addi %mul3A_2, %add3A_9 : i32
    "tpu.region"() ({
      %run_scoped3A_87 = tpu.sem_alloc : memref<!tpu.dma_semaphore, #tpu.memory_space<semaphore_mem>>
      %dma_start3A_88 = arith.constant 0 : i32
      %dma_start3A_89 = arith.constant 0 : i32
      %dma_start3A_90 = tpu.memref_slice %arg5[%dma_start3A_88, %dma_start3A_89] : memref<128x128xf32, #tpu.memory_space<vmem>> -> memref<128x128xf32, #tpu.memory_space<vmem>>
      %dma_start3A_91 = arith.constant 0 : i32
      %dma_start3A_92 = tpu.memref_slice %arg6[%add3A_10, %dma_start3A_91] : memref<10112x128xf32, #tpu.memory_space<vmem_shared>> -> memref<128x128xf32, #tpu.memory_space<vmem_shared>>
      %dma_start3A_93 = arith.constant 0 : i32
      %dma_start3A_94 = tpu.memref_slice %arg6[%add3A_10, %dma_start3A_93] : memref<10112x128xf32, #tpu.memory_space<vmem_shared>> -> memref<128x128xf32, #tpu.memory_space<vmem_shared>>
      %dma_start3A_95 = arith.constant 0 : i32
      %dma_start3A_96 = arith.constant 0 : i32
      %dma_start3A_97 = tpu.memref_slice %arg5[%dma_start3A_95, %dma_start3A_96] : memref<128x128xf32, #tpu.memory_space<vmem>> -> memref<128x128xf32, #tpu.memory_space<vmem>>
      tpu.enqueue_dma source(%dma_start3A_97 : memref<128x128xf32, #tpu.memory_space<vmem>>) target(%dma_start3A_94 : memref<128x128xf32, #tpu.memory_space<vmem_shared>>) target_semaphore(%run_scoped3A_87 : memref<!tpu.dma_semaphore, #tpu.memory_space<semaphore_mem>>)
      %dma_wait3A_98 = arith.constant 0 : i32
      %dma_wait3A_99 = arith.constant 0 : i32
      %dma_wait3A_100 = tpu.memref_slice %arg5[%dma_wait3A_98, %dma_wait3A_99] : memref<128x128xf32, #tpu.memory_space<vmem>> -> memref<128x128xf32, #tpu.memory_space<vmem>>
      %dma_wait3A_101 = arith.constant 0 : i32
      %dma_wait3A_102 = tpu.memref_slice %arg6[%add3A_10, %dma_wait3A_101] : memref<10112x128xf32, #tpu.memory_space<vmem_shared>> -> memref<128x128xf32, #tpu.memory_space<vmem_shared>>
      %dma_wait3A_103 = arith.constant 0 : i32
      %dma_wait3A_104 = tpu.memref_slice %arg6[%add3A_10, %dma_wait3A_103] : memref<10112x128xf32, #tpu.memory_space<vmem_shared>> -> memref<128x128xf32, #tpu.memory_space<vmem_shared>>
      %dma_wait3A_105 = arith.constant 0 : i32
      %dma_wait3A_106 = arith.constant 0 : i32
      %dma_wait3A_107 = tpu.memref_slice %arg5[%dma_wait3A_105, %dma_wait3A_106] : memref<128x128xf32, #tpu.memory_space<vmem>> -> memref<128x128xf32, #tpu.memory_space<vmem>>
      tpu.wait_dma2 semaphore(%run_scoped3A_87 : memref<!tpu.dma_semaphore, #tpu.memory_space<semaphore_mem>>) src(%dma_wait3A_107 : memref<128x128xf32, #tpu.memory_space<vmem>>) dst(%dma_wait3A_104 : memref<128x128xf32, #tpu.memory_space<vmem_shared>>)
      tpu.yield
    }) : () -> ()
    %add3A_11 = arith.constant 128 : i32
    %add3A_12 = arith.addi %mul3A_2, %add3A_11 : i32
    "tpu.region"() ({
      %run_scoped3A_87 = tpu.sem_alloc : memref<!tpu.dma_semaphore, #tpu.memory_space<semaphore_mem>>
      %dma_start3A_88 = arith.constant 0 : i32
      %dma_start3A_89 = arith.constant 0 : i32
      %dma_start3A_90 = tpu.memref_slice %arg5[%dma_start3A_88, %dma_start3A_89] : memref<128x128xf32, #tpu.memory_space<vmem>> -> memref<128x128xf32, #tpu.memory_space<vmem>>
      %dma_start3A_91 = arith.constant 0 : i32
      %dma_start3A_92 = tpu.memref_slice %arg6[%add3A_12, %dma_start3A_91] : memref<10112x128xf32, #tpu.memory_space<vmem_shared>> -> memref<128x128xf32, #tpu.memory_space<vmem_shared>>
      %dma_start3A_93 = arith.constant 0 : i32
      %dma_start3A_94 = tpu.memref_slice %arg6[%add3A_12, %dma_start3A_93] : memref<10112x128xf32, #tpu.memory_space<vmem_shared>> -> memref<128x128xf32, #tpu.memory_space<vmem_shared>>
      %dma_start3A_95 = arith.constant 0 : i32
      %dma_start3A_96 = arith.constant 0 : i32
      %dma_start3A_97 = tpu.memref_slice %arg5[%dma_start3A_95, %dma_start3A_96] : memref<128x128xf32, #tpu.memory_space<vmem>> -> memref<128x128xf32, #tpu.memory_space<vmem>>
      tpu.enqueue_dma source(%dma_start3A_97 : memref<128x128xf32, #tpu.memory_space<vmem>>) target(%dma_start3A_94 : memref<128x128xf32, #tpu.memory_space<vmem_shared>>) target_semaphore(%run_scoped3A_87 : memref<!tpu.dma_semaphore, #tpu.memory_space<semaphore_mem>>)
      %dma_wait3A_98 = arith.constant 0 : i32
      %dma_wait3A_99 = arith.constant 0 : i32
      %dma_wait3A_100 = tpu.memref_slice %arg5[%dma_wait3A_98, %dma_wait3A_99] : memref<128x128xf32, #tpu.memory_space<vmem>> -> memref<128x128xf32, #tpu.memory_space<vmem>>
      %dma_wait3A_101 = arith.constant 0 : i32
      %dma_wait3A_102 = tpu.memref_slice %arg6[%add3A_12, %dma_wait3A_101] : memref<10112x128xf32, #tpu.memory_space<vmem_shared>> -> memref<128x128xf32, #tpu.memory_space<vmem_shared>>
      %dma_wait3A_103 = arith.constant 0 : i32
      %dma_wait3A_104 = tpu.memref_slice %arg6[%add3A_12, %dma_wait3A_103] : memref<10112x128xf32, #tpu.memory_space<vmem_shared>> -> memref<128x128xf32, #tpu.memory_space<vmem_shared>>
      %dma_wait3A_105 = arith.constant 0 : i32
      %dma_wait3A_106 = arith.constant 0 : i32
      %dma_wait3A_107 = tpu.memref_slice %arg5[%dma_wait3A_105, %dma_wait3A_106] : memref<128x128xf32, #tpu.memory_space<vmem>> -> memref<128x128xf32, #tpu.memory_space<vmem>>
      tpu.wait_dma2 semaphore(%run_scoped3A_87 : memref<!tpu.dma_semaphore, #tpu.memory_space<semaphore_mem>>) src(%dma_wait3A_107 : memref<128x128xf32, #tpu.memory_space<vmem>>) dst(%dma_wait3A_104 : memref<128x128xf32, #tpu.memory_space<vmem_shared>>)
      tpu.yield
    }) : () -> ()
    %add3A_13 = arith.constant 256 : i32
    %add3A_14 = arith.addi %mul3A_2, %add3A_13 : i32
    "tpu.region"() ({
      %run_scoped3A_87 = tpu.sem_alloc : memref<!tpu.dma_semaphore, #tpu.memory_space<semaphore_mem>>
      %dma_start3A_88 = arith.constant 0 : i32
      %dma_start3A_89 = arith.constant 0 : i32
      %dma_start3A_90 = tpu.memref_slice %arg5[%dma_start3A_88, %dma_start3A_89] : memref<128x128xf32, #tpu.memory_space<vmem>> -> memref<128x128xf32, #tpu.memory_space<vmem>>
      %dma_start3A_91 = arith.constant 0 : i32
      %dma_start3A_92 = tpu.memref_slice %arg6[%add3A_14, %dma_start3A_91] : memref<10112x128xf32, #tpu.memory_space<vmem_shared>> -> memref<128x128xf32, #tpu.memory_space<vmem_shared>>
      %dma_start3A_93 = arith.constant 0 : i32
      %dma_start3A_94 = tpu.memref_slice %arg6[%add3A_14, %dma_start3A_93] : memref<10112x128xf32, #tpu.memory_space<vmem_shared>> -> memref<128x128xf32, #tpu.memory_space<vmem_shared>>
      %dma_start3A_95 = arith.constant 0 : i32
      %dma_start3A_96 = arith.constant 0 : i32
      %dma_start3A_97 = tpu.memref_slice %arg5[%dma_start3A_95, %dma_start3A_96] : memref<128x128xf32, #tpu.memory_space<vmem>> -> memref<128x128xf32, #tpu.memory_space<vmem>>
      tpu.enqueue_dma source(%dma_start3A_97 : memref<128x128xf32, #tpu.memory_space<vmem>>) target(%dma_start3A_94 : memref<128x128xf32, #tpu.memory_space<vmem_shared>>) target_semaphore(%run_scoped3A_87 : memref<!tpu.dma_semaphore, #tpu.memory_space<semaphore_mem>>)
      %dma_wait3A_98 = arith.constant 0 : i32
      %dma_wait3A_99 = arith.constant 0 : i32
      %dma_wait3A_100 = tpu.memref_slice %arg5[%dma_wait3A_98, %dma_wait3A_99] : memref<128x128xf32, #tpu.memory_space<vmem>> -> memref<128x128xf32, #tpu.memory_space<vmem>>
      %dma_wait3A_101 = arith.constant 0 : i32
      %dma_wait3A_102 = tpu.memref_slice %arg6[%add3A_14, %dma_wait3A_101] : memref<10112x128xf32, #tpu.memory_space<vmem_shared>> -> memref<128x128xf32, #tpu.memory_space<vmem_shared>>
      %dma_wait3A_103 = arith.constant 0 : i32
      %dma_wait3A_104 = tpu.memref_slice %arg6[%add3A_14, %dma_wait3A_103] : memref<10112x128xf32, #tpu.memory_space<vmem_shared>> -> memref<128x128xf32, #tpu.memory_space<vmem_shared>>
      %dma_wait3A_105 = arith.constant 0 : i32
      %dma_wait3A_106 = arith.constant 0 : i32
      %dma_wait3A_107 = tpu.memref_slice %arg5[%dma_wait3A_105, %dma_wait3A_106] : memref<128x128xf32, #tpu.memory_space<vmem>> -> memref<128x128xf32, #tpu.memory_space<vmem>>
      tpu.wait_dma2 semaphore(%run_scoped3A_87 : memref<!tpu.dma_semaphore, #tpu.memory_space<semaphore_mem>>) src(%dma_wait3A_107 : memref<128x128xf32, #tpu.memory_space<vmem>>) dst(%dma_wait3A_104 : memref<128x128xf32, #tpu.memory_space<vmem_shared>>)
      tpu.yield
    }) : () -> ()
    %add3A_15 = arith.constant 384 : i32
    %add3A_16 = arith.addi %mul3A_2, %add3A_15 : i32
    "tpu.region"() ({
      %run_scoped3A_87 = tpu.sem_alloc : memref<!tpu.dma_semaphore, #tpu.memory_space<semaphore_mem>>
      %dma_start3A_88 = arith.constant 0 : i32
      %dma_start3A_89 = arith.constant 0 : i32
      %dma_start3A_90 = tpu.memref_slice %arg5[%dma_start3A_88, %dma_start3A_89] : memref<128x128xf32, #tpu.memory_space<vmem>> -> memref<128x128xf32, #tpu.memory_space<vmem>>
      %dma_start3A_91 = arith.constant 0 : i32
      %dma_start3A_92 = tpu.memref_slice %arg6[%add3A_16, %dma_start3A_91] : memref<10112x128xf32, #tpu.memory_space<vmem_shared>> -> memref<128x128xf32, #tpu.memory_space<vmem_shared>>
      %dma_start3A_93 = arith.constant 0 : i32
      %dma_start3A_94 = tpu.memref_slice %arg6[%add3A_16, %dma_start3A_93] : memref<10112x128xf32, #tpu.memory_space<vmem_shared>> -> memref<128x128xf32, #tpu.memory_space<vmem_shared>>
      %dma_start3A_95 = arith.constant 0 : i32
      %dma_start3A_96 = arith.constant 0 : i32
      %dma_start3A_97 = tpu.memref_slice %arg5[%dma_start3A_95, %dma_start3A_96] : memref<128x128xf32, #tpu.memory_space<vmem>> -> memref<128x128xf32, #tpu.memory_space<vmem>>
      tpu.enqueue_dma source(%dma_start3A_97 : memref<128x128xf32, #tpu.memory_space<vmem>>) target(%dma_start3A_94 : memref<128x128xf32, #tpu.memory_space<vmem_shared>>) target_semaphore(%run_scoped3A_87 : memref<!tpu.dma_semaphore, #tpu.memory_space<semaphore_mem>>)
      %dma_wait3A_98 = arith.constant 0 : i32
      %dma_wait3A_99 = arith.constant 0 : i32
      %dma_wait3A_100 = tpu.memref_slice %arg5[%dma_wait3A_98, %dma_wait3A_99] : memref<128x128xf32, #tpu.memory_space<vmem>> -> memref<128x128xf32, #tpu.memory_space<vmem>>
      %dma_wait3A_101 = arith.constant 0 : i32
      %dma_wait3A_102 = tpu.memref_slice %arg6[%add3A_16, %dma_wait3A_101] : memref<10112x128xf32, #tpu.memory_space<vmem_shared>> -> memref<128x128xf32, #tpu.memory_space<vmem_shared>>
      %dma_wait3A_103 = arith.constant 0 : i32
      %dma_wait3A_104 = tpu.memref_slice %arg6[%add3A_16, %dma_wait3A_103] : memref<10112x128xf32, #tpu.memory_space<vmem_shared>> -> memref<128x128xf32, #tpu.memory_space<vmem_shared>>
      %dma_wait3A_105 = arith.constant 0 : i32
      %dma_wait3A_106 = arith.constant 0 : i32
      %dma_wait3A_107 = tpu.memref_slice %arg5[%dma_wait3A_105, %dma_wait3A_106] : memref<128x128xf32, #tpu.memory_space<vmem>> -> memref<128x128xf32, #tpu.memory_space<vmem>>
      tpu.wait_dma2 semaphore(%run_scoped3A_87 : memref<!tpu.dma_semaphore, #tpu.memory_space<semaphore_mem>>) src(%dma_wait3A_107 : memref<128x128xf32, #tpu.memory_space<vmem>>) dst(%dma_wait3A_104 : memref<128x128xf32, #tpu.memory_space<vmem_shared>>)
      tpu.yield
    }) : () -> ()
    %add3A_17 = arith.constant 512 : i32
    %add3A_18 = arith.addi %mul3A_2, %add3A_17 : i32
    "tpu.region"() ({
      %run_scoped3A_87 = tpu.sem_alloc : memref<!tpu.dma_semaphore, #tpu.memory_space<semaphore_mem>>
      %dma_start3A_88 = arith.constant 0 : i32
      %dma_start3A_89 = arith.constant 0 : i32
      %dma_start3A_90 = tpu.memref_slice %arg5[%dma_start3A_88, %dma_start3A_89] : memref<128x128xf32, #tpu.memory_space<vmem>> -> memref<120x128xf32, #tpu.memory_space<vmem>>
      %dma_start3A_91 = arith.constant 0 : i32
      %dma_start3A_92 = tpu.memref_slice %arg6[%add3A_18, %dma_start3A_91] : memref<10112x128xf32, #tpu.memory_space<vmem_shared>> -> memref<120x128xf32, #tpu.memory_space<vmem_shared>>
      %dma_start3A_93 = arith.constant 0 : i32
      %dma_start3A_94 = tpu.memref_slice %arg6[%add3A_18, %dma_start3A_93] : memref<10112x128xf32, #tpu.memory_space<vmem_shared>> -> memref<120x128xf32, #tpu.memory_space<vmem_shared>>
      %dma_start3A_95 = arith.constant 0 : i32
      %dma_start3A_96 = arith.constant 0 : i32
      %dma_start3A_97 = tpu.memref_slice %arg5[%dma_start3A_95, %dma_start3A_96] : memref<128x128xf32, #tpu.memory_space<vmem>> -> memref<120x128xf32, #tpu.memory_space<vmem>>
      tpu.enqueue_dma source(%dma_start3A_97 : memref<120x128xf32, #tpu.memory_space<vmem>>) target(%dma_start3A_94 : memref<120x128xf32, #tpu.memory_space<vmem_shared>>) target_semaphore(%run_scoped3A_87 : memref<!tpu.dma_semaphore, #tpu.memory_space<semaphore_mem>>)
      %dma_wait3A_98 = arith.constant 0 : i32
      %dma_wait3A_99 = arith.constant 0 : i32
      %dma_wait3A_100 = tpu.memref_slice %arg5[%dma_wait3A_98, %dma_wait3A_99] : memref<128x128xf32, #tpu.memory_space<vmem>> -> memref<120x128xf32, #tpu.memory_space<vmem>>
      %dma_wait3A_101 = arith.constant 0 : i32
      %dma_wait3A_102 = tpu.memref_slice %arg6[%add3A_18, %dma_wait3A_101] : memref<10112x128xf32, #tpu.memory_space<vmem_shared>> -> memref<120x128xf32, #tpu.memory_space<vmem_shared>>
      %dma_wait3A_103 = arith.constant 0 : i32
      %dma_wait3A_104 = tpu.memref_slice %arg6[%add3A_18, %dma_wait3A_103] : memref<10112x128xf32, #tpu.memory_space<vmem_shared>> -> memref<120x128xf32, #tpu.memory_space<vmem_shared>>
      %dma_wait3A_105 = arith.constant 0 : i32
      %dma_wait3A_106 = arith.constant 0 : i32
      %dma_wait3A_107 = tpu.memref_slice %arg5[%dma_wait3A_105, %dma_wait3A_106] : memref<128x128xf32, #tpu.memory_space<vmem>> -> memref<120x128xf32, #tpu.memory_space<vmem>>
      tpu.wait_dma2 semaphore(%run_scoped3A_87 : memref<!tpu.dma_semaphore, #tpu.memory_space<semaphore_mem>>) src(%dma_wait3A_107 : memref<120x128xf32, #tpu.memory_space<vmem>>) dst(%dma_wait3A_104 : memref<120x128xf32, #tpu.memory_space<vmem_shared>>)
      tpu.yield
    }) : () -> ()
    %broadcast_in_dim3A_19 = arith.constant 1.000000e+00 : f32
    %broadcast_in_dim3A_20 = vector.broadcast %broadcast_in_dim3A_19 : f32 to vector<16xf32>
    %scan3A_21 = arith.constant 0 : i32
    %scan3A_22 = arith.constant 0 : i32
    %scan3A_23 = arith.constant 1024 : i32
    %scan3A_24 = arith.addi %scan3A_22, %scan3A_23 : i32
    %scan3A_25 = arith.constant 1 : i32
    scf.for %scan3A_87 = %scan3A_22 to %scan3A_24 step %scan3A_25  : i32 {
      %jit3A = arith.constant 8 : i32
      %div3A = arith.divsi %scan3A_87, %jit3A : i32
      %sign3A = arith.constant 0 : i32
      %sign3A_88 = arith.cmpi sgt, %scan3A_87, %sign3A : i32
      %sign3A_89 = arith.extui %sign3A_88 : i1 to i32
      %sign3A_90 = arith.constant 0 : i32
      %sign3A_91 = arith.cmpi slt, %scan3A_87, %sign3A_90 : i32
      %sign3A_92 = arith.extui %sign3A_91 : i1 to i32
      %sign3A_93 = arith.subi %sign3A_89, %sign3A_92 : i32
      %sign3A_94 = arith.constant 0 : i32
      %sign3A_95 = arith.cmpi sgt, %jit3A, %sign3A_94 : i32
      %sign3A_96 = arith.extui %sign3A_95 : i1 to i32
      %sign3A_97 = arith.constant 0 : i32
      %sign3A_98 = arith.cmpi slt, %jit3A, %sign3A_97 : i32
      %sign3A_99 = arith.extui %sign3A_98 : i1 to i32
      %sign3A_100 = arith.subi %sign3A_96, %sign3A_99 : i32
      %ne3A = arith.cmpi ne, %sign3A_93, %sign3A_100 : i32
      %rem3A = arith.remsi %scan3A_87, %jit3A : i32
      %ne3A_101 = arith.constant 0 : i32
      %ne3A_102 = arith.cmpi ne, %rem3A, %ne3A_101 : i32
      %and3A = arith.andi %ne3A, %ne3A_102 : i1
      %sub3A = arith.constant 1 : i32
      %sub3A_103 = arith.subi %div3A, %sub3A : i32
      %select_n3A = arith.select %and3A, %sub3A_103, %div3A : i32
      %jit3A_104 = arith.constant 8 : i32
      %eq3A = arith.constant 0 : i32
      %eq3A_105 = arith.cmpi eq, %jit3A_104, %eq3A : i32
      %jit3A_106 = arith.constant 1 : i32
      %select_n3A_107 = arith.select %eq3A_105, %jit3A_106, %jit3A_104 : i32
      %rem3A_108 = arith.remsi %scan3A_87, %select_n3A_107 : i32
      %ne3A_109 = arith.constant 0 : i32
      %ne3A_110 = arith.cmpi ne, %rem3A_108, %ne3A_109 : i32
      %lt3A = arith.constant 0 : i32
      %lt3A_111 = arith.cmpi slt, %rem3A_108, %lt3A : i32
      %lt3A_112 = arith.constant 0 : i32
      %lt3A_113 = arith.cmpi slt, %select_n3A_107, %lt3A_112 : i32
      %ne3A_114 = arith.xori %lt3A_111, %lt3A_113 : i1
      %and3A_115 = arith.andi %ne3A_114, %ne3A_110 : i1
      %add3A_116 = arith.addi %rem3A_108, %select_n3A_107 : i32
      %select_n3A_117 = arith.select %and3A_115, %add3A_116, %rem3A_108 : i32
      %mul3A_118 = arith.constant 16 : i32
      %mul3A_119 = arith.muli %select_n3A_117, %mul3A_118 : i32
      %swap3A = arith.index_cast %select_n3A : i32 to index
      %swap3A_120 = arith.index_cast %mul3A_119 : i32 to index
      %swap3A_121 = tpu.vector_load %arg5[%swap3A, %swap3A_120] {strides = array<i32>} : memref<128x128xf32, #tpu.memory_space<vmem>>, vector<1x16xf32>,
      %swap3A_122 = vector.shape_cast %swap3A_121 : vector<1x16xf32> to vector<16xf32>
      %swap3A_123 = vector.shape_cast %broadcast_in_dim3A_20 : vector<16xf32> to vector<1x16xf32>
      tpu.vector_store %arg5[%swap3A, %swap3A_120], %swap3A_123 {strides = array<i32>} : memref<128x128xf32, #tpu.memory_space<vmem>>, vector<1x16xf32>,
    }
    %scan3A_26 = arith.constant 1024 : i32
    %dma_start3A = arith.constant 0 : i32
    %dma_start3A_27 = arith.constant 0 : i32
    %dma_start3A_28 = arith.constant 0 : i32
    %dma_start3A_29 = tpu.memref_slice %arg4[%dma_start3A, %dma_start3A_27, %dma_start3A_28] : memref<2x1x128xi32, #tpu.memory_space<vmem>> -> memref<1x1x128xi32, #tpu.memory_space<vmem>>
    %dma_start3A_30 = tpu.memref_squeeze %dma_start3A_29 : memref<1x1x128xi32, #tpu.memory_space<vmem>> -> memref<1x128xi32, #tpu.memory_space<vmem>>
    %dma_start3A_31 = arith.constant 0 : i32
    %dma_start3A_32 = arith.constant 0 : i32
    %dma_start3A_33 = tpu.memref_slice %arg2[%add3A, %dma_start3A_31, %dma_start3A_32] : memref<32x80x128xi32, #tpu.memory_space<hbm>> -> memref<1x1x128xi32, #tpu.memory_space<hbm>>
    %dma_start3A_34 = tpu.memref_squeeze %dma_start3A_33 : memref<1x1x128xi32, #tpu.memory_space<hbm>> -> memref<1x128xi32, #tpu.memory_space<hbm>>
    %dma_start3A_35 = arith.constant 0 : i32
    %dma_start3A_36 = arith.constant 0 : i32
    %dma_start3A_37 = tpu.memref_slice %arg4[%dma_start3A, %dma_start3A_35, %dma_start3A_36] : memref<2x1x128xi32, #tpu.memory_space<vmem>> -> memref<1x1x128xi32, #tpu.memory_space<vmem>>
    %dma_start3A_38 = tpu.memref_squeeze %dma_start3A_37 : memref<1x1x128xi32, #tpu.memory_space<vmem>> -> memref<1x128xi32, #tpu.memory_space<vmem>>
    %dma_start3A_39 = arith.constant 0 : i32
    %dma_start3A_40 = arith.constant 0 : i32
    %dma_start3A_41 = tpu.memref_slice %arg2[%add3A, %dma_start3A_39, %dma_start3A_40] : memref<32x80x128xi32, #tpu.memory_space<hbm>> -> memref<1x1x128xi32, #tpu.memory_space<hbm>>
    %dma_start3A_42 = tpu.memref_squeeze %dma_start3A_41 : memref<1x1x128xi32, #tpu.memory_space<hbm>> -> memref<1x128xi32, #tpu.memory_space<hbm>>
    tpu.enqueue_dma source(%dma_start3A_42 : memref<1x128xi32, #tpu.memory_space<hbm>>) target(%dma_start3A_38 : memref<1x128xi32, #tpu.memory_space<vmem>>) target_semaphore(%arg7 : memref<!tpu.dma_semaphore, #tpu.memory_space<semaphore_mem>>)
    %barrier3A = arith.constant 0 : index
    tpu.barrier barrier_id(%barrier3A)
    %scan3A_43 = arith.constant 0 : i32
    %scan3A_44 = arith.constant 0 : i32
    %scan3A_45 = arith.constant 39 : i32
    %scan3A_46 = arith.addi %scan3A_44, %scan3A_45 : i32
    %scan3A_47 = arith.constant 1 : i32
    scf.for %scan3A_87 = %scan3A_44 to %scan3A_46 step %scan3A_47  : i32 {
      %mul3A_88 = arith.constant 2 : i32
      %mul3A_89 = arith.muli %mul3A_88, %scan3A_87 : i32
      %add3A_90 = arith.constant 0 : i32
      %add3A_91 = arith.addi %mul3A_89, %add3A_90 : i32
      %dma_wait3A_92 = arith.constant 0 : i32
      %dma_wait3A_93 = arith.constant 0 : i32
      %dma_wait3A_94 = arith.constant 0 : i32
      %dma_wait3A_95 = tpu.memref_slice %arg4[%dma_wait3A_92, %dma_wait3A_93, %dma_wait3A_94] : memref<2x1x128xi32, #tpu.memory_space<vmem>> -> memref<1x1x128xi32, #tpu.memory_space<vmem>>
      %dma_wait3A_96 = tpu.memref_squeeze %dma_wait3A_95 : memref<1x1x128xi32, #tpu.memory_space<vmem>> -> memref<1x128xi32, #tpu.memory_space<vmem>>
      %dma_wait3A_97 = arith.constant 0 : i32
      %dma_wait3A_98 = tpu.memref_slice %arg2[%add3A, %add3A_91, %dma_wait3A_97] : memref<32x80x128xi32, #tpu.memory_space<hbm>> -> memref<1x1x128xi32, #tpu.memory_space<hbm>>
      %dma_wait3A_99 = tpu.memref_squeeze %dma_wait3A_98 : memref<1x1x128xi32, #tpu.memory_space<hbm>> -> memref<1x128xi32, #tpu.memory_space<hbm>>
      %dma_wait3A_100 = arith.constant 0 : i32
      %dma_wait3A_101 = arith.constant 0 : i32
      %dma_wait3A_102 = tpu.memref_slice %arg4[%dma_wait3A_92, %dma_wait3A_100, %dma_wait3A_101] : memref<2x1x128xi32, #tpu.memory_space<vmem>> -> memref<1x1x128xi32, #tpu.memory_space<vmem>>
      %dma_wait3A_103 = tpu.memref_squeeze %dma_wait3A_102 : memref<1x1x128xi32, #tpu.memory_space<vmem>> -> memref<1x128xi32, #tpu.memory_space<vmem>>
      %dma_wait3A_104 = arith.constant 0 : i32
      %dma_wait3A_105 = tpu.memref_slice %arg2[%add3A, %add3A_91, %dma_wait3A_104] : memref<32x80x128xi32, #tpu.memory_space<hbm>> -> memref<1x1x128xi32, #tpu.memory_space<hbm>>
      %dma_wait3A_106 = tpu.memref_squeeze %dma_wait3A_105 : memref<1x1x128xi32, #tpu.memory_space<hbm>> -> memref<1x128xi32, #tpu.memory_space<hbm>>
      tpu.wait_dma2 semaphore(%arg7 : memref<!tpu.dma_semaphore, #tpu.memory_space<semaphore_mem>>) src(%dma_wait3A_106 : memref<1x128xi32, #tpu.memory_space<hbm>>) dst(%dma_wait3A_103 : memref<1x128xi32, #tpu.memory_space<vmem>>)
      %add3A_107 = arith.constant 1 : i32
      %add3A_108 = arith.addi %add3A_91, %add3A_107 : i32
      %dma_start3A_109 = arith.constant 1 : i32
      %dma_start3A_110 = arith.constant 0 : i32
      %dma_start3A_111 = arith.constant 0 : i32
      %dma_start3A_112 = tpu.memref_slice %arg4[%dma_start3A_109, %dma_start3A_110, %dma_start3A_111] : memref<2x1x128xi32, #tpu.memory_space<vmem>> -> memref<1x1x128xi32, #tpu.memory_space<vmem>>
      %dma_start3A_113 = tpu.memref_squeeze %dma_start3A_112 : memref<1x1x128xi32, #tpu.memory_space<vmem>> -> memref<1x128xi32, #tpu.memory_space<vmem>>
      %dma_start3A_114 = arith.constant 0 : i32
      %dma_start3A_115 = tpu.memref_slice %arg2[%add3A, %add3A_108, %dma_start3A_114] : memref<32x80x128xi32, #tpu.memory_space<hbm>> -> memref<1x1x128xi32, #tpu.memory_space<hbm>>
      %dma_start3A_116 = tpu.memref_squeeze %dma_start3A_115 : memref<1x1x128xi32, #tpu.memory_space<hbm>> -> memref<1x128xi32, #tpu.memory_space<hbm>>
      %dma_start3A_117 = arith.constant 0 : i32
      %dma_start3A_118 = arith.constant 0 : i32
      %dma_start3A_119 = tpu.memref_slice %arg4[%dma_start3A_109, %dma_start3A_117, %dma_start3A_118] : memref<2x1x128xi32, #tpu.memory_space<vmem>> -> memref<1x1x128xi32, #tpu.memory_space<vmem>>
      %dma_start3A_120 = tpu.memref_squeeze %dma_start3A_119 : memref<1x1x128xi32, #tpu.memory_space<vmem>> -> memref<1x128xi32, #tpu.memory_space<vmem>>
      %dma_start3A_121 = arith.constant 0 : i32
      %dma_start3A_122 = tpu.memref_slice %arg2[%add3A, %add3A_108, %dma_start3A_121] : memref<32x80x128xi32, #tpu.memory_space<hbm>> -> memref<1x1x128xi32, #tpu.memory_space<hbm>>
      %dma_start3A_123 = tpu.memref_squeeze %dma_start3A_122 : memref<1x1x128xi32, #tpu.memory_space<hbm>> -> memref<1x128xi32, #tpu.memory_space<hbm>>
      tpu.enqueue_dma source(%dma_start3A_123 : memref<1x128xi32, #tpu.memory_space<hbm>>) target(%dma_start3A_120 : memref<1x128xi32, #tpu.memory_space<vmem>>) target_semaphore(%arg7 : memref<!tpu.dma_semaphore, #tpu.memory_space<semaphore_mem>>)
      %run_scoped3A_124 = arith.constant 0 : i32
      %run_scoped3A_125 = arith.constant 0 : i32
      "tpu.region"() ({
        %run_scoped3A_164 = tpu.sem_alloc : memref<!tpu.dma_semaphore, #tpu.memory_space<semaphore_mem>>
        %dma_start3A_165 = arith.constant 0 : i32
        %dma_start3A_166 = tpu.memref_slice %arg4[%run_scoped3A_124, %run_scoped3A_125, %dma_start3A_165] : memref<2x1x128xi32, #tpu.memory_space<vmem>> -> memref<1x1x128xi32, #tpu.memory_space<vmem>>
        %dma_start3A_167 = tpu.memref_squeeze %dma_start3A_166 : memref<1x1x128xi32, #tpu.memory_space<vmem>> -> memref<128xi32, #tpu.memory_space<vmem>>
        %dma_start3A_168 = arith.constant 0 : i32
        %dma_start3A_169 = arith.constant 0 : i32
        %dma_start3A_170 = tpu.memref_slice %arg6[%dma_start3A_168, %dma_start3A_169] : memref<10112x128xf32, #tpu.memory_space<vmem_shared>> -> memref<10112x128xf32, #tpu.memory_space<vmem_shared>>
        tpu.enqueue_indirect_dma source(%arg5 : memref<128x128xf32, #tpu.memory_space<vmem>>) target(%dma_start3A_170 : memref<10112x128xf32, #tpu.memory_space<vmem_shared>>) offsets(%dma_start3A_167 : memref<128xi32, #tpu.memory_space<vmem>>) semaphore(%run_scoped3A_164 : memref<!tpu.dma_semaphore, #tpu.memory_space<semaphore_mem>>) {add = true}
        %dma_wait3A_171 = arith.constant 0 : i32
        %dma_wait3A_172 = tpu.memref_slice %arg4[%run_scoped3A_124, %run_scoped3A_125, %dma_wait3A_171] : memref<2x1x128xi32, #tpu.memory_space<vmem>> -> memref<1x1x128xi32, #tpu.memory_space<vmem>>
        %dma_wait3A_173 = tpu.memref_squeeze %dma_wait3A_172 : memref<1x1x128xi32, #tpu.memory_space<vmem>> -> memref<128xi32, #tpu.memory_space<vmem>>
        %dma_wait3A_174 = arith.constant 0 : i32
        %dma_wait3A_175 = arith.constant 0 : i32
        %dma_wait3A_176 = tpu.memref_slice %arg6[%dma_wait3A_174, %dma_wait3A_175] : memref<10112x128xf32, #tpu.memory_space<vmem_shared>> -> memref<10112x128xf32, #tpu.memory_space<vmem_shared>>
        tpu.wait_indirect_dma semaphore(%run_scoped3A_164 : memref<!tpu.dma_semaphore, #tpu.memory_space<semaphore_mem>>) src(%arg5 : memref<128x128xf32, #tpu.memory_space<vmem>>) dst(%dma_wait3A_176 : memref<10112x128xf32, #tpu.memory_space<vmem_shared>>)
        tpu.yield
      }) : () -> ()
      %mul3A_126 = arith.constant 2 : i32
      %mul3A_127 = arith.muli %mul3A_126, %scan3A_87 : i32
      %add3A_128 = arith.constant 1 : i32
      %add3A_129 = arith.addi %mul3A_127, %add3A_128 : i32
      %dma_wait3A_130 = arith.constant 1 : i32
      %dma_wait3A_131 = arith.constant 0 : i32
      %dma_wait3A_132 = arith.constant 0 : i32
      %dma_wait3A_133 = tpu.memref_slice %arg4[%dma_wait3A_130, %dma_wait3A_131, %dma_wait3A_132] : memref<2x1x128xi32, #tpu.memory_space<vmem>> -> memref<1x1x128xi32, #tpu.memory_space<vmem>>
      %dma_wait3A_134 = tpu.memref_squeeze %dma_wait3A_133 : memref<1x1x128xi32, #tpu.memory_space<vmem>> -> memref<1x128xi32, #tpu.memory_space<vmem>>
      %dma_wait3A_135 = arith.constant 0 : i32
      %dma_wait3A_136 = tpu.memref_slice %arg2[%add3A, %add3A_129, %dma_wait3A_135] : memref<32x80x128xi32, #tpu.memory_space<hbm>> -> memref<1x1x128xi32, #tpu.memory_space<hbm>>
      %dma_wait3A_137 = tpu.memref_squeeze %dma_wait3A_136 : memref<1x1x128xi32, #tpu.memory_space<hbm>> -> memref<1x128xi32, #tpu.memory_space<hbm>>
      %dma_wait3A_138 = arith.constant 0 : i32
      %dma_wait3A_139 = arith.constant 0 : i32
      %dma_wait3A_140 = tpu.memref_slice %arg4[%dma_wait3A_130, %dma_wait3A_138, %dma_wait3A_139] : memref<2x1x128xi32, #tpu.memory_space<vmem>> -> memref<1x1x128xi32, #tpu.memory_space<vmem>>
      %dma_wait3A_141 = tpu.memref_squeeze %dma_wait3A_140 : memref<1x1x128xi32, #tpu.memory_space<vmem>> -> memref<1x128xi32, #tpu.memory_space<vmem>>
      %dma_wait3A_142 = arith.constant 0 : i32
      %dma_wait3A_143 = tpu.memref_slice %arg2[%add3A, %add3A_129, %dma_wait3A_142] : memref<32x80x128xi32, #tpu.memory_space<hbm>> -> memref<1x1x128xi32, #tpu.memory_space<hbm>>
      %dma_wait3A_144 = tpu.memref_squeeze %dma_wait3A_143 : memref<1x1x128xi32, #tpu.memory_space<hbm>> -> memref<1x128xi32, #tpu.memory_space<hbm>>
      tpu.wait_dma2 semaphore(%arg7 : memref<!tpu.dma_semaphore, #tpu.memory_space<semaphore_mem>>) src(%dma_wait3A_144 : memref<1x128xi32, #tpu.memory_space<hbm>>) dst(%dma_wait3A_141 : memref<1x128xi32, #tpu.memory_space<vmem>>)
      %add3A_145 = arith.constant 1 : i32
      %add3A_146 = arith.addi %add3A_129, %add3A_145 : i32
      %dma_start3A_147 = arith.constant 0 : i32
      %dma_start3A_148 = arith.constant 0 : i32
      %dma_start3A_149 = arith.constant 0 : i32
      %dma_start3A_150 = tpu.memref_slice %arg4[%dma_start3A_147, %dma_start3A_148, %dma_start3A_149] : memref<2x1x128xi32, #tpu.memory_space<vmem>> -> memref<1x1x128xi32, #tpu.memory_space<vmem>>
      %dma_start3A_151 = tpu.memref_squeeze %dma_start3A_150 : memref<1x1x128xi32, #tpu.memory_space<vmem>> -> memref<1x128xi32, #tpu.memory_space<vmem>>
      %dma_start3A_152 = arith.constant 0 : i32
      %dma_start3A_153 = tpu.memref_slice %arg2[%add3A, %add3A_146, %dma_start3A_152] : memref<32x80x128xi32, #tpu.memory_space<hbm>> -> memref<1x1x128xi32, #tpu.memory_space<hbm>>
      %dma_start3A_154 = tpu.memref_squeeze %dma_start3A_153 : memref<1x1x128xi32, #tpu.memory_space<hbm>> -> memref<1x128xi32, #tpu.memory_space<hbm>>
      %dma_start3A_155 = arith.constant 0 : i32
      %dma_start3A_156 = arith.constant 0 : i32
      %dma_start3A_157 = tpu.memref_slice %arg4[%dma_start3A_147, %dma_start3A_155, %dma_start3A_156] : memref<2x1x128xi32, #tpu.memory_space<vmem>> -> memref<1x1x128xi32, #tpu.memory_space<vmem>>
      %dma_start3A_158 = tpu.memref_squeeze %dma_start3A_157 : memref<1x1x128xi32, #tpu.memory_space<vmem>> -> memref<1x128xi32, #tpu.memory_space<vmem>>
      %dma_start3A_159 = arith.constant 0 : i32
      %dma_start3A_160 = tpu.memref_slice %arg2[%add3A, %add3A_146, %dma_start3A_159] : memref<32x80x128xi32, #tpu.memory_space<hbm>> -> memref<1x1x128xi32, #tpu.memory_space<hbm>>
      %dma_start3A_161 = tpu.memref_squeeze %dma_start3A_160 : memref<1x1x128xi32, #tpu.memory_space<hbm>> -> memref<1x128xi32, #tpu.memory_space<hbm>>
      tpu.enqueue_dma source(%dma_start3A_161 : memref<1x128xi32, #tpu.memory_space<hbm>>) target(%dma_start3A_158 : memref<1x128xi32, #tpu.memory_space<vmem>>) target_semaphore(%arg7 : memref<!tpu.dma_semaphore, #tpu.memory_space<semaphore_mem>>)
      %run_scoped3A_162 = arith.constant 1 : i32
      %run_scoped3A_163 = arith.constant 0 : i32
      "tpu.region"() ({
        %run_scoped3A_164 = tpu.sem_alloc : memref<!tpu.dma_semaphore, #tpu.memory_space<semaphore_mem>>
        %dma_start3A_165 = arith.constant 0 : i32
        %dma_start3A_166 = tpu.memref_slice %arg4[%run_scoped3A_162, %run_scoped3A_163, %dma_start3A_165] : memref<2x1x128xi32, #tpu.memory_space<vmem>> -> memref<1x1x128xi32, #tpu.memory_space<vmem>>
        %dma_start3A_167 = tpu.memref_squeeze %dma_start3A_166 : memref<1x1x128xi32, #tpu.memory_space<vmem>> -> memref<128xi32, #tpu.memory_space<vmem>>
        %dma_start3A_168 = arith.constant 0 : i32
        %dma_start3A_169 = arith.constant 0 : i32
        %dma_start3A_170 = tpu.memref_slice %arg6[%dma_start3A_168, %dma_start3A_169] : memref<10112x128xf32, #tpu.memory_space<vmem_shared>> -> memref<10112x128xf32, #tpu.memory_space<vmem_shared>>
        tpu.enqueue_indirect_dma source(%arg5 : memref<128x128xf32, #tpu.memory_space<vmem>>) target(%dma_start3A_170 : memref<10112x128xf32, #tpu.memory_space<vmem_shared>>) offsets(%dma_start3A_167 : memref<128xi32, #tpu.memory_space<vmem>>) semaphore(%run_scoped3A_164 : memref<!tpu.dma_semaphore, #tpu.memory_space<semaphore_mem>>) {add = true}
        %dma_wait3A_171 = arith.constant 0 : i32
        %dma_wait3A_172 = tpu.memref_slice %arg4[%run_scoped3A_162, %run_scoped3A_163, %dma_wait3A_171] : memref<2x1x128xi32, #tpu.memory_space<vmem>> -> memref<1x1x128xi32, #tpu.memory_space<vmem>>
        %dma_wait3A_173 = tpu.memref_squeeze %dma_wait3A_172 : memref<1x1x128xi32, #tpu.memory_space<vmem>> -> memref<128xi32, #tpu.memory_space<vmem>>
        %dma_wait3A_174 = arith.constant 0 : i32
        %dma_wait3A_175 = arith.constant 0 : i32
        %dma_wait3A_176 = tpu.memref_slice %arg6[%dma_wait3A_174, %dma_wait3A_175] : memref<10112x128xf32, #tpu.memory_space<vmem_shared>> -> memref<10112x128xf32, #tpu.memory_space<vmem_shared>>
        tpu.wait_indirect_dma semaphore(%run_scoped3A_164 : memref<!tpu.dma_semaphore, #tpu.memory_space<semaphore_mem>>) src(%arg5 : memref<128x128xf32, #tpu.memory_space<vmem>>) dst(%dma_wait3A_176 : memref<10112x128xf32, #tpu.memory_space<vmem_shared>>)
        tpu.yield
      }) : () -> ()
    }
    %scan3A_48 = arith.constant 39 : i32
    %dma_wait3A = arith.constant 0 : i32
    %dma_wait3A_49 = arith.constant 0 : i32
    %dma_wait3A_50 = arith.constant 0 : i32
    %dma_wait3A_51 = tpu.memref_slice %arg4[%dma_wait3A, %dma_wait3A_49, %dma_wait3A_50] : memref<2x1x128xi32, #tpu.memory_space<vmem>> -> memref<1x1x128xi32, #tpu.memory_space<vmem>>
    %dma_wait3A_52 = tpu.memref_squeeze %dma_wait3A_51 : memref<1x1x128xi32, #tpu.memory_space<vmem>> -> memref<1x128xi32, #tpu.memory_space<vmem>>
    %dma_wait3A_53 = arith.constant 78 : i32
    %dma_wait3A_54 = arith.constant 0 : i32
    %dma_wait3A_55 = tpu.memref_slice %arg2[%add3A, %dma_wait3A_53, %dma_wait3A_54] : memref<32x80x128xi32, #tpu.memory_space<hbm>> -> memref<1x1x128xi32, #tpu.memory_space<hbm>>
    %dma_wait3A_56 = tpu.memref_squeeze %dma_wait3A_55 : memref<1x1x128xi32, #tpu.memory_space<hbm>> -> memref<1x128xi32, #tpu.memory_space<hbm>>
    %dma_wait3A_57 = arith.constant 0 : i32
    %dma_wait3A_58 = arith.constant 0 : i32
    %dma_wait3A_59 = tpu.memref_slice %arg4[%dma_wait3A, %dma_wait3A_57, %dma_wait3A_58] : memref<2x1x128xi32, #tpu.memory_space<vmem>> -> memref<1x1x128xi32, #tpu.memory_space<vmem>>
    %dma_wait3A_60 = tpu.memref_squeeze %dma_wait3A_59 : memref<1x1x128xi32, #tpu.memory_space<vmem>> -> memref<1x128xi32, #tpu.memory_space<vmem>>
    %dma_wait3A_61 = arith.constant 78 : i32
    %dma_wait3A_62 = arith.constant 0 : i32
    %dma_wait3A_63 = tpu.memref_slice %arg2[%add3A, %dma_wait3A_61, %dma_wait3A_62] : memref<32x80x128xi32, #tpu.memory_space<hbm>> -> memref<1x1x128xi32, #tpu.memory_space<hbm>>
    %dma_wait3A_64 = tpu.memref_squeeze %dma_wait3A_63 : memref<1x1x128xi32, #tpu.memory_space<hbm>> -> memref<1x128xi32, #tpu.memory_space<hbm>>
    tpu.wait_dma2 semaphore(%arg7 : memref<!tpu.dma_semaphore, #tpu.memory_space<semaphore_mem>>) src(%dma_wait3A_64 : memref<1x128xi32, #tpu.memory_space<hbm>>) dst(%dma_wait3A_60 : memref<1x128xi32, #tpu.memory_space<vmem>>)
    %run_scoped3A = arith.constant 0 : i32
    %run_scoped3A_65 = arith.constant 0 : i32
    "tpu.region"() ({
      %run_scoped3A_87 = tpu.sem_alloc : memref<!tpu.dma_semaphore, #tpu.memory_space<semaphore_mem>>
      %dma_start3A_88 = arith.constant 0 : i32
      %dma_start3A_89 = tpu.memref_slice %arg4[%run_scoped3A, %run_scoped3A_65, %dma_start3A_88] : memref<2x1x128xi32, #tpu.memory_space<vmem>> -> memref<1x1x128xi32, #tpu.memory_space<vmem>>
      %dma_start3A_90 = tpu.memref_squeeze %dma_start3A_89 : memref<1x1x128xi32, #tpu.memory_space<vmem>> -> memref<128xi32, #tpu.memory_space<vmem>>
      %dma_start3A_91 = arith.constant 0 : i32
      %dma_start3A_92 = arith.constant 0 : i32
      %dma_start3A_93 = tpu.memref_slice %arg6[%dma_start3A_91, %dma_start3A_92] : memref<10112x128xf32, #tpu.memory_space<vmem_shared>> -> memref<10112x128xf32, #tpu.memory_space<vmem_shared>>
      tpu.enqueue_indirect_dma source(%arg5 : memref<128x128xf32, #tpu.memory_space<vmem>>) target(%dma_start3A_93 : memref<10112x128xf32, #tpu.memory_space<vmem_shared>>) offsets(%dma_start3A_90 : memref<128xi32, #tpu.memory_space<vmem>>) semaphore(%run_scoped3A_87 : memref<!tpu.dma_semaphore, #tpu.memory_space<semaphore_mem>>) {add = true}
      %dma_wait3A_94 = arith.constant 0 : i32
      %dma_wait3A_95 = tpu.memref_slice %arg4[%run_scoped3A, %run_scoped3A_65, %dma_wait3A_94] : memref<2x1x128xi32, #tpu.memory_space<vmem>> -> memref<1x1x128xi32, #tpu.memory_space<vmem>>
      %dma_wait3A_96 = tpu.memref_squeeze %dma_wait3A_95 : memref<1x1x128xi32, #tpu.memory_space<vmem>> -> memref<128xi32, #tpu.memory_space<vmem>>
      %dma_wait3A_97 = arith.constant 0 : i32
      %dma_wait3A_98 = arith.constant 0 : i32
      %dma_wait3A_99 = tpu.memref_slice %arg6[%dma_wait3A_97, %dma_wait3A_98] : memref<10112x128xf32, #tpu.memory_space<vmem_shared>> -> memref<10112x128xf32, #tpu.memory_space<vmem_shared>>
      tpu.wait_indirect_dma semaphore(%run_scoped3A_87 : memref<!tpu.dma_semaphore, #tpu.memory_space<semaphore_mem>>) src(%arg5 : memref<128x128xf32, #tpu.memory_space<vmem>>) dst(%dma_wait3A_99 : memref<10112x128xf32, #tpu.memory_space<vmem_shared>>)
      tpu.yield
    }) : () -> ()
    %barrier3A_66 = arith.constant 0 : index
    tpu.barrier barrier_id(%barrier3A_66)
    %add3A_67 = arith.constant 0 : i32
    %add3A_68 = arith.addi %mul3A_2, %add3A_67 : i32
    "tpu.region"() ({
      %run_scoped3A_87 = tpu.sem_alloc : memref<!tpu.dma_semaphore, #tpu.memory_space<semaphore_mem>>
      %dma_start3A_88 = arith.constant 0 : i32
      %dma_start3A_89 = arith.constant 0 : i32
      %dma_start3A_90 = tpu.memref_slice %arg5[%dma_start3A_88, %dma_start3A_89] : memref<128x128xf32, #tpu.memory_space<vmem>> -> memref<128x128xf32, #tpu.memory_space<vmem>>
      %dma_start3A_91 = arith.constant 0 : i32
      %dma_start3A_92 = tpu.memref_slice %arg6[%add3A_68, %dma_start3A_91] : memref<10112x128xf32, #tpu.memory_space<vmem_shared>> -> memref<128x128xf32, #tpu.memory_space<vmem_shared>>
      %dma_start3A_93 = arith.constant 0 : i32
      %dma_start3A_94 = arith.constant 0 : i32
      %dma_start3A_95 = tpu.memref_slice %arg5[%dma_start3A_93, %dma_start3A_94] : memref<128x128xf32, #tpu.memory_space<vmem>> -> memref<128x128xf32, #tpu.memory_space<vmem>>
      %dma_start3A_96 = arith.constant 0 : i32
      %dma_start3A_97 = tpu.memref_slice %arg6[%add3A_68, %dma_start3A_96] : memref<10112x128xf32, #tpu.memory_space<vmem_shared>> -> memref<128x128xf32, #tpu.memory_space<vmem_shared>>
      tpu.enqueue_dma source(%dma_start3A_97 : memref<128x128xf32, #tpu.memory_space<vmem_shared>>) target(%dma_start3A_95 : memref<128x128xf32, #tpu.memory_space<vmem>>) target_semaphore(%run_scoped3A_87 : memref<!tpu.dma_semaphore, #tpu.memory_space<semaphore_mem>>)
      %dma_wait3A_98 = arith.constant 0 : i32
      %dma_wait3A_99 = arith.constant 0 : i32
      %dma_wait3A_100 = tpu.memref_slice %arg5[%dma_wait3A_98, %dma_wait3A_99] : memref<128x128xf32, #tpu.memory_space<vmem>> -> memref<128x128xf32, #tpu.memory_space<vmem>>
      %dma_wait3A_101 = arith.constant 0 : i32
      %dma_wait3A_102 = tpu.memref_slice %arg6[%add3A_68, %dma_wait3A_101] : memref<10112x128xf32, #tpu.memory_space<vmem_shared>> -> memref<128x128xf32, #tpu.memory_space<vmem_shared>>
      %dma_wait3A_103 = arith.constant 0 : i32
      %dma_wait3A_104 = arith.constant 0 : i32
      %dma_wait3A_105 = tpu.memref_slice %arg5[%dma_wait3A_103, %dma_wait3A_104] : memref<128x128xf32, #tpu.memory_space<vmem>> -> memref<128x128xf32, #tpu.memory_space<vmem>>
      %dma_wait3A_106 = arith.constant 0 : i32
      %dma_wait3A_107 = tpu.memref_slice %arg6[%add3A_68, %dma_wait3A_106] : memref<10112x128xf32, #tpu.memory_space<vmem_shared>> -> memref<128x128xf32, #tpu.memory_space<vmem_shared>>
      tpu.wait_dma2 semaphore(%run_scoped3A_87 : memref<!tpu.dma_semaphore, #tpu.memory_space<semaphore_mem>>) src(%dma_wait3A_107 : memref<128x128xf32, #tpu.memory_space<vmem_shared>>) dst(%dma_wait3A_105 : memref<128x128xf32, #tpu.memory_space<vmem>>)
      tpu.yield
    }) : () -> ()
    %add3A_69 = arith.constant 0 : i32
    %add3A_70 = arith.addi %mul3A_2, %add3A_69 : i32
    "tpu.region"() ({
      %run_scoped3A_87 = tpu.sem_alloc : memref<!tpu.dma_semaphore, #tpu.memory_space<semaphore_mem>>
      %dma_start3A_88 = arith.constant 0 : i32
      %dma_start3A_89 = arith.constant 0 : i32
      %dma_start3A_90 = tpu.memref_slice %arg5[%dma_start3A_88, %dma_start3A_89] : memref<128x128xf32, #tpu.memory_space<vmem>> -> memref<128x128xf32, #tpu.memory_space<vmem>>
      %dma_start3A_91 = arith.constant 0 : i32
      %dma_start3A_92 = tpu.memref_slice %arg3[%arg0, %add3A_70, %dma_start3A_91] : memref<2x10112x128xf32, #tpu.memory_space<hbm>> -> memref<1x128x128xf32, #tpu.memory_space<hbm>>
      %dma_start3A_93 = tpu.memref_squeeze %dma_start3A_92 : memref<1x128x128xf32, #tpu.memory_space<hbm>> -> memref<128x128xf32, #tpu.memory_space<hbm>>
      %dma_start3A_94 = arith.constant 0 : i32
      %dma_start3A_95 = tpu.memref_slice %arg3[%arg0, %add3A_70, %dma_start3A_94] : memref<2x10112x128xf32, #tpu.memory_space<hbm>> -> memref<1x128x128xf32, #tpu.memory_space<hbm>>
      %dma_start3A_96 = tpu.memref_squeeze %dma_start3A_95 : memref<1x128x128xf32, #tpu.memory_space<hbm>> -> memref<128x128xf32, #tpu.memory_space<hbm>>
      %dma_start3A_97 = arith.constant 0 : i32
      %dma_start3A_98 = arith.constant 0 : i32
      %dma_start3A_99 = tpu.memref_slice %arg5[%dma_start3A_97, %dma_start3A_98] : memref<128x128xf32, #tpu.memory_space<vmem>> -> memref<128x128xf32, #tpu.memory_space<vmem>>
      tpu.enqueue_dma source(%dma_start3A_99 : memref<128x128xf32, #tpu.memory_space<vmem>>) target(%dma_start3A_96 : memref<128x128xf32, #tpu.memory_space<hbm>>) target_semaphore(%run_scoped3A_87 : memref<!tpu.dma_semaphore, #tpu.memory_space<semaphore_mem>>)
      %dma_wait3A_100 = arith.constant 0 : i32
      %dma_wait3A_101 = arith.constant 0 : i32
      %dma_wait3A_102 = tpu.memref_slice %arg5[%dma_wait3A_100, %dma_wait3A_101] : memref<128x128xf32, #tpu.memory_space<vmem>> -> memref<128x128xf32, #tpu.memory_space<vmem>>
      %dma_wait3A_103 = arith.constant 0 : i32
      %dma_wait3A_104 = tpu.memref_slice %arg3[%arg0, %add3A_70, %dma_wait3A_103] : memref<2x10112x128xf32, #tpu.memory_space<hbm>> -> memref<1x128x128xf32, #tpu.memory_space<hbm>>
      %dma_wait3A_105 = tpu.memref_squeeze %dma_wait3A_104 : memref<1x128x128xf32, #tpu.memory_space<hbm>> -> memref<128x128xf32, #tpu.memory_space<hbm>>
      %dma_wait3A_106 = arith.constant 0 : i32
      %dma_wait3A_107 = tpu.memref_slice %arg3[%arg0, %add3A_70, %dma_wait3A_106] : memref<2x10112x128xf32, #tpu.memory_space<hbm>> -> memref<1x128x128xf32, #tpu.memory_space<hbm>>
      %dma_wait3A_108 = tpu.memref_squeeze %dma_wait3A_107 : memref<1x128x128xf32, #tpu.memory_space<hbm>> -> memref<128x128xf32, #tpu.memory_space<hbm>>
      %dma_wait3A_109 = arith.constant 0 : i32
      %dma_wait3A_110 = arith.constant 0 : i32
      %dma_wait3A_111 = tpu.memref_slice %arg5[%dma_wait3A_109, %dma_wait3A_110] : memref<128x128xf32, #tpu.memory_space<vmem>> -> memref<128x128xf32, #tpu.memory_space<vmem>>
      tpu.wait_dma2 semaphore(%run_scoped3A_87 : memref<!tpu.dma_semaphore, #tpu.memory_space<semaphore_mem>>) src(%dma_wait3A_111 : memref<128x128xf32, #tpu.memory_space<vmem>>) dst(%dma_wait3A_108 : memref<128x128xf32, #tpu.memory_space<hbm>>)
      tpu.yield
    }) : () -> ()
    %add3A_71 = arith.constant 128 : i32
    %add3A_72 = arith.addi %mul3A_2, %add3A_71 : i32
    "tpu.region"() ({
      %run_scoped3A_87 = tpu.sem_alloc : memref<!tpu.dma_semaphore, #tpu.memory_space<semaphore_mem>>
      %dma_start3A_88 = arith.constant 0 : i32
      %dma_start3A_89 = arith.constant 0 : i32
      %dma_start3A_90 = tpu.memref_slice %arg5[%dma_start3A_88, %dma_start3A_89] : memref<128x128xf32, #tpu.memory_space<vmem>> -> memref<128x128xf32, #tpu.memory_space<vmem>>
      %dma_start3A_91 = arith.constant 0 : i32
      %dma_start3A_92 = tpu.memref_slice %arg6[%add3A_72, %dma_start3A_91] : memref<10112x128xf32, #tpu.memory_space<vmem_shared>> -> memref<128x128xf32, #tpu.memory_space<vmem_shared>>
      %dma_start3A_93 = arith.constant 0 : i32
      %dma_start3A_94 = arith.constant 0 : i32
      %dma_start3A_95 = tpu.memref_slice %arg5[%dma_start3A_93, %dma_start3A_94] : memref<128x128xf32, #tpu.memory_space<vmem>> -> memref<128x128xf32, #tpu.memory_space<vmem>>
      %dma_start3A_96 = arith.constant 0 : i32
      %dma_start3A_97 = tpu.memref_slice %arg6[%add3A_72, %dma_start3A_96] : memref<10112x128xf32, #tpu.memory_space<vmem_shared>> -> memref<128x128xf32, #tpu.memory_space<vmem_shared>>
      tpu.enqueue_dma source(%dma_start3A_97 : memref<128x128xf32, #tpu.memory_space<vmem_shared>>) target(%dma_start3A_95 : memref<128x128xf32, #tpu.memory_space<vmem>>) target_semaphore(%run_scoped3A_87 : memref<!tpu.dma_semaphore, #tpu.memory_space<semaphore_mem>>)
      %dma_wait3A_98 = arith.constant 0 : i32
      %dma_wait3A_99 = arith.constant 0 : i32
      %dma_wait3A_100 = tpu.memref_slice %arg5[%dma_wait3A_98, %dma_wait3A_99] : memref<128x128xf32, #tpu.memory_space<vmem>> -> memref<128x128xf32, #tpu.memory_space<vmem>>
      %dma_wait3A_101 = arith.constant 0 : i32
      %dma_wait3A_102 = tpu.memref_slice %arg6[%add3A_72, %dma_wait3A_101] : memref<10112x128xf32, #tpu.memory_space<vmem_shared>> -> memref<128x128xf32, #tpu.memory_space<vmem_shared>>
      %dma_wait3A_103 = arith.constant 0 : i32
      %dma_wait3A_104 = arith.constant 0 : i32
      %dma_wait3A_105 = tpu.memref_slice %arg5[%dma_wait3A_103, %dma_wait3A_104] : memref<128x128xf32, #tpu.memory_space<vmem>> -> memref<128x128xf32, #tpu.memory_space<vmem>>
      %dma_wait3A_106 = arith.constant 0 : i32
      %dma_wait3A_107 = tpu.memref_slice %arg6[%add3A_72, %dma_wait3A_106] : memref<10112x128xf32, #tpu.memory_space<vmem_shared>> -> memref<128x128xf32, #tpu.memory_space<vmem_shared>>
      tpu.wait_dma2 semaphore(%run_scoped3A_87 : memref<!tpu.dma_semaphore, #tpu.memory_space<semaphore_mem>>) src(%dma_wait3A_107 : memref<128x128xf32, #tpu.memory_space<vmem_shared>>) dst(%dma_wait3A_105 : memref<128x128xf32, #tpu.memory_space<vmem>>)
      tpu.yield
    }) : () -> ()
    %add3A_73 = arith.constant 128 : i32
    %add3A_74 = arith.addi %mul3A_2, %add3A_73 : i32
    "tpu.region"() ({
      %run_scoped3A_87 = tpu.sem_alloc : memref<!tpu.dma_semaphore, #tpu.memory_space<semaphore_mem>>
      %dma_start3A_88 = arith.constant 0 : i32
      %dma_start3A_89 = arith.constant 0 : i32
      %dma_start3A_90 = tpu.memref_slice %arg5[%dma_start3A_88, %dma_start3A_89] : memref<128x128xf32, #tpu.memory_space<vmem>> -> memref<128x128xf32, #tpu.memory_space<vmem>>
      %dma_start3A_91 = arith.constant 0 : i32
      %dma_start3A_92 = tpu.memref_slice %arg3[%arg0, %add3A_74, %dma_start3A_91] : memref<2x10112x128xf32, #tpu.memory_space<hbm>> -> memref<1x128x128xf32, #tpu.memory_space<hbm>>
      %dma_start3A_93 = tpu.memref_squeeze %dma_start3A_92 : memref<1x128x128xf32, #tpu.memory_space<hbm>> -> memref<128x128xf32, #tpu.memory_space<hbm>>
      %dma_start3A_94 = arith.constant 0 : i32
      %dma_start3A_95 = tpu.memref_slice %arg3[%arg0, %add3A_74, %dma_start3A_94] : memref<2x10112x128xf32, #tpu.memory_space<hbm>> -> memref<1x128x128xf32, #tpu.memory_space<hbm>>
      %dma_start3A_96 = tpu.memref_squeeze %dma_start3A_95 : memref<1x128x128xf32, #tpu.memory_space<hbm>> -> memref<128x128xf32, #tpu.memory_space<hbm>>
      %dma_start3A_97 = arith.constant 0 : i32
      %dma_start3A_98 = arith.constant 0 : i32
      %dma_start3A_99 = tpu.memref_slice %arg5[%dma_start3A_97, %dma_start3A_98] : memref<128x128xf32, #tpu.memory_space<vmem>> -> memref<128x128xf32, #tpu.memory_space<vmem>>
      tpu.enqueue_dma source(%dma_start3A_99 : memref<128x128xf32, #tpu.memory_space<vmem>>) target(%dma_start3A_96 : memref<128x128xf32, #tpu.memory_space<hbm>>) target_semaphore(%run_scoped3A_87 : memref<!tpu.dma_semaphore, #tpu.memory_space<semaphore_mem>>)
      %dma_wait3A_100 = arith.constant 0 : i32
      %dma_wait3A_101 = arith.constant 0 : i32
      %dma_wait3A_102 = tpu.memref_slice %arg5[%dma_wait3A_100, %dma_wait3A_101] : memref<128x128xf32, #tpu.memory_space<vmem>> -> memref<128x128xf32, #tpu.memory_space<vmem>>
      %dma_wait3A_103 = arith.constant 0 : i32
      %dma_wait3A_104 = tpu.memref_slice %arg3[%arg0, %add3A_74, %dma_wait3A_103] : memref<2x10112x128xf32, #tpu.memory_space<hbm>> -> memref<1x128x128xf32, #tpu.memory_space<hbm>>
      %dma_wait3A_105 = tpu.memref_squeeze %dma_wait3A_104 : memref<1x128x128xf32, #tpu.memory_space<hbm>> -> memref<128x128xf32, #tpu.memory_space<hbm>>
      %dma_wait3A_106 = arith.constant 0 : i32
      %dma_wait3A_107 = tpu.memref_slice %arg3[%arg0, %add3A_74, %dma_wait3A_106] : memref<2x10112x128xf32, #tpu.memory_space<hbm>> -> memref<1x128x128xf32, #tpu.memory_space<hbm>>
      %dma_wait3A_108 = tpu.memref_squeeze %dma_wait3A_107 : memref<1x128x128xf32, #tpu.memory_space<hbm>> -> memref<128x128xf32, #tpu.memory_space<hbm>>
      %dma_wait3A_109 = arith.constant 0 : i32
      %dma_wait3A_110 = arith.constant 0 : i32
      %dma_wait3A_111 = tpu.memref_slice %arg5[%dma_wait3A_109, %dma_wait3A_110] : memref<128x128xf32, #tpu.memory_space<vmem>> -> memref<128x128xf32, #tpu.memory_space<vmem>>
      tpu.wait_dma2 semaphore(%run_scoped3A_87 : memref<!tpu.dma_semaphore, #tpu.memory_space<semaphore_mem>>) src(%dma_wait3A_111 : memref<128x128xf32, #tpu.memory_space<vmem>>) dst(%dma_wait3A_108 : memref<128x128xf32, #tpu.memory_space<hbm>>)
      tpu.yield
    }) : () -> ()
    %add3A_75 = arith.constant 256 : i32
    %add3A_76 = arith.addi %mul3A_2, %add3A_75 : i32
    "tpu.region"() ({
      %run_scoped3A_87 = tpu.sem_alloc : memref<!tpu.dma_semaphore, #tpu.memory_space<semaphore_mem>>
      %dma_start3A_88 = arith.constant 0 : i32
      %dma_start3A_89 = arith.constant 0 : i32
      %dma_start3A_90 = tpu.memref_slice %arg5[%dma_start3A_88, %dma_start3A_89] : memref<128x128xf32, #tpu.memory_space<vmem>> -> memref<128x128xf32, #tpu.memory_space<vmem>>
      %dma_start3A_91 = arith.constant 0 : i32
      %dma_start3A_92 = tpu.memref_slice %arg6[%add3A_76, %dma_start3A_91] : memref<10112x128xf32, #tpu.memory_space<vmem_shared>> -> memref<128x128xf32, #tpu.memory_space<vmem_shared>>
      %dma_start3A_93 = arith.constant 0 : i32
      %dma_start3A_94 = arith.constant 0 : i32
      %dma_start3A_95 = tpu.memref_slice %arg5[%dma_start3A_93, %dma_start3A_94] : memref<128x128xf32, #tpu.memory_space<vmem>> -> memref<128x128xf32, #tpu.memory_space<vmem>>
      %dma_start3A_96 = arith.constant 0 : i32
      %dma_start3A_97 = tpu.memref_slice %arg6[%add3A_76, %dma_start3A_96] : memref<10112x128xf32, #tpu.memory_space<vmem_shared>> -> memref<128x128xf32, #tpu.memory_space<vmem_shared>>
      tpu.enqueue_dma source(%dma_start3A_97 : memref<128x128xf32, #tpu.memory_space<vmem_shared>>) target(%dma_start3A_95 : memref<128x128xf32, #tpu.memory_space<vmem>>) target_semaphore(%run_scoped3A_87 : memref<!tpu.dma_semaphore, #tpu.memory_space<semaphore_mem>>)
      %dma_wait3A_98 = arith.constant 0 : i32
      %dma_wait3A_99 = arith.constant 0 : i32
      %dma_wait3A_100 = tpu.memref_slice %arg5[%dma_wait3A_98, %dma_wait3A_99] : memref<128x128xf32, #tpu.memory_space<vmem>> -> memref<128x128xf32, #tpu.memory_space<vmem>>
      %dma_wait3A_101 = arith.constant 0 : i32
      %dma_wait3A_102 = tpu.memref_slice %arg6[%add3A_76, %dma_wait3A_101] : memref<10112x128xf32, #tpu.memory_space<vmem_shared>> -> memref<128x128xf32, #tpu.memory_space<vmem_shared>>
      %dma_wait3A_103 = arith.constant 0 : i32
      %dma_wait3A_104 = arith.constant 0 : i32
      %dma_wait3A_105 = tpu.memref_slice %arg5[%dma_wait3A_103, %dma_wait3A_104] : memref<128x128xf32, #tpu.memory_space<vmem>> -> memref<128x128xf32, #tpu.memory_space<vmem>>
      %dma_wait3A_106 = arith.constant 0 : i32
      %dma_wait3A_107 = tpu.memref_slice %arg6[%add3A_76, %dma_wait3A_106] : memref<10112x128xf32, #tpu.memory_space<vmem_shared>> -> memref<128x128xf32, #tpu.memory_space<vmem_shared>>
      tpu.wait_dma2 semaphore(%run_scoped3A_87 : memref<!tpu.dma_semaphore, #tpu.memory_space<semaphore_mem>>) src(%dma_wait3A_107 : memref<128x128xf32, #tpu.memory_space<vmem_shared>>) dst(%dma_wait3A_105 : memref<128x128xf32, #tpu.memory_space<vmem>>)
      tpu.yield
    }) : () -> ()
    %add3A_77 = arith.constant 256 : i32
    %add3A_78 = arith.addi %mul3A_2, %add3A_77 : i32
    "tpu.region"() ({
      %run_scoped3A_87 = tpu.sem_alloc : memref<!tpu.dma_semaphore, #tpu.memory_space<semaphore_mem>>
      %dma_start3A_88 = arith.constant 0 : i32
      %dma_start3A_89 = arith.constant 0 : i32
      %dma_start3A_90 = tpu.memref_slice %arg5[%dma_start3A_88, %dma_start3A_89] : memref<128x128xf32, #tpu.memory_space<vmem>> -> memref<128x128xf32, #tpu.memory_space<vmem>>
      %dma_start3A_91 = arith.constant 0 : i32
      %dma_start3A_92 = tpu.memref_slice %arg3[%arg0, %add3A_78, %dma_start3A_91] : memref<2x10112x128xf32, #tpu.memory_space<hbm>> -> memref<1x128x128xf32, #tpu.memory_space<hbm>>
      %dma_start3A_93 = tpu.memref_squeeze %dma_start3A_92 : memref<1x128x128xf32, #tpu.memory_space<hbm>> -> memref<128x128xf32, #tpu.memory_space<hbm>>
      %dma_start3A_94 = arith.constant 0 : i32
      %dma_start3A_95 = tpu.memref_slice %arg3[%arg0, %add3A_78, %dma_start3A_94] : memref<2x10112x128xf32, #tpu.memory_space<hbm>> -> memref<1x128x128xf32, #tpu.memory_space<hbm>>
      %dma_start3A_96 = tpu.memref_squeeze %dma_start3A_95 : memref<1x128x128xf32, #tpu.memory_space<hbm>> -> memref<128x128xf32, #tpu.memory_space<hbm>>
      %dma_start3A_97 = arith.constant 0 : i32
      %dma_start3A_98 = arith.constant 0 : i32
      %dma_start3A_99 = tpu.memref_slice %arg5[%dma_start3A_97, %dma_start3A_98] : memref<128x128xf32, #tpu.memory_space<vmem>> -> memref<128x128xf32, #tpu.memory_space<vmem>>
      tpu.enqueue_dma source(%dma_start3A_99 : memref<128x128xf32, #tpu.memory_space<vmem>>) target(%dma_start3A_96 : memref<128x128xf32, #tpu.memory_space<hbm>>) target_semaphore(%run_scoped3A_87 : memref<!tpu.dma_semaphore, #tpu.memory_space<semaphore_mem>>)
      %dma_wait3A_100 = arith.constant 0 : i32
      %dma_wait3A_101 = arith.constant 0 : i32
      %dma_wait3A_102 = tpu.memref_slice %arg5[%dma_wait3A_100, %dma_wait3A_101] : memref<128x128xf32, #tpu.memory_space<vmem>> -> memref<128x128xf32, #tpu.memory_space<vmem>>
      %dma_wait3A_103 = arith.constant 0 : i32
      %dma_wait3A_104 = tpu.memref_slice %arg3[%arg0, %add3A_78, %dma_wait3A_103] : memref<2x10112x128xf32, #tpu.memory_space<hbm>> -> memref<1x128x128xf32, #tpu.memory_space<hbm>>
      %dma_wait3A_105 = tpu.memref_squeeze %dma_wait3A_104 : memref<1x128x128xf32, #tpu.memory_space<hbm>> -> memref<128x128xf32, #tpu.memory_space<hbm>>
      %dma_wait3A_106 = arith.constant 0 : i32
      %dma_wait3A_107 = tpu.memref_slice %arg3[%arg0, %add3A_78, %dma_wait3A_106] : memref<2x10112x128xf32, #tpu.memory_space<hbm>> -> memref<1x128x128xf32, #tpu.memory_space<hbm>>
      %dma_wait3A_108 = tpu.memref_squeeze %dma_wait3A_107 : memref<1x128x128xf32, #tpu.memory_space<hbm>> -> memref<128x128xf32, #tpu.memory_space<hbm>>
      %dma_wait3A_109 = arith.constant 0 : i32
      %dma_wait3A_110 = arith.constant 0 : i32
      %dma_wait3A_111 = tpu.memref_slice %arg5[%dma_wait3A_109, %dma_wait3A_110] : memref<128x128xf32, #tpu.memory_space<vmem>> -> memref<128x128xf32, #tpu.memory_space<vmem>>
      tpu.wait_dma2 semaphore(%run_scoped3A_87 : memref<!tpu.dma_semaphore, #tpu.memory_space<semaphore_mem>>) src(%dma_wait3A_111 : memref<128x128xf32, #tpu.memory_space<vmem>>) dst(%dma_wait3A_108 : memref<128x128xf32, #tpu.memory_space<hbm>>)
      tpu.yield
    }) : () -> ()
    %add3A_79 = arith.constant 384 : i32
    %add3A_80 = arith.addi %mul3A_2, %add3A_79 : i32
    "tpu.region"() ({
      %run_scoped3A_87 = tpu.sem_alloc : memref<!tpu.dma_semaphore, #tpu.memory_space<semaphore_mem>>
      %dma_start3A_88 = arith.constant 0 : i32
      %dma_start3A_89 = arith.constant 0 : i32
      %dma_start3A_90 = tpu.memref_slice %arg5[%dma_start3A_88, %dma_start3A_89] : memref<128x128xf32, #tpu.memory_space<vmem>> -> memref<128x128xf32, #tpu.memory_space<vmem>>
      %dma_start3A_91 = arith.constant 0 : i32
      %dma_start3A_92 = tpu.memref_slice %arg6[%add3A_80, %dma_start3A_91] : memref<10112x128xf32, #tpu.memory_space<vmem_shared>> -> memref<128x128xf32, #tpu.memory_space<vmem_shared>>
      %dma_start3A_93 = arith.constant 0 : i32
      %dma_start3A_94 = arith.constant 0 : i32
      %dma_start3A_95 = tpu.memref_slice %arg5[%dma_start3A_93, %dma_start3A_94] : memref<128x128xf32, #tpu.memory_space<vmem>> -> memref<128x128xf32, #tpu.memory_space<vmem>>
      %dma_start3A_96 = arith.constant 0 : i32
      %dma_start3A_97 = tpu.memref_slice %arg6[%add3A_80, %dma_start3A_96] : memref<10112x128xf32, #tpu.memory_space<vmem_shared>> -> memref<128x128xf32, #tpu.memory_space<vmem_shared>>
      tpu.enqueue_dma source(%dma_start3A_97 : memref<128x128xf32, #tpu.memory_space<vmem_shared>>) target(%dma_start3A_95 : memref<128x128xf32, #tpu.memory_space<vmem>>) target_semaphore(%run_scoped3A_87 : memref<!tpu.dma_semaphore, #tpu.memory_space<semaphore_mem>>)
      %dma_wait3A_98 = arith.constant 0 : i32
      %dma_wait3A_99 = arith.constant 0 : i32
      %dma_wait3A_100 = tpu.memref_slice %arg5[%dma_wait3A_98, %dma_wait3A_99] : memref<128x128xf32, #tpu.memory_space<vmem>> -> memref<128x128xf32, #tpu.memory_space<vmem>>
      %dma_wait3A_101 = arith.constant 0 : i32
      %dma_wait3A_102 = tpu.memref_slice %arg6[%add3A_80, %dma_wait3A_101] : memref<10112x128xf32, #tpu.memory_space<vmem_shared>> -> memref<128x128xf32, #tpu.memory_space<vmem_shared>>
      %dma_wait3A_103 = arith.constant 0 : i32
      %dma_wait3A_104 = arith.constant 0 : i32
      %dma_wait3A_105 = tpu.memref_slice %arg5[%dma_wait3A_103, %dma_wait3A_104] : memref<128x128xf32, #tpu.memory_space<vmem>> -> memref<128x128xf32, #tpu.memory_space<vmem>>
      %dma_wait3A_106 = arith.constant 0 : i32
      %dma_wait3A_107 = tpu.memref_slice %arg6[%add3A_80, %dma_wait3A_106] : memref<10112x128xf32, #tpu.memory_space<vmem_shared>> -> memref<128x128xf32, #tpu.memory_space<vmem_shared>>
      tpu.wait_dma2 semaphore(%run_scoped3A_87 : memref<!tpu.dma_semaphore, #tpu.memory_space<semaphore_mem>>) src(%dma_wait3A_107 : memref<128x128xf32, #tpu.memory_space<vmem_shared>>) dst(%dma_wait3A_105 : memref<128x128xf32, #tpu.memory_space<vmem>>)
      tpu.yield
    }) : () -> ()
    %add3A_81 = arith.constant 384 : i32
    %add3A_82 = arith.addi %mul3A_2, %add3A_81 : i32
    "tpu.region"() ({
      %run_scoped3A_87 = tpu.sem_alloc : memref<!tpu.dma_semaphore, #tpu.memory_space<semaphore_mem>>
      %dma_start3A_88 = arith.constant 0 : i32
      %dma_start3A_89 = arith.constant 0 : i32
      %dma_start3A_90 = tpu.memref_slice %arg5[%dma_start3A_88, %dma_start3A_89] : memref<128x128xf32, #tpu.memory_space<vmem>> -> memref<128x128xf32, #tpu.memory_space<vmem>>
      %dma_start3A_91 = arith.constant 0 : i32
      %dma_start3A_92 = tpu.memref_slice %arg3[%arg0, %add3A_82, %dma_start3A_91] : memref<2x10112x128xf32, #tpu.memory_space<hbm>> -> memref<1x128x128xf32, #tpu.memory_space<hbm>>
      %dma_start3A_93 = tpu.memref_squeeze %dma_start3A_92 : memref<1x128x128xf32, #tpu.memory_space<hbm>> -> memref<128x128xf32, #tpu.memory_space<hbm>>
      %dma_start3A_94 = arith.constant 0 : i32
      %dma_start3A_95 = tpu.memref_slice %arg3[%arg0, %add3A_82, %dma_start3A_94] : memref<2x10112x128xf32, #tpu.memory_space<hbm>> -> memref<1x128x128xf32, #tpu.memory_space<hbm>>
      %dma_start3A_96 = tpu.memref_squeeze %dma_start3A_95 : memref<1x128x128xf32, #tpu.memory_space<hbm>> -> memref<128x128xf32, #tpu.memory_space<hbm>>
      %dma_start3A_97 = arith.constant 0 : i32
      %dma_start3A_98 = arith.constant 0 : i32
      %dma_start3A_99 = tpu.memref_slice %arg5[%dma_start3A_97, %dma_start3A_98] : memref<128x128xf32, #tpu.memory_space<vmem>> -> memref<128x128xf32, #tpu.memory_space<vmem>>
      tpu.enqueue_dma source(%dma_start3A_99 : memref<128x128xf32, #tpu.memory_space<vmem>>) target(%dma_start3A_96 : memref<128x128xf32, #tpu.memory_space<hbm>>) target_semaphore(%run_scoped3A_87 : memref<!tpu.dma_semaphore, #tpu.memory_space<semaphore_mem>>)
      %dma_wait3A_100 = arith.constant 0 : i32
      %dma_wait3A_101 = arith.constant 0 : i32
      %dma_wait3A_102 = tpu.memref_slice %arg5[%dma_wait3A_100, %dma_wait3A_101] : memref<128x128xf32, #tpu.memory_space<vmem>> -> memref<128x128xf32, #tpu.memory_space<vmem>>
      %dma_wait3A_103 = arith.constant 0 : i32
      %dma_wait3A_104 = tpu.memref_slice %arg3[%arg0, %add3A_82, %dma_wait3A_103] : memref<2x10112x128xf32, #tpu.memory_space<hbm>> -> memref<1x128x128xf32, #tpu.memory_space<hbm>>
      %dma_wait3A_105 = tpu.memref_squeeze %dma_wait3A_104 : memref<1x128x128xf32, #tpu.memory_space<hbm>> -> memref<128x128xf32, #tpu.memory_space<hbm>>
      %dma_wait3A_106 = arith.constant 0 : i32
      %dma_wait3A_107 = tpu.memref_slice %arg3[%arg0, %add3A_82, %dma_wait3A_106] : memref<2x10112x128xf32, #tpu.memory_space<hbm>> -> memref<1x128x128xf32, #tpu.memory_space<hbm>>
      %dma_wait3A_108 = tpu.memref_squeeze %dma_wait3A_107 : memref<1x128x128xf32, #tpu.memory_space<hbm>> -> memref<128x128xf32, #tpu.memory_space<hbm>>
      %dma_wait3A_109 = arith.constant 0 : i32
      %dma_wait3A_110 = arith.constant 0 : i32
      %dma_wait3A_111 = tpu.memref_slice %arg5[%dma_wait3A_109, %dma_wait3A_110] : memref<128x128xf32, #tpu.memory_space<vmem>> -> memref<128x128xf32, #tpu.memory_space<vmem>>
      tpu.wait_dma2 semaphore(%run_scoped3A_87 : memref<!tpu.dma_semaphore, #tpu.memory_space<semaphore_mem>>) src(%dma_wait3A_111 : memref<128x128xf32, #tpu.memory_space<vmem>>) dst(%dma_wait3A_108 : memref<128x128xf32, #tpu.memory_space<hbm>>)
      tpu.yield
    }) : () -> ()
    %add3A_83 = arith.constant 512 : i32
    %add3A_84 = arith.addi %mul3A_2, %add3A_83 : i32
    "tpu.region"() ({
      %run_scoped3A_87 = tpu.sem_alloc : memref<!tpu.dma_semaphore, #tpu.memory_space<semaphore_mem>>
      %dma_start3A_88 = arith.constant 0 : i32
      %dma_start3A_89 = arith.constant 0 : i32
      %dma_start3A_90 = tpu.memref_slice %arg5[%dma_start3A_88, %dma_start3A_89] : memref<128x128xf32, #tpu.memory_space<vmem>> -> memref<120x128xf32, #tpu.memory_space<vmem>>
      %dma_start3A_91 = arith.constant 0 : i32
      %dma_start3A_92 = tpu.memref_slice %arg6[%add3A_84, %dma_start3A_91] : memref<10112x128xf32, #tpu.memory_space<vmem_shared>> -> memref<120x128xf32, #tpu.memory_space<vmem_shared>>
      %dma_start3A_93 = arith.constant 0 : i32
      %dma_start3A_94 = arith.constant 0 : i32
      %dma_start3A_95 = tpu.memref_slice %arg5[%dma_start3A_93, %dma_start3A_94] : memref<128x128xf32, #tpu.memory_space<vmem>> -> memref<120x128xf32, #tpu.memory_space<vmem>>
      %dma_start3A_96 = arith.constant 0 : i32
      %dma_start3A_97 = tpu.memref_slice %arg6[%add3A_84, %dma_start3A_96] : memref<10112x128xf32, #tpu.memory_space<vmem_shared>> -> memref<120x128xf32, #tpu.memory_space<vmem_shared>>
      tpu.enqueue_dma source(%dma_start3A_97 : memref<120x128xf32, #tpu.memory_space<vmem_shared>>) target(%dma_start3A_95 : memref<120x128xf32, #tpu.memory_space<vmem>>) target_semaphore(%run_scoped3A_87 : memref<!tpu.dma_semaphore, #tpu.memory_space<semaphore_mem>>)
      %dma_wait3A_98 = arith.constant 0 : i32
      %dma_wait3A_99 = arith.constant 0 : i32
      %dma_wait3A_100 = tpu.memref_slice %arg5[%dma_wait3A_98, %dma_wait3A_99] : memref<128x128xf32, #tpu.memory_space<vmem>> -> memref<120x128xf32, #tpu.memory_space<vmem>>
      %dma_wait3A_101 = arith.constant 0 : i32
      %dma_wait3A_102 = tpu.memref_slice %arg6[%add3A_84, %dma_wait3A_101] : memref<10112x128xf32, #tpu.memory_space<vmem_shared>> -> memref<120x128xf32, #tpu.memory_space<vmem_shared>>
      %dma_wait3A_103 = arith.constant 0 : i32
      %dma_wait3A_104 = arith.constant 0 : i32
      %dma_wait3A_105 = tpu.memref_slice %arg5[%dma_wait3A_103, %dma_wait3A_104] : memref<128x128xf32, #tpu.memory_space<vmem>> -> memref<120x128xf32, #tpu.memory_space<vmem>>
      %dma_wait3A_106 = arith.constant 0 : i32
      %dma_wait3A_107 = tpu.memref_slice %arg6[%add3A_84, %dma_wait3A_106] : memref<10112x128xf32, #tpu.memory_space<vmem_shared>> -> memref<120x128xf32, #tpu.memory_space<vmem_shared>>
      tpu.wait_dma2 semaphore(%run_scoped3A_87 : memref<!tpu.dma_semaphore, #tpu.memory_space<semaphore_mem>>) src(%dma_wait3A_107 : memref<120x128xf32, #tpu.memory_space<vmem_shared>>) dst(%dma_wait3A_105 : memref<120x128xf32, #tpu.memory_space<vmem>>)
      tpu.yield
    }) : () -> ()
    %add3A_85 = arith.constant 512 : i32
    %add3A_86 = arith.addi %mul3A_2, %add3A_85 : i32
    "tpu.region"() ({
      %run_scoped3A_87 = tpu.sem_alloc : memref<!tpu.dma_semaphore, #tpu.memory_space<semaphore_mem>>
      %dma_start3A_88 = arith.constant 0 : i32
      %dma_start3A_89 = arith.constant 0 : i32
      %dma_start3A_90 = tpu.memref_slice %arg5[%dma_start3A_88, %dma_start3A_89] : memref<128x128xf32, #tpu.memory_space<vmem>> -> memref<120x128xf32, #tpu.memory_space<vmem>>
      %dma_start3A_91 = arith.constant 0 : i32
      %dma_start3A_92 = tpu.memref_slice %arg3[%arg0, %add3A_86, %dma_start3A_91] : memref<2x10112x128xf32, #tpu.memory_space<hbm>> -> memref<1x120x128xf32, #tpu.memory_space<hbm>>
      %dma_start3A_93 = tpu.memref_squeeze %dma_start3A_92 : memref<1x120x128xf32, #tpu.memory_space<hbm>> -> memref<120x128xf32, #tpu.memory_space<hbm>>
      %dma_start3A_94 = arith.constant 0 : i32
      %dma_start3A_95 = tpu.memref_slice %arg3[%arg0, %add3A_86, %dma_start3A_94] : memref<2x10112x128xf32, #tpu.memory_space<hbm>> -> memref<1x120x128xf32, #tpu.memory_space<hbm>>
      %dma_start3A_96 = tpu.memref_squeeze %dma_start3A_95 : memref<1x120x128xf32, #tpu.memory_space<hbm>> -> memref<120x128xf32, #tpu.memory_space<hbm>>
      %dma_start3A_97 = arith.constant 0 : i32
      %dma_start3A_98 = arith.constant 0 : i32
      %dma_start3A_99 = tpu.memref_slice %arg5[%dma_start3A_97, %dma_start3A_98] : memref<128x128xf32, #tpu.memory_space<vmem>> -> memref<120x128xf32, #tpu.memory_space<vmem>>
      tpu.enqueue_dma source(%dma_start3A_99 : memref<120x128xf32, #tpu.memory_space<vmem>>) target(%dma_start3A_96 : memref<120x128xf32, #tpu.memory_space<hbm>>) target_semaphore(%run_scoped3A_87 : memref<!tpu.dma_semaphore, #tpu.memory_space<semaphore_mem>>)
      %dma_wait3A_100 = arith.constant 0 : i32
      %dma_wait3A_101 = arith.constant 0 : i32
      %dma_wait3A_102 = tpu.memref_slice %arg5[%dma_wait3A_100, %dma_wait3A_101] : memref<128x128xf32, #tpu.memory_space<vmem>> -> memref<120x128xf32, #tpu.memory_space<vmem>>
      %dma_wait3A_103 = arith.constant 0 : i32
      %dma_wait3A_104 = tpu.memref_slice %arg3[%arg0, %add3A_86, %dma_wait3A_103] : memref<2x10112x128xf32, #tpu.memory_space<hbm>> -> memref<1x120x128xf32, #tpu.memory_space<hbm>>
      %dma_wait3A_105 = tpu.memref_squeeze %dma_wait3A_104 : memref<1x120x128xf32, #tpu.memory_space<hbm>> -> memref<120x128xf32, #tpu.memory_space<hbm>>
      %dma_wait3A_106 = arith.constant 0 : i32
      %dma_wait3A_107 = tpu.memref_slice %arg3[%arg0, %add3A_86, %dma_wait3A_106] : memref<2x10112x128xf32, #tpu.memory_space<hbm>> -> memref<1x120x128xf32, #tpu.memory_space<hbm>>
      %dma_wait3A_108 = tpu.memref_squeeze %dma_wait3A_107 : memref<1x120x128xf32, #tpu.memory_space<hbm>> -> memref<120x128xf32, #tpu.memory_space<hbm>>
      %dma_wait3A_109 = arith.constant 0 : i32
      %dma_wait3A_110 = arith.constant 0 : i32
      %dma_wait3A_111 = tpu.memref_slice %arg5[%dma_wait3A_109, %dma_wait3A_110] : memref<128x128xf32, #tpu.memory_space<vmem>> -> memref<120x128xf32, #tpu.memory_space<vmem>>
      tpu.wait_dma2 semaphore(%run_scoped3A_87 : memref<!tpu.dma_semaphore, #tpu.memory_space<semaphore_mem>>) src(%dma_wait3A_111 : memref<120x128xf32, #tpu.memory_space<vmem>>) dst(%dma_wait3A_108 : memref<120x128xf32, #tpu.memory_space<hbm>>)
      tpu.yield
    }) : () -> ()
    return
  }
}

module attributes {stable_mosaic.version = 14 : i64} {
  func.func @_tc_root(%arg0: i32, %arg1: memref<1264x128xf32, #tpu.memory_space<vmem>>, %arg2: memref<128x128xf32, #tpu.memory_space<vmem>>, %arg3: memref<1x128xf32, #tpu.memory_space<vmem>>, %arg4: memref<1264x128xf32, #tpu.memory_space<vmem>>) attributes {dimension_semantics = [#tpu.dimension_semantics<arbitrary>], iteration_bounds = array<i64: 8>, scalar_prefetch = 0 : i64, scratch_operands = 0 : i64, tpu.core_type = #tpu.core_type<tc>, window_params = [{transform_indices = @transform_0, window_bounds = array<i64: 1264, 128>}, {pipeline_mode = #tpu.pipeline_mode<synchronous>, transform_indices = @transform_1, window_bounds = array<i64: 128, 128>}, {pipeline_mode = #tpu.pipeline_mode<synchronous>, transform_indices = @transform_2, window_bounds = array<i64: 1, 128>}, {transform_indices = @transform_3, window_bounds = array<i64: 1264, 128>}]} {
    %get3A = arith.constant 0 : index
    %get3A_0 = arith.constant 0 : index
    %get3A_1 = vector.load %arg1[%get3A, %get3A_0] : memref<1264x128xf32, #tpu.memory_space<vmem>>, vector<1264x128xf32>
    %get3A_2 = arith.constant 0 : index
    %get3A_3 = arith.constant 0 : index
    %get3A_4 = vector.load %arg2[%get3A_2, %get3A_3] : memref<128x128xf32, #tpu.memory_space<vmem>>, vector<128x128xf32>
    %dot_general3A = arith.constant dense<0.000000e+00> : vector<1264x128xf32>
    %dot_general3A_5 = tpu.matmul %get3A_1, %get3A_4, %dot_general3A {dimension_numbers = #tpu.dot_dimension_numbers<[1], [0], [0], [1], [0, 0, 1, 1], [], []>, transpose_lhs_hint = false} : vector<1264x128xf32>, vector<128x128xf32>, vector<1264x128xf32> -> vector<1264x128xf32>
    %get3A_6 = arith.constant 0 : index
    %get3A_7 = arith.constant 0 : index
    %get3A_8 = vector.load %arg3[%get3A_6, %get3A_7] : memref<1x128xf32, #tpu.memory_space<vmem>>, vector<1x128xf32>
    %add3A = vector.broadcast %get3A_8 : vector<1x128xf32> to vector<1264x128xf32>
    %add3A_9 = arith.addf %dot_general3A_5, %add3A : vector<1264x128xf32>
    %swap3A = arith.constant 0 : index
    %swap3A_10 = arith.constant 0 : index
    %swap3A_11 = vector.load %arg4[%swap3A, %swap3A_10] : memref<1264x128xf32, #tpu.memory_space<vmem>>, vector<1264x128xf32>
    tpu.vector_store %arg4[%swap3A, %swap3A_10], %add3A_9 {strides = array<i32>} : memref<1264x128xf32, #tpu.memory_space<vmem>>, vector<1264x128xf32>,
    return
  }
  func.func @transform_0(%arg0: i32) -> (i32, i32) {
    %c0_i32 = arith.constant 0 : i32
    %c0_i32_0 = arith.constant 0 : i32
    return %arg0, %c0_i32 : i32, i32
  }
  func.func @transform_1(%arg0: i32) -> (i32, i32) {
    %c0_i32 = arith.constant 0 : i32
    %c0_i32_0 = arith.constant 0 : i32
    %c0_i32_1 = arith.constant 0 : i32
    return %c0_i32, %c0_i32_0 : i32, i32
  }
  func.func @transform_2(%arg0: i32) -> (i32, i32) {
    %c0_i32 = arith.constant 0 : i32
    %c0_i32_0 = arith.constant 0 : i32
    %c0_i32_1 = arith.constant 0 : i32
    return %c0_i32, %c0_i32_0 : i32, i32
  }
  func.func @transform_3(%arg0: i32) -> (i32, i32) {
    %c0_i32 = arith.constant 0 : i32
    %c0_i32_0 = arith.constant 0 : i32
    return %arg0, %c0_i32 : i32, i32
  }
}

module attributes {stable_mosaic.version = 14 : i64} {
  func.func @_tc_layer1(%arg0: i32, %arg1: memref<2x1264x128xf32, #tpu.memory_space<vmem>>, %arg2: memref<2x1264x128xf32, #tpu.memory_space<vmem>>, %arg3: memref<1264x128xf32, #tpu.memory_space<vmem>>, %arg4: memref<128x128xf32, #tpu.memory_space<vmem>>, %arg5: memref<1264x128xf32, #tpu.memory_space<vmem>>, %arg6: memref<1264x8xf32, #tpu.memory_space<vmem>>) attributes {dimension_semantics = [#tpu.dimension_semantics<arbitrary>], iteration_bounds = array<i64: 8>, scalar_prefetch = 0 : i64, scratch_operands = 0 : i64, tpu.core_type = #tpu.core_type<tc>, window_params = [{transform_indices = @transform_0, window_bounds = array<i64: 2, 1264, 128>}, {transform_indices = @transform_1, window_bounds = array<i64: 2, 1264, 128>}, {transform_indices = @transform_2, window_bounds = array<i64: 1264, 128>}, {pipeline_mode = #tpu.pipeline_mode<synchronous>, transform_indices = @transform_3, window_bounds = array<i64: 128, 128>}, {transform_indices = @transform_4, window_bounds = array<i64: 1264, 128>}, {transform_indices = @transform_5, window_bounds = array<i64: 1264, 8>}]} {
    %get3A = arith.constant 0 : index
    %get3A_0 = arith.constant 0 : index
    %get3A_1 = arith.constant 0 : index
    %get3A_2 = vector.load %arg1[%get3A, %get3A_0, %get3A_1] : memref<2x1264x128xf32, #tpu.memory_space<vmem>>, vector<1x1264x128xf32>
    %get3A_3 = vector.shape_cast %get3A_2 : vector<1x1264x128xf32> to vector<1264x128xf32>
    %get3A_4 = arith.constant 1 : index
    %get3A_5 = arith.constant 0 : index
    %get3A_6 = arith.constant 0 : index
    %get3A_7 = vector.load %arg1[%get3A_4, %get3A_5, %get3A_6] : memref<2x1264x128xf32, #tpu.memory_space<vmem>>, vector<1x1264x128xf32>
    %get3A_8 = vector.shape_cast %get3A_7 : vector<1x1264x128xf32> to vector<1264x128xf32>
    %add3A = arith.addf %get3A_3, %get3A_8 : vector<1264x128xf32>
    %get3A_9 = arith.constant 0 : index
    %get3A_10 = arith.constant 0 : index
    %get3A_11 = arith.constant 0 : index
    %get3A_12 = vector.load %arg2[%get3A_9, %get3A_10, %get3A_11] : memref<2x1264x128xf32, #tpu.memory_space<vmem>>, vector<1x1264x1xf32>
    %get3A_13 = vector.shape_cast %get3A_12 : vector<1x1264x1xf32> to vector<1264xf32>
    %get3A_14 = arith.constant 1 : index
    %get3A_15 = arith.constant 0 : index
    %get3A_16 = arith.constant 0 : index
    %get3A_17 = vector.load %arg2[%get3A_14, %get3A_15, %get3A_16] : memref<2x1264x128xf32, #tpu.memory_space<vmem>>, vector<1x1264x1xf32>
    %get3A_18 = vector.shape_cast %get3A_17 : vector<1x1264x1xf32> to vector<1264xf32>
    %add3A_19 = arith.addf %get3A_13, %get3A_18 : vector<1264xf32>
    %max3A = arith.constant 1.000000e+00 : f32
    %max3A_20 = vector.broadcast %max3A : f32 to vector<1264xf32>
    %max3A_21 = arith.maximumf %add3A_19, %max3A_20 : vector<1264xf32>
    %div3A = arith.constant 1.000000e+00 : f32
    %div3A_22 = vector.broadcast %div3A : f32 to vector<1264xf32>
    %div3A_23 = arith.divf %div3A_22, %max3A_21 : vector<1264xf32>
    %broadcast_in_dim3A = vector.shape_cast %div3A_23 : vector<1264xf32> to vector<1264x1xf32>
    %mul3A = vector.broadcast %broadcast_in_dim3A : vector<1264x1xf32> to vector<1264x128xf32>
    %mul3A_24 = arith.mulf %add3A, %mul3A : vector<1264x128xf32>
    %get3A_25 = arith.constant 0 : index
    %get3A_26 = arith.constant 0 : index
    %get3A_27 = vector.load %arg4[%get3A_25, %get3A_26] : memref<128x128xf32, #tpu.memory_space<vmem>>, vector<128x128xf32>
    %dot_general3A = arith.constant dense<0.000000e+00> : vector<1264x128xf32>
    %dot_general3A_28 = tpu.matmul %mul3A_24, %get3A_27, %dot_general3A {dimension_numbers = #tpu.dot_dimension_numbers<[1], [0], [0], [1], [0, 0, 1, 1], [], []>, transpose_lhs_hint = false} : vector<1264x128xf32>, vector<128x128xf32>, vector<1264x128xf32> -> vector<1264x128xf32>
    %get3A_29 = arith.constant 0 : index
    %get3A_30 = arith.constant 0 : index
    %get3A_31 = vector.load %arg3[%get3A_29, %get3A_30] : memref<1264x128xf32, #tpu.memory_space<vmem>>, vector<1264x128xf32>
    %add3A_32 = arith.addf %dot_general3A_28, %get3A_31 : vector<1264x128xf32>
    %max3A_33 = arith.constant 0.000000e+00 : f32
    %max3A_34 = vector.broadcast %max3A_33 : f32 to vector<1264x128xf32>
    %max3A_35 = arith.maximumf %add3A_32, %max3A_34 : vector<1264x128xf32>
    %swap3A = arith.constant 0 : index
    %swap3A_36 = arith.constant 0 : index
    %swap3A_37 = vector.load %arg5[%swap3A, %swap3A_36] : memref<1264x128xf32, #tpu.memory_space<vmem>>, vector<1264x128xf32>
    tpu.vector_store %arg5[%swap3A, %swap3A_36], %max3A_35 {strides = array<i32>} : memref<1264x128xf32, #tpu.memory_space<vmem>>, vector<1264x128xf32>,
    %broadcast_in_dim3A_38 = vector.shape_cast %div3A_23 : vector<1264xf32> to vector<1264x1xf32>
    %broadcast_in_dim3A_39 = vector.shape_cast %broadcast_in_dim3A_38 : vector<1264x1xf32> to vector<1264x1xf32>
    %broadcast_in_dim3A_40 = vector.broadcast %broadcast_in_dim3A_39 : vector<1264x1xf32> to vector<1264x8xf32>
    %swap3A_41 = arith.constant 0 : index
    %swap3A_42 = arith.constant 0 : index
    %swap3A_43 = vector.load %arg6[%swap3A_41, %swap3A_42] : memref<1264x8xf32, #tpu.memory_space<vmem>>, vector<1264x8xf32>
    tpu.vector_store %arg6[%swap3A_41, %swap3A_42], %broadcast_in_dim3A_40 {strides = array<i32>} : memref<1264x8xf32, #tpu.memory_space<vmem>>, vector<1264x8xf32>,
    return
  }
  func.func @transform_0(%arg0: i32) -> (i32, i32, i32) {
    %c0_i32 = arith.constant 0 : i32
    %c0_i32_0 = arith.constant 0 : i32
    %c0_i32_1 = arith.constant 0 : i32
    return %c0_i32, %arg0, %c0_i32_0 : i32, i32, i32
  }
  func.func @transform_1(%arg0: i32) -> (i32, i32, i32) {
    %c0_i32 = arith.constant 0 : i32
    %c0_i32_0 = arith.constant 0 : i32
    %c0_i32_1 = arith.constant 0 : i32
    return %c0_i32, %arg0, %c0_i32_0 : i32, i32, i32
  }
  func.func @transform_2(%arg0: i32) -> (i32, i32) {
    %c0_i32 = arith.constant 0 : i32
    %c0_i32_0 = arith.constant 0 : i32
    return %arg0, %c0_i32 : i32, i32
  }
  func.func @transform_3(%arg0: i32) -> (i32, i32) {
    %c0_i32 = arith.constant 0 : i32
    %c0_i32_0 = arith.constant 0 : i32
    %c0_i32_1 = arith.constant 0 : i32
    return %c0_i32, %c0_i32_0 : i32, i32
  }
  func.func @transform_4(%arg0: i32) -> (i32, i32) {
    %c0_i32 = arith.constant 0 : i32
    %c0_i32_0 = arith.constant 0 : i32
    return %arg0, %c0_i32 : i32, i32
  }
  func.func @transform_5(%arg0: i32) -> (i32, i32) {
    %c0_i32 = arith.constant 0 : i32
    %c0_i32_0 = arith.constant 0 : i32
    return %arg0, %c0_i32 : i32, i32
  }
}

module attributes {stable_mosaic.version = 14 : i64} {
  func.func @_tc_layer2(%arg0: i32, %arg1: memref<2x1264x128xf32, #tpu.memory_space<vmem>>, %arg2: memref<1264x8xf32, #tpu.memory_space<vmem>>, %arg3: memref<1264x128xf32, #tpu.memory_space<vmem>>, %arg4: memref<128x128xf32, #tpu.memory_space<vmem>>, %arg5: memref<1264x128xf32, #tpu.memory_space<vmem>>) attributes {dimension_semantics = [#tpu.dimension_semantics<arbitrary>], iteration_bounds = array<i64: 8>, scalar_prefetch = 0 : i64, scratch_operands = 0 : i64, tpu.core_type = #tpu.core_type<tc>, window_params = [{transform_indices = @transform_0, window_bounds = array<i64: 2, 1264, 128>}, {transform_indices = @transform_1, window_bounds = array<i64: 1264, 8>}, {transform_indices = @transform_2, window_bounds = array<i64: 1264, 128>}, {pipeline_mode = #tpu.pipeline_mode<synchronous>, transform_indices = @transform_3, window_bounds = array<i64: 128, 128>}, {transform_indices = @transform_4, window_bounds = array<i64: 1264, 128>}]} {
    %get3A = arith.constant 0 : index
    %get3A_0 = arith.constant 0 : index
    %get3A_1 = arith.constant 0 : index
    %get3A_2 = vector.load %arg1[%get3A, %get3A_0, %get3A_1] : memref<2x1264x128xf32, #tpu.memory_space<vmem>>, vector<1x1264x128xf32>
    %get3A_3 = vector.shape_cast %get3A_2 : vector<1x1264x128xf32> to vector<1264x128xf32>
    %get3A_4 = arith.constant 1 : index
    %get3A_5 = arith.constant 0 : index
    %get3A_6 = arith.constant 0 : index
    %get3A_7 = vector.load %arg1[%get3A_4, %get3A_5, %get3A_6] : memref<2x1264x128xf32, #tpu.memory_space<vmem>>, vector<1x1264x128xf32>
    %get3A_8 = vector.shape_cast %get3A_7 : vector<1x1264x128xf32> to vector<1264x128xf32>
    %add3A = arith.addf %get3A_3, %get3A_8 : vector<1264x128xf32>
    %get3A_9 = arith.constant 0 : index
    %get3A_10 = arith.constant 0 : index
    %get3A_11 = vector.load %arg2[%get3A_9, %get3A_10] : memref<1264x8xf32, #tpu.memory_space<vmem>>, vector<1264x1xf32>
    %mul3A = vector.broadcast %get3A_11 : vector<1264x1xf32> to vector<1264x128xf32>
    %mul3A_12 = arith.mulf %add3A, %mul3A : vector<1264x128xf32>
    %get3A_13 = arith.constant 0 : index
    %get3A_14 = arith.constant 0 : index
    %get3A_15 = vector.load %arg4[%get3A_13, %get3A_14] : memref<128x128xf32, #tpu.memory_space<vmem>>, vector<128x128xf32>
    %dot_general3A = arith.constant dense<0.000000e+00> : vector<1264x128xf32>
    %dot_general3A_16 = tpu.matmul %mul3A_12, %get3A_15, %dot_general3A {dimension_numbers = #tpu.dot_dimension_numbers<[1], [0], [0], [1], [0, 0, 1, 1], [], []>, transpose_lhs_hint = false} : vector<1264x128xf32>, vector<128x128xf32>, vector<1264x128xf32> -> vector<1264x128xf32>
    %get3A_17 = arith.constant 0 : index
    %get3A_18 = arith.constant 0 : index
    %get3A_19 = vector.load %arg3[%get3A_17, %get3A_18] : memref<1264x128xf32, #tpu.memory_space<vmem>>, vector<1264x128xf32>
    %add3A_20 = arith.addf %dot_general3A_16, %get3A_19 : vector<1264x128xf32>
    %mul3A_21 = arith.mulf %add3A_20, %add3A_20 : vector<1264x128xf32>
    %reduce_sum3A = arith.constant dense<0.000000e+00> : vector<1264xf32>
    %reduce_sum3A_22 = vector.multi_reduction <add>, %mul3A_21, %reduce_sum3A [1] : vector<1264x128xf32> to vector<1264xf32>
    %broadcast_in_dim3A = vector.shape_cast %reduce_sum3A_22 : vector<1264xf32> to vector<1264x1xf32>
    %sqrt3A = math.sqrt %broadcast_in_dim3A : vector<1264x1xf32>
    %max3A = arith.constant 9.99999996E-13 : f32
    %max3A_23 = vector.broadcast %max3A : f32 to vector<1264x1xf32>
    %max3A_24 = arith.maximumf %sqrt3A, %max3A_23 : vector<1264x1xf32>
    %div3A = vector.broadcast %max3A_24 : vector<1264x1xf32> to vector<1264x128xf32>
    %div3A_25 = arith.divf %add3A_20, %div3A : vector<1264x128xf32>
    %max3A_26 = arith.constant 0.000000e+00 : f32
    %max3A_27 = vector.broadcast %max3A_26 : f32 to vector<1264x128xf32>
    %max3A_28 = arith.maximumf %div3A_25, %max3A_27 : vector<1264x128xf32>
    %swap3A = arith.constant 0 : index
    %swap3A_29 = arith.constant 0 : index
    %swap3A_30 = vector.load %arg5[%swap3A, %swap3A_29] : memref<1264x128xf32, #tpu.memory_space<vmem>>, vector<1264x128xf32>
    tpu.vector_store %arg5[%swap3A, %swap3A_29], %max3A_28 {strides = array<i32>} : memref<1264x128xf32, #tpu.memory_space<vmem>>, vector<1264x128xf32>,
    return
  }
  func.func @transform_0(%arg0: i32) -> (i32, i32, i32) {
    %c0_i32 = arith.constant 0 : i32
    %c0_i32_0 = arith.constant 0 : i32
    %c0_i32_1 = arith.constant 0 : i32
    return %c0_i32, %arg0, %c0_i32_0 : i32, i32, i32
  }
  func.func @transform_1(%arg0: i32) -> (i32, i32) {
    %c0_i32 = arith.constant 0 : i32
    %c0_i32_0 = arith.constant 0 : i32
    return %arg0, %c0_i32 : i32, i32
  }
  func.func @transform_2(%arg0: i32) -> (i32, i32) {
    %c0_i32 = arith.constant 0 : i32
    %c0_i32_0 = arith.constant 0 : i32
    return %arg0, %c0_i32 : i32, i32
  }
  func.func @transform_3(%arg0: i32) -> (i32, i32) {
    %c0_i32 = arith.constant 0 : i32
    %c0_i32_0 = arith.constant 0 : i32
    %c0_i32_1 = arith.constant 0 : i32
    return %c0_i32, %c0_i32_0 : i32, i32
  }
  func.func @transform_4(%arg0: i32) -> (i32, i32) {
    %c0_i32 = arith.constant 0 : i32
    %c0_i32_0 = arith.constant 0 : i32
    return %arg0, %c0_i32 : i32, i32
  }
}

</mosaic_0001>

<sc_bundles>
// kernel: kernel.12.cloned.1.call-start
scs
__scs_entry_jumppad:
0x0: {  	(pc) =	sbr.rel $0x88, $3  }
0x1: {  	(tag) =	ssettag $0x0;
	lr =	simm.s32 $0x1  }
0x2: {  	[smem:$0x3F99] =	sst lr;
	_ =	strace $0xD0000000  }
0x3: {  	_ = 	snop  }
0x4: {  	_ = 	snop  }
0x5: {  	_ = 	snop  }
0x6: {  	_ = 	snop  }
0x7: {  	_ = 	snop  }
__scs_overlays_trampoline_lowered:
0x8: {  	[smem:$0x3FA8] =	sst s0  }
0x9: {  	[smem:$0x3FA9] =	sst s1  }
0xa: {  	[smem:$0x3FAA] =	sst s2  }
0xb: {  	[smem:$0x3FAB] =	sst s3  }
0xc: {  	[smem:$0x3FAC] =	sst s4  }
0xd: {  	[smem:$0x3FAD] =	sst s5  }
0xe: {  	[smem:$0x3FAE] =	sst s6  }
0xf: {  	[smem:$0x3FAF] =	sst s7  }
0x10: {  	[smem:$0x3FB0] =	sst s8  }
0x11: {  	[smem:$0x3FB1] =	sst s9;
	s0 =	simm.s32 @!p0 $0x0  }
0x12: {  	s1 =	sld [smem:$0x3F97];
	s0 =	simm.s32 @p0 $0x1  }
0x13: {  	[smem:$0x3FB2] =	sst s0;
	s0 =	simm.s32 @!p1 $0x0  }
0x14: {  	s2 =	sld [smem:$0x3F96];
	s0 =	simm.s32 @p1 $0x1  }
0x15: {  	[smem:$0x3FB3] =	sst s0;
	s0 =	simm.s32 @!p2 $0x0  }
0x16: {  	s3 =	sld [smem:$0x3FDB];
	s0 =	simm.s32 @p2 $0x1  }
0x17: {  	s4 =	simm.s32 $0x1BF5;
	[smem:$0x3FB5] =	sst s0  }
0x18: {  	s0 =	sld [smem:$0x3F98];
	_ =	swait.ge [sflag:s4], $0x0  }
0x19: {  	s7 =	sld [smem:$0x3F99]  }
0x1a: {  	s8 =	sadd.s32 $0xFFFFE003, lr  }
0x1b: {  	s9 =	sadd.s32 $0xFFFFFEF7, lr;
	s5 =	simm.s32 $0xFFFFFFFF;
	p2 =	slt.u32 s8, $0xFFFFF086  }
0x1c: {  	p1 =	slt.u32 s9, $0xF7A;
	s5 =	simm.s32 @!p2 $0x0  }
0x1d: {  	s5 =	simm.s32 @p1 $0x1;
	p0 =	seq.s32 s7, s2  }
0x1e: {  	s7 =	smul.u32 @!p0 $0xF7A, s2;
	p2 =	seq.s32 @!p0 s5, $0x0  }
0x1f: {  	s9 =	smul.u32 $0xF7A, s1;
	s8 =	simm.s32 @!p0 $0x1BF5;
	p2 =	por !p2, p0  }
0x20: {  	[sflag:s8] =	ssyncset.s32 @!p0 $0xFFFFF086;
	s6 =	sadd.s32 @!p0 s3, s7;
	s7 =	simm.s32 @!p0 $0x108  }
0x21: {  	s3 =	sadd.s32 s3, s9;
	s6 =	sadd.s32 @!p0 $0x88, s6;
	s7 =	simm.s32 @p2 $0x1082  }
0x22: {  	[simem:s7], [sflag:s8] =	dma.local @!p0 [hbm:s6], $0xF7A  }
0x23: {  	s9 =	sor.u32 $0xD0000000, s2;
	s6 =	simm.s32 $0x108;
	_ =	swait.ge @!p0 [sflag:s8], $0x0  }
0x24: {  	s3 =	sadd.s32 $0x88, s3;
	s6 =	simm.s32 @!p1 $0x1082;
	[sflag:s4] =	ssyncset.s32 $0xFFFFF086  }
0x25: {  	[simem:s6], [sflag:s4] =	dma.local [hbm:s3], $0xF7A  }
0x26: {  	[smem:$0x3F99] =	sst s1;
	(tag) =	ssettag s2;
	_ =	strace s9  }
0x27: {  	s1 =	sld [smem:$0x3FA9]  }
0x28: {  	s2 =	sld [smem:$0x3FAA]  }
0x29: {  	s4 =	sld [smem:$0x3FAC]  }
0x2a: {  	p0 =	seq.s32 s5, $0x0;
	s5 =	sld [smem:$0x3FAD]  }
0x2b: {  	s6 =	sld [smem:$0x3FAE]  }
0x2c: {  	s7 =	sld [smem:$0x3FAF]  }
0x2d: {  	s3 =	simm.s32 $0x108;
	s8 =	sld [smem:$0x3FB0]  }
0x2e: {  	s3 =	simm.s32 @!p0 $0x1082;
	s9 =	sld [smem:$0x3FB1]  }
0x2f: {  	lr =	sadd.s32 s0, s3;
	s0 =	sld [smem:$0x3FA8]  }
0x30: {  	s3 =	sld [smem:$0x3FAB]  }
0x31: {  	[smem:$0x3FB4] =	sst s10  }
0x32: {  	s10 =	sld [smem:$0x3FB2];
	_ =	sdelay $0x3  }
0x33: {  	p0 =	seq.s32 s10, $0x1;
	s10 =	sld [smem:$0x3FB4];
	_ =	sdelay $0x3  }
0x34: {  	[smem:$0x3FB4] =	sst s10  }
0x35: {  	s10 =	sld [smem:$0x3FB3];
	_ =	sdelay $0x3  }
0x36: {  	p1 =	seq.s32 s10, $0x1;
	s10 =	sld [smem:$0x3FB4];
	_ =	sdelay $0x3  }
0x37: {  	[smem:$0x3FB4] =	sst s10  }
0x38: {  	s10 =	sld [smem:$0x3FB5]  }
0x39: {  	_ = 	snop;
	(pc) =	sbr.ind lr, $3  }
0x3a: {  	_ = 	snop  }
0x3b: {  	_ = 	snop  }
0x3c: {  	p2 =	seq.s32 s10, $0x1;
	s10 =	sld [smem:$0x3FB4]  }
0x3d: {  	_ =	shalt  }
0x3e: {  	_ =	shalt  }
0x3f: {  	_ =	shalt  }
0x40: {  	_ =	shalt  }
0x41: {  	_ =	shalt  }
0x42: {  	_ =	shalt  }
0x43: {  	_ =	shalt  }
0x44: {  	_ =	shalt  }
0x45: {  	_ =	shalt  }
0x46: {  	_ =	shalt  }
0x47: {  	_ =	shalt  }
0x48: {  	_ =	shalt  }
0x49: {  	_ =	shalt  }
0x4a: {  	_ =	shalt  }
0x4b: {  	_ =	shalt  }
0x4c: {  	_ =	shalt  }
0x4d: {  	_ =	shalt  }
0x4e: {  	_ =	shalt  }
0x4f: {  	_ =	shalt  }
0x50: {  	_ =	shalt  }
0x51: {  	_ =	shalt  }
0x52: {  	_ =	shalt  }
0x53: {  	_ =	shalt  }
0x54: {  	_ =	shalt  }
0x55: {  	_ =	shalt  }
0x56: {  	_ =	shalt  }
0x57: {  	_ =	shalt  }
0x58: {  	_ =	shalt  }
0x59: {  	_ =	shalt  }
0x5a: {  	_ =	shalt  }
0x5b: {  	_ =	shalt  }
0x5c: {  	_ =	shalt  }
0x5d: {  	_ =	shalt  }
0x5e: {  	_ =	shalt  }
0x5f: {  	_ =	shalt  }
0x60: {  	_ =	shalt  }
0x61: {  	_ =	shalt  }
0x62: {  	_ =	shalt  }
0x63: {  	_ =	shalt  }
0x64: {  	_ =	shalt  }
0x65: {  	_ =	shalt  }
0x66: {  	_ =	shalt  }
0x67: {  	_ =	shalt  }
0x68: {  	_ =	shalt  }
0x69: {  	_ =	shalt  }
0x6a: {  	_ =	shalt  }
0x6b: {  	_ =	shalt  }
0x6c: {  	_ =	shalt  }
0x6d: {  	_ =	shalt  }
0x6e: {  	_ =	shalt  }
0x6f: {  	_ =	shalt  }
0x70: {  	_ =	shalt  }
0x71: {  	_ =	shalt  }
0x72: {  	_ =	shalt  }
0x73: {  	_ =	shalt  }
0x74: {  	_ =	shalt  }
0x75: {  	_ =	shalt  }
0x76: {  	_ =	shalt  }
0x77: {  	_ =	shalt  }
0x78: {  	_ =	shalt  }
0x79: {  	_ =	shalt  }
0x7a: {  	_ =	shalt  }
0x7b: {  	_ =	shalt  }
0x7c: {  	_ =	shalt  }
0x7d: {  	_ =	shalt  }
0x7e: {  	_ =	shalt  }
0x7f: {  	_ =	shalt  }
0x80: {  	_ =	shalt  }
0x81: {  	_ =	shalt  }
0x82: {  	_ =	shalt  }
0x83: {  	_ =	shalt  }
0x84: {  	_ =	shalt  }
0x85: {  	_ =	shalt  }
0x86: {  	_ =	shalt  }
0x87: {  	_ =	shalt  }
.Lfunc_end0:
.L_simem_size_0:
called_computation.1_lowered:
.L_overlay_start_0:
0x88: {  	s2 =	sld [smem:$0x3FD9]  }
0x89: {  	s3 =	sld [smem:$0x3FFE];
	_ =	sdelay $0x1  }
0x8a: {  	s1 =	srdreg.scid  }
0x8b: {  	s0 =	sand.u32 $0x1, s1  }
0x8c: {  	s17 =	sshll.u32 s0, $0xA;
	s2 =	sadd.s32 s3, s2  }
0x8d: {  	s2 =	sadd.s32 s2, s17  }
0x8e: {  	[smem:$0x3FC0] =	sst s2  }
0x8f: {  	_ = 	snop  }
0x90: {  	s2 =	sld [smem:$0x3FD0];
	(tm) =	ssettm $0x1  }
0x91: {  	s18 =	sld [smem:$0x3FFB];
	_ =	sdelay $0x3  }
0x92: {  	_ =	strace s18  }
0x93: {  	s3 =	sld [smem:$0x3FFC];
	_ =	sdelay $0x3  }
0x94: {  	_ =	strace s3  }
0x95: {  	s3 =	sld [smem:$0x3FFD];
	_ =	sdelay $0x3  }
0x96: {  	_ =	strace s3  }
0x97: {  	_ =	strace $0x8FFFFFFF  }
0x98: {  	s19 =	sld [smem:$0x3FDB];
	_ =	sdelay $0x1  }
0x99: {  	s4 =	simm.s32 $_scs_section_size  }
0x9a: {  	s5 =	simm.s32 $_size__tile_overlayer_lowered;
	s6 =	simm.s32 $_tile_overlayer_lowered  }
0x9b: {  	s22 =	simm.s32 $0x1BFF;
	s21 =	sshll.u32 s6, $0x1;
	s3 =	sadd.s32 s4, s19  }
0x9c: {  	s7 =	simm.s32 $0x0;
	s20 =	sshll.u32 s5, $0x1;
	s5 =	sadd.s32 s21, s3  }
0x9d: {  	[timem:s7], [sflag:s22] =	dma.local [hbm:s5], s20  }
0x9e: {  	_ =	swait.ge [sflag:s22], s20  }
0x9f: {  	s4 =	ssub.s32 $0x0, s20;
	[sflag:s22] =	ssyncset.done $0x0  }
0xa0: {  	[sflag:s22] =	ssyncadd.s32 s4;
	_ =	sdelay $0x1  }
0xa1: {  	s23 =	simm.s32 $0x1B8B  }
0xa2: {  	_ =	swait.ge [sflag:s23], $0x1  }
0xa3: {  	[sflag:s23] =	ssyncset.done $0x0  }
0xa4: {  	s25 =	simm.s32 $0x1B8E;
	s24 =	sld [smem:$0x3FFE];
	[sflag:s23] =	ssyncadd.s32 $0xFFFFFFFF  }
0xa5: {  	s26 =	simm.s32 $execute0_lowered;
	[smem:$0x3FD2] =	sst s25  }
0xa6: {  	s5 =	sshll.u32 s26, $0x1;
	_ =	strace $0x80000046;
	[dreg:$0x1] =	wrdreg $0xFFFFFFFF  }
0xa7: {  	s28 =	simm.s32 $_size_execute0_lowered;
	s3 =	sadd.s32 s3, s5;
	[dreg:$0x0] =	wrdreg $0x0  }
0xa8: {  	s5 =	sshll.u32 s28, $0x1;
	[dreg:$0x2] =	wrdreg s3  }
0xa9: {  	[dreg:$0x3] =	wrdreg s5  }
0xaa: {  	[dreg:$0x4] =	wrdreg $0xC0  }
0xab: {  	_ =	task [dreg:s7], $0x5FFFF  }
0xac: {  	[dreg:$0x1] =	wrdreg $0xFFFFFFFF  }
0xad: {  	[dreg:$0x0] =	wrdreg $0x60  }
0xae: {  	[dreg:$0x2] =	wrdreg s24  }
0xaf: {  	[dreg:$0x3] =	wrdreg s2  }
0xb0: {  	[dreg:$0x4] =	wrdreg $0x82000  }
0xb1: {  	[dreg:$0x5] =	wrdreg $0xA  }
0xb2: {  	_ =	task.clear_ibuf [dreg:s7], $0x6FFFF;
	_ =	strace $0x90000046  }
0xb3: {  	s29 =	simm.s32 $0xA;
	_ =	strace $0x80000048  }
0xb4: {  	_ =	swait.ge [sflag:s29], $0x1  }
0xb5: {  	[sflag:s29] =	ssyncadd.s32 $0xFFFFFFFF  }
0xb6: {  	_ =	strace $0x90000048  }
0xb7: {  	_ =	sfence  }
0xb8: {  	s30 =	sld [smem:$0x0];
	_ =	sdelay $0x2  }
0xb9: {  	s31 =	sshll.u32 s1, $0xD;
	s1 =	sshrl.u32 s1, $0x2  }
0xba: {  	s3 =	sand.u32 $0x4000, s31;
	s1 =	sadd.s32 s1, s30  }
0xbb: {  	s0 =	sor.u32 s3, s0;
	s1 =	sshll.u32 s1, $0x11  }
0xbc: {  	s0 =	sor.u32 s1, s0  }
0xbd: {  	s0 =	sadd.s32 $0x8F2B, s0  }
0xbe: {  	[sflag:s0] =	ssyncadd.remote.s32 $0x1  }
0xbf: {  	_ =	sfence.sel $0xFFFF  }
0xc0: {  	[dreg:$0x0] =	wrdreg $0xFFFFFFFF;
	(pc) =	sbr.abs _section_cstart, $3  }
0xc1: {  	[dreg:$0x1] =	wrdreg $0xFFFFFFFF  }
0xc2: {  	_ =	task.clear_ibuf [dreg:s7], $0x2FFFF;
	_ =	strace $0x9FFFFFFF  }
0xc3: {  	(tm) =	ssettm $0x7FFFFFFF  }
tec
execute0_lowered:
.L_overlay_start_1:
0x0: {  	(tag) =	ssettag $0x1  }
0x1: {  	s0 =	rddreg [dreg:$0x0]  }
0x2: {  	s1 =	rddreg [dreg:$0x1]  }
0x3: {  	s2 =	rddreg [dreg:$0x2]  }
0x4: {  	s3 =	simm.s32 $0x0;
	s4 =	srdreg.scid;
	s10 =	stileid.u32  }
0x5: {  	s28 =	simm.s32 $0x3;
	s29 =	simm.s32 $0x4;
	s30 =	simm.s32 $0x4200  }
0x6: {  	s31 =	simm.s32 $0x1;
	[smem:$0x7FF] =	sst s3;
	s5 =	sadd.s32 $0xC600, s0  }
0x7: {  	s4 =	sand.u32 $0x1, s4;
	s6 =	sadd.s32 $0x2600, s0;
	s8 =	smul.u32 $0x4F000, s10  }
0x8: {  	s0 =	sadd.s32 $0x33E00, s0;
	s13 =	smul.u32 $0x13C00, s10;
	_ =	strace $0x80000047  }
0x9: {  	s7 =	ssub.s32 $0x2, s4;
	s21 =	sshll.u32 s4, $0x4;
	s4 =	smul.u32 $0x13C000, s4  }
0xa: {  	s9 =	sshrl.u32 s7, $0x1;
	s8 =	sshrl.u32 s8, $0x2;
	s22 =	sor.u32 s10, s21  }
0xb: {  	s15 =	sadd.s32 $0x4000, s13;
	s16 =	sadd.s32 $0x8000, s13;
	s19 =	sadd.s32 $0xC000, s13  }
0xc: {  	s20 =	sadd.s32 $0x10000, s13;
	s14 =	ssub.s32 s7, s9;
	s7 =	sadd.s32 s8, s2  }
0xd: {  	s8 =	smul.u32 $0x2800, s22;
	s9 =	sadd.s32 s15, s2;
	s10 =	sadd.s32 s16, s2  }
0xe: {  	s11 =	sadd.s32 s19, s2;
	s12 =	sadd.s32 s20, s2;
	s13 =	sadd.s32 s13, s4  }
0xf: {  	s15 =	sadd.s32 s4, s15;
	s25 =	sadd.s32 s4, s16;
	s26 =	sadd.s32 s4, s19  }
0x10: {  	s4 =	sadd.s32 s4, s20;
	s13 =	sshrl.u32 s13, $0x3;
	s15 =	sshrl.u32 s15, $0x3  }
0x11: {  	s4 =	sshrl.u32 s4, $0x3;
	s22 =	smax.u32 s14, $0x1;
	s17 =	sshrl.u32 s8, $0x3  }
0x12: {  	s13 =	sadd.s32 s0, s13;
	s21 =	sadd.s32 s0, s4;
	s4 =	simm.s32 $0x180  }
0x13: {  	s18 =	sadd.s32 s1, s17;
	s23 =	sadd.s32 s6, s17;
	[dreg:$0x8] =	wrdreg s13  }
0x14: {  	s17 =	sor.u32 $0x10, s17;
	s13 =	sshrl.u32 s25, $0x3;
	[dreg:$0x4] =	wrdreg s18  }
0x15: {  	s25 =	simm.s32 $0x100;
	[dreg:$0x5] =	wrdreg s23;
	s24 =	sadd.s32 s1, s17  }
0x16: {  	s17 =	sadd.s32 s6, s17;
	s18 =	sadd.s32 s0, s15;
	s15 =	sshrl.u32 s26, $0x3  }
0x17: {  	s19 =	sadd.s32 s0, s13;
	s23 =	simm.s32 $0x200;
	[dreg:$0x6] =	wrdreg s24  }
0x18: {  	s26 =	simm.s32 $0x80;
	s13 =	simm.s32 $0x0;
	[dreg:$0x7] =	wrdreg s17  }
0x19: {  	v0 =	vimm.f32 $0.0e+00;
	s20 =	sadd.s32 s0, s15;
	s24 =	simm.s32 $0x5;
	s0 =	simm.s32 $0x2  }
.LBB2_1:
0x1a: {  	s14 =	sand.u32 $0xFE00, s3  }
0x1b: {  	s15 =	sand.u32 $0x70, s3;
	s16 =	sshrl.u32 s14, $0x2  }
0x1c: {  	s14 =	simm.s32 $0x40;
	s16 =	sor.u32 s15, s16;
	s15 =	simm.s32 $0x0  }
.LBB2_2:
0x1d: {  	p0 =	sne.s32 s14, $0xFFC0  }
0x1e: {  	[tilespmem:s16+$0x200] =	vst v0;
	s15 =	sadd.s32 $0x10, s15;
	s16 =	smov.u32 s14;
	s14 =	sadd.s32 $0x40, s14  }
.Ltmp0:
0x1f: {  	(pc) =	sbr.rel @p0 .LBB2_2-.Ltmp0, $4  }
0x20: {  	_ = 	snop  }
0x21: {  	s16 =	sand.u32 $0xFE00, s16  }
0x22: {  	s17 =	sand.u32 $0x70, s15;
	s16 =	sshrl.u32 s16, $0x2  }
0x23: {  	s16 =	sor.u32 s17, s16  }
0x24: {  	[tilespmem:s16+$0x200] =	vst v0  }
0x25: {  	[spmem:s7] =	stream.linear.scatter [tilespmem:s23], [sflag:$0x5], $0x4000, $0x38;
	[tilespmem:$0x1BE00] =	vst v63  }
0x26: {  	_ =	swait.ge [sflag:s24], $0x4000  }
0x27: {  	[sflag:s24] =	ssyncset.done $0x0  }
0x28: {  	[sflag:s24] =	ssyncadd.s32 $0xFFFFC000  }
0x29: {  	[spmem:s9] =	stream.linear.scatter [tilespmem:s23], [sflag:$0x5], $0x4000, $0x38;
	[tilespmem:$0x1BE00] =	vst v63  }
0x2a: {  	_ =	swait.ge [sflag:s24], $0x4000  }
0x2b: {  	[sflag:s24] =	ssyncset.done $0x0  }
0x2c: {  	[sflag:s24] =	ssyncadd.s32 $0xFFFFC000  }
0x2d: {  	[spmem:s10] =	stream.linear.scatter [tilespmem:s23], [sflag:$0x5], $0x4000, $0x38;
	[tilespmem:$0x1BE00] =	vst v63  }
0x2e: {  	_ =	swait.ge [sflag:s24], $0x4000  }
0x2f: {  	[sflag:s24] =	ssyncset.done $0x0  }
0x30: {  	[sflag:s24] =	ssyncadd.s32 $0xFFFFC000  }
0x31: {  	[spmem:s11] =	stream.linear.scatter [tilespmem:s23], [sflag:$0x5], $0x4000, $0x38;
	[tilespmem:$0x1BE00] =	vst v63  }
0x32: {  	_ =	swait.ge [sflag:s24], $0x4000  }
0x33: {  	[sflag:s24] =	ssyncset.done $0x0  }
0x34: {  	[sflag:s24] =	ssyncadd.s32 $0xFFFFC000  }
0x35: {  	[spmem:s12] =	stream.linear.scatter [tilespmem:s23], [sflag:$0x5], $0x3C00, $0x38;
	[tilespmem:$0x1BE00] =	vst v63  }
0x36: {  	_ =	swait.ge [sflag:s24], $0x3C00  }
0x37: {  	[sflag:s24] =	ssyncset.done $0x0  }
0x38: {  	s14 =	rddreg [dreg:$0x4];
	[sflag:s24] =	ssyncadd.s32 $0xFFFFC400  }
0x39: {  	[tilespmem:s3], [sflag:$0x3] =	stream.linear.gather [hbm4b:s14+s3], $0x80, $0x38;
	[tilespmem:$0x1BE00] =	vst v63  }
0x3a: {  	s17 =	rddreg [dreg:$0x5]  }
0x3b: {  	[tilespmem:s25], [sflag:$0x3] =	stream.linear.gather [hbm4b:s17+s3], $0x80, $0x38;
	[tilespmem:$0x1BE00] =	vst v63  }
0x3c: {  	s15 =	rddreg [dreg:$0x6]  }
0x3d: {  	[tilespmem:s26], [sflag:$0x4] =	stream.linear.gather [hbm4b:s15+s3], $0x80, $0x38;
	[tilespmem:$0x1BE00] =	vst v63  }
0x3e: {  	s14 =	simm.s32 $0x180;
	s15 =	rddreg [dreg:$0x7]  }
0x3f: {  	[tilespmem:s14], [sflag:$0x4] =	stream.linear.gather [hbm4b:s15+s3], $0x80, $0x38;
	[tilespmem:$0x1BE00] =	vst v63  }
0x40: {  	_ =	swait.ge [sflag:s28], $0x80  }
0x41: {  	[sflag:s28] =	ssyncset.done $0x0  }
0x42: {  	[sflag:s28] =	ssyncadd.s32 $0xFFFFFF80  }
0x43: {  	_ =	swait.ge [sflag:s28], $0x80  }
0x44: {  	[sflag:s28] =	ssyncset.done $0x0  }
0x45: {  	[sflag:s28] =	ssyncadd.s32 $0xFFFFFF80  }
0x46: {  	[tilespmem:s23], [sflag:$0x1] =	stream.indirect.gather [hbm4b:s5+s26], $0x80, s3, s26, $0xb8;
	[tilespmem:$0x1BE00] =	vst v63  }
0x47: {  	[bflag:$0x0] =	sbarrier.arrive $0xFFFF  }
0x48: {  	_ =	swait.ge [sflag:s29], $0x80  }
0x49: {  	[sflag:s29] =	ssyncset.done $0x0  }
0x4a: {  	[sflag:s29] =	ssyncadd.s32 $0xFFFFFF80  }
0x4b: {  	_ =	swait.ge [sflag:s29], $0x80  }
0x4c: {  	[sflag:s29] =	ssyncset.done $0x0  }
0x4d: {  	[sflag:s29] =	ssyncadd.s32 $0xFFFFFF80  }
0x4e: {  	[tilespmem:s30], [sflag:$0x2] =	stream.indirect.gather [hbm4b:s5+s26], $0x80, s26, s26, $0xb8;
	[tilespmem:$0x1BE00] =	vst v63  }
0x4f: {  	s16 =	simm.s32 $0x100;
	_ =	swait.ge [sflag:s31], $0x4000  }
0x50: {  	s17 =	sand.u32 $0x7C00, s16;
	[sflag:s31] =	ssyncset.done $0x0  }
0x51: {  	s15 =	sand.u32 $0x300, s16;
	s16 =	sadd.s32 s8, s17;
	[sflag:s31] =	ssyncadd.s32 $0xFFFFC000  }
0x52: {  	[spmem:s2] =	stream.indirect.scatter.add.f32 [tilespmem:s23], [sflag:$0x5], $0x80, s25, s26, $0xb8;
	[tilespmem:$0x1BE00] =	vst v63  }
0x53: {  	s15 =	sor.u32 s15, s16;
	_ =	swait.ge [sflag:s24], $0x4000  }
0x54: {  	s15 =	sshrl.u32 s15, $0x3;
	[sflag:s24] =	ssyncset.done $0x0  }
0x55: {  	s17 =	sadd.s32 s1, s15;
	[sflag:s24] =	ssyncadd.s32 $0xFFFFC000  }
0x56: {  	[tilespmem:s3], [sflag:$0x3] =	stream.linear.gather [hbm4b:s17+s3], $0x80, $0x38;
	[tilespmem:$0x1BE00] =	vst v63  }
0x57: {  	s15 =	sadd.s32 s6, s15  }
0x58: {  	[tilespmem:s25], [sflag:$0x3] =	stream.linear.gather [hbm4b:s15+s3], $0x80, $0x38;
	[tilespmem:$0x1BE00] =	vst v63  }
0x59: {  	_ =	swait.ge [sflag:s28], $0x80  }
0x5a: {  	[sflag:s28] =	ssyncset.done $0x0  }
0x5b: {  	[sflag:s28] =	ssyncadd.s32 $0xFFFFFF80  }
0x5c: {  	_ =	swait.ge [sflag:s28], $0x80  }
0x5d: {  	[sflag:s28] =	ssyncset.done $0x0  }
0x5e: {  	[sflag:s28] =	ssyncadd.s32 $0xFFFFFF80  }
0x5f: {  	[tilespmem:s23], [sflag:$0x1] =	stream.indirect.gather [hbm4b:s5+s26], $0x80, s3, s26, $0xb8;
	[tilespmem:$0x1BE00] =	vst v63  }
0x60: {  	_ =	swait.ge [sflag:s0], $0x4000  }
0x61: {  	s17 =	sand.u32 $0x7C00, s14;
	[sflag:s0] =	ssyncset.done $0x0  }
0x62: {  	s14 =	sand.u32 $0x380, s14;
	s15 =	sadd.s32 s8, s17;
	[sflag:s0] =	ssyncadd.s32 $0xFFFFC000  }
0x63: {  	[spmem:s2] =	stream.indirect.scatter.add.f32 [tilespmem:s30], [sflag:$0x5], $0x80, s4, s26, $0xb8;
	[tilespmem:$0x1BE00] =	vst v63  }
0x64: {  	s14 =	sor.u32 s14, s15;
	_ =	swait.ge [sflag:s24], $0x4000  }
0x65: {  	s15 =	sshrl.u32 s14, $0x3;
	[sflag:s24] =	ssyncset.done $0x0  }
0x66: {  	s14 =	sadd.s32 s1, s15;
	[sflag:s24] =	ssyncadd.s32 $0xFFFFC000  }
0x67: {  	[tilespmem:s26], [sflag:$0x4] =	stream.linear.gather [hbm4b:s14+s3], $0x80, $0x38;
	[tilespmem:$0x1BE00] =	vst v63  }
0x68: {  	s16 =	sadd.s32 s6, s15;
	s14 =	simm.s32 $0x280  }
.LBB2_4:
0x69: {  	p0 =	sne.s32 s14, $0x2780;
	s15 =	smov.u32 s14;
	s14 =	sadd.s32 $0x100, s14  }
0x6a: {  	[tilespmem:s4], [sflag:$0x4] =	stream.linear.gather [hbm4b:s16+s3], $0x80, $0x38;
	[tilespmem:$0x1BE00] =	vst v63  }
0x6b: {  	_ =	swait.ge [sflag:s29], $0x80  }
0x6c: {  	[sflag:s29] =	ssyncset.done $0x0  }
0x6d: {  	[sflag:s29] =	ssyncadd.s32 $0xFFFFFF80  }
0x6e: {  	_ =	swait.ge [sflag:s29], $0x80  }
0x6f: {  	[sflag:s29] =	ssyncset.done $0x0  }
0x70: {  	[sflag:s29] =	ssyncadd.s32 $0xFFFFFF80  }
0x71: {  	[tilespmem:s30], [sflag:$0x2] =	stream.indirect.gather [hbm4b:s5+s26], $0x80, s26, s26, $0xb8;
	[tilespmem:$0x1BE00] =	vst v63  }
0x72: {  	_ =	swait.ge [sflag:s31], $0x4000  }
0x73: {  	s16 =	sadd.s32 $0xFFFFFF80, s15;
	[sflag:s31] =	ssyncset.done $0x0  }
0x74: {  	s17 =	sand.u32 $0x7C00, s16;
	s16 =	sand.u32 $0x300, s16;
	[sflag:s31] =	ssyncadd.s32 $0xFFFFC000  }
0x75: {  	[spmem:s2] =	stream.indirect.scatter.add.f32 [tilespmem:s23], [sflag:$0x5], $0x80, s25, s26, $0xb8;
	[tilespmem:$0x1BE00] =	vst v63  }
0x76: {  	s17 =	sadd.s32 s8, s17;
	_ =	swait.ge [sflag:s24], $0x4000  }
0x77: {  	s16 =	sor.u32 s16, s17;
	[sflag:s24] =	ssyncset.done $0x0  }
0x78: {  	s16 =	sshrl.u32 s16, $0x3;
	[sflag:s24] =	ssyncadd.s32 $0xFFFFC000  }
0x79: {  	s17 =	sadd.s32 s1, s16;
	s16 =	sadd.s32 s6, s16  }
0x7a: {  	[tilespmem:s3], [sflag:$0x3] =	stream.linear.gather [hbm4b:s17+s3], $0x80, $0x38;
	[tilespmem:$0x1BE00] =	vst v63  }
0x7b: {  	_ = 	snop  }
0x7c: {  	[tilespmem:s25], [sflag:$0x3] =	stream.linear.gather [hbm4b:s16+s3], $0x80, $0x38;
	[tilespmem:$0x1BE00] =	vst v63  }
0x7d: {  	_ =	swait.ge [sflag:s28], $0x80  }
0x7e: {  	[sflag:s28] =	ssyncset.done $0x0  }
0x7f: {  	[sflag:s28] =	ssyncadd.s32 $0xFFFFFF80  }
0x80: {  	_ =	swait.ge [sflag:s28], $0x80  }
0x81: {  	[sflag:s28] =	ssyncset.done $0x0  }
0x82: {  	[sflag:s28] =	ssyncadd.s32 $0xFFFFFF80  }
0x83: {  	[tilespmem:s23], [sflag:$0x1] =	stream.indirect.gather [hbm4b:s5+s26], $0x80, s3, s26, $0xb8;
	[tilespmem:$0x1BE00] =	vst v63  }
0x84: {  	_ =	swait.ge [sflag:s0], $0x4000  }
0x85: {  	s16 =	sand.u32 $0x7C00, s15;
	[sflag:s0] =	ssyncset.done $0x0  }
0x86: {  	s15 =	sand.u32 $0x380, s15;
	s16 =	sadd.s32 s8, s16;
	[sflag:s0] =	ssyncadd.s32 $0xFFFFC000  }
0x87: {  	[spmem:s2] =	stream.indirect.scatter.add.f32 [tilespmem:s30], [sflag:$0x5], $0x80, s4, s26, $0xb8;
	[tilespmem:$0x1BE00] =	vst v63  }
.Ltmp1:
0x88: {  	_ = 	snop;
	(pc) =	sbr.rel @p0 .LBB2_4-.Ltmp1, $4  }
0x89: {  	s15 =	sor.u32 s15, s16;
	_ =	swait.ge [sflag:s24], $0x4000  }
0x8a: {  	s15 =	sshrl.u32 s15, $0x3;
	[sflag:s24] =	ssyncset.done $0x0  }
0x8b: {  	s17 =	sadd.s32 s1, s15;
	s16 =	sadd.s32 s6, s15;
	[sflag:s24] =	ssyncadd.s32 $0xFFFFC000  }
0x8c: {  	[tilespmem:s26], [sflag:$0x4] =	stream.linear.gather [hbm4b:s17+s3], $0x80, $0x38;
	[tilespmem:$0x1BE00] =	vst v63  }
0x8d: {  	[tilespmem:s4], [sflag:$0x4] =	stream.linear.gather [hbm4b:s16+s3], $0x80, $0x38;
	[tilespmem:$0x1BE00] =	vst v63  }
0x8e: {  	_ =	swait.ge [sflag:s31], $0x4000  }
0x8f: {  	[sflag:s31] =	ssyncset.done $0x0  }
0x90: {  	[sflag:s31] =	ssyncadd.s32 $0xFFFFC000  }
0x91: {  	[spmem:s2] =	stream.indirect.scatter.add.f32 [tilespmem:s23], [sflag:$0x5], $0x80, s25, s26, $0xb8;
	[tilespmem:$0x1BE00] =	vst v63  }
0x92: {  	_ =	swait.ge [sflag:s24], $0x4000  }
0x93: {  	[sflag:s24] =	ssyncset.done $0x0  }
0x94: {  	[sflag:s24] =	ssyncadd.s32 $0xFFFFC000  }
0x95: {  	_ =	swait.ge [sflag:s29], $0x80  }
0x96: {  	[sflag:s29] =	ssyncset.done $0x0  }
0x97: {  	[sflag:s29] =	ssyncadd.s32 $0xFFFFFF80  }
0x98: {  	_ =	swait.ge [sflag:s29], $0x80  }
0x99: {  	[sflag:s29] =	ssyncset.done $0x0  }
0x9a: {  	[sflag:s29] =	ssyncadd.s32 $0xFFFFFF80  }
0x9b: {  	[bflag:$0x0] =	sbarrier.arrive $0xFFFF  }
0x9c: {  	[tilespmem:s23], [sflag:$0x5] =	stream.linear.gather [spmem:s7], $0x4000, $0x38;
	[tilespmem:$0x1BE00] =	vst v63  }
0x9d: {  	_ =	swait.ge [sflag:s24], $0x4000  }
0x9e: {  	[sflag:s24] =	ssyncset.done $0x0  }
0x9f: {  	s14 =	rddreg [dreg:$0x8];
	[sflag:s24] =	ssyncadd.s32 $0xFFFFC000  }
0xa0: {  	[hbm4b:s14+s3] =	stream.linear.scatter [tilespmem:s23], [sflag:$0x5], $0x4000, $0x38;
	[tilespmem:$0x1BE00] =	vst v63  }
0xa1: {  	_ =	swait.ge [sflag:s24], $0x4000  }
0xa2: {  	[sflag:s24] =	ssyncset.done $0x0  }
0xa3: {  	[sflag:s24] =	ssyncadd.s32 $0xFFFFC000  }
0xa4: {  	[tilespmem:s23], [sflag:$0x5] =	stream.linear.gather [spmem:s9], $0x4000, $0x38;
	[tilespmem:$0x1BE00] =	vst v63  }
0xa5: {  	_ =	swait.ge [sflag:s24], $0x4000  }
0xa6: {  	[sflag:s24] =	ssyncset.done $0x0  }
0xa7: {  	[sflag:s24] =	ssyncadd.s32 $0xFFFFC000  }
0xa8: {  	[hbm4b:s18+s3] =	stream.linear.scatter [tilespmem:s23], [sflag:$0x5], $0x4000, $0x38;
	[tilespmem:$0x1BE00] =	vst v63  }
0xa9: {  	_ =	swait.ge [sflag:s24], $0x4000  }
0xaa: {  	[sflag:s24] =	ssyncset.done $0x0  }
0xab: {  	[sflag:s24] =	ssyncadd.s32 $0xFFFFC000  }
0xac: {  	[tilespmem:s23], [sflag:$0x5] =	stream.linear.gather [spmem:s10], $0x4000, $0x38;
	[tilespmem:$0x1BE00] =	vst v63  }
0xad: {  	_ =	swait.ge [sflag:s24], $0x4000  }
0xae: {  	[sflag:s24] =	ssyncset.done $0x0  }
0xaf: {  	[sflag:s24] =	ssyncadd.s32 $0xFFFFC000  }
0xb0: {  	[hbm4b:s19+s3] =	stream.linear.scatter [tilespmem:s23], [sflag:$0x5], $0x4000, $0x38;
	[tilespmem:$0x1BE00] =	vst v63  }
0xb1: {  	_ =	swait.ge [sflag:s24], $0x4000  }
0xb2: {  	[sflag:s24] =	ssyncset.done $0x0  }
0xb3: {  	[sflag:s24] =	ssyncadd.s32 $0xFFFFC000  }
0xb4: {  	[tilespmem:s23], [sflag:$0x5] =	stream.linear.gather [spmem:s11], $0x4000, $0x38;
	[tilespmem:$0x1BE00] =	vst v63  }
0xb5: {  	_ =	swait.ge [sflag:s24], $0x4000  }
0xb6: {  	[sflag:s24] =	ssyncset.done $0x0  }
0xb7: {  	[sflag:s24] =	ssyncadd.s32 $0xFFFFC000  }
0xb8: {  	[hbm4b:s20+s3] =	stream.linear.scatter [tilespmem:s23], [sflag:$0x5], $0x4000, $0x38;
	[tilespmem:$0x1BE00] =	vst v63  }
0xb9: {  	_ =	swait.ge [sflag:s24], $0x4000  }
0xba: {  	[sflag:s24] =	ssyncset.done $0x0  }
0xbb: {  	[sflag:s24] =	ssyncadd.s32 $0xFFFFC000  }
0xbc: {  	[tilespmem:s23], [sflag:$0x5] =	stream.linear.gather [spmem:s12], $0x3C00, $0x38;
	[tilespmem:$0x1BE00] =	vst v63  }
0xbd: {  	s13 =	sadd.s32 $0x1, s13;
	_ =	swait.ge [sflag:s24], $0x3C00  }
0xbe: {  	p0 =	sne.s32 s13, s22;
	[sflag:s24] =	ssyncset.done $0x0  }
.Ltmp2:
0xbf: {  	[sflag:s24] =	ssyncadd.s32 $0xFFFFC400;
	(pc) =	sbr.rel @p0 .LBB2_1-.Ltmp2, $4  }
0xc0: {  	[hbm4b:s21+s3] =	stream.linear.scatter [tilespmem:s23], [sflag:$0x5], $0x3C00, $0x38;
	[tilespmem:$0x1BE00] =	vst v63  }
0xc1: {  	_ =	swait.ge [sflag:s24], $0x3C00  }
0xc2: {  	[sflag:s24] =	ssyncset.done $0x0  }
0xc3: {  	[sflag:s24] =	ssyncadd.s32 $0xFFFFC400  }
0xc4: {  	_ =	sfence.sel $0x180000  }
0xc5: {  	[bflag:$0x0] =	sbarrier.arrive $0xFFFF  }
0xc6: {  	_ =	strace $0x90000047  }
0xc7: {  	s0 =	stileid.u32;
	[bflag:$0x2] =	sbarrier.arrive $0xFFFF  }
0xc8: {  	p0 =	sne.s32 s0, $0x0;
	s0 =	rddreg [dreg:$0x3]  }
0xc9: {  	s0 =	sadd.s32 @!p0 $0x100000, s0  }
0xca: {  	[sflag:s0] =	ssyncadd.tile.s32 @!p0 $0x1;
	_ =	shalt  }
.Lfunc_end2:
_tile_overlayer_lowered:
.L_overlay_start_2:
0xcb: {  	(tag) =	ssettag $0x2  }
0xcc: {  	s0 =	rddreg [dreg:$0x0];
	s2 =	stileid.u32  }
0xcd: {  	s1 =	rddreg [dreg:$0x1];
	p0 =	sne.s32 s2, $0x0  }
0xce: {  	s3 =	rddreg [dreg:$0x2];
	[bflag:$0x3] =	sbarrier.arrive $0xFFFF;
	s2 =	simm.s32 @!p0 $0x1C05  }
0xcf: {  	[timem:s3], [sflag:s2] =	dma.local @!p0 [hbm:s0], s1  }
0xd0: {  	s0 =	simm.s32 @!p0 $0x5  }
0xd1: {  	_ =	swait.ge @!p0 [sflag:s0], s1  }
0xd2: {  	s1 =	ssub.s32 @!p0 $0x0, s1;
	[sflag:s0] =	ssyncset.done @!p0 $0x0  }
0xd3: {  	[sflag:s0] =	ssyncadd.s32 @!p0 s1  }
0xd4: {  	[bflag:$0x3] =	sbarrier.arrive $0xFFFF  }
0xd5: {  	_ =	shalt  }

// kernel: kernel.15.cloned.1.call-start
scs
__scs_entry_jumppad:
0x0: {  	(pc) =	sbr.rel $0x88, $3  }
0x1: {  	(tag) =	ssettag $0x0;
	lr =	simm.s32 $0x1  }
0x2: {  	[smem:$0x3F99] =	sst lr;
	_ =	strace $0xD0000000  }
0x3: {  	_ = 	snop  }
0x4: {  	_ = 	snop  }
0x5: {  	_ = 	snop  }
0x6: {  	_ = 	snop  }
0x7: {  	_ = 	snop  }
__scs_overlays_trampoline_lowered:
0x8: {  	[smem:$0x3FA8] =	sst s0  }
0x9: {  	[smem:$0x3FA9] =	sst s1  }
0xa: {  	[smem:$0x3FAA] =	sst s2  }
0xb: {  	[smem:$0x3FAB] =	sst s3  }
0xc: {  	[smem:$0x3FAC] =	sst s4  }
0xd: {  	[smem:$0x3FAD] =	sst s5  }
0xe: {  	[smem:$0x3FAE] =	sst s6  }
0xf: {  	[smem:$0x3FAF] =	sst s7  }
0x10: {  	[smem:$0x3FB0] =	sst s8  }
0x11: {  	[smem:$0x3FB1] =	sst s9;
	s0 =	simm.s32 @!p0 $0x0  }
0x12: {  	s1 =	sld [smem:$0x3F97];
	s0 =	simm.s32 @p0 $0x1  }
0x13: {  	[smem:$0x3FB2] =	sst s0;
	s0 =	simm.s32 @!p1 $0x0  }
0x14: {  	s2 =	sld [smem:$0x3F96];
	s0 =	simm.s32 @p1 $0x1  }
0x15: {  	[smem:$0x3FB3] =	sst s0;
	s0 =	simm.s32 @!p2 $0x0  }
0x16: {  	s3 =	sld [smem:$0x3FDB];
	s0 =	simm.s32 @p2 $0x1  }
0x17: {  	s4 =	simm.s32 $0x1BF5;
	[smem:$0x3FB5] =	sst s0  }
0x18: {  	s0 =	sld [smem:$0x3F98];
	_ =	swait.ge [sflag:s4], $0x0  }
0x19: {  	s7 =	sld [smem:$0x3F99]  }
0x1a: {  	s8 =	sadd.s32 $0xFFFFE003, lr  }
0x1b: {  	s9 =	sadd.s32 $0xFFFFFEF7, lr;
	s5 =	simm.s32 $0xFFFFFFFF;
	p2 =	slt.u32 s8, $0xFFFFF086  }
0x1c: {  	p1 =	slt.u32 s9, $0xF7A;
	s5 =	simm.s32 @!p2 $0x0  }
0x1d: {  	s5 =	simm.s32 @p1 $0x1;
	p0 =	seq.s32 s7, s2  }
0x1e: {  	s7 =	smul.u32 @!p0 $0xF7A, s2;
	p2 =	seq.s32 @!p0 s5, $0x0  }
0x1f: {  	s9 =	smul.u32 $0xF7A, s1;
	s8 =	simm.s32 @!p0 $0x1BF5;
	p2 =	por !p2, p0  }
0x20: {  	[sflag:s8] =	ssyncset.s32 @!p0 $0xFFFFF086;
	s6 =	sadd.s32 @!p0 s3, s7;
	s7 =	simm.s32 @!p0 $0x108  }
0x21: {  	s3 =	sadd.s32 s3, s9;
	s6 =	sadd.s32 @!p0 $0x88, s6;
	s7 =	simm.s32 @p2 $0x1082  }
0x22: {  	[simem:s7], [sflag:s8] =	dma.local @!p0 [hbm:s6], $0xF7A  }
0x23: {  	s9 =	sor.u32 $0xD0000000, s2;
	s6 =	simm.s32 $0x108;
	_ =	swait.ge @!p0 [sflag:s8], $0x0  }
0x24: {  	s3 =	sadd.s32 $0x88, s3;
	s6 =	simm.s32 @!p1 $0x1082;
	[sflag:s4] =	ssyncset.s32 $0xFFFFF086  }
0x25: {  	[simem:s6], [sflag:s4] =	dma.local [hbm:s3], $0xF7A  }
0x26: {  	[smem:$0x3F99] =	sst s1;
	(tag) =	ssettag s2;
	_ =	strace s9  }
0x27: {  	s1 =	sld [smem:$0x3FA9]  }
0x28: {  	s2 =	sld [smem:$0x3FAA]  }
0x29: {  	s4 =	sld [smem:$0x3FAC]  }
0x2a: {  	p0 =	seq.s32 s5, $0x0;
	s5 =	sld [smem:$0x3FAD]  }
0x2b: {  	s6 =	sld [smem:$0x3FAE]  }
0x2c: {  	s7 =	sld [smem:$0x3FAF]  }
0x2d: {  	s3 =	simm.s32 $0x108;
	s8 =	sld [smem:$0x3FB0]  }
0x2e: {  	s3 =	simm.s32 @!p0 $0x1082;
	s9 =	sld [smem:$0x3FB1]  }
0x2f: {  	lr =	sadd.s32 s0, s3;
	s0 =	sld [smem:$0x3FA8]  }
0x30: {  	s3 =	sld [smem:$0x3FAB]  }
0x31: {  	[smem:$0x3FB4] =	sst s10  }
0x32: {  	s10 =	sld [smem:$0x3FB2];
	_ =	sdelay $0x3  }
0x33: {  	p0 =	seq.s32 s10, $0x1;
	s10 =	sld [smem:$0x3FB4];
	_ =	sdelay $0x3  }
0x34: {  	[smem:$0x3FB4] =	sst s10  }
0x35: {  	s10 =	sld [smem:$0x3FB3];
	_ =	sdelay $0x3  }
0x36: {  	p1 =	seq.s32 s10, $0x1;
	s10 =	sld [smem:$0x3FB4];
	_ =	sdelay $0x3  }
0x37: {  	[smem:$0x3FB4] =	sst s10  }
0x38: {  	s10 =	sld [smem:$0x3FB5]  }
0x39: {  	_ = 	snop;
	(pc) =	sbr.ind lr, $3  }
0x3a: {  	_ = 	snop  }
0x3b: {  	_ = 	snop  }
0x3c: {  	p2 =	seq.s32 s10, $0x1;
	s10 =	sld [smem:$0x3FB4]  }
0x3d: {  	_ =	shalt  }
0x3e: {  	_ =	shalt  }
0x3f: {  	_ =	shalt  }
0x40: {  	_ =	shalt  }
0x41: {  	_ =	shalt  }
0x42: {  	_ =	shalt  }
0x43: {  	_ =	shalt  }
0x44: {  	_ =	shalt  }
0x45: {  	_ =	shalt  }
0x46: {  	_ =	shalt  }
0x47: {  	_ =	shalt  }
0x48: {  	_ =	shalt  }
0x49: {  	_ =	shalt  }
0x4a: {  	_ =	shalt  }
0x4b: {  	_ =	shalt  }
0x4c: {  	_ =	shalt  }
0x4d: {  	_ =	shalt  }
0x4e: {  	_ =	shalt  }
0x4f: {  	_ =	shalt  }
0x50: {  	_ =	shalt  }
0x51: {  	_ =	shalt  }
0x52: {  	_ =	shalt  }
0x53: {  	_ =	shalt  }
0x54: {  	_ =	shalt  }
0x55: {  	_ =	shalt  }
0x56: {  	_ =	shalt  }
0x57: {  	_ =	shalt  }
0x58: {  	_ =	shalt  }
0x59: {  	_ =	shalt  }
0x5a: {  	_ =	shalt  }
0x5b: {  	_ =	shalt  }
0x5c: {  	_ =	shalt  }
0x5d: {  	_ =	shalt  }
0x5e: {  	_ =	shalt  }
0x5f: {  	_ =	shalt  }
0x60: {  	_ =	shalt  }
0x61: {  	_ =	shalt  }
0x62: {  	_ =	shalt  }
0x63: {  	_ =	shalt  }
0x64: {  	_ =	shalt  }
0x65: {  	_ =	shalt  }
0x66: {  	_ =	shalt  }
0x67: {  	_ =	shalt  }
0x68: {  	_ =	shalt  }
0x69: {  	_ =	shalt  }
0x6a: {  	_ =	shalt  }
0x6b: {  	_ =	shalt  }
0x6c: {  	_ =	shalt  }
0x6d: {  	_ =	shalt  }
0x6e: {  	_ =	shalt  }
0x6f: {  	_ =	shalt  }
0x70: {  	_ =	shalt  }
0x71: {  	_ =	shalt  }
0x72: {  	_ =	shalt  }
0x73: {  	_ =	shalt  }
0x74: {  	_ =	shalt  }
0x75: {  	_ =	shalt  }
0x76: {  	_ =	shalt  }
0x77: {  	_ =	shalt  }
0x78: {  	_ =	shalt  }
0x79: {  	_ =	shalt  }
0x7a: {  	_ =	shalt  }
0x7b: {  	_ =	shalt  }
0x7c: {  	_ =	shalt  }
0x7d: {  	_ =	shalt  }
0x7e: {  	_ =	shalt  }
0x7f: {  	_ =	shalt  }
0x80: {  	_ =	shalt  }
0x81: {  	_ =	shalt  }
0x82: {  	_ =	shalt  }
0x83: {  	_ =	shalt  }
0x84: {  	_ =	shalt  }
0x85: {  	_ =	shalt  }
0x86: {  	_ =	shalt  }
0x87: {  	_ =	shalt  }
.Lfunc_end0:
.L_simem_size_0:
called_computation.2_lowered:
.L_overlay_start_0:
0x88: {  	s2 =	sld [smem:$0x3FD9]  }
0x89: {  	s3 =	sld [smem:$0x3FFE];
	_ =	sdelay $0x1  }
0x8a: {  	s1 =	srdreg.scid  }
0x8b: {  	s0 =	sand.u32 $0x1, s1  }
0x8c: {  	s17 =	sshll.u32 s0, $0xA;
	s2 =	sadd.s32 s3, s2  }
0x8d: {  	s2 =	sadd.s32 s2, s17  }
0x8e: {  	[smem:$0x3FC0] =	sst s2  }
0x8f: {  	_ = 	snop  }
0x90: {  	s2 =	sld [smem:$0x3FD0];
	(tm) =	ssettm $0x1  }
0x91: {  	s18 =	sld [smem:$0x3FFB];
	_ =	sdelay $0x3  }
0x92: {  	_ =	strace s18  }
0x93: {  	s3 =	sld [smem:$0x3FFC];
	_ =	sdelay $0x3  }
0x94: {  	_ =	strace s3  }
0x95: {  	s3 =	sld [smem:$0x3FFD];
	_ =	sdelay $0x3  }
0x96: {  	_ =	strace s3  }
0x97: {  	_ =	strace $0x8FFFFFFF  }
0x98: {  	s19 =	sld [smem:$0x3FDB];
	_ =	sdelay $0x1  }
0x99: {  	s4 =	simm.s32 $_scs_section_size  }
0x9a: {  	s5 =	simm.s32 $_size__tile_overlayer_lowered;
	s6 =	simm.s32 $_tile_overlayer_lowered  }
0x9b: {  	s22 =	simm.s32 $0x1BFF;
	s21 =	sshll.u32 s6, $0x1;
	s3 =	sadd.s32 s4, s19  }
0x9c: {  	s7 =	simm.s32 $0x0;
	s20 =	sshll.u32 s5, $0x1;
	s5 =	sadd.s32 s21, s3  }
0x9d: {  	[timem:s7], [sflag:s22] =	dma.local [hbm:s5], s20  }
0x9e: {  	_ =	swait.ge [sflag:s22], s20  }
0x9f: {  	s4 =	ssub.s32 $0x0, s20;
	[sflag:s22] =	ssyncset.done $0x0  }
0xa0: {  	[sflag:s22] =	ssyncadd.s32 s4;
	_ =	sdelay $0x1  }
0xa1: {  	s23 =	simm.s32 $0x1B8B  }
0xa2: {  	_ =	swait.ge [sflag:s23], $0x1  }
0xa3: {  	[sflag:s23] =	ssyncset.done $0x0  }
0xa4: {  	s25 =	simm.s32 $0x1B8E;
	s24 =	sld [smem:$0x3FFE];
	[sflag:s23] =	ssyncadd.s32 $0xFFFFFFFF  }
0xa5: {  	s26 =	simm.s32 $execute0_lowered;
	[smem:$0x3FD2] =	sst s25  }
0xa6: {  	s5 =	sshll.u32 s26, $0x1;
	_ =	strace $0x8000004C;
	[dreg:$0x1] =	wrdreg $0xFFFFFFFF  }
0xa7: {  	s28 =	simm.s32 $_size_execute0_lowered;
	s3 =	sadd.s32 s3, s5;
	[dreg:$0x0] =	wrdreg $0x0  }
0xa8: {  	s5 =	sshll.u32 s28, $0x1;
	[dreg:$0x2] =	wrdreg s3  }
0xa9: {  	[dreg:$0x3] =	wrdreg s5  }
0xaa: {  	[dreg:$0x4] =	wrdreg $0xC0  }
0xab: {  	_ =	task [dreg:s7], $0x5FFFF  }
0xac: {  	[dreg:$0x1] =	wrdreg $0xFFFFFFFF  }
0xad: {  	[dreg:$0x0] =	wrdreg $0x60  }
0xae: {  	[dreg:$0x2] =	wrdreg s24  }
0xaf: {  	[dreg:$0x3] =	wrdreg s2  }
0xb0: {  	[dreg:$0x4] =	wrdreg $0x82000  }
0xb1: {  	[dreg:$0x5] =	wrdreg $0x9  }
0xb2: {  	_ =	task.clear_ibuf [dreg:s7], $0x6FFFF;
	_ =	strace $0x9000004C  }
0xb3: {  	s29 =	simm.s32 $0x9;
	_ =	strace $0x8000004E  }
0xb4: {  	_ =	swait.ge [sflag:s29], $0x1  }
0xb5: {  	[sflag:s29] =	ssyncadd.s32 $0xFFFFFFFF  }
0xb6: {  	_ =	strace $0x9000004E  }
0xb7: {  	_ =	sfence  }
0xb8: {  	s30 =	sld [smem:$0x0];
	_ =	sdelay $0x2  }
0xb9: {  	s31 =	sshll.u32 s1, $0xD;
	s1 =	sshrl.u32 s1, $0x2  }
0xba: {  	s3 =	sand.u32 $0x4000, s31;
	s1 =	sadd.s32 s1, s30  }
0xbb: {  	s0 =	sor.u32 s3, s0;
	s1 =	sshll.u32 s1, $0x11  }
0xbc: {  	s0 =	sor.u32 s1, s0  }
0xbd: {  	s0 =	sadd.s32 $0x8F2B, s0  }
0xbe: {  	[sflag:s0] =	ssyncadd.remote.s32 $0x1  }
0xbf: {  	_ =	sfence.sel $0xFFFF  }
0xc0: {  	[dreg:$0x0] =	wrdreg $0xFFFFFFFF;
	(pc) =	sbr.abs _section_cstart, $3  }
0xc1: {  	[dreg:$0x1] =	wrdreg $0xFFFFFFFF  }
0xc2: {  	_ =	task.clear_ibuf [dreg:s7], $0x2FFFF;
	_ =	strace $0x9FFFFFFF  }
0xc3: {  	(tm) =	ssettm $0x7FFFFFFF  }
tec
execute0_lowered:
.L_overlay_start_1:
0x0: {  	(tag) =	ssettag $0x1  }
0x1: {  	s0 =	rddreg [dreg:$0x0]  }
0x2: {  	s1 =	rddreg [dreg:$0x1]  }
0x3: {  	s2 =	rddreg [dreg:$0x2]  }
0x4: {  	s3 =	simm.s32 $0x0;
	s4 =	srdreg.scid;
	s10 =	stileid.u32  }
0x5: {  	s28 =	simm.s32 $0x3;
	s29 =	simm.s32 $0x4;
	s30 =	simm.s32 $0x4200  }
0x6: {  	s31 =	simm.s32 $0x1;
	[smem:$0x7FF] =	sst s3;
	s5 =	sadd.s32 $0xC600, s0  }
0x7: {  	s4 =	sand.u32 $0x1, s4;
	s6 =	sadd.s32 $0x2600, s0;
	s8 =	smul.u32 $0x4F000, s10  }
0x8: {  	s0 =	sadd.s32 $0x33E00, s0;
	s13 =	smul.u32 $0x13C00, s10;
	_ =	strace $0x8000004D  }
0x9: {  	s7 =	ssub.s32 $0x2, s4;
	s21 =	sshll.u32 s4, $0x4;
	s4 =	smul.u32 $0x13C000, s4  }
0xa: {  	s9 =	sshrl.u32 s7, $0x1;
	s8 =	sshrl.u32 s8, $0x2;
	s22 =	sor.u32 s10, s21  }
0xb: {  	s15 =	sadd.s32 $0x4000, s13;
	s16 =	sadd.s32 $0x8000, s13;
	s19 =	sadd.s32 $0xC000, s13  }
0xc: {  	s20 =	sadd.s32 $0x10000, s13;
	s14 =	ssub.s32 s7, s9;
	s7 =	sadd.s32 s8, s2  }
0xd: {  	s8 =	smul.u32 $0x2800, s22;
	s9 =	sadd.s32 s15, s2;
	s10 =	sadd.s32 s16, s2  }
0xe: {  	s11 =	sadd.s32 s19, s2;
	s12 =	sadd.s32 s20, s2;
	s13 =	sadd.s32 s13, s4  }
0xf: {  	s15 =	sadd.s32 s4, s15;
	s25 =	sadd.s32 s4, s16;
	s26 =	sadd.s32 s4, s19  }
0x10: {  	s4 =	sadd.s32 s4, s20;
	s13 =	sshrl.u32 s13, $0x3;
	s15 =	sshrl.u32 s15, $0x3  }
0x11: {  	s4 =	sshrl.u32 s4, $0x3;
	s22 =	smax.u32 s14, $0x1;
	s17 =	sshrl.u32 s8, $0x3  }
0x12: {  	s13 =	sadd.s32 s0, s13;
	s21 =	sadd.s32 s0, s4;
	s4 =	simm.s32 $0x180  }
0x13: {  	s18 =	sadd.s32 s1, s17;
	s23 =	sadd.s32 s6, s17;
	[dreg:$0x8] =	wrdreg s13  }
0x14: {  	s17 =	sor.u32 $0x10, s17;
	s13 =	sshrl.u32 s25, $0x3;
	[dreg:$0x4] =	wrdreg s18  }
0x15: {  	s25 =	simm.s32 $0x100;
	[dreg:$0x5] =	wrdreg s23;
	s24 =	sadd.s32 s1, s17  }
0x16: {  	s17 =	sadd.s32 s6, s17;
	s18 =	sadd.s32 s0, s15;
	s15 =	sshrl.u32 s26, $0x3  }
0x17: {  	s19 =	sadd.s32 s0, s13;
	s23 =	simm.s32 $0x200;
	[dreg:$0x6] =	wrdreg s24  }
0x18: {  	s26 =	simm.s32 $0x80;
	s13 =	simm.s32 $0x0;
	[dreg:$0x7] =	wrdreg s17  }
0x19: {  	v0 =	vimm.f32 $0.0e+00;
	s20 =	sadd.s32 s0, s15;
	s24 =	simm.s32 $0x5;
	s0 =	simm.s32 $0x2  }
.LBB2_1:
0x1a: {  	s14 =	sand.u32 $0xFE00, s3  }
0x1b: {  	s15 =	sand.u32 $0x70, s3;
	s16 =	sshrl.u32 s14, $0x2  }
0x1c: {  	s14 =	simm.s32 $0x40;
	s16 =	sor.u32 s15, s16;
	s15 =	simm.s32 $0x0  }
.LBB2_2:
0x1d: {  	p0 =	sne.s32 s14, $0xFFC0  }
0x1e: {  	[tilespmem:s16+$0x200] =	vst v0;
	s15 =	sadd.s32 $0x10, s15;
	s16 =	smov.u32 s14;
	s14 =	sadd.s32 $0x40, s14  }
.Ltmp0:
0x1f: {  	(pc) =	sbr.rel @p0 .LBB2_2-.Ltmp0, $4  }
0x20: {  	_ = 	snop  }
0x21: {  	s16 =	sand.u32 $0xFE00, s16  }
0x22: {  	s17 =	sand.u32 $0x70, s15;
	s16 =	sshrl.u32 s16, $0x2  }
0x23: {  	s16 =	sor.u32 s17, s16  }
0x24: {  	[tilespmem:s16+$0x200] =	vst v0  }
0x25: {  	[spmem:s7] =	stream.linear.scatter [tilespmem:s23], [sflag:$0x5], $0x4000, $0x38;
	[tilespmem:$0x1BE00] =	vst v63  }
0x26: {  	_ =	swait.ge [sflag:s24], $0x4000  }
0x27: {  	[sflag:s24] =	ssyncset.done $0x0  }
0x28: {  	[sflag:s24] =	ssyncadd.s32 $0xFFFFC000  }
0x29: {  	[spmem:s9] =	stream.linear.scatter [tilespmem:s23], [sflag:$0x5], $0x4000, $0x38;
	[tilespmem:$0x1BE00] =	vst v63  }
0x2a: {  	_ =	swait.ge [sflag:s24], $0x4000  }
0x2b: {  	[sflag:s24] =	ssyncset.done $0x0  }
0x2c: {  	[sflag:s24] =	ssyncadd.s32 $0xFFFFC000  }
0x2d: {  	[spmem:s10] =	stream.linear.scatter [tilespmem:s23], [sflag:$0x5], $0x4000, $0x38;
	[tilespmem:$0x1BE00] =	vst v63  }
0x2e: {  	_ =	swait.ge [sflag:s24], $0x4000  }
0x2f: {  	[sflag:s24] =	ssyncset.done $0x0  }
0x30: {  	[sflag:s24] =	ssyncadd.s32 $0xFFFFC000  }
0x31: {  	[spmem:s11] =	stream.linear.scatter [tilespmem:s23], [sflag:$0x5], $0x4000, $0x38;
	[tilespmem:$0x1BE00] =	vst v63  }
0x32: {  	_ =	swait.ge [sflag:s24], $0x4000  }
0x33: {  	[sflag:s24] =	ssyncset.done $0x0  }
0x34: {  	[sflag:s24] =	ssyncadd.s32 $0xFFFFC000  }
0x35: {  	[spmem:s12] =	stream.linear.scatter [tilespmem:s23], [sflag:$0x5], $0x3C00, $0x38;
	[tilespmem:$0x1BE00] =	vst v63  }
0x36: {  	_ =	swait.ge [sflag:s24], $0x3C00  }
0x37: {  	[sflag:s24] =	ssyncset.done $0x0  }
0x38: {  	s14 =	rddreg [dreg:$0x4];
	[sflag:s24] =	ssyncadd.s32 $0xFFFFC400  }
0x39: {  	[tilespmem:s3], [sflag:$0x3] =	stream.linear.gather [hbm4b:s14+s3], $0x80, $0x38;
	[tilespmem:$0x1BE00] =	vst v63  }
0x3a: {  	s17 =	rddreg [dreg:$0x5]  }
0x3b: {  	[tilespmem:s25], [sflag:$0x3] =	stream.linear.gather [hbm4b:s17+s3], $0x80, $0x38;
	[tilespmem:$0x1BE00] =	vst v63  }
0x3c: {  	s15 =	rddreg [dreg:$0x6]  }
0x3d: {  	[tilespmem:s26], [sflag:$0x4] =	stream.linear.gather [hbm4b:s15+s3], $0x80, $0x38;
	[tilespmem:$0x1BE00] =	vst v63  }
0x3e: {  	s14 =	simm.s32 $0x180;
	s15 =	rddreg [dreg:$0x7]  }
0x3f: {  	[tilespmem:s14], [sflag:$0x4] =	stream.linear.gather [hbm4b:s15+s3], $0x80, $0x38;
	[tilespmem:$0x1BE00] =	vst v63  }
0x40: {  	_ =	swait.ge [sflag:s28], $0x80  }
0x41: {  	[sflag:s28] =	ssyncset.done $0x0  }
0x42: {  	[sflag:s28] =	ssyncadd.s32 $0xFFFFFF80  }
0x43: {  	_ =	swait.ge [sflag:s28], $0x80  }
0x44: {  	[sflag:s28] =	ssyncset.done $0x0  }
0x45: {  	[sflag:s28] =	ssyncadd.s32 $0xFFFFFF80  }
0x46: {  	[tilespmem:s23], [sflag:$0x1] =	stream.indirect.gather [hbm4b:s5+s26], $0x80, s3, s26, $0xb8;
	[tilespmem:$0x1BE00] =	vst v63  }
0x47: {  	[bflag:$0x0] =	sbarrier.arrive $0xFFFF  }
0x48: {  	_ =	swait.ge [sflag:s29], $0x80  }
0x49: {  	[sflag:s29] =	ssyncset.done $0x0  }
0x4a: {  	[sflag:s29] =	ssyncadd.s32 $0xFFFFFF80  }
0x4b: {  	_ =	swait.ge [sflag:s29], $0x80  }
0x4c: {  	[sflag:s29] =	ssyncset.done $0x0  }
0x4d: {  	[sflag:s29] =	ssyncadd.s32 $0xFFFFFF80  }
0x4e: {  	[tilespmem:s30], [sflag:$0x2] =	stream.indirect.gather [hbm4b:s5+s26], $0x80, s26, s26, $0xb8;
	[tilespmem:$0x1BE00] =	vst v63  }
0x4f: {  	s16 =	simm.s32 $0x100;
	_ =	swait.ge [sflag:s31], $0x4000  }
0x50: {  	s17 =	sand.u32 $0x7C00, s16;
	[sflag:s31] =	ssyncset.done $0x0  }
0x51: {  	s15 =	sand.u32 $0x300, s16;
	s16 =	sadd.s32 s8, s17;
	[sflag:s31] =	ssyncadd.s32 $0xFFFFC000  }
0x52: {  	[spmem:s2] =	stream.indirect.scatter.add.f32 [tilespmem:s23], [sflag:$0x5], $0x80, s25, s26, $0xb8;
	[tilespmem:$0x1BE00] =	vst v63  }
0x53: {  	s15 =	sor.u32 s15, s16;
	_ =	swait.ge [sflag:s24], $0x4000  }
0x54: {  	s15 =	sshrl.u32 s15, $0x3;
	[sflag:s24] =	ssyncset.done $0x0  }
0x55: {  	s17 =	sadd.s32 s1, s15;
	[sflag:s24] =	ssyncadd.s32 $0xFFFFC000  }
0x56: {  	[tilespmem:s3], [sflag:$0x3] =	stream.linear.gather [hbm4b:s17+s3], $0x80, $0x38;
	[tilespmem:$0x1BE00] =	vst v63  }
0x57: {  	s15 =	sadd.s32 s6, s15  }
0x58: {  	[tilespmem:s25], [sflag:$0x3] =	stream.linear.gather [hbm4b:s15+s3], $0x80, $0x38;
	[tilespmem:$0x1BE00] =	vst v63  }
0x59: {  	_ =	swait.ge [sflag:s28], $0x80  }
0x5a: {  	[sflag:s28] =	ssyncset.done $0x0  }
0x5b: {  	[sflag:s28] =	ssyncadd.s32 $0xFFFFFF80  }
0x5c: {  	_ =	swait.ge [sflag:s28], $0x80  }
0x5d: {  	[sflag:s28] =	ssyncset.done $0x0  }
0x5e: {  	[sflag:s28] =	ssyncadd.s32 $0xFFFFFF80  }
0x5f: {  	[tilespmem:s23], [sflag:$0x1] =	stream.indirect.gather [hbm4b:s5+s26], $0x80, s3, s26, $0xb8;
	[tilespmem:$0x1BE00] =	vst v63  }
0x60: {  	_ =	swait.ge [sflag:s0], $0x4000  }
0x61: {  	s17 =	sand.u32 $0x7C00, s14;
	[sflag:s0] =	ssyncset.done $0x0  }
0x62: {  	s14 =	sand.u32 $0x380, s14;
	s15 =	sadd.s32 s8, s17;
	[sflag:s0] =	ssyncadd.s32 $0xFFFFC000  }
0x63: {  	[spmem:s2] =	stream.indirect.scatter.add.f32 [tilespmem:s30], [sflag:$0x5], $0x80, s4, s26, $0xb8;
	[tilespmem:$0x1BE00] =	vst v63  }
0x64: {  	s14 =	sor.u32 s14, s15;
	_ =	swait.ge [sflag:s24], $0x4000  }
0x65: {  	s15 =	sshrl.u32 s14, $0x3;
	[sflag:s24] =	ssyncset.done $0x0  }
0x66: {  	s14 =	sadd.s32 s1, s15;
	[sflag:s24] =	ssyncadd.s32 $0xFFFFC000  }
0x67: {  	[tilespmem:s26], [sflag:$0x4] =	stream.linear.gather [hbm4b:s14+s3], $0x80, $0x38;
	[tilespmem:$0x1BE00] =	vst v63  }
0x68: {  	s16 =	sadd.s32 s6, s15;
	s14 =	simm.s32 $0x280  }
.LBB2_4:
0x69: {  	p0 =	sne.s32 s14, $0x2780;
	s15 =	smov.u32 s14;
	s14 =	sadd.s32 $0x100, s14  }
0x6a: {  	[tilespmem:s4], [sflag:$0x4] =	stream.linear.gather [hbm4b:s16+s3], $0x80, $0x38;
	[tilespmem:$0x1BE00] =	vst v63  }
0x6b: {  	_ =	swait.ge [sflag:s29], $0x80  }
0x6c: {  	[sflag:s29] =	ssyncset.done $0x0  }
0x6d: {  	[sflag:s29] =	ssyncadd.s32 $0xFFFFFF80  }
0x6e: {  	_ =	swait.ge [sflag:s29], $0x80  }
0x6f: {  	[sflag:s29] =	ssyncset.done $0x0  }
0x70: {  	[sflag:s29] =	ssyncadd.s32 $0xFFFFFF80  }
0x71: {  	[tilespmem:s30], [sflag:$0x2] =	stream.indirect.gather [hbm4b:s5+s26], $0x80, s26, s26, $0xb8;
	[tilespmem:$0x1BE00] =	vst v63  }
0x72: {  	_ =	swait.ge [sflag:s31], $0x4000  }
0x73: {  	s16 =	sadd.s32 $0xFFFFFF80, s15;
	[sflag:s31] =	ssyncset.done $0x0  }
0x74: {  	s17 =	sand.u32 $0x7C00, s16;
	s16 =	sand.u32 $0x300, s16;
	[sflag:s31] =	ssyncadd.s32 $0xFFFFC000  }
0x75: {  	[spmem:s2] =	stream.indirect.scatter.add.f32 [tilespmem:s23], [sflag:$0x5], $0x80, s25, s26, $0xb8;
	[tilespmem:$0x1BE00] =	vst v63  }
0x76: {  	s17 =	sadd.s32 s8, s17;
	_ =	swait.ge [sflag:s24], $0x4000  }
0x77: {  	s16 =	sor.u32 s16, s17;
	[sflag:s24] =	ssyncset.done $0x0  }
0x78: {  	s16 =	sshrl.u32 s16, $0x3;
	[sflag:s24] =	ssyncadd.s32 $0xFFFFC000  }
0x79: {  	s17 =	sadd.s32 s1, s16;
	s16 =	sadd.s32 s6, s16  }
0x7a: {  	[tilespmem:s3], [sflag:$0x3] =	stream.linear.gather [hbm4b:s17+s3], $0x80, $0x38;
	[tilespmem:$0x1BE00] =	vst v63  }
0x7b: {  	_ = 	snop  }
0x7c: {  	[tilespmem:s25], [sflag:$0x3] =	stream.linear.gather [hbm4b:s16+s3], $0x80, $0x38;
	[tilespmem:$0x1BE00] =	vst v63  }
0x7d: {  	_ =	swait.ge [sflag:s28], $0x80  }
0x7e: {  	[sflag:s28] =	ssyncset.done $0x0  }
0x7f: {  	[sflag:s28] =	ssyncadd.s32 $0xFFFFFF80  }
0x80: {  	_ =	swait.ge [sflag:s28], $0x80  }
0x81: {  	[sflag:s28] =	ssyncset.done $0x0  }
0x82: {  	[sflag:s28] =	ssyncadd.s32 $0xFFFFFF80  }
0x83: {  	[tilespmem:s23], [sflag:$0x1] =	stream.indirect.gather [hbm4b:s5+s26], $0x80, s3, s26, $0xb8;
	[tilespmem:$0x1BE00] =	vst v63  }
0x84: {  	_ =	swait.ge [sflag:s0], $0x4000  }
0x85: {  	s16 =	sand.u32 $0x7C00, s15;
	[sflag:s0] =	ssyncset.done $0x0  }
0x86: {  	s15 =	sand.u32 $0x380, s15;
	s16 =	sadd.s32 s8, s16;
	[sflag:s0] =	ssyncadd.s32 $0xFFFFC000  }
0x87: {  	[spmem:s2] =	stream.indirect.scatter.add.f32 [tilespmem:s30], [sflag:$0x5], $0x80, s4, s26, $0xb8;
	[tilespmem:$0x1BE00] =	vst v63  }
.Ltmp1:
0x88: {  	_ = 	snop;
	(pc) =	sbr.rel @p0 .LBB2_4-.Ltmp1, $4  }
0x89: {  	s15 =	sor.u32 s15, s16;
	_ =	swait.ge [sflag:s24], $0x4000  }
0x8a: {  	s15 =	sshrl.u32 s15, $0x3;
	[sflag:s24] =	ssyncset.done $0x0  }
0x8b: {  	s17 =	sadd.s32 s1, s15;
	s16 =	sadd.s32 s6, s15;
	[sflag:s24] =	ssyncadd.s32 $0xFFFFC000  }
0x8c: {  	[tilespmem:s26], [sflag:$0x4] =	stream.linear.gather [hbm4b:s17+s3], $0x80, $0x38;
	[tilespmem:$0x1BE00] =	vst v63  }
0x8d: {  	[tilespmem:s4], [sflag:$0x4] =	stream.linear.gather [hbm4b:s16+s3], $0x80, $0x38;
	[tilespmem:$0x1BE00] =	vst v63  }
0x8e: {  	_ =	swait.ge [sflag:s31], $0x4000  }
0x8f: {  	[sflag:s31] =	ssyncset.done $0x0  }
0x90: {  	[sflag:s31] =	ssyncadd.s32 $0xFFFFC000  }
0x91: {  	[spmem:s2] =	stream.indirect.scatter.add.f32 [tilespmem:s23], [sflag:$0x5], $0x80, s25, s26, $0xb8;
	[tilespmem:$0x1BE00] =	vst v63  }
0x92: {  	_ =	swait.ge [sflag:s24], $0x4000  }
0x93: {  	[sflag:s24] =	ssyncset.done $0x0  }
0x94: {  	[sflag:s24] =	ssyncadd.s32 $0xFFFFC000  }
0x95: {  	_ =	swait.ge [sflag:s29], $0x80  }
0x96: {  	[sflag:s29] =	ssyncset.done $0x0  }
0x97: {  	[sflag:s29] =	ssyncadd.s32 $0xFFFFFF80  }
0x98: {  	_ =	swait.ge [sflag:s29], $0x80  }
0x99: {  	[sflag:s29] =	ssyncset.done $0x0  }
0x9a: {  	[sflag:s29] =	ssyncadd.s32 $0xFFFFFF80  }
0x9b: {  	[bflag:$0x0] =	sbarrier.arrive $0xFFFF  }
0x9c: {  	[tilespmem:s23], [sflag:$0x5] =	stream.linear.gather [spmem:s7], $0x4000, $0x38;
	[tilespmem:$0x1BE00] =	vst v63  }
0x9d: {  	_ =	swait.ge [sflag:s24], $0x4000  }
0x9e: {  	[sflag:s24] =	ssyncset.done $0x0  }
0x9f: {  	s14 =	rddreg [dreg:$0x8];
	[sflag:s24] =	ssyncadd.s32 $0xFFFFC000  }
0xa0: {  	[hbm4b:s14+s3] =	stream.linear.scatter [tilespmem:s23], [sflag:$0x5], $0x4000, $0x38;
	[tilespmem:$0x1BE00] =	vst v63  }
0xa1: {  	_ =	swait.ge [sflag:s24], $0x4000  }
0xa2: {  	[sflag:s24] =	ssyncset.done $0x0  }
0xa3: {  	[sflag:s24] =	ssyncadd.s32 $0xFFFFC000  }
0xa4: {  	[tilespmem:s23], [sflag:$0x5] =	stream.linear.gather [spmem:s9], $0x4000, $0x38;
	[tilespmem:$0x1BE00] =	vst v63  }
0xa5: {  	_ =	swait.ge [sflag:s24], $0x4000  }
0xa6: {  	[sflag:s24] =	ssyncset.done $0x0  }
0xa7: {  	[sflag:s24] =	ssyncadd.s32 $0xFFFFC000  }
0xa8: {  	[hbm4b:s18+s3] =	stream.linear.scatter [tilespmem:s23], [sflag:$0x5], $0x4000, $0x38;
	[tilespmem:$0x1BE00] =	vst v63  }
0xa9: {  	_ =	swait.ge [sflag:s24], $0x4000  }
0xaa: {  	[sflag:s24] =	ssyncset.done $0x0  }
0xab: {  	[sflag:s24] =	ssyncadd.s32 $0xFFFFC000  }
0xac: {  	[tilespmem:s23], [sflag:$0x5] =	stream.linear.gather [spmem:s10], $0x4000, $0x38;
	[tilespmem:$0x1BE00] =	vst v63  }
0xad: {  	_ =	swait.ge [sflag:s24], $0x4000  }
0xae: {  	[sflag:s24] =	ssyncset.done $0x0  }
0xaf: {  	[sflag:s24] =	ssyncadd.s32 $0xFFFFC000  }
0xb0: {  	[hbm4b:s19+s3] =	stream.linear.scatter [tilespmem:s23], [sflag:$0x5], $0x4000, $0x38;
	[tilespmem:$0x1BE00] =	vst v63  }
0xb1: {  	_ =	swait.ge [sflag:s24], $0x4000  }
0xb2: {  	[sflag:s24] =	ssyncset.done $0x0  }
0xb3: {  	[sflag:s24] =	ssyncadd.s32 $0xFFFFC000  }
0xb4: {  	[tilespmem:s23], [sflag:$0x5] =	stream.linear.gather [spmem:s11], $0x4000, $0x38;
	[tilespmem:$0x1BE00] =	vst v63  }
0xb5: {  	_ =	swait.ge [sflag:s24], $0x4000  }
0xb6: {  	[sflag:s24] =	ssyncset.done $0x0  }
0xb7: {  	[sflag:s24] =	ssyncadd.s32 $0xFFFFC000  }
0xb8: {  	[hbm4b:s20+s3] =	stream.linear.scatter [tilespmem:s23], [sflag:$0x5], $0x4000, $0x38;
	[tilespmem:$0x1BE00] =	vst v63  }
0xb9: {  	_ =	swait.ge [sflag:s24], $0x4000  }
0xba: {  	[sflag:s24] =	ssyncset.done $0x0  }
0xbb: {  	[sflag:s24] =	ssyncadd.s32 $0xFFFFC000  }
0xbc: {  	[tilespmem:s23], [sflag:$0x5] =	stream.linear.gather [spmem:s12], $0x3C00, $0x38;
	[tilespmem:$0x1BE00] =	vst v63  }
0xbd: {  	s13 =	sadd.s32 $0x1, s13;
	_ =	swait.ge [sflag:s24], $0x3C00  }
0xbe: {  	p0 =	sne.s32 s13, s22;
	[sflag:s24] =	ssyncset.done $0x0  }
.Ltmp2:
0xbf: {  	[sflag:s24] =	ssyncadd.s32 $0xFFFFC400;
	(pc) =	sbr.rel @p0 .LBB2_1-.Ltmp2, $4  }
0xc0: {  	[hbm4b:s21+s3] =	stream.linear.scatter [tilespmem:s23], [sflag:$0x5], $0x3C00, $0x38;
	[tilespmem:$0x1BE00] =	vst v63  }
0xc1: {  	_ =	swait.ge [sflag:s24], $0x3C00  }
0xc2: {  	[sflag:s24] =	ssyncset.done $0x0  }
0xc3: {  	[sflag:s24] =	ssyncadd.s32 $0xFFFFC400  }
0xc4: {  	_ =	sfence.sel $0x180000  }
0xc5: {  	[bflag:$0x0] =	sbarrier.arrive $0xFFFF  }
0xc6: {  	_ =	strace $0x9000004D  }
0xc7: {  	s0 =	stileid.u32;
	[bflag:$0x2] =	sbarrier.arrive $0xFFFF  }
0xc8: {  	p0 =	sne.s32 s0, $0x0;
	s0 =	rddreg [dreg:$0x3]  }
0xc9: {  	s0 =	sadd.s32 @!p0 $0x100000, s0  }
0xca: {  	[sflag:s0] =	ssyncadd.tile.s32 @!p0 $0x1;
	_ =	shalt  }
.Lfunc_end2:
_tile_overlayer_lowered:
.L_overlay_start_2:
0xcb: {  	(tag) =	ssettag $0x2  }
0xcc: {  	s0 =	rddreg [dreg:$0x0];
	s2 =	stileid.u32  }
0xcd: {  	s1 =	rddreg [dreg:$0x1];
	p0 =	sne.s32 s2, $0x0  }
0xce: {  	s3 =	rddreg [dreg:$0x2];
	[bflag:$0x3] =	sbarrier.arrive $0xFFFF;
	s2 =	simm.s32 @!p0 $0x1C05  }
0xcf: {  	[timem:s3], [sflag:s2] =	dma.local @!p0 [hbm:s0], s1  }
0xd0: {  	s0 =	simm.s32 @!p0 $0x5  }
0xd1: {  	_ =	swait.ge @!p0 [sflag:s0], s1  }
0xd2: {  	s1 =	ssub.s32 @!p0 $0x0, s1;
	[sflag:s0] =	ssyncset.done @!p0 $0x0  }
0xd3: {  	[sflag:s0] =	ssyncadd.s32 @!p0 s1  }
0xd4: {  	[bflag:$0x3] =	sbarrier.arrive $0xFFFF  }
0xd5: {  	_ =	shalt  }

// kernel: kernel.9.cloned.1.call-start
scs
__scs_entry_jumppad:
0x0: {  	(pc) =	sbr.rel $0x88, $3  }
0x1: {  	(tag) =	ssettag $0x0;
	lr =	simm.s32 $0x1  }
0x2: {  	[smem:$0x3F99] =	sst lr;
	_ =	strace $0xD0000000  }
0x3: {  	_ = 	snop  }
0x4: {  	_ = 	snop  }
0x5: {  	_ = 	snop  }
0x6: {  	_ = 	snop  }
0x7: {  	_ = 	snop  }
__scs_overlays_trampoline_lowered:
0x8: {  	[smem:$0x3FA8] =	sst s0  }
0x9: {  	[smem:$0x3FA9] =	sst s1  }
0xa: {  	[smem:$0x3FAA] =	sst s2  }
0xb: {  	[smem:$0x3FAB] =	sst s3  }
0xc: {  	[smem:$0x3FAC] =	sst s4  }
0xd: {  	[smem:$0x3FAD] =	sst s5  }
0xe: {  	[smem:$0x3FAE] =	sst s6  }
0xf: {  	[smem:$0x3FAF] =	sst s7  }
0x10: {  	[smem:$0x3FB0] =	sst s8  }
0x11: {  	[smem:$0x3FB1] =	sst s9;
	s0 =	simm.s32 @!p0 $0x0  }
0x12: {  	s1 =	sld [smem:$0x3F97];
	s0 =	simm.s32 @p0 $0x1  }
0x13: {  	[smem:$0x3FB2] =	sst s0;
	s0 =	simm.s32 @!p1 $0x0  }
0x14: {  	s2 =	sld [smem:$0x3F96];
	s0 =	simm.s32 @p1 $0x1  }
0x15: {  	[smem:$0x3FB3] =	sst s0;
	s0 =	simm.s32 @!p2 $0x0  }
0x16: {  	s3 =	sld [smem:$0x3FDB];
	s0 =	simm.s32 @p2 $0x1  }
0x17: {  	s4 =	simm.s32 $0x1BF5;
	[smem:$0x3FB5] =	sst s0  }
0x18: {  	s0 =	sld [smem:$0x3F98];
	_ =	swait.ge [sflag:s4], $0x0  }
0x19: {  	s7 =	sld [smem:$0x3F99]  }
0x1a: {  	s8 =	sadd.s32 $0xFFFFE003, lr  }
0x1b: {  	s9 =	sadd.s32 $0xFFFFFEF7, lr;
	s5 =	simm.s32 $0xFFFFFFFF;
	p2 =	slt.u32 s8, $0xFFFFF086  }
0x1c: {  	p1 =	slt.u32 s9, $0xF7A;
	s5 =	simm.s32 @!p2 $0x0  }
0x1d: {  	s5 =	simm.s32 @p1 $0x1;
	p0 =	seq.s32 s7, s2  }
0x1e: {  	s7 =	smul.u32 @!p0 $0xF7A, s2;
	p2 =	seq.s32 @!p0 s5, $0x0  }
0x1f: {  	s9 =	smul.u32 $0xF7A, s1;
	s8 =	simm.s32 @!p0 $0x1BF5;
	p2 =	por !p2, p0  }
0x20: {  	[sflag:s8] =	ssyncset.s32 @!p0 $0xFFFFF086;
	s6 =	sadd.s32 @!p0 s3, s7;
	s7 =	simm.s32 @!p0 $0x108  }
0x21: {  	s3 =	sadd.s32 s3, s9;
	s6 =	sadd.s32 @!p0 $0x88, s6;
	s7 =	simm.s32 @p2 $0x1082  }
0x22: {  	[simem:s7], [sflag:s8] =	dma.local @!p0 [hbm:s6], $0xF7A  }
0x23: {  	s9 =	sor.u32 $0xD0000000, s2;
	s6 =	simm.s32 $0x108;
	_ =	swait.ge @!p0 [sflag:s8], $0x0  }
0x24: {  	s3 =	sadd.s32 $0x88, s3;
	s6 =	simm.s32 @!p1 $0x1082;
	[sflag:s4] =	ssyncset.s32 $0xFFFFF086  }
0x25: {  	[simem:s6], [sflag:s4] =	dma.local [hbm:s3], $0xF7A  }
0x26: {  	[smem:$0x3F99] =	sst s1;
	(tag) =	ssettag s2;
	_ =	strace s9  }
0x27: {  	s1 =	sld [smem:$0x3FA9]  }
0x28: {  	s2 =	sld [smem:$0x3FAA]  }
0x29: {  	s4 =	sld [smem:$0x3FAC]  }
0x2a: {  	p0 =	seq.s32 s5, $0x0;
	s5 =	sld [smem:$0x3FAD]  }
0x2b: {  	s6 =	sld [smem:$0x3FAE]  }
0x2c: {  	s7 =	sld [smem:$0x3FAF]  }
0x2d: {  	s3 =	simm.s32 $0x108;
	s8 =	sld [smem:$0x3FB0]  }
0x2e: {  	s3 =	simm.s32 @!p0 $0x1082;
	s9 =	sld [smem:$0x3FB1]  }
0x2f: {  	lr =	sadd.s32 s0, s3;
	s0 =	sld [smem:$0x3FA8]  }
0x30: {  	s3 =	sld [smem:$0x3FAB]  }
0x31: {  	[smem:$0x3FB4] =	sst s10  }
0x32: {  	s10 =	sld [smem:$0x3FB2];
	_ =	sdelay $0x3  }
0x33: {  	p0 =	seq.s32 s10, $0x1;
	s10 =	sld [smem:$0x3FB4];
	_ =	sdelay $0x3  }
0x34: {  	[smem:$0x3FB4] =	sst s10  }
0x35: {  	s10 =	sld [smem:$0x3FB3];
	_ =	sdelay $0x3  }
0x36: {  	p1 =	seq.s32 s10, $0x1;
	s10 =	sld [smem:$0x3FB4];
	_ =	sdelay $0x3  }
0x37: {  	[smem:$0x3FB4] =	sst s10  }
0x38: {  	s10 =	sld [smem:$0x3FB5]  }
0x39: {  	_ = 	snop;
	(pc) =	sbr.ind lr, $3  }
0x3a: {  	_ = 	snop  }
0x3b: {  	_ = 	snop  }
0x3c: {  	p2 =	seq.s32 s10, $0x1;
	s10 =	sld [smem:$0x3FB4]  }
0x3d: {  	_ =	shalt  }
0x3e: {  	_ =	shalt  }
0x3f: {  	_ =	shalt  }
0x40: {  	_ =	shalt  }
0x41: {  	_ =	shalt  }
0x42: {  	_ =	shalt  }
0x43: {  	_ =	shalt  }
0x44: {  	_ =	shalt  }
0x45: {  	_ =	shalt  }
0x46: {  	_ =	shalt  }
0x47: {  	_ =	shalt  }
0x48: {  	_ =	shalt  }
0x49: {  	_ =	shalt  }
0x4a: {  	_ =	shalt  }
0x4b: {  	_ =	shalt  }
0x4c: {  	_ =	shalt  }
0x4d: {  	_ =	shalt  }
0x4e: {  	_ =	shalt  }
0x4f: {  	_ =	shalt  }
0x50: {  	_ =	shalt  }
0x51: {  	_ =	shalt  }
0x52: {  	_ =	shalt  }
0x53: {  	_ =	shalt  }
0x54: {  	_ =	shalt  }
0x55: {  	_ =	shalt  }
0x56: {  	_ =	shalt  }
0x57: {  	_ =	shalt  }
0x58: {  	_ =	shalt  }
0x59: {  	_ =	shalt  }
0x5a: {  	_ =	shalt  }
0x5b: {  	_ =	shalt  }
0x5c: {  	_ =	shalt  }
0x5d: {  	_ =	shalt  }
0x5e: {  	_ =	shalt  }
0x5f: {  	_ =	shalt  }
0x60: {  	_ =	shalt  }
0x61: {  	_ =	shalt  }
0x62: {  	_ =	shalt  }
0x63: {  	_ =	shalt  }
0x64: {  	_ =	shalt  }
0x65: {  	_ =	shalt  }
0x66: {  	_ =	shalt  }
0x67: {  	_ =	shalt  }
0x68: {  	_ =	shalt  }
0x69: {  	_ =	shalt  }
0x6a: {  	_ =	shalt  }
0x6b: {  	_ =	shalt  }
0x6c: {  	_ =	shalt  }
0x6d: {  	_ =	shalt  }
0x6e: {  	_ =	shalt  }
0x6f: {  	_ =	shalt  }
0x70: {  	_ =	shalt  }
0x71: {  	_ =	shalt  }
0x72: {  	_ =	shalt  }
0x73: {  	_ =	shalt  }
0x74: {  	_ =	shalt  }
0x75: {  	_ =	shalt  }
0x76: {  	_ =	shalt  }
0x77: {  	_ =	shalt  }
0x78: {  	_ =	shalt  }
0x79: {  	_ =	shalt  }
0x7a: {  	_ =	shalt  }
0x7b: {  	_ =	shalt  }
0x7c: {  	_ =	shalt  }
0x7d: {  	_ =	shalt  }
0x7e: {  	_ =	shalt  }
0x7f: {  	_ =	shalt  }
0x80: {  	_ =	shalt  }
0x81: {  	_ =	shalt  }
0x82: {  	_ =	shalt  }
0x83: {  	_ =	shalt  }
0x84: {  	_ =	shalt  }
0x85: {  	_ =	shalt  }
0x86: {  	_ =	shalt  }
0x87: {  	_ =	shalt  }
.Lfunc_end0:
.L_simem_size_0:
called_computation_lowered:
.L_overlay_start_0:
0x88: {  	s2 =	sld [smem:$0x3FD9]  }
0x89: {  	s3 =	sld [smem:$0x3FFE];
	_ =	sdelay $0x1  }
0x8a: {  	s1 =	srdreg.scid  }
0x8b: {  	s0 =	sand.u32 $0x1, s1  }
0x8c: {  	s17 =	sshll.u32 s0, $0xA;
	s2 =	sadd.s32 s3, s2  }
0x8d: {  	s2 =	sadd.s32 s2, s17  }
0x8e: {  	[smem:$0x3FC0] =	sst s2  }
0x8f: {  	_ = 	snop  }
0x90: {  	(tm) =	ssettm $0x1  }
0x91: {  	s18 =	sld [smem:$0x3FFB];
	_ =	sdelay $0x3  }
0x92: {  	_ =	strace s18  }
0x93: {  	s2 =	sld [smem:$0x3FFC];
	_ =	sdelay $0x3  }
0x94: {  	_ =	strace s2  }
0x95: {  	s2 =	sld [smem:$0x3FFD];
	_ =	sdelay $0x3  }
0x96: {  	_ =	strace s2  }
0x97: {  	_ =	strace $0x8FFFFFFF  }
0x98: {  	s19 =	sld [smem:$0x3FDB];
	_ =	sdelay $0x1  }
0x99: {  	s20 =	simm.s32 $_scs_section_size  }
0x9a: {  	s4 =	simm.s32 $_size__tile_overlayer_lowered;
	s5 =	simm.s32 $_tile_overlayer_lowered  }
0x9b: {  	s6 =	simm.s32 $0x1BFF;
	s21 =	sshll.u32 s5, $0x1;
	s3 =	sadd.s32 s20, s19  }
0x9c: {  	s22 =	simm.s32 $0x0;
	s4 =	sshll.u32 s4, $0x1;
	s5 =	sadd.s32 s21, s3  }
0x9d: {  	[timem:s22], [sflag:s6] =	dma.local [hbm:s5], s4  }
0x9e: {  	_ =	swait.ge [sflag:s6], s4  }
0x9f: {  	s4 =	ssub.s32 $0x0, s4;
	[sflag:s6] =	ssyncset.done $0x0  }
0xa0: {  	[sflag:s6] =	ssyncadd.s32 s4;
	_ =	sdelay $0x1  }
0xa1: {  	s23 =	simm.s32 $0x1B8B  }
0xa2: {  	_ =	swait.ge [sflag:s23], $0x1  }
0xa3: {  	[sflag:s23] =	ssyncset.done $0x0  }
0xa4: {  	[sflag:s23] =	ssyncadd.s32 $0xFFFFFFFF  }
0xa5: {  	s4 =	sld [smem:$0x0]  }
0xa6: {  	s5 =	sand.u32 $0xFFFFFFFE, s1  }
0xa7: {  	p0 =	sne.s32 s1, s5  }
0xa8: {  	s5 =	sshll.u32 @p0 s5, $0xE  }
0xa9: {  	s5 =	sadd.s32 @p0 $0x11B8D, s5;
	s6 =	sshll.u32 @p0 s4, $0x11  }
0xaa: {  	s5 =	sor.u32 @p0 s6, s5  }
0xab: {  	[sflag:s5] =	ssyncadd.remote.s32 @p0 $0x1;
	_ =	sdelay $0x1  }
0xac: {  	s5 =	simm.s32 @p0 $0x1B8D  }
0xad: {  	_ =	swait.eq @p0 [sflag:s5], $0x1  }
0xae: {  	[sflag:s5] =	ssyncadd.s32 @p0 $0xFFFFFFFF  }
0xaf: {  	s6 =	sshll.u32 @!p0 s1, $0xE  }
0xb0: {  	s6 =	sor.u32 @!p0 $0x4000, s6;
	s5 =	simm.s32 @!p0 $0x1B8D  }
0xb1: {  	s4 =	sshll.u32 @!p0 s4, $0x11;
	s6 =	sadd.s32 @!p0 $0x11B8D, s6;
	_ =	swait.eq @!p0 [sflag:s5], $0x1  }
0xb2: {  	s4 =	sor.u32 @!p0 s4, s6;
	[sflag:s5] =	ssyncadd.s32 @!p0 $0xFFFFFFFF  }
0xb3: {  	s25 =	simm.s32 $0x1B8E;
	s24 =	sld [smem:$0x3FFE];
	[sflag:s4] =	ssyncadd.remote.s32 @!p0 $0x1  }
0xb4: {  	s26 =	simm.s32 $execute0_lowered;
	[smem:$0x3FD2] =	sst s25  }
0xb5: {  	s5 =	sshll.u32 s26, $0x1;
	_ =	strace $0x80000049;
	[dreg:$0x1] =	wrdreg $0xFFFFFFFF  }
0xb6: {  	s28 =	simm.s32 $_size_execute0_lowered;
	s3 =	sadd.s32 s3, s5;
	[dreg:$0x0] =	wrdreg $0x0  }
0xb7: {  	s5 =	sshll.u32 s28, $0x1;
	[dreg:$0x2] =	wrdreg s3  }
0xb8: {  	[dreg:$0x3] =	wrdreg s5  }
0xb9: {  	[dreg:$0x4] =	wrdreg $0xC0  }
0xba: {  	_ =	task [dreg:s22], $0x5FFFF  }
0xbb: {  	[dreg:$0x1] =	wrdreg $0xFFFFFFFF  }
0xbc: {  	[dreg:$0x0] =	wrdreg $0x60  }
0xbd: {  	[dreg:$0x2] =	wrdreg s24  }
0xbe: {  	[dreg:$0x3] =	wrdreg $0x41000  }
0xbf: {  	[dreg:$0x4] =	wrdreg $0x9  }
0xc0: {  	_ =	task.clear_ibuf [dreg:s22], $0x5FFFF;
	_ =	strace $0x90000049  }
0xc1: {  	s29 =	simm.s32 $0x9;
	_ =	strace $0x8000004B  }
0xc2: {  	_ =	swait.ge [sflag:s29], $0x1  }
0xc3: {  	[sflag:s29] =	ssyncadd.s32 $0xFFFFFFFF  }
0xc4: {  	_ =	strace $0x9000004B  }
0xc5: {  	_ =	sfence  }
0xc6: {  	s30 =	sld [smem:$0x0];
	_ =	sdelay $0x2  }
0xc7: {  	s31 =	sshll.u32 s1, $0xD;
	s1 =	sshrl.u32 s1, $0x2  }
0xc8: {  	s4 =	sand.u32 $0x4000, s31;
	s1 =	sadd.s32 s1, s30  }
0xc9: {  	s0 =	sor.u32 s4, s0;
	s1 =	sshll.u32 s1, $0x11  }
0xca: {  	s0 =	sor.u32 s1, s0  }
0xcb: {  	s0 =	sadd.s32 $0x8F2B, s0  }
0xcc: {  	[sflag:s0] =	ssyncadd.remote.s32 $0x1  }
0xcd: {  	_ =	sfence.sel $0xFFFF  }
0xce: {  	[dreg:$0x0] =	wrdreg $0xFFFFFFFF;
	(pc) =	sbr.abs _section_cstart, $3  }
0xcf: {  	[dreg:$0x1] =	wrdreg $0xFFFFFFFF  }
0xd0: {  	_ =	task.clear_ibuf [dreg:s22], $0x2FFFF;
	_ =	strace $0x9FFFFFFF  }
0xd1: {  	(tm) =	ssettm $0x7FFFFFFF  }
tec
execute0_lowered:
.L_overlay_start_1:
0x0: {  	(tag) =	ssettag $0x1  }
0x1: {  	s5 =	rddreg [dreg:$0x0]  }
0x2: {  	s1 =	rddreg [dreg:$0x1]  }
0x3: {  	s0 =	rddreg [dreg:$0x2];
	s3 =	simm.s32 $0x0;
	s4 =	srdreg.scid  }
0x4: {  	s2 =	stileid.u32;
	s22 =	simm.s32 $0x0;
	[smem:$0x7FF] =	sst s3  }
0x5: {  	s8 =	sand.u32 $0x1, s4;
	s7 =	smul.u32 $0x4F000, s2;
	s4 =	sadd.s32 $0x2600, s5  }
0x6: {  	s11 =	smul.u32 $0x13C00, s2;
	s16 =	sadd.s32 $0x82E00, s5;
	_ =	strace $0x8000004A  }
0x7: {  	s6 =	ssub.s32 $0x2, s8;
	s29 =	sshll.u32 s8, $0x4;
	s18 =	smul.u32 $0x13C000, s8  }
0x8: {  	s9 =	sshrl.u32 s6, $0x1;
	s30 =	sor.u32 s2, s29;
	s31 =	sshrl.u32 s7, $0x2  }
0x9: {  	s12 =	sadd.s32 $0x4000, s11;
	s14 =	sadd.s32 $0x8000, s11;
	s15 =	sadd.s32 $0xC000, s11  }
0xa: {  	s19 =	sadd.s32 $0x10000, s11;
	s17 =	ssub.s32 s6, s9;
	s5 =	sadd.s32 s31, s1  }
0xb: {  	s6 =	sadd.s32 s12, s1;
	s7 =	sadd.s32 s14, s1;
	s8 =	sadd.s32 s15, s1  }
0xc: {  	s9 =	smul.u32 $0x2800, s30;
	s10 =	sadd.s32 s19, s1;
	s11 =	sadd.s32 s11, s18  }
0xd: {  	s12 =	sadd.s32 s18, s12;
	s14 =	sadd.s32 s18, s14;
	s15 =	sadd.s32 s18, s15  }
0xe: {  	s18 =	sadd.s32 s18, s19;
	s19 =	simm.s32 $0x2;
	s20 =	sshrl.u32 s11, $0x3  }
0xf: {  	s21 =	sshrl.u32 s12, $0x3;
	s14 =	sshrl.u32 s14, $0x3;
	s15 =	sshrl.u32 s15, $0x3  }
0x10: {  	s18 =	sshrl.u32 s18, $0x3;
	s17 =	smax.u32 s17, $0x1;
	s13 =	sshrl.u32 s9, $0x3  }
0x11: {  	s12 =	sadd.s32 s16, s20;
	s14 =	sadd.s32 s16, s14;
	s15 =	sadd.s32 s16, s15  }
0x12: {  	s20 =	simm.s32 $0x1;
	s11 =	sadd.s32 s4, s13;
	s13 =	sadd.s32 s16, s21  }
0x13: {  	v0 =	vimm.f32 $0.0e+00;
	v1 =	vimm.f32 $1.000000000e+00;
	s16 =	sadd.s32 s16, s18;
	s18 =	simm.s32 $0x100;
	s21 =	simm.s32 $0x80  }
.LBB2_1:
0x14: {  	s23 =	sand.u32 $0xFE00, s3  }
0x15: {  	s24 =	sand.u32 $0x70, s3;
	s25 =	sshrl.u32 s23, $0x2  }
0x16: {  	s23 =	simm.s32 $0x40;
	s25 =	sor.u32 s24, s25;
	s24 =	simm.s32 $0x0  }
.LBB2_2:
0x17: {  	p0 =	sne.s32 s23, $0xFFC0  }
0x18: {  	[tilespmem:s25+$0x100] =	vst v0;
	s24 =	sadd.s32 $0x10, s24;
	s25 =	smov.u32 s23;
	s23 =	sadd.s32 $0x40, s23  }
.Ltmp0:
0x19: {  	(pc) =	sbr.rel @p0 .LBB2_2-.Ltmp0, $4  }
0x1a: {  	_ = 	snop  }
0x1b: {  	s25 =	sand.u32 $0xFE00, s25  }
0x1c: {  	s26 =	sand.u32 $0x70, s24;
	s25 =	sshrl.u32 s25, $0x2  }
0x1d: {  	s25 =	sor.u32 s26, s25  }
0x1e: {  	[tilespmem:s25+$0x100] =	vst v0  }
0x1f: {  	[spmem:s5] =	stream.linear.scatter [tilespmem:s18], [sflag:$0x2], $0x4000, $0x38;
	[tilespmem:$0x17D00] =	vst v63  }
0x20: {  	_ =	swait.ge [sflag:s19], $0x4000  }
0x21: {  	[sflag:s19] =	ssyncset.done $0x0  }
0x22: {  	[sflag:s19] =	ssyncadd.s32 $0xFFFFC000  }
0x23: {  	[spmem:s6] =	stream.linear.scatter [tilespmem:s18], [sflag:$0x2], $0x4000, $0x38;
	[tilespmem:$0x17D00] =	vst v63  }
0x24: {  	_ =	swait.ge [sflag:s19], $0x4000  }
0x25: {  	[sflag:s19] =	ssyncset.done $0x0  }
0x26: {  	[sflag:s19] =	ssyncadd.s32 $0xFFFFC000  }
0x27: {  	[spmem:s7] =	stream.linear.scatter [tilespmem:s18], [sflag:$0x2], $0x4000, $0x38;
	[tilespmem:$0x17D00] =	vst v63  }
0x28: {  	_ =	swait.ge [sflag:s19], $0x4000  }
0x29: {  	[sflag:s19] =	ssyncset.done $0x0  }
0x2a: {  	[sflag:s19] =	ssyncadd.s32 $0xFFFFC000  }
0x2b: {  	[spmem:s8] =	stream.linear.scatter [tilespmem:s18], [sflag:$0x2], $0x4000, $0x38;
	[tilespmem:$0x17D00] =	vst v63  }
0x2c: {  	_ =	swait.ge [sflag:s19], $0x4000  }
0x2d: {  	[sflag:s19] =	ssyncset.done $0x0  }
0x2e: {  	s23 =	simm.s32 $0x0;
	[sflag:s19] =	ssyncadd.s32 $0xFFFFC000  }
0x2f: {  	[spmem:s10] =	stream.linear.scatter [tilespmem:s18], [sflag:$0x2], $0x3C00, $0x38;
	[tilespmem:$0x17D00] =	vst v63  }
0x30: {  	s24 =	sand.u32 $0xFE00, s23;
	_ =	swait.ge [sflag:s19], $0x3C00  }
0x31: {  	s31 =	sand.u32 $0x70, s23;
	s26 =	sshrl.u32 s24, $0x2;
	[sflag:s19] =	ssyncset.done $0x0  }
0x32: {  	s24 =	simm.s32 $0x40;
	s25 =	sor.u32 s31, s26;
	[sflag:s19] =	ssyncadd.s32 $0xFFFFC400  }
.LBB2_4:
0x33: {  	p0 =	sne.s32 s24, $0xFFC0  }
0x34: {  	[tilespmem:s25+$0x100] =	vst v1;
	s23 =	sadd.s32 $0x10, s23;
	s25 =	smov.u32 s24;
	s24 =	sadd.s32 $0x40, s24  }
.Ltmp1:
0x35: {  	(pc) =	sbr.rel @p0 .LBB2_4-.Ltmp1, $4  }
0x36: {  	_ = 	snop  }
0x37: {  	s25 =	sand.u32 $0xFE00, s25  }
0x38: {  	s26 =	sand.u32 $0x70, s23;
	s25 =	sshrl.u32 s25, $0x2  }
0x39: {  	s25 =	sor.u32 s26, s25  }
0x3a: {  	[tilespmem:s25+$0x100] =	vst v1;
	s23 =	simm.s32 $0x0  }
0x3b: {  	[tilespmem:s3], [sflag:$0x1] =	stream.linear.gather [hbm4b:s11+s3], $0x80, $0x38;
	[tilespmem:$0x17D00] =	vst v63  }
0x3c: {  	s24 =	sand.u32 $0x3C00, s23  }
0x3d: {  	s23 =	sand.u32 $0x300, s23;
	s24 =	sadd.s32 s9, s24  }
0x3e: {  	[bflag:$0x0] =	sbarrier.arrive $0xFFFF;
	s23 =	sor.u32 s24, s23  }
0x3f: {  	_ =	swait.ge [sflag:s20], $0x80;
	s23 =	sor.u32 $0x80, s23  }
0x40: {  	[sflag:s20] =	ssyncset.done $0x0;
	s23 =	sshrl.u32 s23, $0x3  }
0x41: {  	[sflag:s20] =	ssyncadd.s32 $0xFFFFFF80;
	s23 =	sadd.s32 s4, s23  }
0x42: {  	[tilespmem:s21], [sflag:$0x1] =	stream.linear.gather [hbm4b:s23+s3], $0x80, $0x38;
	[tilespmem:$0x17D00] =	vst v63  }
0x43: {  	_ = 	snop  }
0x44: {  	[spmem:s1] =	stream.indirect.scatter.add.f32 [tilespmem:s18], [sflag:$0x2], $0x80, s3, s21, $0xb8;
	[tilespmem:$0x17D00] =	vst v63  }
0x45: {  	s29 =	simm.s32 $0x100;
	_ =	swait.ge [sflag:s19], $0x4000  }
0x46: {  	s30 =	sand.u32 $0x7C00, s29;
	[sflag:s19] =	ssyncset.done $0x0  }
0x47: {  	s24 =	sadd.s32 s9, s30;
	s23 =	sand.u32 $0x300, s29;
	[sflag:s19] =	ssyncadd.s32 $0xFFFFC000  }
0x48: {  	s23 =	sor.u32 s23, s24;
	_ =	swait.ge [sflag:s20], $0x80  }
0x49: {  	s23 =	sshrl.u32 s23, $0x3;
	[sflag:s20] =	ssyncset.done $0x0  }
0x4a: {  	s23 =	sadd.s32 s4, s23;
	[sflag:s20] =	ssyncadd.s32 $0xFFFFFF80  }
0x4b: {  	[tilespmem:s3], [sflag:$0x1] =	stream.linear.gather [hbm4b:s23+s3], $0x80, $0x38;
	[tilespmem:$0x17D00] =	vst v63  }
0x4c: {  	s31 =	simm.s32 $0x100  }
0x4d: {  	[spmem:s1] =	stream.indirect.scatter.add.f32 [tilespmem:s18], [sflag:$0x2], $0x80, s21, s21, $0xb8;
	[tilespmem:$0x17D00] =	vst v63  }
0x4e: {  	s25 =	simm.s32 $0x300;
	s26 =	sand.u32 $0x3C00, s31;
	_ =	swait.ge [sflag:s19], $0x4000  }
0x4f: {  	s24 =	sand.u32 $0x300, s31;
	s23 =	simm.s32 $0x200;
	[sflag:s19] =	ssyncset.done $0x0  }
.LBB2_6:
0x50: {  	s26 =	sadd.s32 s9, s26  }
0x51: {  	[sflag:s19] =	ssyncadd.s32 $0xFFFFC000;
	s28 =	smov.u32 s25;
	s29 =	sadd.s32 $0x100, s25  }
0x52: {  	p0 =	sne.s32 s25, $0x2700;
	s24 =	sor.u32 s26, s24  }
0x53: {  	_ =	swait.ge [sflag:s20], $0x80;
	s24 =	sor.u32 $0x80, s24  }
0x54: {  	[sflag:s20] =	ssyncset.done $0x0;
	s24 =	sshrl.u32 s24, $0x3  }
0x55: {  	[sflag:s20] =	ssyncadd.s32 $0xFFFFFF80;
	s24 =	sadd.s32 s4, s24  }
0x56: {  	[tilespmem:s21], [sflag:$0x1] =	stream.linear.gather [hbm4b:s24+s3], $0x80, $0x38;
	[tilespmem:$0x17D00] =	vst v63  }
0x57: {  	_ = 	snop  }
0x58: {  	[spmem:s1] =	stream.indirect.scatter.add.f32 [tilespmem:s18], [sflag:$0x2], $0x80, s3, s21, $0xb8;
	[tilespmem:$0x17D00] =	vst v63  }
0x59: {  	_ =	swait.ge [sflag:s19], $0x4000  }
0x5a: {  	s24 =	sand.u32 $0x7C00, s23;
	[sflag:s19] =	ssyncset.done $0x0  }
0x5b: {  	s23 =	sand.u32 $0x300, s23;
	s24 =	sadd.s32 s9, s24;
	[sflag:s19] =	ssyncadd.s32 $0xFFFFC000  }
0x5c: {  	s24 =	sor.u32 s23, s24;
	s23 =	smov.u32 s28;
	_ =	swait.ge [sflag:s20], $0x80  }
0x5d: {  	s24 =	sshrl.u32 s24, $0x3;
	[sflag:s20] =	ssyncset.done $0x0  }
0x5e: {  	s24 =	sadd.s32 s4, s24;
	[sflag:s20] =	ssyncadd.s32 $0xFFFFFF80  }
0x5f: {  	[tilespmem:s3], [sflag:$0x1] =	stream.linear.gather [hbm4b:s24+s3], $0x80, $0x38;
	[tilespmem:$0x17D00] =	vst v63  }
.Ltmp2:
0x60: {  	_ = 	snop;
	(pc) =	sbr.rel @p0 .LBB2_6-.Ltmp2, $4  }
0x61: {  	_ = 	snop  }
0x62: {  	[spmem:s1] =	stream.indirect.scatter.add.f32 [tilespmem:s18], [sflag:$0x2], $0x80, s21, s21, $0xb8;
	[tilespmem:$0x17D00] =	vst v63  }
0x63: {  	s25 =	smov.u32 s29;
	s24 =	sadd.s32 $0xFFFFFF00, s23;
	_ =	swait.ge [sflag:s19], $0x4000  }
0x64: {  	s26 =	sand.u32 $0x3C00, s24;
	s24 =	sand.u32 $0x300, s24;
	[sflag:s19] =	ssyncset.done $0x0  }
0x65: {  	s25 =	sadd.s32 s9, s26  }
0x66: {  	[sflag:s19] =	ssyncadd.s32 $0xFFFFC000;
	s24 =	sor.u32 s25, s24  }
0x67: {  	_ =	swait.ge [sflag:s20], $0x80;
	s24 =	sor.u32 $0x80, s24  }
0x68: {  	[sflag:s20] =	ssyncset.done $0x0;
	s24 =	sshrl.u32 s24, $0x3  }
0x69: {  	[sflag:s20] =	ssyncadd.s32 $0xFFFFFF80;
	s24 =	sadd.s32 s4, s24  }
0x6a: {  	[tilespmem:s21], [sflag:$0x1] =	stream.linear.gather [hbm4b:s24+s3], $0x80, $0x38;
	[tilespmem:$0x17D00] =	vst v63  }
0x6b: {  	_ = 	snop  }
0x6c: {  	[spmem:s1] =	stream.indirect.scatter.add.f32 [tilespmem:s18], [sflag:$0x2], $0x80, s3, s21, $0xb8;
	[tilespmem:$0x17D00] =	vst v63  }
0x6d: {  	_ =	swait.ge [sflag:s19], $0x4000  }
0x6e: {  	s30 =	sand.u32 $0x7C00, s23;
	[sflag:s19] =	ssyncset.done $0x0  }
0x6f: {  	s31 =	sand.u32 $0x300, s23;
	s24 =	sadd.s32 s9, s30;
	[sflag:s19] =	ssyncadd.s32 $0xFFFFC000  }
0x70: {  	s23 =	sor.u32 s31, s24;
	_ =	swait.ge [sflag:s20], $0x80  }
0x71: {  	s23 =	sshrl.u32 s23, $0x3;
	[sflag:s20] =	ssyncset.done $0x0  }
0x72: {  	s23 =	sadd.s32 s4, s23;
	[sflag:s20] =	ssyncadd.s32 $0xFFFFFF80  }
0x73: {  	[tilespmem:s3], [sflag:$0x1] =	stream.linear.gather [hbm4b:s23+s3], $0x80, $0x38;
	[tilespmem:$0x17D00] =	vst v63  }
0x74: {  	_ = 	snop  }
0x75: {  	[spmem:s1] =	stream.indirect.scatter.add.f32 [tilespmem:s18], [sflag:$0x2], $0x80, s21, s21, $0xb8;
	[tilespmem:$0x17D00] =	vst v63  }
0x76: {  	_ =	swait.ge [sflag:s19], $0x4000  }
0x77: {  	[sflag:s19] =	ssyncset.done $0x0  }
0x78: {  	[sflag:s19] =	ssyncadd.s32 $0xFFFFC000  }
0x79: {  	_ =	swait.ge [sflag:s20], $0x80  }
0x7a: {  	[sflag:s20] =	ssyncset.done $0x0  }
0x7b: {  	[sflag:s20] =	ssyncadd.s32 $0xFFFFFF80  }
0x7c: {  	[spmem:s1] =	stream.indirect.scatter.add.f32 [tilespmem:s18], [sflag:$0x2], $0x80, s3, s21, $0xb8;
	[tilespmem:$0x17D00] =	vst v63  }
0x7d: {  	_ =	swait.ge [sflag:s19], $0x4000  }
0x7e: {  	[sflag:s19] =	ssyncset.done $0x0  }
0x7f: {  	[sflag:s19] =	ssyncadd.s32 $0xFFFFC000  }
0x80: {  	[bflag:$0x0] =	sbarrier.arrive $0xFFFF  }
0x81: {  	[tilespmem:s18], [sflag:$0x2] =	stream.linear.gather [spmem:s5], $0x4000, $0x38;
	[tilespmem:$0x17D00] =	vst v63  }
0x82: {  	_ =	swait.ge [sflag:s19], $0x4000  }
0x83: {  	[sflag:s19] =	ssyncset.done $0x0  }
0x84: {  	[sflag:s19] =	ssyncadd.s32 $0xFFFFC000  }
0x85: {  	[hbm4b:s12+s3] =	stream.linear.scatter [tilespmem:s18], [sflag:$0x2], $0x4000, $0x38;
	[tilespmem:$0x17D00] =	vst v63  }
0x86: {  	_ =	swait.ge [sflag:s19], $0x4000  }
0x87: {  	[sflag:s19] =	ssyncset.done $0x0  }
0x88: {  	[sflag:s19] =	ssyncadd.s32 $0xFFFFC000  }
0x89: {  	[tilespmem:s18], [sflag:$0x2] =	stream.linear.gather [spmem:s6], $0x4000, $0x38;
	[tilespmem:$0x17D00] =	vst v63  }
0x8a: {  	_ =	swait.ge [sflag:s19], $0x4000  }
0x8b: {  	[sflag:s19] =	ssyncset.done $0x0  }
0x8c: {  	[sflag:s19] =	ssyncadd.s32 $0xFFFFC000  }
0x8d: {  	[hbm4b:s13+s3] =	stream.linear.scatter [tilespmem:s18], [sflag:$0x2], $0x4000, $0x38;
	[tilespmem:$0x17D00] =	vst v63  }
0x8e: {  	_ =	swait.ge [sflag:s19], $0x4000  }
0x8f: {  	[sflag:s19] =	ssyncset.done $0x0  }
0x90: {  	[sflag:s19] =	ssyncadd.s32 $0xFFFFC000  }
0x91: {  	[tilespmem:s18], [sflag:$0x2] =	stream.linear.gather [spmem:s7], $0x4000, $0x38;
	[tilespmem:$0x17D00] =	vst v63  }
0x92: {  	_ =	swait.ge [sflag:s19], $0x4000  }
0x93: {  	[sflag:s19] =	ssyncset.done $0x0  }
0x94: {  	[sflag:s19] =	ssyncadd.s32 $0xFFFFC000  }
0x95: {  	[hbm4b:s14+s3] =	stream.linear.scatter [tilespmem:s18], [sflag:$0x2], $0x4000, $0x38;
	[tilespmem:$0x17D00] =	vst v63  }
0x96: {  	_ =	swait.ge [sflag:s19], $0x4000  }
0x97: {  	[sflag:s19] =	ssyncset.done $0x0  }
0x98: {  	[sflag:s19] =	ssyncadd.s32 $0xFFFFC000  }
0x99: {  	[tilespmem:s18], [sflag:$0x2] =	stream.linear.gather [spmem:s8], $0x4000, $0x38;
	[tilespmem:$0x17D00] =	vst v63  }
0x9a: {  	_ =	swait.ge [sflag:s19], $0x4000  }
0x9b: {  	[sflag:s19] =	ssyncset.done $0x0  }
0x9c: {  	[sflag:s19] =	ssyncadd.s32 $0xFFFFC000  }
0x9d: {  	[hbm4b:s15+s3] =	stream.linear.scatter [tilespmem:s18], [sflag:$0x2], $0x4000, $0x38;
	[tilespmem:$0x17D00] =	vst v63  }
0x9e: {  	_ =	swait.ge [sflag:s19], $0x4000  }
0x9f: {  	[sflag:s19] =	ssyncset.done $0x0  }
0xa0: {  	[sflag:s19] =	ssyncadd.s32 $0xFFFFC000  }
0xa1: {  	[tilespmem:s18], [sflag:$0x2] =	stream.linear.gather [spmem:s10], $0x3C00, $0x38;
	[tilespmem:$0x17D00] =	vst v63  }
0xa2: {  	s22 =	sadd.s32 $0x1, s22;
	_ =	swait.ge [sflag:s19], $0x3C00  }
0xa3: {  	p0 =	sne.s32 s22, s17;
	[sflag:s19] =	ssyncset.done $0x0  }
.Ltmp3:
0xa4: {  	[sflag:s19] =	ssyncadd.s32 $0xFFFFC400;
	(pc) =	sbr.rel @p0 .LBB2_1-.Ltmp3, $4  }
0xa5: {  	[hbm4b:s16+s3] =	stream.linear.scatter [tilespmem:s18], [sflag:$0x2], $0x3C00, $0x38;
	[tilespmem:$0x17D00] =	vst v63  }
0xa6: {  	_ =	swait.ge [sflag:s19], $0x3C00  }
0xa7: {  	[sflag:s19] =	ssyncset.done $0x0  }
0xa8: {  	[sflag:s19] =	ssyncadd.s32 $0xFFFFC400  }
0xa9: {  	_ =	sfence.sel $0x180000  }
0xaa: {  	[bflag:$0x0] =	sbarrier.arrive $0xFFFF  }
0xab: {  	p0 =	sne.s32 s2, $0x0;
	_ =	strace $0x9000004A  }
0xac: {  	s0 =	sadd.s32 @!p0 $0x100000, s0;
	[bflag:$0x2] =	sbarrier.arrive $0xFFFF  }
0xad: {  	[sflag:s0] =	ssyncadd.tile.s32 @!p0 $0x1;
	_ =	shalt  }
.Lfunc_end2:
_tile_overlayer_lowered:
.L_overlay_start_2:
0xae: {  	(tag) =	ssettag $0x2  }
0xaf: {  	s0 =	rddreg [dreg:$0x0];
	s2 =	stileid.u32  }
0xb0: {  	s1 =	rddreg [dreg:$0x1];
	p0 =	sne.s32 s2, $0x0  }
0xb1: {  	s3 =	rddreg [dreg:$0x2];
	[bflag:$0x3] =	sbarrier.arrive $0xFFFF;
	s2 =	simm.s32 @!p0 $0x1C02  }
0xb2: {  	[timem:s3], [sflag:s2] =	dma.local @!p0 [hbm:s0], s1  }
0xb3: {  	s0 =	simm.s32 @!p0 $0x2  }
0xb4: {  	_ =	swait.ge @!p0 [sflag:s0], s1  }
0xb5: {  	s1 =	ssub.s32 @!p0 $0x0, s1;
	[sflag:s0] =	ssyncset.done @!p0 $0x0  }
0xb6: {  	[sflag:s0] =	ssyncadd.s32 @!p0 s1  }
0xb7: {  	[bflag:$0x3] =	sbarrier.arrive $0xFFFF  }
0xb8: {  	_ =	shalt  }

</sc_bundles>
